<compile_context>
chip_gen: v7x
topology: tpu7x:2x2x1
jax: 0.10.2.dev20260603
libtpu: 0.0.44.dev20260713+nightly
codegen_flags: <defaults>
</compile_context>

<pallas_src>
import functools
import math

import jax
import jax.numpy as jnp
from jax import lax
from jax.experimental import pallas as pl
from jax.experimental.pallas import tpu as pltpu
from jax.experimental.pallas import tpu_sc as plsc

N = 10000
K = 32
E = N * K
D = 128
H = 4
DK = D // H

BN = 200
BE = BN * K
GRID = N // BN
SLICES = (10, 10, 10, 10, 10)
S = len(SLICES)
OFFS = tuple(sum(SLICES[:i]) for i in range(S))

_INV_SQRT_DK = 1.0 / math.sqrt(DK)


def _dot(a, b):
    return jnp.dot(a, b, preferred_element_type=jnp.float32)


def _dot_bf(a, b):
    return jnp.dot(a.astype(jnp.bfloat16), b.astype(jnp.bfloat16),
                   preferred_element_type=jnp.float32)


def _pairswap(x):
    r, c = x.shape
    up = jnp.roll(x, -1, axis=0)
    dn = jnp.roll(x, 1, axis=0)
    row = lax.broadcasted_iota(jnp.int32, (r, c), 0)
    return jnp.where(row % 2 == 0, up, dn)


def _head_blockdiag():
    d = lax.broadcasted_iota(jnp.int32, (D, D), 0)
    c = lax.broadcasted_iota(jnp.int32, (D, D), 1)
    return jnp.where(d // DK == c // K, 1.0, 0.0).astype(jnp.float32)


def _segsum_k(x):
    return x.reshape(x.shape[0] // K, K, D).sum(axis=1)


def _mha_residual(fh, mail, Wq, bq, Wk, bk, Wv, bv, Wo, bo):
    q = _dot(fh, Wq) + bq
    k = _dot(mail, Wk) + bk
    v = _dot(mail, Wv) + bv
    bn = fh.shape[0]
    qe = jnp.broadcast_to(q[:, None, :], (bn, K, D)).reshape(bn * K, D)
    s = _dot(qe * k, _head_blockdiag()) * _INV_SQRT_DK
    u = jnp.exp(s)
    numer = _segsum_k(u * v)
    denom = _segsum_k(u)
    o = numer / denom
    return _dot(o, Wo) + bo + fh


def _p1_body(xe_ref, f_ref, Wq_ref, bq_ref, Wk_ref, bk_ref, Wv_ref, bv_ref,
             Wo_ref, bo_ref, fh1_ref, xeb_ref):
    xe = xe_ref[...]
    fh1_ref[...] = _mha_residual(
        f_ref[...], xe,
        Wq_ref[...], bq_ref[...], Wk_ref[...], bk_ref[...],
        Wv_ref[...], bv_ref[...], Wo_ref[...], bo_ref[...])
    xeb_ref[...] = xe.astype(jnp.bfloat16)


def _p2_body(xeb_ref, g_ref, fh1_ref, Wq_ref, bq_ref, Wk_ref, bk_ref,
             Wv_ref, bv_ref, Wo_ref, bo_ref, W0_ref, b0_ref,
             h1b_ref, fh2_ref):
    xe = xeb_ref[...].astype(jnp.float32)
    m = g_ref[...] - _pairswap(xe)
    h1 = jnp.maximum(xe + _dot(m, W0_ref[...]) + b0_ref[...], 0.0)
    h1b_ref[...] = h1.astype(jnp.bfloat16)
    fh2_ref[...] = _mha_residual(
        fh1_ref[...], h1,
        Wq_ref[...], bq_ref[...], Wk_ref[...], bk_ref[...],
        Wv_ref[...], bv_ref[...], Wo_ref[...], bo_ref[...])


def _p3_body(xeb_ref, g_ref, h1b_ref, fh2_ref, f_ref, W1_ref, b1_ref,
             Wl_ref, bl_ref, out_ref):
    xe = xeb_ref[...].astype(jnp.float32)
    h1 = h1b_ref[...].astype(jnp.float32)
    m = g_ref[...] - _pairswap(h1)
    h2 = jnp.maximum(xe + _dot(m, W1_ref[...]) + b1_ref[...], 0.0)
    mail_sum = _segsum_k(h2)
    Wl = Wl_ref[...]
    out_ref[...] = (_dot(mail_sum, Wl[0:D]) + _dot(fh2_ref[...], Wl[D:2 * D])
                    + _dot(f_ref[...], Wl[2 * D:3 * D]) + bl_ref[...])


def _edge_spec(off):
    return pl.BlockSpec((BE, D), lambda i, o=off: (i + o, 0))


def _node_spec(off):
    return pl.BlockSpec((BN, D), lambda i, o=off: (i + o, 0))


def _w_spec(rows):
    return pl.BlockSpec((rows, D), lambda i: (0, 0))


def _b_spec():
    return pl.BlockSpec((1, D), lambda i: (0, 0))


def _make_sc_gather(rows_total):
    info = plsc.get_sparse_core_info()
    nw = info.num_cores * info.num_subcores
    per_w = rows_total // nw
    ch = 200
    n_ch = per_w // ch
    pairs = n_ch // 2
    tail = n_ch - 2 * pairs
    mesh = plsc.VectorSubcoreMesh(core_axis_name="c", subcore_axis_name="s")

    @functools.partial(
        pl.kernel,
        out_type=jax.ShapeDtypeStruct((rows_total, D), jnp.float32),
        mesh=mesh,
        scratch_types=[
            pltpu.VMEM((ch,), jnp.int32),
            pltpu.VMEM((ch,), jnp.int32),
            pltpu.VMEM((ch, D), jnp.float32),
            pltpu.VMEM((ch, D), jnp.float32),
            pltpu.SemaphoreType.DMA,
            pltpu.SemaphoreType.DMA,
            pltpu.SemaphoreType.DMA,
            pltpu.SemaphoreType.DMA,
        ],
    )
    def gather(table_hbm, idx_hbm, out_hbm, idx_a, idx_b, rows_a, rows_b,
               gs_a, gs_b, ss_a, ss_b):
        wid = lax.axis_index("s") * info.num_cores + lax.axis_index("c")
        base = wid * per_w
        idx_v = (idx_a, idx_b)
        rows_v = (rows_a, rows_b)
        gs = (gs_a, gs_b)
        ss = (ss_a, ss_b)

        def store_wait(b):
            pltpu.make_async_copy(rows_v[b], out_hbm.at[pl.ds(base, ch)],
                                  ss[b]).wait()

        def body(i, _):
            @pl.when(i > 0)
            def _():
                for b in range(2):
                    store_wait(b)
            handles = []
            for b in range(2):
                off = base + (2 * i + b) * ch
                pltpu.sync_copy(idx_hbm.at[pl.ds(off, ch)], idx_v[b])
                handles.append(
                    pltpu.async_copy(table_hbm.at[idx_v[b]], rows_v[b],
                                     gs[b]))
            for b in range(2):
                off = base + (2 * i + b) * ch
                handles[b].wait()
                pltpu.async_copy(rows_v[b], out_hbm.at[pl.ds(off, ch)],
                                 ss[b])
            return ()

        lax.fori_loop(0, pairs, body, ())
        for b in range(2):
            store_wait(b)
        if tail:
            off = base + 2 * pairs * ch
            pltpu.sync_copy(idx_hbm.at[pl.ds(off, ch)], idx_a)
            pltpu.async_copy(table_hbm.at[idx_a], rows_a, gs_a).wait()
            pltpu.sync_copy(rows_a, out_hbm.at[pl.ds(off, ch)])

    return gather


def kernel(f, x_e, src, Wq, bq, Wk, bk, Wv, bv, Wo, bo, W0, b0, W1, b1,
           Wl, bl):
    bq2, bk2, bv2, bo2, b02, b12, bl2 = (
        b.reshape(1, D) for b in (bq, bk, bv, bo, b0, b1, bl))

    p1bn = 400
    p1 = pl.pallas_call(
        _p1_body,
        grid=(N // p1bn,),
        in_specs=[pl.BlockSpec((p1bn * K, D), lambda i: (i, 0)),
                  pl.BlockSpec((p1bn, D), lambda i: (i, 0)),
                  _w_spec(D), _b_spec(), _w_spec(D), _b_spec(),
                  _w_spec(D), _b_spec(), _w_spec(D), _b_spec()],
        out_specs=[pl.BlockSpec((p1bn, D), lambda i: (i, 0)),
                   pl.BlockSpec((p1bn * K, D), lambda i: (i, 0))],
        out_shape=[jax.ShapeDtypeStruct((N, D), jnp.float32),
                   jax.ShapeDtypeStruct((E, D), jnp.bfloat16)],
    )
    fh1, xeb = p1(x_e, f, Wq, bq2, Wk, bk2, Wv, bv2, Wo, bo2)

    gathers = {u: _make_sc_gather(u * BE) for u in set(SLICES)}
    src_s = [src[OFFS[s] * BE:(OFFS[s] + SLICES[s]) * BE] for s in range(S)]

    def xeb_spec(off):
        return pl.BlockSpec((BE, D), lambda i, o=off: (i + o, 0))

    def p2_slice(s, g):
        off = OFFS[s]
        u = SLICES[s]
        call = pl.pallas_call(
            _p2_body,
            grid=(u,),
            in_specs=[xeb_spec(off),
                      pl.BlockSpec((BE, D), lambda i: (i, 0)),
                      _node_spec(off),
                      _w_spec(D), _b_spec(), _w_spec(D), _b_spec(),
                      _w_spec(D), _b_spec(), _w_spec(D), _b_spec(),
                      _w_spec(D), _b_spec()],
            out_specs=[pl.BlockSpec((BE, D), lambda i: (i, 0)),
                       pl.BlockSpec((BN, D), lambda i: (i, 0))],
            out_shape=[jax.ShapeDtypeStruct((u * BE, D), jnp.bfloat16),
                       jax.ShapeDtypeStruct((u * BN, D), jnp.float32)],
        )
        return call(xeb, g, fh1, Wq, bq2, Wk, bk2, Wv, bv2, Wo, bo2,
                    W0, b02)

    def p3_slice(s, g, h1b, fh2s):
        off = OFFS[s]
        u = SLICES[s]
        call = pl.pallas_call(
            _p3_body,
            grid=(u,),
            in_specs=[xeb_spec(off),
                      pl.BlockSpec((BE, D), lambda i: (i, 0)),
                      pl.BlockSpec((BE, D), lambda i: (i, 0)),
                      pl.BlockSpec((BN, D), lambda i: (i, 0)),
                      _node_spec(off), _w_spec(D), _b_spec(),
                      pl.BlockSpec((3 * D, D), lambda i: (0, 0)), _b_spec()],
            out_specs=pl.BlockSpec((BN, D), lambda i: (i, 0)),
            out_shape=jax.ShapeDtypeStruct((u * BN, D), jnp.float32),
        )
        return call(xeb, g, h1b, fh2s, f, W1, b12, Wl, bl2)

    g0 = [gathers[SLICES[s]](fh1, src_s[s]) for s in range(S)]
    p2_out = [p2_slice(s, g0[s]) for s in range(S)]
    h1b = [o[0] for o in p2_out]
    fh2s = [o[1] for o in p2_out]
    fh2 = jnp.concatenate(fh2s, axis=0)

    g1 = [gathers[SLICES[s]](fh2, src_s[s]) for s in range(S)]
    outs = [p3_slice(s, g1[s], h1b[s], fh2s[s]) for s in range(S)]
    return jnp.concatenate(outs, axis=0)

# --- scband reference (transcript-rebuilt; emitter-appended) ---
"""Pipeline reference for scband-pharm-encoder-22368189678094 (READ-ONLY COPY).

The authoritative reference and input builder live on the scoring server;
editing this copy changes nothing except your own understanding.
"""

import jax, jax.numpy as jnp
import numpy as np

N = 10000
K = 32
E = N * K
D = 128
H = 4
DK = D // H
DEPTH = 3


def _lin_init(k, din, dout):
    kw, kb = jax.random.split(k)
    return jax.random.normal(kw, (din, dout), jnp.float32) * 0.02, jnp.zeros((dout,), jnp.float32)


def setup_inputs(seed: int = 0) -> dict:
    key = jax.random.key(seed)
    ks = jax.random.split(key, 12)
    inp = {}
    inp["f"] = jax.random.normal(ks[0], (N, D), jnp.float32)
    inp["x_e"] = jax.random.normal(ks[1], (E, D), jnp.float32)
    # edges are ordered so edge j has dst node j // K (fixed in-degree K per node)
    inp["src"] = jax.random.randint(ks[2], (E,), 0, N, jnp.int32)
    inp["Wq"], inp["bq"] = _lin_init(ks[3], D, D)
    inp["Wk"], inp["bk"] = _lin_init(ks[4], D, D)
    inp["Wv"], inp["bv"] = _lin_init(ks[5], D, D)
    inp["Wo"], inp["bo"] = _lin_init(ks[6], D, D)
    inp["W0"], inp["b0"] = _lin_init(ks[7], D, D)
    inp["W1"], inp["b1"] = _lin_init(ks[8], D, D)
    inp["Wl"], inp["bl"] = _lin_init(ks[9], 3 * D, D)
    return inp


def _mha(fh, mail, Wq, bq, Wk, bk, Wv, bv, Wo, bo):
    # MultiHeadedAttention(h=4, d_model=D): query = node state [N,1,D], key=value = mailbox [N,K,D]
    q = (fh @ Wq + bq).reshape(N, 1, H, DK).transpose(0, 2, 1, 3)
    k = (mail.reshape(E, D) @ Wk + bk).reshape(N, K, H, DK).transpose(0, 2, 1, 3)
    v = (mail.reshape(E, D) @ Wv + bv).reshape(N, K, H, DK).transpose(0, 2, 1, 3)
    scores = jnp.einsum('nhqd,nhkd->nhqk', q, k) / jnp.sqrt(jnp.float32(DK))
    p = jax.nn.softmax(scores, axis=-1)
    o = jnp.einsum('nhqk,nhkd->nhqd', p, v)
    o = o.transpose(0, 2, 1, 3).reshape(N, D)
    return o @ Wo + bo


def reference(f, x_e, src, Wq, bq, Wk, bk, Wv, bv, Wo, bo, W0, b0, W1, b1, Wl, bl):
    # MVMP forward, view='aba' (atom homo-graph only), msg_func=add_attn, act=ReLU
    # reverse_edge pair permutation: edges (2i, 2i+1) are mutual reverses
    swap = jnp.arange(E)
    swap = swap + 1 - 2 * (swap % 2)
    f_h = f          # init_node: f_h = f.clone()
    h = x_e          # init_edge: h = x.clone()
    mpW = [W0, W1]
    mpb = [b0, b1]
    for i in range(DEPTH - 1):
        # copy_e('h','m') then add_attn node update (residual attention over mailbox)
        mail = h.reshape(N, K, D)
        f_h = _mha(f_h, mail, Wq, bq, Wk, bk, Wv, bv, Wo, bo) + f_h
        # del_reverse_message: m = f_h[src] - rev_h
        rev_h = h[swap]
        m_e = f_h[src] - rev_h
        # update_edge: h = relu(x + W_i(m))
        h = jax.nn.relu(x_e + m_e @ mpW[i] + mpb[i])
    # copy_e('h','mail') then update_node: W_last(cat[sum(mail), f_h, f])
    mail_sum = h.reshape(N, K, D).sum(axis=1)
    out = jnp.concatenate([mail_sum, f_h, f], axis=1) @ Wl + bl
    return out

if __name__ == "__main__":
    import jax
    _d = setup_inputs()
    print(jax.jit(kernel)(*tuple(_d.values())))

</pallas_src>

<mosaic_0001>
#map = affine_map<(d0, d1) -> (0, 0)>
#map1 = affine_map<(d0, d1) -> (0)>
module attributes {stable_mosaic.version = 14 : i64} {
  func.func @gather(%arg0: i32, %arg1: i32, %arg2: memref<10000x128xf32, #tpu.memory_space<hbm>>, %arg3: memref<64000xi32, #tpu.memory_space<hbm>>, %arg4: memref<64000x128xf32, #tpu.memory_space<hbm>>, %arg5: memref<200xi32, #tpu.memory_space<vmem>>, %arg6: memref<200xi32, #tpu.memory_space<vmem>>, %arg7: memref<200x128xf32, #tpu.memory_space<vmem>>, %arg8: memref<200x128xf32, #tpu.memory_space<vmem>>, %arg9: memref<!tpu.dma_semaphore, #tpu.memory_space<semaphore_mem>>, %arg10: memref<!tpu.dma_semaphore, #tpu.memory_space<semaphore_mem>>, %arg11: memref<!tpu.dma_semaphore, #tpu.memory_space<semaphore_mem>>, %arg12: memref<!tpu.dma_semaphore, #tpu.memory_space<semaphore_mem>>) attributes {dimension_semantics = [#tpu.dimension_semantics<core_parallel>, #tpu.dimension_semantics<subcore_parallel>], iteration_bounds = array<i64: 2, 16>, scalar_prefetch = 0 : i64, scratch_operands = 8 : i64, tpu.core_type = #tpu.core_type<sc_vector_subcore>, window_params = [{transform_indices = #map}, {transform_indices = #map1}, {transform_indices = #map}]} {
    %mul3A = arith.constant 2 : i32
    %mul3A_0 = arith.muli %arg1, %mul3A : i32
    %add3A = arith.addi %mul3A_0, %arg0 : i32
    %mul3A_1 = arith.constant 2000 : i32
    %mul3A_2 = arith.muli %add3A, %mul3A_1 : i32
    %scan3A = arith.constant 0 : i32
    %scan3A_3 = arith.constant 5 : i32
    %scan3A_4 = arith.addi %scan3A, %scan3A_3 : i32
    %scan3A_5 = arith.constant 1 : i32
    scf.for %scan3A_14 = %scan3A to %scan3A_4 step %scan3A_5  : i32 {
      %gt3A = arith.constant 0 : i32
      %gt3A_15 = arith.cmpi sgt, %scan3A_14, %gt3A : i32
      %convert_element_type3A = arith.extui %gt3A_15 : i1 to i32
      %cond3A = arith.constant 0 : i32
      %cond3A_16 = arith.cmpi ne, %convert_element_type3A, %cond3A : i32
      scf.if %cond3A_16 {
        %dma_wait3A_64 = arith.constant 0 : i32
        %dma_wait3A_65 = tpu.memref_slice %arg4[%mul3A_2, %dma_wait3A_64] : memref<64000x128xf32, #tpu.memory_space<hbm>> -> memref<200x128xf32, #tpu.memory_space<hbm>>
        %dma_wait3A_66 = arith.constant 0 : i32
        %dma_wait3A_67 = tpu.memref_slice %arg4[%mul3A_2, %dma_wait3A_66] : memref<64000x128xf32, #tpu.memory_space<hbm>> -> memref<200x128xf32, #tpu.memory_space<hbm>>
        tpu.wait_dma2 semaphore(%arg11 : memref<!tpu.dma_semaphore, #tpu.memory_space<semaphore_mem>>) src(%arg7 : memref<200x128xf32, #tpu.memory_space<vmem>>) dst(%dma_wait3A_67 : memref<200x128xf32, #tpu.memory_space<hbm>>)
        %dma_wait3A_68 = arith.constant 0 : i32
        %dma_wait3A_69 = tpu.memref_slice %arg4[%mul3A_2, %dma_wait3A_68] : memref<64000x128xf32, #tpu.memory_space<hbm>> -> memref<200x128xf32, #tpu.memory_space<hbm>>
        %dma_wait3A_70 = arith.constant 0 : i32
        %dma_wait3A_71 = tpu.memref_slice %arg4[%mul3A_2, %dma_wait3A_70] : memref<64000x128xf32, #tpu.memory_space<hbm>> -> memref<200x128xf32, #tpu.memory_space<hbm>>
        tpu.wait_dma2 semaphore(%arg12 : memref<!tpu.dma_semaphore, #tpu.memory_space<semaphore_mem>>) src(%arg8 : memref<200x128xf32, #tpu.memory_space<vmem>>) dst(%dma_wait3A_71 : memref<200x128xf32, #tpu.memory_space<hbm>>)
      } else {
      }
      %mul3A_17 = arith.constant 2 : i32
      %mul3A_18 = arith.muli %mul3A_17, %scan3A_14 : i32
      %add3A_19 = arith.constant 0 : i32
      %add3A_20 = arith.addi %mul3A_18, %add3A_19 : i32
      %mul3A_21 = arith.constant 200 : i32
      %mul3A_22 = arith.muli %add3A_20, %mul3A_21 : i32
      %add3A_23 = arith.addi %mul3A_2, %mul3A_22 : i32
      "tpu.region"() ({
        %run_scoped3A = tpu.sem_alloc : memref<!tpu.dma_semaphore, #tpu.memory_space<semaphore_mem>>
        %dma_start3A_64 = tpu.memref_slice %arg3[%add3A_23] : memref<64000xi32, #tpu.memory_space<hbm>> -> memref<200xi32, #tpu.memory_space<hbm>>
        %dma_start3A_65 = tpu.memref_slice %arg3[%add3A_23] : memref<64000xi32, #tpu.memory_space<hbm>> -> memref<200xi32, #tpu.memory_space<hbm>>
        tpu.enqueue_dma source(%dma_start3A_65 : memref<200xi32, #tpu.memory_space<hbm>>) target(%arg5 : memref<200xi32, #tpu.memory_space<vmem>>) target_semaphore(%run_scoped3A : memref<!tpu.dma_semaphore, #tpu.memory_space<semaphore_mem>>)
        %dma_wait3A_66 = tpu.memref_slice %arg3[%add3A_23] : memref<64000xi32, #tpu.memory_space<hbm>> -> memref<200xi32, #tpu.memory_space<hbm>>
        %dma_wait3A_67 = tpu.memref_slice %arg3[%add3A_23] : memref<64000xi32, #tpu.memory_space<hbm>> -> memref<200xi32, #tpu.memory_space<hbm>>
        tpu.wait_dma2 semaphore(%run_scoped3A : memref<!tpu.dma_semaphore, #tpu.memory_space<semaphore_mem>>) src(%dma_wait3A_67 : memref<200xi32, #tpu.memory_space<hbm>>) dst(%arg5 : memref<200xi32, #tpu.memory_space<vmem>>)
        tpu.yield
      }) : () -> ()
      %dma_start3A = arith.constant 0 : i32
      %dma_start3A_24 = arith.constant 0 : i32
      %dma_start3A_25 = tpu.memref_slice %arg2[%dma_start3A, %dma_start3A_24] : memref<10000x128xf32, #tpu.memory_space<hbm>> -> memref<10000x128xf32, #tpu.memory_space<hbm>>
      tpu.enqueue_indirect_dma source(%dma_start3A_25 : memref<10000x128xf32, #tpu.memory_space<hbm>>) target(%arg7 : memref<200x128xf32, #tpu.memory_space<vmem>>) offsets(%arg5 : memref<200xi32, #tpu.memory_space<vmem>>) semaphore(%arg9 : memref<!tpu.dma_semaphore, #tpu.memory_space<semaphore_mem>>)
      %mul3A_26 = arith.constant 2 : i32
      %mul3A_27 = arith.muli %mul3A_26, %scan3A_14 : i32
      %add3A_28 = arith.constant 1 : i32
      %add3A_29 = arith.addi %mul3A_27, %add3A_28 : i32
      %mul3A_30 = arith.constant 200 : i32
      %mul3A_31 = arith.muli %add3A_29, %mul3A_30 : i32
      %add3A_32 = arith.addi %mul3A_2, %mul3A_31 : i32
      "tpu.region"() ({
        %run_scoped3A = tpu.sem_alloc : memref<!tpu.dma_semaphore, #tpu.memory_space<semaphore_mem>>
        %dma_start3A_64 = tpu.memref_slice %arg3[%add3A_32] : memref<64000xi32, #tpu.memory_space<hbm>> -> memref<200xi32, #tpu.memory_space<hbm>>
        %dma_start3A_65 = tpu.memref_slice %arg3[%add3A_32] : memref<64000xi32, #tpu.memory_space<hbm>> -> memref<200xi32, #tpu.memory_space<hbm>>
        tpu.enqueue_dma source(%dma_start3A_65 : memref<200xi32, #tpu.memory_space<hbm>>) target(%arg6 : memref<200xi32, #tpu.memory_space<vmem>>) target_semaphore(%run_scoped3A : memref<!tpu.dma_semaphore, #tpu.memory_space<semaphore_mem>>)
        %dma_wait3A_66 = tpu.memref_slice %arg3[%add3A_32] : memref<64000xi32, #tpu.memory_space<hbm>> -> memref<200xi32, #tpu.memory_space<hbm>>
        %dma_wait3A_67 = tpu.memref_slice %arg3[%add3A_32] : memref<64000xi32, #tpu.memory_space<hbm>> -> memref<200xi32, #tpu.memory_space<hbm>>
        tpu.wait_dma2 semaphore(%run_scoped3A : memref<!tpu.dma_semaphore, #tpu.memory_space<semaphore_mem>>) src(%dma_wait3A_67 : memref<200xi32, #tpu.memory_space<hbm>>) dst(%arg6 : memref<200xi32, #tpu.memory_space<vmem>>)
        tpu.yield
      }) : () -> ()
      %dma_start3A_33 = arith.constant 0 : i32
      %dma_start3A_34 = arith.constant 0 : i32
      %dma_start3A_35 = tpu.memref_slice %arg2[%dma_start3A_33, %dma_start3A_34] : memref<10000x128xf32, #tpu.memory_space<hbm>> -> memref<10000x128xf32, #tpu.memory_space<hbm>>
      tpu.enqueue_indirect_dma source(%dma_start3A_35 : memref<10000x128xf32, #tpu.memory_space<hbm>>) target(%arg8 : memref<200x128xf32, #tpu.memory_space<vmem>>) offsets(%arg6 : memref<200xi32, #tpu.memory_space<vmem>>) semaphore(%arg10 : memref<!tpu.dma_semaphore, #tpu.memory_space<semaphore_mem>>)
      %mul3A_36 = arith.constant 2 : i32
      %mul3A_37 = arith.muli %mul3A_36, %scan3A_14 : i32
      %add3A_38 = arith.constant 0 : i32
      %add3A_39 = arith.addi %mul3A_37, %add3A_38 : i32
      %mul3A_40 = arith.constant 200 : i32
      %mul3A_41 = arith.muli %add3A_39, %mul3A_40 : i32
      %add3A_42 = arith.addi %mul3A_2, %mul3A_41 : i32
      %dma_wait3A_43 = arith.constant 0 : i32
      %dma_wait3A_44 = arith.constant 0 : i32
      %dma_wait3A_45 = tpu.memref_slice %arg2[%dma_wait3A_43, %dma_wait3A_44] : memref<10000x128xf32, #tpu.memory_space<hbm>> -> memref<10000x128xf32, #tpu.memory_space<hbm>>
      tpu.wait_indirect_dma semaphore(%arg9 : memref<!tpu.dma_semaphore, #tpu.memory_space<semaphore_mem>>) src(%dma_wait3A_45 : memref<10000x128xf32, #tpu.memory_space<hbm>>) dst(%arg7 : memref<200x128xf32, #tpu.memory_space<vmem>>)
      %dma_start3A_46 = arith.constant 0 : i32
      %dma_start3A_47 = tpu.memref_slice %arg4[%add3A_42, %dma_start3A_46] : memref<64000x128xf32, #tpu.memory_space<hbm>> -> memref<200x128xf32, #tpu.memory_space<hbm>>
      %dma_start3A_48 = arith.constant 0 : i32
      %dma_start3A_49 = tpu.memref_slice %arg4[%add3A_42, %dma_start3A_48] : memref<64000x128xf32, #tpu.memory_space<hbm>> -> memref<200x128xf32, #tpu.memory_space<hbm>>
      tpu.enqueue_dma source(%arg7 : memref<200x128xf32, #tpu.memory_space<vmem>>) target(%dma_start3A_49 : memref<200x128xf32, #tpu.memory_space<hbm>>) target_semaphore(%arg11 : memref<!tpu.dma_semaphore, #tpu.memory_space<semaphore_mem>>)
      %mul3A_50 = arith.constant 2 : i32
      %mul3A_51 = arith.muli %mul3A_50, %scan3A_14 : i32
      %add3A_52 = arith.constant 1 : i32
      %add3A_53 = arith.addi %mul3A_51, %add3A_52 : i32
      %mul3A_54 = arith.constant 200 : i32
      %mul3A_55 = arith.muli %add3A_53, %mul3A_54 : i32
      %add3A_56 = arith.addi %mul3A_2, %mul3A_55 : i32
      %dma_wait3A_57 = arith.constant 0 : i32
      %dma_wait3A_58 = arith.constant 0 : i32
      %dma_wait3A_59 = tpu.memref_slice %arg2[%dma_wait3A_57, %dma_wait3A_58] : memref<10000x128xf32, #tpu.memory_space<hbm>> -> memref<10000x128xf32, #tpu.memory_space<hbm>>
      tpu.wait_indirect_dma semaphore(%arg10 : memref<!tpu.dma_semaphore, #tpu.memory_space<semaphore_mem>>) src(%dma_wait3A_59 : memref<10000x128xf32, #tpu.memory_space<hbm>>) dst(%arg8 : memref<200x128xf32, #tpu.memory_space<vmem>>)
      %dma_start3A_60 = arith.constant 0 : i32
      %dma_start3A_61 = tpu.memref_slice %arg4[%add3A_56, %dma_start3A_60] : memref<64000x128xf32, #tpu.memory_space<hbm>> -> memref<200x128xf32, #tpu.memory_space<hbm>>
      %dma_start3A_62 = arith.constant 0 : i32
      %dma_start3A_63 = tpu.memref_slice %arg4[%add3A_56, %dma_start3A_62] : memref<64000x128xf32, #tpu.memory_space<hbm>> -> memref<200x128xf32, #tpu.memory_space<hbm>>
      tpu.enqueue_dma source(%arg8 : memref<200x128xf32, #tpu.memory_space<vmem>>) target(%dma_start3A_63 : memref<200x128xf32, #tpu.memory_space<hbm>>) target_semaphore(%arg12 : memref<!tpu.dma_semaphore, #tpu.memory_space<semaphore_mem>>)
    }
    %scan3A_6 = arith.constant 5 : i32
    %dma_wait3A = arith.constant 0 : i32
    %dma_wait3A_7 = tpu.memref_slice %arg4[%mul3A_2, %dma_wait3A] : memref<64000x128xf32, #tpu.memory_space<hbm>> -> memref<200x128xf32, #tpu.memory_space<hbm>>
    %dma_wait3A_8 = arith.constant 0 : i32
    %dma_wait3A_9 = tpu.memref_slice %arg4[%mul3A_2, %dma_wait3A_8] : memref<64000x128xf32, #tpu.memory_space<hbm>> -> memref<200x128xf32, #tpu.memory_space<hbm>>
    tpu.wait_dma2 semaphore(%arg11 : memref<!tpu.dma_semaphore, #tpu.memory_space<semaphore_mem>>) src(%arg7 : memref<200x128xf32, #tpu.memory_space<vmem>>) dst(%dma_wait3A_9 : memref<200x128xf32, #tpu.memory_space<hbm>>)
    %dma_wait3A_10 = arith.constant 0 : i32
    %dma_wait3A_11 = tpu.memref_slice %arg4[%mul3A_2, %dma_wait3A_10] : memref<64000x128xf32, #tpu.memory_space<hbm>> -> memref<200x128xf32, #tpu.memory_space<hbm>>
    %dma_wait3A_12 = arith.constant 0 : i32
    %dma_wait3A_13 = tpu.memref_slice %arg4[%mul3A_2, %dma_wait3A_12] : memref<64000x128xf32, #tpu.memory_space<hbm>> -> memref<200x128xf32, #tpu.memory_space<hbm>>
    tpu.wait_dma2 semaphore(%arg12 : memref<!tpu.dma_semaphore, #tpu.memory_space<semaphore_mem>>) src(%arg8 : memref<200x128xf32, #tpu.memory_space<vmem>>) dst(%dma_wait3A_13 : memref<200x128xf32, #tpu.memory_space<hbm>>)
    return
  }
}

#map = affine_map<(d0, d1) -> (0, 0)>
#map1 = affine_map<(d0, d1) -> (0)>
module attributes {stable_mosaic.version = 14 : i64} {
  func.func @gather(%arg0: i32, %arg1: i32, %arg2: memref<10000x128xf32, #tpu.memory_space<hbm>>, %arg3: memref<64000xi32, #tpu.memory_space<hbm>>, %arg4: memref<64000x128xf32, #tpu.memory_space<hbm>>, %arg5: memref<200xi32, #tpu.memory_space<vmem>>, %arg6: memref<200xi32, #tpu.memory_space<vmem>>, %arg7: memref<200x128xf32, #tpu.memory_space<vmem>>, %arg8: memref<200x128xf32, #tpu.memory_space<vmem>>, %arg9: memref<!tpu.dma_semaphore, #tpu.memory_space<semaphore_mem>>, %arg10: memref<!tpu.dma_semaphore, #tpu.memory_space<semaphore_mem>>, %arg11: memref<!tpu.dma_semaphore, #tpu.memory_space<semaphore_mem>>, %arg12: memref<!tpu.dma_semaphore, #tpu.memory_space<semaphore_mem>>) attributes {dimension_semantics = [#tpu.dimension_semantics<core_parallel>, #tpu.dimension_semantics<subcore_parallel>], iteration_bounds = array<i64: 2, 16>, scalar_prefetch = 0 : i64, scratch_operands = 8 : i64, tpu.core_type = #tpu.core_type<sc_vector_subcore>, window_params = [{transform_indices = #map}, {transform_indices = #map1}, {transform_indices = #map}]} {
    %mul3A = arith.constant 2 : i32
    %mul3A_0 = arith.muli %arg1, %mul3A : i32
    %add3A = arith.addi %mul3A_0, %arg0 : i32
    %mul3A_1 = arith.constant 2000 : i32
    %mul3A_2 = arith.muli %add3A, %mul3A_1 : i32
    %scan3A = arith.constant 0 : i32
    %scan3A_3 = arith.constant 5 : i32
    %scan3A_4 = arith.addi %scan3A, %scan3A_3 : i32
    %scan3A_5 = arith.constant 1 : i32
    scf.for %scan3A_14 = %scan3A to %scan3A_4 step %scan3A_5  : i32 {
      %gt3A = arith.constant 0 : i32
      %gt3A_15 = arith.cmpi sgt, %scan3A_14, %gt3A : i32
      %convert_element_type3A = arith.extui %gt3A_15 : i1 to i32
      %cond3A = arith.constant 0 : i32
      %cond3A_16 = arith.cmpi ne, %convert_element_type3A, %cond3A : i32
      scf.if %cond3A_16 {
        %dma_wait3A_64 = arith.constant 0 : i32
        %dma_wait3A_65 = tpu.memref_slice %arg4[%mul3A_2, %dma_wait3A_64] : memref<64000x128xf32, #tpu.memory_space<hbm>> -> memref<200x128xf32, #tpu.memory_space<hbm>>
        %dma_wait3A_66 = arith.constant 0 : i32
        %dma_wait3A_67 = tpu.memref_slice %arg4[%mul3A_2, %dma_wait3A_66] : memref<64000x128xf32, #tpu.memory_space<hbm>> -> memref<200x128xf32, #tpu.memory_space<hbm>>
        tpu.wait_dma2 semaphore(%arg11 : memref<!tpu.dma_semaphore, #tpu.memory_space<semaphore_mem>>) src(%arg7 : memref<200x128xf32, #tpu.memory_space<vmem>>) dst(%dma_wait3A_67 : memref<200x128xf32, #tpu.memory_space<hbm>>)
        %dma_wait3A_68 = arith.constant 0 : i32
        %dma_wait3A_69 = tpu.memref_slice %arg4[%mul3A_2, %dma_wait3A_68] : memref<64000x128xf32, #tpu.memory_space<hbm>> -> memref<200x128xf32, #tpu.memory_space<hbm>>
        %dma_wait3A_70 = arith.constant 0 : i32
        %dma_wait3A_71 = tpu.memref_slice %arg4[%mul3A_2, %dma_wait3A_70] : memref<64000x128xf32, #tpu.memory_space<hbm>> -> memref<200x128xf32, #tpu.memory_space<hbm>>
        tpu.wait_dma2 semaphore(%arg12 : memref<!tpu.dma_semaphore, #tpu.memory_space<semaphore_mem>>) src(%arg8 : memref<200x128xf32, #tpu.memory_space<vmem>>) dst(%dma_wait3A_71 : memref<200x128xf32, #tpu.memory_space<hbm>>)
      } else {
      }
      %mul3A_17 = arith.constant 2 : i32
      %mul3A_18 = arith.muli %mul3A_17, %scan3A_14 : i32
      %add3A_19 = arith.constant 0 : i32
      %add3A_20 = arith.addi %mul3A_18, %add3A_19 : i32
      %mul3A_21 = arith.constant 200 : i32
      %mul3A_22 = arith.muli %add3A_20, %mul3A_21 : i32
      %add3A_23 = arith.addi %mul3A_2, %mul3A_22 : i32
      "tpu.region"() ({
        %run_scoped3A = tpu.sem_alloc : memref<!tpu.dma_semaphore, #tpu.memory_space<semaphore_mem>>
        %dma_start3A_64 = tpu.memref_slice %arg3[%add3A_23] : memref<64000xi32, #tpu.memory_space<hbm>> -> memref<200xi32, #tpu.memory_space<hbm>>
        %dma_start3A_65 = tpu.memref_slice %arg3[%add3A_23] : memref<64000xi32, #tpu.memory_space<hbm>> -> memref<200xi32, #tpu.memory_space<hbm>>
        tpu.enqueue_dma source(%dma_start3A_65 : memref<200xi32, #tpu.memory_space<hbm>>) target(%arg5 : memref<200xi32, #tpu.memory_space<vmem>>) target_semaphore(%run_scoped3A : memref<!tpu.dma_semaphore, #tpu.memory_space<semaphore_mem>>)
        %dma_wait3A_66 = tpu.memref_slice %arg3[%add3A_23] : memref<64000xi32, #tpu.memory_space<hbm>> -> memref<200xi32, #tpu.memory_space<hbm>>
        %dma_wait3A_67 = tpu.memref_slice %arg3[%add3A_23] : memref<64000xi32, #tpu.memory_space<hbm>> -> memref<200xi32, #tpu.memory_space<hbm>>
        tpu.wait_dma2 semaphore(%run_scoped3A : memref<!tpu.dma_semaphore, #tpu.memory_space<semaphore_mem>>) src(%dma_wait3A_67 : memref<200xi32, #tpu.memory_space<hbm>>) dst(%arg5 : memref<200xi32, #tpu.memory_space<vmem>>)
        tpu.yield
      }) : () -> ()
      %dma_start3A = arith.constant 0 : i32
      %dma_start3A_24 = arith.constant 0 : i32
      %dma_start3A_25 = tpu.memref_slice %arg2[%dma_start3A, %dma_start3A_24] : memref<10000x128xf32, #tpu.memory_space<hbm>> -> memref<10000x128xf32, #tpu.memory_space<hbm>>
      tpu.enqueue_indirect_dma source(%dma_start3A_25 : memref<10000x128xf32, #tpu.memory_space<hbm>>) target(%arg7 : memref<200x128xf32, #tpu.memory_space<vmem>>) offsets(%arg5 : memref<200xi32, #tpu.memory_space<vmem>>) semaphore(%arg9 : memref<!tpu.dma_semaphore, #tpu.memory_space<semaphore_mem>>)
      %mul3A_26 = arith.constant 2 : i32
      %mul3A_27 = arith.muli %mul3A_26, %scan3A_14 : i32
      %add3A_28 = arith.constant 1 : i32
      %add3A_29 = arith.addi %mul3A_27, %add3A_28 : i32
      %mul3A_30 = arith.constant 200 : i32
      %mul3A_31 = arith.muli %add3A_29, %mul3A_30 : i32
      %add3A_32 = arith.addi %mul3A_2, %mul3A_31 : i32
      "tpu.region"() ({
        %run_scoped3A = tpu.sem_alloc : memref<!tpu.dma_semaphore, #tpu.memory_space<semaphore_mem>>
        %dma_start3A_64 = tpu.memref_slice %arg3[%add3A_32] : memref<64000xi32, #tpu.memory_space<hbm>> -> memref<200xi32, #tpu.memory_space<hbm>>
        %dma_start3A_65 = tpu.memref_slice %arg3[%add3A_32] : memref<64000xi32, #tpu.memory_space<hbm>> -> memref<200xi32, #tpu.memory_space<hbm>>
        tpu.enqueue_dma source(%dma_start3A_65 : memref<200xi32, #tpu.memory_space<hbm>>) target(%arg6 : memref<200xi32, #tpu.memory_space<vmem>>) target_semaphore(%run_scoped3A : memref<!tpu.dma_semaphore, #tpu.memory_space<semaphore_mem>>)
        %dma_wait3A_66 = tpu.memref_slice %arg3[%add3A_32] : memref<64000xi32, #tpu.memory_space<hbm>> -> memref<200xi32, #tpu.memory_space<hbm>>
        %dma_wait3A_67 = tpu.memref_slice %arg3[%add3A_32] : memref<64000xi32, #tpu.memory_space<hbm>> -> memref<200xi32, #tpu.memory_space<hbm>>
        tpu.wait_dma2 semaphore(%run_scoped3A : memref<!tpu.dma_semaphore, #tpu.memory_space<semaphore_mem>>) src(%dma_wait3A_67 : memref<200xi32, #tpu.memory_space<hbm>>) dst(%arg6 : memref<200xi32, #tpu.memory_space<vmem>>)
        tpu.yield
      }) : () -> ()
      %dma_start3A_33 = arith.constant 0 : i32
      %dma_start3A_34 = arith.constant 0 : i32
      %dma_start3A_35 = tpu.memref_slice %arg2[%dma_start3A_33, %dma_start3A_34] : memref<10000x128xf32, #tpu.memory_space<hbm>> -> memref<10000x128xf32, #tpu.memory_space<hbm>>
      tpu.enqueue_indirect_dma source(%dma_start3A_35 : memref<10000x128xf32, #tpu.memory_space<hbm>>) target(%arg8 : memref<200x128xf32, #tpu.memory_space<vmem>>) offsets(%arg6 : memref<200xi32, #tpu.memory_space<vmem>>) semaphore(%arg10 : memref<!tpu.dma_semaphore, #tpu.memory_space<semaphore_mem>>)
      %mul3A_36 = arith.constant 2 : i32
      %mul3A_37 = arith.muli %mul3A_36, %scan3A_14 : i32
      %add3A_38 = arith.constant 0 : i32
      %add3A_39 = arith.addi %mul3A_37, %add3A_38 : i32
      %mul3A_40 = arith.constant 200 : i32
      %mul3A_41 = arith.muli %add3A_39, %mul3A_40 : i32
      %add3A_42 = arith.addi %mul3A_2, %mul3A_41 : i32
      %dma_wait3A_43 = arith.constant 0 : i32
      %dma_wait3A_44 = arith.constant 0 : i32
      %dma_wait3A_45 = tpu.memref_slice %arg2[%dma_wait3A_43, %dma_wait3A_44] : memref<10000x128xf32, #tpu.memory_space<hbm>> -> memref<10000x128xf32, #tpu.memory_space<hbm>>
      tpu.wait_indirect_dma semaphore(%arg9 : memref<!tpu.dma_semaphore, #tpu.memory_space<semaphore_mem>>) src(%dma_wait3A_45 : memref<10000x128xf32, #tpu.memory_space<hbm>>) dst(%arg7 : memref<200x128xf32, #tpu.memory_space<vmem>>)
      %dma_start3A_46 = arith.constant 0 : i32
      %dma_start3A_47 = tpu.memref_slice %arg4[%add3A_42, %dma_start3A_46] : memref<64000x128xf32, #tpu.memory_space<hbm>> -> memref<200x128xf32, #tpu.memory_space<hbm>>
      %dma_start3A_48 = arith.constant 0 : i32
      %dma_start3A_49 = tpu.memref_slice %arg4[%add3A_42, %dma_start3A_48] : memref<64000x128xf32, #tpu.memory_space<hbm>> -> memref<200x128xf32, #tpu.memory_space<hbm>>
      tpu.enqueue_dma source(%arg7 : memref<200x128xf32, #tpu.memory_space<vmem>>) target(%dma_start3A_49 : memref<200x128xf32, #tpu.memory_space<hbm>>) target_semaphore(%arg11 : memref<!tpu.dma_semaphore, #tpu.memory_space<semaphore_mem>>)
      %mul3A_50 = arith.constant 2 : i32
      %mul3A_51 = arith.muli %mul3A_50, %scan3A_14 : i32
      %add3A_52 = arith.constant 1 : i32
      %add3A_53 = arith.addi %mul3A_51, %add3A_52 : i32
      %mul3A_54 = arith.constant 200 : i32
      %mul3A_55 = arith.muli %add3A_53, %mul3A_54 : i32
      %add3A_56 = arith.addi %mul3A_2, %mul3A_55 : i32
      %dma_wait3A_57 = arith.constant 0 : i32
      %dma_wait3A_58 = arith.constant 0 : i32
      %dma_wait3A_59 = tpu.memref_slice %arg2[%dma_wait3A_57, %dma_wait3A_58] : memref<10000x128xf32, #tpu.memory_space<hbm>> -> memref<10000x128xf32, #tpu.memory_space<hbm>>
      tpu.wait_indirect_dma semaphore(%arg10 : memref<!tpu.dma_semaphore, #tpu.memory_space<semaphore_mem>>) src(%dma_wait3A_59 : memref<10000x128xf32, #tpu.memory_space<hbm>>) dst(%arg8 : memref<200x128xf32, #tpu.memory_space<vmem>>)
      %dma_start3A_60 = arith.constant 0 : i32
      %dma_start3A_61 = tpu.memref_slice %arg4[%add3A_56, %dma_start3A_60] : memref<64000x128xf32, #tpu.memory_space<hbm>> -> memref<200x128xf32, #tpu.memory_space<hbm>>
      %dma_start3A_62 = arith.constant 0 : i32
      %dma_start3A_63 = tpu.memref_slice %arg4[%add3A_56, %dma_start3A_62] : memref<64000x128xf32, #tpu.memory_space<hbm>> -> memref<200x128xf32, #tpu.memory_space<hbm>>
      tpu.enqueue_dma source(%arg8 : memref<200x128xf32, #tpu.memory_space<vmem>>) target(%dma_start3A_63 : memref<200x128xf32, #tpu.memory_space<hbm>>) target_semaphore(%arg12 : memref<!tpu.dma_semaphore, #tpu.memory_space<semaphore_mem>>)
    }
    %scan3A_6 = arith.constant 5 : i32
    %dma_wait3A = arith.constant 0 : i32
    %dma_wait3A_7 = tpu.memref_slice %arg4[%mul3A_2, %dma_wait3A] : memref<64000x128xf32, #tpu.memory_space<hbm>> -> memref<200x128xf32, #tpu.memory_space<hbm>>
    %dma_wait3A_8 = arith.constant 0 : i32
    %dma_wait3A_9 = tpu.memref_slice %arg4[%mul3A_2, %dma_wait3A_8] : memref<64000x128xf32, #tpu.memory_space<hbm>> -> memref<200x128xf32, #tpu.memory_space<hbm>>
    tpu.wait_dma2 semaphore(%arg11 : memref<!tpu.dma_semaphore, #tpu.memory_space<semaphore_mem>>) src(%arg7 : memref<200x128xf32, #tpu.memory_space<vmem>>) dst(%dma_wait3A_9 : memref<200x128xf32, #tpu.memory_space<hbm>>)
    %dma_wait3A_10 = arith.constant 0 : i32
    %dma_wait3A_11 = tpu.memref_slice %arg4[%mul3A_2, %dma_wait3A_10] : memref<64000x128xf32, #tpu.memory_space<hbm>> -> memref<200x128xf32, #tpu.memory_space<hbm>>
    %dma_wait3A_12 = arith.constant 0 : i32
    %dma_wait3A_13 = tpu.memref_slice %arg4[%mul3A_2, %dma_wait3A_12] : memref<64000x128xf32, #tpu.memory_space<hbm>> -> memref<200x128xf32, #tpu.memory_space<hbm>>
    tpu.wait_dma2 semaphore(%arg12 : memref<!tpu.dma_semaphore, #tpu.memory_space<semaphore_mem>>) src(%arg8 : memref<200x128xf32, #tpu.memory_space<vmem>>) dst(%dma_wait3A_13 : memref<200x128xf32, #tpu.memory_space<hbm>>)
    return
  }
}

#map = affine_map<(d0, d1) -> (0, 0)>
#map1 = affine_map<(d0, d1) -> (0)>
module attributes {stable_mosaic.version = 14 : i64} {
  func.func @gather(%arg0: i32, %arg1: i32, %arg2: memref<10000x128xf32, #tpu.memory_space<hbm>>, %arg3: memref<64000xi32, #tpu.memory_space<hbm>>, %arg4: memref<64000x128xf32, #tpu.memory_space<hbm>>, %arg5: memref<200xi32, #tpu.memory_space<vmem>>, %arg6: memref<200xi32, #tpu.memory_space<vmem>>, %arg7: memref<200x128xf32, #tpu.memory_space<vmem>>, %arg8: memref<200x128xf32, #tpu.memory_space<vmem>>, %arg9: memref<!tpu.dma_semaphore, #tpu.memory_space<semaphore_mem>>, %arg10: memref<!tpu.dma_semaphore, #tpu.memory_space<semaphore_mem>>, %arg11: memref<!tpu.dma_semaphore, #tpu.memory_space<semaphore_mem>>, %arg12: memref<!tpu.dma_semaphore, #tpu.memory_space<semaphore_mem>>) attributes {dimension_semantics = [#tpu.dimension_semantics<core_parallel>, #tpu.dimension_semantics<subcore_parallel>], iteration_bounds = array<i64: 2, 16>, scalar_prefetch = 0 : i64, scratch_operands = 8 : i64, tpu.core_type = #tpu.core_type<sc_vector_subcore>, window_params = [{transform_indices = #map}, {transform_indices = #map1}, {transform_indices = #map}]} {
    %mul3A = arith.constant 2 : i32
    %mul3A_0 = arith.muli %arg1, %mul3A : i32
    %add3A = arith.addi %mul3A_0, %arg0 : i32
    %mul3A_1 = arith.constant 2000 : i32
    %mul3A_2 = arith.muli %add3A, %mul3A_1 : i32
    %scan3A = arith.constant 0 : i32
    %scan3A_3 = arith.constant 5 : i32
    %scan3A_4 = arith.addi %scan3A, %scan3A_3 : i32
    %scan3A_5 = arith.constant 1 : i32
    scf.for %scan3A_14 = %scan3A to %scan3A_4 step %scan3A_5  : i32 {
      %gt3A = arith.constant 0 : i32
      %gt3A_15 = arith.cmpi sgt, %scan3A_14, %gt3A : i32
      %convert_element_type3A = arith.extui %gt3A_15 : i1 to i32
      %cond3A = arith.constant 0 : i32
      %cond3A_16 = arith.cmpi ne, %convert_element_type3A, %cond3A : i32
      scf.if %cond3A_16 {
        %dma_wait3A_64 = arith.constant 0 : i32
        %dma_wait3A_65 = tpu.memref_slice %arg4[%mul3A_2, %dma_wait3A_64] : memref<64000x128xf32, #tpu.memory_space<hbm>> -> memref<200x128xf32, #tpu.memory_space<hbm>>
        %dma_wait3A_66 = arith.constant 0 : i32
        %dma_wait3A_67 = tpu.memref_slice %arg4[%mul3A_2, %dma_wait3A_66] : memref<64000x128xf32, #tpu.memory_space<hbm>> -> memref<200x128xf32, #tpu.memory_space<hbm>>
        tpu.wait_dma2 semaphore(%arg11 : memref<!tpu.dma_semaphore, #tpu.memory_space<semaphore_mem>>) src(%arg7 : memref<200x128xf32, #tpu.memory_space<vmem>>) dst(%dma_wait3A_67 : memref<200x128xf32, #tpu.memory_space<hbm>>)
        %dma_wait3A_68 = arith.constant 0 : i32
        %dma_wait3A_69 = tpu.memref_slice %arg4[%mul3A_2, %dma_wait3A_68] : memref<64000x128xf32, #tpu.memory_space<hbm>> -> memref<200x128xf32, #tpu.memory_space<hbm>>
        %dma_wait3A_70 = arith.constant 0 : i32
        %dma_wait3A_71 = tpu.memref_slice %arg4[%mul3A_2, %dma_wait3A_70] : memref<64000x128xf32, #tpu.memory_space<hbm>> -> memref<200x128xf32, #tpu.memory_space<hbm>>
        tpu.wait_dma2 semaphore(%arg12 : memref<!tpu.dma_semaphore, #tpu.memory_space<semaphore_mem>>) src(%arg8 : memref<200x128xf32, #tpu.memory_space<vmem>>) dst(%dma_wait3A_71 : memref<200x128xf32, #tpu.memory_space<hbm>>)
      } else {
      }
      %mul3A_17 = arith.constant 2 : i32
      %mul3A_18 = arith.muli %mul3A_17, %scan3A_14 : i32
      %add3A_19 = arith.constant 0 : i32
      %add3A_20 = arith.addi %mul3A_18, %add3A_19 : i32
      %mul3A_21 = arith.constant 200 : i32
      %mul3A_22 = arith.muli %add3A_20, %mul3A_21 : i32
      %add3A_23 = arith.addi %mul3A_2, %mul3A_22 : i32
      "tpu.region"() ({
        %run_scoped3A = tpu.sem_alloc : memref<!tpu.dma_semaphore, #tpu.memory_space<semaphore_mem>>
        %dma_start3A_64 = tpu.memref_slice %arg3[%add3A_23] : memref<64000xi32, #tpu.memory_space<hbm>> -> memref<200xi32, #tpu.memory_space<hbm>>
        %dma_start3A_65 = tpu.memref_slice %arg3[%add3A_23] : memref<64000xi32, #tpu.memory_space<hbm>> -> memref<200xi32, #tpu.memory_space<hbm>>
        tpu.enqueue_dma source(%dma_start3A_65 : memref<200xi32, #tpu.memory_space<hbm>>) target(%arg5 : memref<200xi32, #tpu.memory_space<vmem>>) target_semaphore(%run_scoped3A : memref<!tpu.dma_semaphore, #tpu.memory_space<semaphore_mem>>)
        %dma_wait3A_66 = tpu.memref_slice %arg3[%add3A_23] : memref<64000xi32, #tpu.memory_space<hbm>> -> memref<200xi32, #tpu.memory_space<hbm>>
        %dma_wait3A_67 = tpu.memref_slice %arg3[%add3A_23] : memref<64000xi32, #tpu.memory_space<hbm>> -> memref<200xi32, #tpu.memory_space<hbm>>
        tpu.wait_dma2 semaphore(%run_scoped3A : memref<!tpu.dma_semaphore, #tpu.memory_space<semaphore_mem>>) src(%dma_wait3A_67 : memref<200xi32, #tpu.memory_space<hbm>>) dst(%arg5 : memref<200xi32, #tpu.memory_space<vmem>>)
        tpu.yield
      }) : () -> ()
      %dma_start3A = arith.constant 0 : i32
      %dma_start3A_24 = arith.constant 0 : i32
      %dma_start3A_25 = tpu.memref_slice %arg2[%dma_start3A, %dma_start3A_24] : memref<10000x128xf32, #tpu.memory_space<hbm>> -> memref<10000x128xf32, #tpu.memory_space<hbm>>
      tpu.enqueue_indirect_dma source(%dma_start3A_25 : memref<10000x128xf32, #tpu.memory_space<hbm>>) target(%arg7 : memref<200x128xf32, #tpu.memory_space<vmem>>) offsets(%arg5 : memref<200xi32, #tpu.memory_space<vmem>>) semaphore(%arg9 : memref<!tpu.dma_semaphore, #tpu.memory_space<semaphore_mem>>)
      %mul3A_26 = arith.constant 2 : i32
      %mul3A_27 = arith.muli %mul3A_26, %scan3A_14 : i32
      %add3A_28 = arith.constant 1 : i32
      %add3A_29 = arith.addi %mul3A_27, %add3A_28 : i32
      %mul3A_30 = arith.constant 200 : i32
      %mul3A_31 = arith.muli %add3A_29, %mul3A_30 : i32
      %add3A_32 = arith.addi %mul3A_2, %mul3A_31 : i32
      "tpu.region"() ({
        %run_scoped3A = tpu.sem_alloc : memref<!tpu.dma_semaphore, #tpu.memory_space<semaphore_mem>>
        %dma_start3A_64 = tpu.memref_slice %arg3[%add3A_32] : memref<64000xi32, #tpu.memory_space<hbm>> -> memref<200xi32, #tpu.memory_space<hbm>>
        %dma_start3A_65 = tpu.memref_slice %arg3[%add3A_32] : memref<64000xi32, #tpu.memory_space<hbm>> -> memref<200xi32, #tpu.memory_space<hbm>>
        tpu.enqueue_dma source(%dma_start3A_65 : memref<200xi32, #tpu.memory_space<hbm>>) target(%arg6 : memref<200xi32, #tpu.memory_space<vmem>>) target_semaphore(%run_scoped3A : memref<!tpu.dma_semaphore, #tpu.memory_space<semaphore_mem>>)
        %dma_wait3A_66 = tpu.memref_slice %arg3[%add3A_32] : memref<64000xi32, #tpu.memory_space<hbm>> -> memref<200xi32, #tpu.memory_space<hbm>>
        %dma_wait3A_67 = tpu.memref_slice %arg3[%add3A_32] : memref<64000xi32, #tpu.memory_space<hbm>> -> memref<200xi32, #tpu.memory_space<hbm>>
        tpu.wait_dma2 semaphore(%run_scoped3A : memref<!tpu.dma_semaphore, #tpu.memory_space<semaphore_mem>>) src(%dma_wait3A_67 : memref<200xi32, #tpu.memory_space<hbm>>) dst(%arg6 : memref<200xi32, #tpu.memory_space<vmem>>)
        tpu.yield
      }) : () -> ()
      %dma_start3A_33 = arith.constant 0 : i32
      %dma_start3A_34 = arith.constant 0 : i32
      %dma_start3A_35 = tpu.memref_slice %arg2[%dma_start3A_33, %dma_start3A_34] : memref<10000x128xf32, #tpu.memory_space<hbm>> -> memref<10000x128xf32, #tpu.memory_space<hbm>>
      tpu.enqueue_indirect_dma source(%dma_start3A_35 : memref<10000x128xf32, #tpu.memory_space<hbm>>) target(%arg8 : memref<200x128xf32, #tpu.memory_space<vmem>>) offsets(%arg6 : memref<200xi32, #tpu.memory_space<vmem>>) semaphore(%arg10 : memref<!tpu.dma_semaphore, #tpu.memory_space<semaphore_mem>>)
      %mul3A_36 = arith.constant 2 : i32
      %mul3A_37 = arith.muli %mul3A_36, %scan3A_14 : i32
      %add3A_38 = arith.constant 0 : i32
      %add3A_39 = arith.addi %mul3A_37, %add3A_38 : i32
      %mul3A_40 = arith.constant 200 : i32
      %mul3A_41 = arith.muli %add3A_39, %mul3A_40 : i32
      %add3A_42 = arith.addi %mul3A_2, %mul3A_41 : i32
      %dma_wait3A_43 = arith.constant 0 : i32
      %dma_wait3A_44 = arith.constant 0 : i32
      %dma_wait3A_45 = tpu.memref_slice %arg2[%dma_wait3A_43, %dma_wait3A_44] : memref<10000x128xf32, #tpu.memory_space<hbm>> -> memref<10000x128xf32, #tpu.memory_space<hbm>>
      tpu.wait_indirect_dma semaphore(%arg9 : memref<!tpu.dma_semaphore, #tpu.memory_space<semaphore_mem>>) src(%dma_wait3A_45 : memref<10000x128xf32, #tpu.memory_space<hbm>>) dst(%arg7 : memref<200x128xf32, #tpu.memory_space<vmem>>)
      %dma_start3A_46 = arith.constant 0 : i32
      %dma_start3A_47 = tpu.memref_slice %arg4[%add3A_42, %dma_start3A_46] : memref<64000x128xf32, #tpu.memory_space<hbm>> -> memref<200x128xf32, #tpu.memory_space<hbm>>
      %dma_start3A_48 = arith.constant 0 : i32
      %dma_start3A_49 = tpu.memref_slice %arg4[%add3A_42, %dma_start3A_48] : memref<64000x128xf32, #tpu.memory_space<hbm>> -> memref<200x128xf32, #tpu.memory_space<hbm>>
      tpu.enqueue_dma source(%arg7 : memref<200x128xf32, #tpu.memory_space<vmem>>) target(%dma_start3A_49 : memref<200x128xf32, #tpu.memory_space<hbm>>) target_semaphore(%arg11 : memref<!tpu.dma_semaphore, #tpu.memory_space<semaphore_mem>>)
      %mul3A_50 = arith.constant 2 : i32
      %mul3A_51 = arith.muli %mul3A_50, %scan3A_14 : i32
      %add3A_52 = arith.constant 1 : i32
      %add3A_53 = arith.addi %mul3A_51, %add3A_52 : i32
      %mul3A_54 = arith.constant 200 : i32
      %mul3A_55 = arith.muli %add3A_53, %mul3A_54 : i32
      %add3A_56 = arith.addi %mul3A_2, %mul3A_55 : i32
      %dma_wait3A_57 = arith.constant 0 : i32
      %dma_wait3A_58 = arith.constant 0 : i32
      %dma_wait3A_59 = tpu.memref_slice %arg2[%dma_wait3A_57, %dma_wait3A_58] : memref<10000x128xf32, #tpu.memory_space<hbm>> -> memref<10000x128xf32, #tpu.memory_space<hbm>>
      tpu.wait_indirect_dma semaphore(%arg10 : memref<!tpu.dma_semaphore, #tpu.memory_space<semaphore_mem>>) src(%dma_wait3A_59 : memref<10000x128xf32, #tpu.memory_space<hbm>>) dst(%arg8 : memref<200x128xf32, #tpu.memory_space<vmem>>)
      %dma_start3A_60 = arith.constant 0 : i32
      %dma_start3A_61 = tpu.memref_slice %arg4[%add3A_56, %dma_start3A_60] : memref<64000x128xf32, #tpu.memory_space<hbm>> -> memref<200x128xf32, #tpu.memory_space<hbm>>
      %dma_start3A_62 = arith.constant 0 : i32
      %dma_start3A_63 = tpu.memref_slice %arg4[%add3A_56, %dma_start3A_62] : memref<64000x128xf32, #tpu.memory_space<hbm>> -> memref<200x128xf32, #tpu.memory_space<hbm>>
      tpu.enqueue_dma source(%arg8 : memref<200x128xf32, #tpu.memory_space<vmem>>) target(%dma_start3A_63 : memref<200x128xf32, #tpu.memory_space<hbm>>) target_semaphore(%arg12 : memref<!tpu.dma_semaphore, #tpu.memory_space<semaphore_mem>>)
    }
    %scan3A_6 = arith.constant 5 : i32
    %dma_wait3A = arith.constant 0 : i32
    %dma_wait3A_7 = tpu.memref_slice %arg4[%mul3A_2, %dma_wait3A] : memref<64000x128xf32, #tpu.memory_space<hbm>> -> memref<200x128xf32, #tpu.memory_space<hbm>>
    %dma_wait3A_8 = arith.constant 0 : i32
    %dma_wait3A_9 = tpu.memref_slice %arg4[%mul3A_2, %dma_wait3A_8] : memref<64000x128xf32, #tpu.memory_space<hbm>> -> memref<200x128xf32, #tpu.memory_space<hbm>>
    tpu.wait_dma2 semaphore(%arg11 : memref<!tpu.dma_semaphore, #tpu.memory_space<semaphore_mem>>) src(%arg7 : memref<200x128xf32, #tpu.memory_space<vmem>>) dst(%dma_wait3A_9 : memref<200x128xf32, #tpu.memory_space<hbm>>)
    %dma_wait3A_10 = arith.constant 0 : i32
    %dma_wait3A_11 = tpu.memref_slice %arg4[%mul3A_2, %dma_wait3A_10] : memref<64000x128xf32, #tpu.memory_space<hbm>> -> memref<200x128xf32, #tpu.memory_space<hbm>>
    %dma_wait3A_12 = arith.constant 0 : i32
    %dma_wait3A_13 = tpu.memref_slice %arg4[%mul3A_2, %dma_wait3A_12] : memref<64000x128xf32, #tpu.memory_space<hbm>> -> memref<200x128xf32, #tpu.memory_space<hbm>>
    tpu.wait_dma2 semaphore(%arg12 : memref<!tpu.dma_semaphore, #tpu.memory_space<semaphore_mem>>) src(%arg8 : memref<200x128xf32, #tpu.memory_space<vmem>>) dst(%dma_wait3A_13 : memref<200x128xf32, #tpu.memory_space<hbm>>)
    return
  }
}

#map = affine_map<(d0, d1) -> (0, 0)>
#map1 = affine_map<(d0, d1) -> (0)>
module attributes {stable_mosaic.version = 14 : i64} {
  func.func @gather(%arg0: i32, %arg1: i32, %arg2: memref<10000x128xf32, #tpu.memory_space<hbm>>, %arg3: memref<64000xi32, #tpu.memory_space<hbm>>, %arg4: memref<64000x128xf32, #tpu.memory_space<hbm>>, %arg5: memref<200xi32, #tpu.memory_space<vmem>>, %arg6: memref<200xi32, #tpu.memory_space<vmem>>, %arg7: memref<200x128xf32, #tpu.memory_space<vmem>>, %arg8: memref<200x128xf32, #tpu.memory_space<vmem>>, %arg9: memref<!tpu.dma_semaphore, #tpu.memory_space<semaphore_mem>>, %arg10: memref<!tpu.dma_semaphore, #tpu.memory_space<semaphore_mem>>, %arg11: memref<!tpu.dma_semaphore, #tpu.memory_space<semaphore_mem>>, %arg12: memref<!tpu.dma_semaphore, #tpu.memory_space<semaphore_mem>>) attributes {dimension_semantics = [#tpu.dimension_semantics<core_parallel>, #tpu.dimension_semantics<subcore_parallel>], iteration_bounds = array<i64: 2, 16>, scalar_prefetch = 0 : i64, scratch_operands = 8 : i64, tpu.core_type = #tpu.core_type<sc_vector_subcore>, window_params = [{transform_indices = #map}, {transform_indices = #map1}, {transform_indices = #map}]} {
    %mul3A = arith.constant 2 : i32
    %mul3A_0 = arith.muli %arg1, %mul3A : i32
    %add3A = arith.addi %mul3A_0, %arg0 : i32
    %mul3A_1 = arith.constant 2000 : i32
    %mul3A_2 = arith.muli %add3A, %mul3A_1 : i32
    %scan3A = arith.constant 0 : i32
    %scan3A_3 = arith.constant 5 : i32
    %scan3A_4 = arith.addi %scan3A, %scan3A_3 : i32
    %scan3A_5 = arith.constant 1 : i32
    scf.for %scan3A_14 = %scan3A to %scan3A_4 step %scan3A_5  : i32 {
      %gt3A = arith.constant 0 : i32
      %gt3A_15 = arith.cmpi sgt, %scan3A_14, %gt3A : i32
      %convert_element_type3A = arith.extui %gt3A_15 : i1 to i32
      %cond3A = arith.constant 0 : i32
      %cond3A_16 = arith.cmpi ne, %convert_element_type3A, %cond3A : i32
      scf.if %cond3A_16 {
        %dma_wait3A_64 = arith.constant 0 : i32
        %dma_wait3A_65 = tpu.memref_slice %arg4[%mul3A_2, %dma_wait3A_64] : memref<64000x128xf32, #tpu.memory_space<hbm>> -> memref<200x128xf32, #tpu.memory_space<hbm>>
        %dma_wait3A_66 = arith.constant 0 : i32
        %dma_wait3A_67 = tpu.memref_slice %arg4[%mul3A_2, %dma_wait3A_66] : memref<64000x128xf32, #tpu.memory_space<hbm>> -> memref<200x128xf32, #tpu.memory_space<hbm>>
        tpu.wait_dma2 semaphore(%arg11 : memref<!tpu.dma_semaphore, #tpu.memory_space<semaphore_mem>>) src(%arg7 : memref<200x128xf32, #tpu.memory_space<vmem>>) dst(%dma_wait3A_67 : memref<200x128xf32, #tpu.memory_space<hbm>>)
        %dma_wait3A_68 = arith.constant 0 : i32
        %dma_wait3A_69 = tpu.memref_slice %arg4[%mul3A_2, %dma_wait3A_68] : memref<64000x128xf32, #tpu.memory_space<hbm>> -> memref<200x128xf32, #tpu.memory_space<hbm>>
        %dma_wait3A_70 = arith.constant 0 : i32
        %dma_wait3A_71 = tpu.memref_slice %arg4[%mul3A_2, %dma_wait3A_70] : memref<64000x128xf32, #tpu.memory_space<hbm>> -> memref<200x128xf32, #tpu.memory_space<hbm>>
        tpu.wait_dma2 semaphore(%arg12 : memref<!tpu.dma_semaphore, #tpu.memory_space<semaphore_mem>>) src(%arg8 : memref<200x128xf32, #tpu.memory_space<vmem>>) dst(%dma_wait3A_71 : memref<200x128xf32, #tpu.memory_space<hbm>>)
      } else {
      }
      %mul3A_17 = arith.constant 2 : i32
      %mul3A_18 = arith.muli %mul3A_17, %scan3A_14 : i32
      %add3A_19 = arith.constant 0 : i32
      %add3A_20 = arith.addi %mul3A_18, %add3A_19 : i32
      %mul3A_21 = arith.constant 200 : i32
      %mul3A_22 = arith.muli %add3A_20, %mul3A_21 : i32
      %add3A_23 = arith.addi %mul3A_2, %mul3A_22 : i32
      "tpu.region"() ({
        %run_scoped3A = tpu.sem_alloc : memref<!tpu.dma_semaphore, #tpu.memory_space<semaphore_mem>>
        %dma_start3A_64 = tpu.memref_slice %arg3[%add3A_23] : memref<64000xi32, #tpu.memory_space<hbm>> -> memref<200xi32, #tpu.memory_space<hbm>>
        %dma_start3A_65 = tpu.memref_slice %arg3[%add3A_23] : memref<64000xi32, #tpu.memory_space<hbm>> -> memref<200xi32, #tpu.memory_space<hbm>>
        tpu.enqueue_dma source(%dma_start3A_65 : memref<200xi32, #tpu.memory_space<hbm>>) target(%arg5 : memref<200xi32, #tpu.memory_space<vmem>>) target_semaphore(%run_scoped3A : memref<!tpu.dma_semaphore, #tpu.memory_space<semaphore_mem>>)
        %dma_wait3A_66 = tpu.memref_slice %arg3[%add3A_23] : memref<64000xi32, #tpu.memory_space<hbm>> -> memref<200xi32, #tpu.memory_space<hbm>>
        %dma_wait3A_67 = tpu.memref_slice %arg3[%add3A_23] : memref<64000xi32, #tpu.memory_space<hbm>> -> memref<200xi32, #tpu.memory_space<hbm>>
        tpu.wait_dma2 semaphore(%run_scoped3A : memref<!tpu.dma_semaphore, #tpu.memory_space<semaphore_mem>>) src(%dma_wait3A_67 : memref<200xi32, #tpu.memory_space<hbm>>) dst(%arg5 : memref<200xi32, #tpu.memory_space<vmem>>)
        tpu.yield
      }) : () -> ()
      %dma_start3A = arith.constant 0 : i32
      %dma_start3A_24 = arith.constant 0 : i32
      %dma_start3A_25 = tpu.memref_slice %arg2[%dma_start3A, %dma_start3A_24] : memref<10000x128xf32, #tpu.memory_space<hbm>> -> memref<10000x128xf32, #tpu.memory_space<hbm>>
      tpu.enqueue_indirect_dma source(%dma_start3A_25 : memref<10000x128xf32, #tpu.memory_space<hbm>>) target(%arg7 : memref<200x128xf32, #tpu.memory_space<vmem>>) offsets(%arg5 : memref<200xi32, #tpu.memory_space<vmem>>) semaphore(%arg9 : memref<!tpu.dma_semaphore, #tpu.memory_space<semaphore_mem>>)
      %mul3A_26 = arith.constant 2 : i32
      %mul3A_27 = arith.muli %mul3A_26, %scan3A_14 : i32
      %add3A_28 = arith.constant 1 : i32
      %add3A_29 = arith.addi %mul3A_27, %add3A_28 : i32
      %mul3A_30 = arith.constant 200 : i32
      %mul3A_31 = arith.muli %add3A_29, %mul3A_30 : i32
      %add3A_32 = arith.addi %mul3A_2, %mul3A_31 : i32
      "tpu.region"() ({
        %run_scoped3A = tpu.sem_alloc : memref<!tpu.dma_semaphore, #tpu.memory_space<semaphore_mem>>
        %dma_start3A_64 = tpu.memref_slice %arg3[%add3A_32] : memref<64000xi32, #tpu.memory_space<hbm>> -> memref<200xi32, #tpu.memory_space<hbm>>
        %dma_start3A_65 = tpu.memref_slice %arg3[%add3A_32] : memref<64000xi32, #tpu.memory_space<hbm>> -> memref<200xi32, #tpu.memory_space<hbm>>
        tpu.enqueue_dma source(%dma_start3A_65 : memref<200xi32, #tpu.memory_space<hbm>>) target(%arg6 : memref<200xi32, #tpu.memory_space<vmem>>) target_semaphore(%run_scoped3A : memref<!tpu.dma_semaphore, #tpu.memory_space<semaphore_mem>>)
        %dma_wait3A_66 = tpu.memref_slice %arg3[%add3A_32] : memref<64000xi32, #tpu.memory_space<hbm>> -> memref<200xi32, #tpu.memory_space<hbm>>
        %dma_wait3A_67 = tpu.memref_slice %arg3[%add3A_32] : memref<64000xi32, #tpu.memory_space<hbm>> -> memref<200xi32, #tpu.memory_space<hbm>>
        tpu.wait_dma2 semaphore(%run_scoped3A : memref<!tpu.dma_semaphore, #tpu.memory_space<semaphore_mem>>) src(%dma_wait3A_67 : memref<200xi32, #tpu.memory_space<hbm>>) dst(%arg6 : memref<200xi32, #tpu.memory_space<vmem>>)
        tpu.yield
      }) : () -> ()
      %dma_start3A_33 = arith.constant 0 : i32
      %dma_start3A_34 = arith.constant 0 : i32
      %dma_start3A_35 = tpu.memref_slice %arg2[%dma_start3A_33, %dma_start3A_34] : memref<10000x128xf32, #tpu.memory_space<hbm>> -> memref<10000x128xf32, #tpu.memory_space<hbm>>
      tpu.enqueue_indirect_dma source(%dma_start3A_35 : memref<10000x128xf32, #tpu.memory_space<hbm>>) target(%arg8 : memref<200x128xf32, #tpu.memory_space<vmem>>) offsets(%arg6 : memref<200xi32, #tpu.memory_space<vmem>>) semaphore(%arg10 : memref<!tpu.dma_semaphore, #tpu.memory_space<semaphore_mem>>)
      %mul3A_36 = arith.constant 2 : i32
      %mul3A_37 = arith.muli %mul3A_36, %scan3A_14 : i32
      %add3A_38 = arith.constant 0 : i32
      %add3A_39 = arith.addi %mul3A_37, %add3A_38 : i32
      %mul3A_40 = arith.constant 200 : i32
      %mul3A_41 = arith.muli %add3A_39, %mul3A_40 : i32
      %add3A_42 = arith.addi %mul3A_2, %mul3A_41 : i32
      %dma_wait3A_43 = arith.constant 0 : i32
      %dma_wait3A_44 = arith.constant 0 : i32
      %dma_wait3A_45 = tpu.memref_slice %arg2[%dma_wait3A_43, %dma_wait3A_44] : memref<10000x128xf32, #tpu.memory_space<hbm>> -> memref<10000x128xf32, #tpu.memory_space<hbm>>
      tpu.wait_indirect_dma semaphore(%arg9 : memref<!tpu.dma_semaphore, #tpu.memory_space<semaphore_mem>>) src(%dma_wait3A_45 : memref<10000x128xf32, #tpu.memory_space<hbm>>) dst(%arg7 : memref<200x128xf32, #tpu.memory_space<vmem>>)
      %dma_start3A_46 = arith.constant 0 : i32
      %dma_start3A_47 = tpu.memref_slice %arg4[%add3A_42, %dma_start3A_46] : memref<64000x128xf32, #tpu.memory_space<hbm>> -> memref<200x128xf32, #tpu.memory_space<hbm>>
      %dma_start3A_48 = arith.constant 0 : i32
      %dma_start3A_49 = tpu.memref_slice %arg4[%add3A_42, %dma_start3A_48] : memref<64000x128xf32, #tpu.memory_space<hbm>> -> memref<200x128xf32, #tpu.memory_space<hbm>>
      tpu.enqueue_dma source(%arg7 : memref<200x128xf32, #tpu.memory_space<vmem>>) target(%dma_start3A_49 : memref<200x128xf32, #tpu.memory_space<hbm>>) target_semaphore(%arg11 : memref<!tpu.dma_semaphore, #tpu.memory_space<semaphore_mem>>)
      %mul3A_50 = arith.constant 2 : i32
      %mul3A_51 = arith.muli %mul3A_50, %scan3A_14 : i32
      %add3A_52 = arith.constant 1 : i32
      %add3A_53 = arith.addi %mul3A_51, %add3A_52 : i32
      %mul3A_54 = arith.constant 200 : i32
      %mul3A_55 = arith.muli %add3A_53, %mul3A_54 : i32
      %add3A_56 = arith.addi %mul3A_2, %mul3A_55 : i32
      %dma_wait3A_57 = arith.constant 0 : i32
      %dma_wait3A_58 = arith.constant 0 : i32
      %dma_wait3A_59 = tpu.memref_slice %arg2[%dma_wait3A_57, %dma_wait3A_58] : memref<10000x128xf32, #tpu.memory_space<hbm>> -> memref<10000x128xf32, #tpu.memory_space<hbm>>
      tpu.wait_indirect_dma semaphore(%arg10 : memref<!tpu.dma_semaphore, #tpu.memory_space<semaphore_mem>>) src(%dma_wait3A_59 : memref<10000x128xf32, #tpu.memory_space<hbm>>) dst(%arg8 : memref<200x128xf32, #tpu.memory_space<vmem>>)
      %dma_start3A_60 = arith.constant 0 : i32
      %dma_start3A_61 = tpu.memref_slice %arg4[%add3A_56, %dma_start3A_60] : memref<64000x128xf32, #tpu.memory_space<hbm>> -> memref<200x128xf32, #tpu.memory_space<hbm>>
      %dma_start3A_62 = arith.constant 0 : i32
      %dma_start3A_63 = tpu.memref_slice %arg4[%add3A_56, %dma_start3A_62] : memref<64000x128xf32, #tpu.memory_space<hbm>> -> memref<200x128xf32, #tpu.memory_space<hbm>>
      tpu.enqueue_dma source(%arg8 : memref<200x128xf32, #tpu.memory_space<vmem>>) target(%dma_start3A_63 : memref<200x128xf32, #tpu.memory_space<hbm>>) target_semaphore(%arg12 : memref<!tpu.dma_semaphore, #tpu.memory_space<semaphore_mem>>)
    }
    %scan3A_6 = arith.constant 5 : i32
    %dma_wait3A = arith.constant 0 : i32
    %dma_wait3A_7 = tpu.memref_slice %arg4[%mul3A_2, %dma_wait3A] : memref<64000x128xf32, #tpu.memory_space<hbm>> -> memref<200x128xf32, #tpu.memory_space<hbm>>
    %dma_wait3A_8 = arith.constant 0 : i32
    %dma_wait3A_9 = tpu.memref_slice %arg4[%mul3A_2, %dma_wait3A_8] : memref<64000x128xf32, #tpu.memory_space<hbm>> -> memref<200x128xf32, #tpu.memory_space<hbm>>
    tpu.wait_dma2 semaphore(%arg11 : memref<!tpu.dma_semaphore, #tpu.memory_space<semaphore_mem>>) src(%arg7 : memref<200x128xf32, #tpu.memory_space<vmem>>) dst(%dma_wait3A_9 : memref<200x128xf32, #tpu.memory_space<hbm>>)
    %dma_wait3A_10 = arith.constant 0 : i32
    %dma_wait3A_11 = tpu.memref_slice %arg4[%mul3A_2, %dma_wait3A_10] : memref<64000x128xf32, #tpu.memory_space<hbm>> -> memref<200x128xf32, #tpu.memory_space<hbm>>
    %dma_wait3A_12 = arith.constant 0 : i32
    %dma_wait3A_13 = tpu.memref_slice %arg4[%mul3A_2, %dma_wait3A_12] : memref<64000x128xf32, #tpu.memory_space<hbm>> -> memref<200x128xf32, #tpu.memory_space<hbm>>
    tpu.wait_dma2 semaphore(%arg12 : memref<!tpu.dma_semaphore, #tpu.memory_space<semaphore_mem>>) src(%arg8 : memref<200x128xf32, #tpu.memory_space<vmem>>) dst(%dma_wait3A_13 : memref<200x128xf32, #tpu.memory_space<hbm>>)
    return
  }
}

#map = affine_map<(d0, d1) -> (0, 0)>
#map1 = affine_map<(d0, d1) -> (0)>
module attributes {stable_mosaic.version = 14 : i64} {
  func.func @gather(%arg0: i32, %arg1: i32, %arg2: memref<10000x128xf32, #tpu.memory_space<hbm>>, %arg3: memref<64000xi32, #tpu.memory_space<hbm>>, %arg4: memref<64000x128xf32, #tpu.memory_space<hbm>>, %arg5: memref<200xi32, #tpu.memory_space<vmem>>, %arg6: memref<200xi32, #tpu.memory_space<vmem>>, %arg7: memref<200x128xf32, #tpu.memory_space<vmem>>, %arg8: memref<200x128xf32, #tpu.memory_space<vmem>>, %arg9: memref<!tpu.dma_semaphore, #tpu.memory_space<semaphore_mem>>, %arg10: memref<!tpu.dma_semaphore, #tpu.memory_space<semaphore_mem>>, %arg11: memref<!tpu.dma_semaphore, #tpu.memory_space<semaphore_mem>>, %arg12: memref<!tpu.dma_semaphore, #tpu.memory_space<semaphore_mem>>) attributes {dimension_semantics = [#tpu.dimension_semantics<core_parallel>, #tpu.dimension_semantics<subcore_parallel>], iteration_bounds = array<i64: 2, 16>, scalar_prefetch = 0 : i64, scratch_operands = 8 : i64, tpu.core_type = #tpu.core_type<sc_vector_subcore>, window_params = [{transform_indices = #map}, {transform_indices = #map1}, {transform_indices = #map}]} {
    %mul3A = arith.constant 2 : i32
    %mul3A_0 = arith.muli %arg1, %mul3A : i32
    %add3A = arith.addi %mul3A_0, %arg0 : i32
    %mul3A_1 = arith.constant 2000 : i32
    %mul3A_2 = arith.muli %add3A, %mul3A_1 : i32
    %scan3A = arith.constant 0 : i32
    %scan3A_3 = arith.constant 5 : i32
    %scan3A_4 = arith.addi %scan3A, %scan3A_3 : i32
    %scan3A_5 = arith.constant 1 : i32
    scf.for %scan3A_14 = %scan3A to %scan3A_4 step %scan3A_5  : i32 {
      %gt3A = arith.constant 0 : i32
      %gt3A_15 = arith.cmpi sgt, %scan3A_14, %gt3A : i32
      %convert_element_type3A = arith.extui %gt3A_15 : i1 to i32
      %cond3A = arith.constant 0 : i32
      %cond3A_16 = arith.cmpi ne, %convert_element_type3A, %cond3A : i32
      scf.if %cond3A_16 {
        %dma_wait3A_64 = arith.constant 0 : i32
        %dma_wait3A_65 = tpu.memref_slice %arg4[%mul3A_2, %dma_wait3A_64] : memref<64000x128xf32, #tpu.memory_space<hbm>> -> memref<200x128xf32, #tpu.memory_space<hbm>>
        %dma_wait3A_66 = arith.constant 0 : i32
        %dma_wait3A_67 = tpu.memref_slice %arg4[%mul3A_2, %dma_wait3A_66] : memref<64000x128xf32, #tpu.memory_space<hbm>> -> memref<200x128xf32, #tpu.memory_space<hbm>>
        tpu.wait_dma2 semaphore(%arg11 : memref<!tpu.dma_semaphore, #tpu.memory_space<semaphore_mem>>) src(%arg7 : memref<200x128xf32, #tpu.memory_space<vmem>>) dst(%dma_wait3A_67 : memref<200x128xf32, #tpu.memory_space<hbm>>)
        %dma_wait3A_68 = arith.constant 0 : i32
        %dma_wait3A_69 = tpu.memref_slice %arg4[%mul3A_2, %dma_wait3A_68] : memref<64000x128xf32, #tpu.memory_space<hbm>> -> memref<200x128xf32, #tpu.memory_space<hbm>>
        %dma_wait3A_70 = arith.constant 0 : i32
        %dma_wait3A_71 = tpu.memref_slice %arg4[%mul3A_2, %dma_wait3A_70] : memref<64000x128xf32, #tpu.memory_space<hbm>> -> memref<200x128xf32, #tpu.memory_space<hbm>>
        tpu.wait_dma2 semaphore(%arg12 : memref<!tpu.dma_semaphore, #tpu.memory_space<semaphore_mem>>) src(%arg8 : memref<200x128xf32, #tpu.memory_space<vmem>>) dst(%dma_wait3A_71 : memref<200x128xf32, #tpu.memory_space<hbm>>)
      } else {
      }
      %mul3A_17 = arith.constant 2 : i32
      %mul3A_18 = arith.muli %mul3A_17, %scan3A_14 : i32
      %add3A_19 = arith.constant 0 : i32
      %add3A_20 = arith.addi %mul3A_18, %add3A_19 : i32
      %mul3A_21 = arith.constant 200 : i32
      %mul3A_22 = arith.muli %add3A_20, %mul3A_21 : i32
      %add3A_23 = arith.addi %mul3A_2, %mul3A_22 : i32
      "tpu.region"() ({
        %run_scoped3A = tpu.sem_alloc : memref<!tpu.dma_semaphore, #tpu.memory_space<semaphore_mem>>
        %dma_start3A_64 = tpu.memref_slice %arg3[%add3A_23] : memref<64000xi32, #tpu.memory_space<hbm>> -> memref<200xi32, #tpu.memory_space<hbm>>
        %dma_start3A_65 = tpu.memref_slice %arg3[%add3A_23] : memref<64000xi32, #tpu.memory_space<hbm>> -> memref<200xi32, #tpu.memory_space<hbm>>
        tpu.enqueue_dma source(%dma_start3A_65 : memref<200xi32, #tpu.memory_space<hbm>>) target(%arg5 : memref<200xi32, #tpu.memory_space<vmem>>) target_semaphore(%run_scoped3A : memref<!tpu.dma_semaphore, #tpu.memory_space<semaphore_mem>>)
        %dma_wait3A_66 = tpu.memref_slice %arg3[%add3A_23] : memref<64000xi32, #tpu.memory_space<hbm>> -> memref<200xi32, #tpu.memory_space<hbm>>
        %dma_wait3A_67 = tpu.memref_slice %arg3[%add3A_23] : memref<64000xi32, #tpu.memory_space<hbm>> -> memref<200xi32, #tpu.memory_space<hbm>>
        tpu.wait_dma2 semaphore(%run_scoped3A : memref<!tpu.dma_semaphore, #tpu.memory_space<semaphore_mem>>) src(%dma_wait3A_67 : memref<200xi32, #tpu.memory_space<hbm>>) dst(%arg5 : memref<200xi32, #tpu.memory_space<vmem>>)
        tpu.yield
      }) : () -> ()
      %dma_start3A = arith.constant 0 : i32
      %dma_start3A_24 = arith.constant 0 : i32
      %dma_start3A_25 = tpu.memref_slice %arg2[%dma_start3A, %dma_start3A_24] : memref<10000x128xf32, #tpu.memory_space<hbm>> -> memref<10000x128xf32, #tpu.memory_space<hbm>>
      tpu.enqueue_indirect_dma source(%dma_start3A_25 : memref<10000x128xf32, #tpu.memory_space<hbm>>) target(%arg7 : memref<200x128xf32, #tpu.memory_space<vmem>>) offsets(%arg5 : memref<200xi32, #tpu.memory_space<vmem>>) semaphore(%arg9 : memref<!tpu.dma_semaphore, #tpu.memory_space<semaphore_mem>>)
      %mul3A_26 = arith.constant 2 : i32
      %mul3A_27 = arith.muli %mul3A_26, %scan3A_14 : i32
      %add3A_28 = arith.constant 1 : i32
      %add3A_29 = arith.addi %mul3A_27, %add3A_28 : i32
      %mul3A_30 = arith.constant 200 : i32
      %mul3A_31 = arith.muli %add3A_29, %mul3A_30 : i32
      %add3A_32 = arith.addi %mul3A_2, %mul3A_31 : i32
      "tpu.region"() ({
        %run_scoped3A = tpu.sem_alloc : memref<!tpu.dma_semaphore, #tpu.memory_space<semaphore_mem>>
        %dma_start3A_64 = tpu.memref_slice %arg3[%add3A_32] : memref<64000xi32, #tpu.memory_space<hbm>> -> memref<200xi32, #tpu.memory_space<hbm>>
        %dma_start3A_65 = tpu.memref_slice %arg3[%add3A_32] : memref<64000xi32, #tpu.memory_space<hbm>> -> memref<200xi32, #tpu.memory_space<hbm>>
        tpu.enqueue_dma source(%dma_start3A_65 : memref<200xi32, #tpu.memory_space<hbm>>) target(%arg6 : memref<200xi32, #tpu.memory_space<vmem>>) target_semaphore(%run_scoped3A : memref<!tpu.dma_semaphore, #tpu.memory_space<semaphore_mem>>)
        %dma_wait3A_66 = tpu.memref_slice %arg3[%add3A_32] : memref<64000xi32, #tpu.memory_space<hbm>> -> memref<200xi32, #tpu.memory_space<hbm>>
        %dma_wait3A_67 = tpu.memref_slice %arg3[%add3A_32] : memref<64000xi32, #tpu.memory_space<hbm>> -> memref<200xi32, #tpu.memory_space<hbm>>
        tpu.wait_dma2 semaphore(%run_scoped3A : memref<!tpu.dma_semaphore, #tpu.memory_space<semaphore_mem>>) src(%dma_wait3A_67 : memref<200xi32, #tpu.memory_space<hbm>>) dst(%arg6 : memref<200xi32, #tpu.memory_space<vmem>>)
        tpu.yield
      }) : () -> ()
      %dma_start3A_33 = arith.constant 0 : i32
      %dma_start3A_34 = arith.constant 0 : i32
      %dma_start3A_35 = tpu.memref_slice %arg2[%dma_start3A_33, %dma_start3A_34] : memref<10000x128xf32, #tpu.memory_space<hbm>> -> memref<10000x128xf32, #tpu.memory_space<hbm>>
      tpu.enqueue_indirect_dma source(%dma_start3A_35 : memref<10000x128xf32, #tpu.memory_space<hbm>>) target(%arg8 : memref<200x128xf32, #tpu.memory_space<vmem>>) offsets(%arg6 : memref<200xi32, #tpu.memory_space<vmem>>) semaphore(%arg10 : memref<!tpu.dma_semaphore, #tpu.memory_space<semaphore_mem>>)
      %mul3A_36 = arith.constant 2 : i32
      %mul3A_37 = arith.muli %mul3A_36, %scan3A_14 : i32
      %add3A_38 = arith.constant 0 : i32
      %add3A_39 = arith.addi %mul3A_37, %add3A_38 : i32
      %mul3A_40 = arith.constant 200 : i32
      %mul3A_41 = arith.muli %add3A_39, %mul3A_40 : i32
      %add3A_42 = arith.addi %mul3A_2, %mul3A_41 : i32
      %dma_wait3A_43 = arith.constant 0 : i32
      %dma_wait3A_44 = arith.constant 0 : i32
      %dma_wait3A_45 = tpu.memref_slice %arg2[%dma_wait3A_43, %dma_wait3A_44] : memref<10000x128xf32, #tpu.memory_space<hbm>> -> memref<10000x128xf32, #tpu.memory_space<hbm>>
      tpu.wait_indirect_dma semaphore(%arg9 : memref<!tpu.dma_semaphore, #tpu.memory_space<semaphore_mem>>) src(%dma_wait3A_45 : memref<10000x128xf32, #tpu.memory_space<hbm>>) dst(%arg7 : memref<200x128xf32, #tpu.memory_space<vmem>>)
      %dma_start3A_46 = arith.constant 0 : i32
      %dma_start3A_47 = tpu.memref_slice %arg4[%add3A_42, %dma_start3A_46] : memref<64000x128xf32, #tpu.memory_space<hbm>> -> memref<200x128xf32, #tpu.memory_space<hbm>>
      %dma_start3A_48 = arith.constant 0 : i32
      %dma_start3A_49 = tpu.memref_slice %arg4[%add3A_42, %dma_start3A_48] : memref<64000x128xf32, #tpu.memory_space<hbm>> -> memref<200x128xf32, #tpu.memory_space<hbm>>
      tpu.enqueue_dma source(%arg7 : memref<200x128xf32, #tpu.memory_space<vmem>>) target(%dma_start3A_49 : memref<200x128xf32, #tpu.memory_space<hbm>>) target_semaphore(%arg11 : memref<!tpu.dma_semaphore, #tpu.memory_space<semaphore_mem>>)
      %mul3A_50 = arith.constant 2 : i32
      %mul3A_51 = arith.muli %mul3A_50, %scan3A_14 : i32
      %add3A_52 = arith.constant 1 : i32
      %add3A_53 = arith.addi %mul3A_51, %add3A_52 : i32
      %mul3A_54 = arith.constant 200 : i32
      %mul3A_55 = arith.muli %add3A_53, %mul3A_54 : i32
      %add3A_56 = arith.addi %mul3A_2, %mul3A_55 : i32
      %dma_wait3A_57 = arith.constant 0 : i32
      %dma_wait3A_58 = arith.constant 0 : i32
      %dma_wait3A_59 = tpu.memref_slice %arg2[%dma_wait3A_57, %dma_wait3A_58] : memref<10000x128xf32, #tpu.memory_space<hbm>> -> memref<10000x128xf32, #tpu.memory_space<hbm>>
      tpu.wait_indirect_dma semaphore(%arg10 : memref<!tpu.dma_semaphore, #tpu.memory_space<semaphore_mem>>) src(%dma_wait3A_59 : memref<10000x128xf32, #tpu.memory_space<hbm>>) dst(%arg8 : memref<200x128xf32, #tpu.memory_space<vmem>>)
      %dma_start3A_60 = arith.constant 0 : i32
      %dma_start3A_61 = tpu.memref_slice %arg4[%add3A_56, %dma_start3A_60] : memref<64000x128xf32, #tpu.memory_space<hbm>> -> memref<200x128xf32, #tpu.memory_space<hbm>>
      %dma_start3A_62 = arith.constant 0 : i32
      %dma_start3A_63 = tpu.memref_slice %arg4[%add3A_56, %dma_start3A_62] : memref<64000x128xf32, #tpu.memory_space<hbm>> -> memref<200x128xf32, #tpu.memory_space<hbm>>
      tpu.enqueue_dma source(%arg8 : memref<200x128xf32, #tpu.memory_space<vmem>>) target(%dma_start3A_63 : memref<200x128xf32, #tpu.memory_space<hbm>>) target_semaphore(%arg12 : memref<!tpu.dma_semaphore, #tpu.memory_space<semaphore_mem>>)
    }
    %scan3A_6 = arith.constant 5 : i32
    %dma_wait3A = arith.constant 0 : i32
    %dma_wait3A_7 = tpu.memref_slice %arg4[%mul3A_2, %dma_wait3A] : memref<64000x128xf32, #tpu.memory_space<hbm>> -> memref<200x128xf32, #tpu.memory_space<hbm>>
    %dma_wait3A_8 = arith.constant 0 : i32
    %dma_wait3A_9 = tpu.memref_slice %arg4[%mul3A_2, %dma_wait3A_8] : memref<64000x128xf32, #tpu.memory_space<hbm>> -> memref<200x128xf32, #tpu.memory_space<hbm>>
    tpu.wait_dma2 semaphore(%arg11 : memref<!tpu.dma_semaphore, #tpu.memory_space<semaphore_mem>>) src(%arg7 : memref<200x128xf32, #tpu.memory_space<vmem>>) dst(%dma_wait3A_9 : memref<200x128xf32, #tpu.memory_space<hbm>>)
    %dma_wait3A_10 = arith.constant 0 : i32
    %dma_wait3A_11 = tpu.memref_slice %arg4[%mul3A_2, %dma_wait3A_10] : memref<64000x128xf32, #tpu.memory_space<hbm>> -> memref<200x128xf32, #tpu.memory_space<hbm>>
    %dma_wait3A_12 = arith.constant 0 : i32
    %dma_wait3A_13 = tpu.memref_slice %arg4[%mul3A_2, %dma_wait3A_12] : memref<64000x128xf32, #tpu.memory_space<hbm>> -> memref<200x128xf32, #tpu.memory_space<hbm>>
    tpu.wait_dma2 semaphore(%arg12 : memref<!tpu.dma_semaphore, #tpu.memory_space<semaphore_mem>>) src(%arg8 : memref<200x128xf32, #tpu.memory_space<vmem>>) dst(%dma_wait3A_13 : memref<200x128xf32, #tpu.memory_space<hbm>>)
    return
  }
}

#map = affine_map<(d0, d1) -> (0, 0)>
#map1 = affine_map<(d0, d1) -> (0)>
module attributes {stable_mosaic.version = 14 : i64} {
  func.func @gather(%arg0: i32, %arg1: i32, %arg2: memref<10000x128xf32, #tpu.memory_space<hbm>>, %arg3: memref<64000xi32, #tpu.memory_space<hbm>>, %arg4: memref<64000x128xf32, #tpu.memory_space<hbm>>, %arg5: memref<200xi32, #tpu.memory_space<vmem>>, %arg6: memref<200xi32, #tpu.memory_space<vmem>>, %arg7: memref<200x128xf32, #tpu.memory_space<vmem>>, %arg8: memref<200x128xf32, #tpu.memory_space<vmem>>, %arg9: memref<!tpu.dma_semaphore, #tpu.memory_space<semaphore_mem>>, %arg10: memref<!tpu.dma_semaphore, #tpu.memory_space<semaphore_mem>>, %arg11: memref<!tpu.dma_semaphore, #tpu.memory_space<semaphore_mem>>, %arg12: memref<!tpu.dma_semaphore, #tpu.memory_space<semaphore_mem>>) attributes {dimension_semantics = [#tpu.dimension_semantics<core_parallel>, #tpu.dimension_semantics<subcore_parallel>], iteration_bounds = array<i64: 2, 16>, scalar_prefetch = 0 : i64, scratch_operands = 8 : i64, tpu.core_type = #tpu.core_type<sc_vector_subcore>, window_params = [{transform_indices = #map}, {transform_indices = #map1}, {transform_indices = #map}]} {
    %mul3A = arith.constant 2 : i32
    %mul3A_0 = arith.muli %arg1, %mul3A : i32
    %add3A = arith.addi %mul3A_0, %arg0 : i32
    %mul3A_1 = arith.constant 2000 : i32
    %mul3A_2 = arith.muli %add3A, %mul3A_1 : i32
    %scan3A = arith.constant 0 : i32
    %scan3A_3 = arith.constant 5 : i32
    %scan3A_4 = arith.addi %scan3A, %scan3A_3 : i32
    %scan3A_5 = arith.constant 1 : i32
    scf.for %scan3A_14 = %scan3A to %scan3A_4 step %scan3A_5  : i32 {
      %gt3A = arith.constant 0 : i32
      %gt3A_15 = arith.cmpi sgt, %scan3A_14, %gt3A : i32
      %convert_element_type3A = arith.extui %gt3A_15 : i1 to i32
      %cond3A = arith.constant 0 : i32
      %cond3A_16 = arith.cmpi ne, %convert_element_type3A, %cond3A : i32
      scf.if %cond3A_16 {
        %dma_wait3A_64 = arith.constant 0 : i32
        %dma_wait3A_65 = tpu.memref_slice %arg4[%mul3A_2, %dma_wait3A_64] : memref<64000x128xf32, #tpu.memory_space<hbm>> -> memref<200x128xf32, #tpu.memory_space<hbm>>
        %dma_wait3A_66 = arith.constant 0 : i32
        %dma_wait3A_67 = tpu.memref_slice %arg4[%mul3A_2, %dma_wait3A_66] : memref<64000x128xf32, #tpu.memory_space<hbm>> -> memref<200x128xf32, #tpu.memory_space<hbm>>
        tpu.wait_dma2 semaphore(%arg11 : memref<!tpu.dma_semaphore, #tpu.memory_space<semaphore_mem>>) src(%arg7 : memref<200x128xf32, #tpu.memory_space<vmem>>) dst(%dma_wait3A_67 : memref<200x128xf32, #tpu.memory_space<hbm>>)
        %dma_wait3A_68 = arith.constant 0 : i32
        %dma_wait3A_69 = tpu.memref_slice %arg4[%mul3A_2, %dma_wait3A_68] : memref<64000x128xf32, #tpu.memory_space<hbm>> -> memref<200x128xf32, #tpu.memory_space<hbm>>
        %dma_wait3A_70 = arith.constant 0 : i32
        %dma_wait3A_71 = tpu.memref_slice %arg4[%mul3A_2, %dma_wait3A_70] : memref<64000x128xf32, #tpu.memory_space<hbm>> -> memref<200x128xf32, #tpu.memory_space<hbm>>
        tpu.wait_dma2 semaphore(%arg12 : memref<!tpu.dma_semaphore, #tpu.memory_space<semaphore_mem>>) src(%arg8 : memref<200x128xf32, #tpu.memory_space<vmem>>) dst(%dma_wait3A_71 : memref<200x128xf32, #tpu.memory_space<hbm>>)
      } else {
      }
      %mul3A_17 = arith.constant 2 : i32
      %mul3A_18 = arith.muli %mul3A_17, %scan3A_14 : i32
      %add3A_19 = arith.constant 0 : i32
      %add3A_20 = arith.addi %mul3A_18, %add3A_19 : i32
      %mul3A_21 = arith.constant 200 : i32
      %mul3A_22 = arith.muli %add3A_20, %mul3A_21 : i32
      %add3A_23 = arith.addi %mul3A_2, %mul3A_22 : i32
      "tpu.region"() ({
        %run_scoped3A = tpu.sem_alloc : memref<!tpu.dma_semaphore, #tpu.memory_space<semaphore_mem>>
        %dma_start3A_64 = tpu.memref_slice %arg3[%add3A_23] : memref<64000xi32, #tpu.memory_space<hbm>> -> memref<200xi32, #tpu.memory_space<hbm>>
        %dma_start3A_65 = tpu.memref_slice %arg3[%add3A_23] : memref<64000xi32, #tpu.memory_space<hbm>> -> memref<200xi32, #tpu.memory_space<hbm>>
        tpu.enqueue_dma source(%dma_start3A_65 : memref<200xi32, #tpu.memory_space<hbm>>) target(%arg5 : memref<200xi32, #tpu.memory_space<vmem>>) target_semaphore(%run_scoped3A : memref<!tpu.dma_semaphore, #tpu.memory_space<semaphore_mem>>)
        %dma_wait3A_66 = tpu.memref_slice %arg3[%add3A_23] : memref<64000xi32, #tpu.memory_space<hbm>> -> memref<200xi32, #tpu.memory_space<hbm>>
        %dma_wait3A_67 = tpu.memref_slice %arg3[%add3A_23] : memref<64000xi32, #tpu.memory_space<hbm>> -> memref<200xi32, #tpu.memory_space<hbm>>
        tpu.wait_dma2 semaphore(%run_scoped3A : memref<!tpu.dma_semaphore, #tpu.memory_space<semaphore_mem>>) src(%dma_wait3A_67 : memref<200xi32, #tpu.memory_space<hbm>>) dst(%arg5 : memref<200xi32, #tpu.memory_space<vmem>>)
        tpu.yield
      }) : () -> ()
      %dma_start3A = arith.constant 0 : i32
      %dma_start3A_24 = arith.constant 0 : i32
      %dma_start3A_25 = tpu.memref_slice %arg2[%dma_start3A, %dma_start3A_24] : memref<10000x128xf32, #tpu.memory_space<hbm>> -> memref<10000x128xf32, #tpu.memory_space<hbm>>
      tpu.enqueue_indirect_dma source(%dma_start3A_25 : memref<10000x128xf32, #tpu.memory_space<hbm>>) target(%arg7 : memref<200x128xf32, #tpu.memory_space<vmem>>) offsets(%arg5 : memref<200xi32, #tpu.memory_space<vmem>>) semaphore(%arg9 : memref<!tpu.dma_semaphore, #tpu.memory_space<semaphore_mem>>)
      %mul3A_26 = arith.constant 2 : i32
      %mul3A_27 = arith.muli %mul3A_26, %scan3A_14 : i32
      %add3A_28 = arith.constant 1 : i32
      %add3A_29 = arith.addi %mul3A_27, %add3A_28 : i32
      %mul3A_30 = arith.constant 200 : i32
      %mul3A_31 = arith.muli %add3A_29, %mul3A_30 : i32
      %add3A_32 = arith.addi %mul3A_2, %mul3A_31 : i32
      "tpu.region"() ({
        %run_scoped3A = tpu.sem_alloc : memref<!tpu.dma_semaphore, #tpu.memory_space<semaphore_mem>>
        %dma_start3A_64 = tpu.memref_slice %arg3[%add3A_32] : memref<64000xi32, #tpu.memory_space<hbm>> -> memref<200xi32, #tpu.memory_space<hbm>>
        %dma_start3A_65 = tpu.memref_slice %arg3[%add3A_32] : memref<64000xi32, #tpu.memory_space<hbm>> -> memref<200xi32, #tpu.memory_space<hbm>>
        tpu.enqueue_dma source(%dma_start3A_65 : memref<200xi32, #tpu.memory_space<hbm>>) target(%arg6 : memref<200xi32, #tpu.memory_space<vmem>>) target_semaphore(%run_scoped3A : memref<!tpu.dma_semaphore, #tpu.memory_space<semaphore_mem>>)
        %dma_wait3A_66 = tpu.memref_slice %arg3[%add3A_32] : memref<64000xi32, #tpu.memory_space<hbm>> -> memref<200xi32, #tpu.memory_space<hbm>>
        %dma_wait3A_67 = tpu.memref_slice %arg3[%add3A_32] : memref<64000xi32, #tpu.memory_space<hbm>> -> memref<200xi32, #tpu.memory_space<hbm>>
        tpu.wait_dma2 semaphore(%run_scoped3A : memref<!tpu.dma_semaphore, #tpu.memory_space<semaphore_mem>>) src(%dma_wait3A_67 : memref<200xi32, #tpu.memory_space<hbm>>) dst(%arg6 : memref<200xi32, #tpu.memory_space<vmem>>)
        tpu.yield
      }) : () -> ()
      %dma_start3A_33 = arith.constant 0 : i32
      %dma_start3A_34 = arith.constant 0 : i32
      %dma_start3A_35 = tpu.memref_slice %arg2[%dma_start3A_33, %dma_start3A_34] : memref<10000x128xf32, #tpu.memory_space<hbm>> -> memref<10000x128xf32, #tpu.memory_space<hbm>>
      tpu.enqueue_indirect_dma source(%dma_start3A_35 : memref<10000x128xf32, #tpu.memory_space<hbm>>) target(%arg8 : memref<200x128xf32, #tpu.memory_space<vmem>>) offsets(%arg6 : memref<200xi32, #tpu.memory_space<vmem>>) semaphore(%arg10 : memref<!tpu.dma_semaphore, #tpu.memory_space<semaphore_mem>>)
      %mul3A_36 = arith.constant 2 : i32
      %mul3A_37 = arith.muli %mul3A_36, %scan3A_14 : i32
      %add3A_38 = arith.constant 0 : i32
      %add3A_39 = arith.addi %mul3A_37, %add3A_38 : i32
      %mul3A_40 = arith.constant 200 : i32
      %mul3A_41 = arith.muli %add3A_39, %mul3A_40 : i32
      %add3A_42 = arith.addi %mul3A_2, %mul3A_41 : i32
      %dma_wait3A_43 = arith.constant 0 : i32
      %dma_wait3A_44 = arith.constant 0 : i32
      %dma_wait3A_45 = tpu.memref_slice %arg2[%dma_wait3A_43, %dma_wait3A_44] : memref<10000x128xf32, #tpu.memory_space<hbm>> -> memref<10000x128xf32, #tpu.memory_space<hbm>>
      tpu.wait_indirect_dma semaphore(%arg9 : memref<!tpu.dma_semaphore, #tpu.memory_space<semaphore_mem>>) src(%dma_wait3A_45 : memref<10000x128xf32, #tpu.memory_space<hbm>>) dst(%arg7 : memref<200x128xf32, #tpu.memory_space<vmem>>)
      %dma_start3A_46 = arith.constant 0 : i32
      %dma_start3A_47 = tpu.memref_slice %arg4[%add3A_42, %dma_start3A_46] : memref<64000x128xf32, #tpu.memory_space<hbm>> -> memref<200x128xf32, #tpu.memory_space<hbm>>
      %dma_start3A_48 = arith.constant 0 : i32
      %dma_start3A_49 = tpu.memref_slice %arg4[%add3A_42, %dma_start3A_48] : memref<64000x128xf32, #tpu.memory_space<hbm>> -> memref<200x128xf32, #tpu.memory_space<hbm>>
      tpu.enqueue_dma source(%arg7 : memref<200x128xf32, #tpu.memory_space<vmem>>) target(%dma_start3A_49 : memref<200x128xf32, #tpu.memory_space<hbm>>) target_semaphore(%arg11 : memref<!tpu.dma_semaphore, #tpu.memory_space<semaphore_mem>>)
      %mul3A_50 = arith.constant 2 : i32
      %mul3A_51 = arith.muli %mul3A_50, %scan3A_14 : i32
      %add3A_52 = arith.constant 1 : i32
      %add3A_53 = arith.addi %mul3A_51, %add3A_52 : i32
      %mul3A_54 = arith.constant 200 : i32
      %mul3A_55 = arith.muli %add3A_53, %mul3A_54 : i32
      %add3A_56 = arith.addi %mul3A_2, %mul3A_55 : i32
      %dma_wait3A_57 = arith.constant 0 : i32
      %dma_wait3A_58 = arith.constant 0 : i32
      %dma_wait3A_59 = tpu.memref_slice %arg2[%dma_wait3A_57, %dma_wait3A_58] : memref<10000x128xf32, #tpu.memory_space<hbm>> -> memref<10000x128xf32, #tpu.memory_space<hbm>>
      tpu.wait_indirect_dma semaphore(%arg10 : memref<!tpu.dma_semaphore, #tpu.memory_space<semaphore_mem>>) src(%dma_wait3A_59 : memref<10000x128xf32, #tpu.memory_space<hbm>>) dst(%arg8 : memref<200x128xf32, #tpu.memory_space<vmem>>)
      %dma_start3A_60 = arith.constant 0 : i32
      %dma_start3A_61 = tpu.memref_slice %arg4[%add3A_56, %dma_start3A_60] : memref<64000x128xf32, #tpu.memory_space<hbm>> -> memref<200x128xf32, #tpu.memory_space<hbm>>
      %dma_start3A_62 = arith.constant 0 : i32
      %dma_start3A_63 = tpu.memref_slice %arg4[%add3A_56, %dma_start3A_62] : memref<64000x128xf32, #tpu.memory_space<hbm>> -> memref<200x128xf32, #tpu.memory_space<hbm>>
      tpu.enqueue_dma source(%arg8 : memref<200x128xf32, #tpu.memory_space<vmem>>) target(%dma_start3A_63 : memref<200x128xf32, #tpu.memory_space<hbm>>) target_semaphore(%arg12 : memref<!tpu.dma_semaphore, #tpu.memory_space<semaphore_mem>>)
    }
    %scan3A_6 = arith.constant 5 : i32
    %dma_wait3A = arith.constant 0 : i32
    %dma_wait3A_7 = tpu.memref_slice %arg4[%mul3A_2, %dma_wait3A] : memref<64000x128xf32, #tpu.memory_space<hbm>> -> memref<200x128xf32, #tpu.memory_space<hbm>>
    %dma_wait3A_8 = arith.constant 0 : i32
    %dma_wait3A_9 = tpu.memref_slice %arg4[%mul3A_2, %dma_wait3A_8] : memref<64000x128xf32, #tpu.memory_space<hbm>> -> memref<200x128xf32, #tpu.memory_space<hbm>>
    tpu.wait_dma2 semaphore(%arg11 : memref<!tpu.dma_semaphore, #tpu.memory_space<semaphore_mem>>) src(%arg7 : memref<200x128xf32, #tpu.memory_space<vmem>>) dst(%dma_wait3A_9 : memref<200x128xf32, #tpu.memory_space<hbm>>)
    %dma_wait3A_10 = arith.constant 0 : i32
    %dma_wait3A_11 = tpu.memref_slice %arg4[%mul3A_2, %dma_wait3A_10] : memref<64000x128xf32, #tpu.memory_space<hbm>> -> memref<200x128xf32, #tpu.memory_space<hbm>>
    %dma_wait3A_12 = arith.constant 0 : i32
    %dma_wait3A_13 = tpu.memref_slice %arg4[%mul3A_2, %dma_wait3A_12] : memref<64000x128xf32, #tpu.memory_space<hbm>> -> memref<200x128xf32, #tpu.memory_space<hbm>>
    tpu.wait_dma2 semaphore(%arg12 : memref<!tpu.dma_semaphore, #tpu.memory_space<semaphore_mem>>) src(%arg8 : memref<200x128xf32, #tpu.memory_space<vmem>>) dst(%dma_wait3A_13 : memref<200x128xf32, #tpu.memory_space<hbm>>)
    return
  }
}

#map = affine_map<(d0, d1) -> (0, 0)>
#map1 = affine_map<(d0, d1) -> (0)>
module attributes {stable_mosaic.version = 14 : i64} {
  func.func @gather(%arg0: i32, %arg1: i32, %arg2: memref<10000x128xf32, #tpu.memory_space<hbm>>, %arg3: memref<64000xi32, #tpu.memory_space<hbm>>, %arg4: memref<64000x128xf32, #tpu.memory_space<hbm>>, %arg5: memref<200xi32, #tpu.memory_space<vmem>>, %arg6: memref<200xi32, #tpu.memory_space<vmem>>, %arg7: memref<200x128xf32, #tpu.memory_space<vmem>>, %arg8: memref<200x128xf32, #tpu.memory_space<vmem>>, %arg9: memref<!tpu.dma_semaphore, #tpu.memory_space<semaphore_mem>>, %arg10: memref<!tpu.dma_semaphore, #tpu.memory_space<semaphore_mem>>, %arg11: memref<!tpu.dma_semaphore, #tpu.memory_space<semaphore_mem>>, %arg12: memref<!tpu.dma_semaphore, #tpu.memory_space<semaphore_mem>>) attributes {dimension_semantics = [#tpu.dimension_semantics<core_parallel>, #tpu.dimension_semantics<subcore_parallel>], iteration_bounds = array<i64: 2, 16>, scalar_prefetch = 0 : i64, scratch_operands = 8 : i64, tpu.core_type = #tpu.core_type<sc_vector_subcore>, window_params = [{transform_indices = #map}, {transform_indices = #map1}, {transform_indices = #map}]} {
    %mul3A = arith.constant 2 : i32
    %mul3A_0 = arith.muli %arg1, %mul3A : i32
    %add3A = arith.addi %mul3A_0, %arg0 : i32
    %mul3A_1 = arith.constant 2000 : i32
    %mul3A_2 = arith.muli %add3A, %mul3A_1 : i32
    %scan3A = arith.constant 0 : i32
    %scan3A_3 = arith.constant 5 : i32
    %scan3A_4 = arith.addi %scan3A, %scan3A_3 : i32
    %scan3A_5 = arith.constant 1 : i32
    scf.for %scan3A_14 = %scan3A to %scan3A_4 step %scan3A_5  : i32 {
      %gt3A = arith.constant 0 : i32
      %gt3A_15 = arith.cmpi sgt, %scan3A_14, %gt3A : i32
      %convert_element_type3A = arith.extui %gt3A_15 : i1 to i32
      %cond3A = arith.constant 0 : i32
      %cond3A_16 = arith.cmpi ne, %convert_element_type3A, %cond3A : i32
      scf.if %cond3A_16 {
        %dma_wait3A_64 = arith.constant 0 : i32
        %dma_wait3A_65 = tpu.memref_slice %arg4[%mul3A_2, %dma_wait3A_64] : memref<64000x128xf32, #tpu.memory_space<hbm>> -> memref<200x128xf32, #tpu.memory_space<hbm>>
        %dma_wait3A_66 = arith.constant 0 : i32
        %dma_wait3A_67 = tpu.memref_slice %arg4[%mul3A_2, %dma_wait3A_66] : memref<64000x128xf32, #tpu.memory_space<hbm>> -> memref<200x128xf32, #tpu.memory_space<hbm>>
        tpu.wait_dma2 semaphore(%arg11 : memref<!tpu.dma_semaphore, #tpu.memory_space<semaphore_mem>>) src(%arg7 : memref<200x128xf32, #tpu.memory_space<vmem>>) dst(%dma_wait3A_67 : memref<200x128xf32, #tpu.memory_space<hbm>>)
        %dma_wait3A_68 = arith.constant 0 : i32
        %dma_wait3A_69 = tpu.memref_slice %arg4[%mul3A_2, %dma_wait3A_68] : memref<64000x128xf32, #tpu.memory_space<hbm>> -> memref<200x128xf32, #tpu.memory_space<hbm>>
        %dma_wait3A_70 = arith.constant 0 : i32
        %dma_wait3A_71 = tpu.memref_slice %arg4[%mul3A_2, %dma_wait3A_70] : memref<64000x128xf32, #tpu.memory_space<hbm>> -> memref<200x128xf32, #tpu.memory_space<hbm>>
        tpu.wait_dma2 semaphore(%arg12 : memref<!tpu.dma_semaphore, #tpu.memory_space<semaphore_mem>>) src(%arg8 : memref<200x128xf32, #tpu.memory_space<vmem>>) dst(%dma_wait3A_71 : memref<200x128xf32, #tpu.memory_space<hbm>>)
      } else {
      }
      %mul3A_17 = arith.constant 2 : i32
      %mul3A_18 = arith.muli %mul3A_17, %scan3A_14 : i32
      %add3A_19 = arith.constant 0 : i32
      %add3A_20 = arith.addi %mul3A_18, %add3A_19 : i32
      %mul3A_21 = arith.constant 200 : i32
      %mul3A_22 = arith.muli %add3A_20, %mul3A_21 : i32
      %add3A_23 = arith.addi %mul3A_2, %mul3A_22 : i32
      "tpu.region"() ({
        %run_scoped3A = tpu.sem_alloc : memref<!tpu.dma_semaphore, #tpu.memory_space<semaphore_mem>>
        %dma_start3A_64 = tpu.memref_slice %arg3[%add3A_23] : memref<64000xi32, #tpu.memory_space<hbm>> -> memref<200xi32, #tpu.memory_space<hbm>>
        %dma_start3A_65 = tpu.memref_slice %arg3[%add3A_23] : memref<64000xi32, #tpu.memory_space<hbm>> -> memref<200xi32, #tpu.memory_space<hbm>>
        tpu.enqueue_dma source(%dma_start3A_65 : memref<200xi32, #tpu.memory_space<hbm>>) target(%arg5 : memref<200xi32, #tpu.memory_space<vmem>>) target_semaphore(%run_scoped3A : memref<!tpu.dma_semaphore, #tpu.memory_space<semaphore_mem>>)
        %dma_wait3A_66 = tpu.memref_slice %arg3[%add3A_23] : memref<64000xi32, #tpu.memory_space<hbm>> -> memref<200xi32, #tpu.memory_space<hbm>>
        %dma_wait3A_67 = tpu.memref_slice %arg3[%add3A_23] : memref<64000xi32, #tpu.memory_space<hbm>> -> memref<200xi32, #tpu.memory_space<hbm>>
        tpu.wait_dma2 semaphore(%run_scoped3A : memref<!tpu.dma_semaphore, #tpu.memory_space<semaphore_mem>>) src(%dma_wait3A_67 : memref<200xi32, #tpu.memory_space<hbm>>) dst(%arg5 : memref<200xi32, #tpu.memory_space<vmem>>)
        tpu.yield
      }) : () -> ()
      %dma_start3A = arith.constant 0 : i32
      %dma_start3A_24 = arith.constant 0 : i32
      %dma_start3A_25 = tpu.memref_slice %arg2[%dma_start3A, %dma_start3A_24] : memref<10000x128xf32, #tpu.memory_space<hbm>> -> memref<10000x128xf32, #tpu.memory_space<hbm>>
      tpu.enqueue_indirect_dma source(%dma_start3A_25 : memref<10000x128xf32, #tpu.memory_space<hbm>>) target(%arg7 : memref<200x128xf32, #tpu.memory_space<vmem>>) offsets(%arg5 : memref<200xi32, #tpu.memory_space<vmem>>) semaphore(%arg9 : memref<!tpu.dma_semaphore, #tpu.memory_space<semaphore_mem>>)
      %mul3A_26 = arith.constant 2 : i32
      %mul3A_27 = arith.muli %mul3A_26, %scan3A_14 : i32
      %add3A_28 = arith.constant 1 : i32
      %add3A_29 = arith.addi %mul3A_27, %add3A_28 : i32
      %mul3A_30 = arith.constant 200 : i32
      %mul3A_31 = arith.muli %add3A_29, %mul3A_30 : i32
      %add3A_32 = arith.addi %mul3A_2, %mul3A_31 : i32
      "tpu.region"() ({
        %run_scoped3A = tpu.sem_alloc : memref<!tpu.dma_semaphore, #tpu.memory_space<semaphore_mem>>
        %dma_start3A_64 = tpu.memref_slice %arg3[%add3A_32] : memref<64000xi32, #tpu.memory_space<hbm>> -> memref<200xi32, #tpu.memory_space<hbm>>
        %dma_start3A_65 = tpu.memref_slice %arg3[%add3A_32] : memref<64000xi32, #tpu.memory_space<hbm>> -> memref<200xi32, #tpu.memory_space<hbm>>
        tpu.enqueue_dma source(%dma_start3A_65 : memref<200xi32, #tpu.memory_space<hbm>>) target(%arg6 : memref<200xi32, #tpu.memory_space<vmem>>) target_semaphore(%run_scoped3A : memref<!tpu.dma_semaphore, #tpu.memory_space<semaphore_mem>>)
        %dma_wait3A_66 = tpu.memref_slice %arg3[%add3A_32] : memref<64000xi32, #tpu.memory_space<hbm>> -> memref<200xi32, #tpu.memory_space<hbm>>
        %dma_wait3A_67 = tpu.memref_slice %arg3[%add3A_32] : memref<64000xi32, #tpu.memory_space<hbm>> -> memref<200xi32, #tpu.memory_space<hbm>>
        tpu.wait_dma2 semaphore(%run_scoped3A : memref<!tpu.dma_semaphore, #tpu.memory_space<semaphore_mem>>) src(%dma_wait3A_67 : memref<200xi32, #tpu.memory_space<hbm>>) dst(%arg6 : memref<200xi32, #tpu.memory_space<vmem>>)
        tpu.yield
      }) : () -> ()
      %dma_start3A_33 = arith.constant 0 : i32
      %dma_start3A_34 = arith.constant 0 : i32
      %dma_start3A_35 = tpu.memref_slice %arg2[%dma_start3A_33, %dma_start3A_34] : memref<10000x128xf32, #tpu.memory_space<hbm>> -> memref<10000x128xf32, #tpu.memory_space<hbm>>
      tpu.enqueue_indirect_dma source(%dma_start3A_35 : memref<10000x128xf32, #tpu.memory_space<hbm>>) target(%arg8 : memref<200x128xf32, #tpu.memory_space<vmem>>) offsets(%arg6 : memref<200xi32, #tpu.memory_space<vmem>>) semaphore(%arg10 : memref<!tpu.dma_semaphore, #tpu.memory_space<semaphore_mem>>)
      %mul3A_36 = arith.constant 2 : i32
      %mul3A_37 = arith.muli %mul3A_36, %scan3A_14 : i32
      %add3A_38 = arith.constant 0 : i32
      %add3A_39 = arith.addi %mul3A_37, %add3A_38 : i32
      %mul3A_40 = arith.constant 200 : i32
      %mul3A_41 = arith.muli %add3A_39, %mul3A_40 : i32
      %add3A_42 = arith.addi %mul3A_2, %mul3A_41 : i32
      %dma_wait3A_43 = arith.constant 0 : i32
      %dma_wait3A_44 = arith.constant 0 : i32
      %dma_wait3A_45 = tpu.memref_slice %arg2[%dma_wait3A_43, %dma_wait3A_44] : memref<10000x128xf32, #tpu.memory_space<hbm>> -> memref<10000x128xf32, #tpu.memory_space<hbm>>
      tpu.wait_indirect_dma semaphore(%arg9 : memref<!tpu.dma_semaphore, #tpu.memory_space<semaphore_mem>>) src(%dma_wait3A_45 : memref<10000x128xf32, #tpu.memory_space<hbm>>) dst(%arg7 : memref<200x128xf32, #tpu.memory_space<vmem>>)
      %dma_start3A_46 = arith.constant 0 : i32
      %dma_start3A_47 = tpu.memref_slice %arg4[%add3A_42, %dma_start3A_46] : memref<64000x128xf32, #tpu.memory_space<hbm>> -> memref<200x128xf32, #tpu.memory_space<hbm>>
      %dma_start3A_48 = arith.constant 0 : i32
      %dma_start3A_49 = tpu.memref_slice %arg4[%add3A_42, %dma_start3A_48] : memref<64000x128xf32, #tpu.memory_space<hbm>> -> memref<200x128xf32, #tpu.memory_space<hbm>>
      tpu.enqueue_dma source(%arg7 : memref<200x128xf32, #tpu.memory_space<vmem>>) target(%dma_start3A_49 : memref<200x128xf32, #tpu.memory_space<hbm>>) target_semaphore(%arg11 : memref<!tpu.dma_semaphore, #tpu.memory_space<semaphore_mem>>)
      %mul3A_50 = arith.constant 2 : i32
      %mul3A_51 = arith.muli %mul3A_50, %scan3A_14 : i32
      %add3A_52 = arith.constant 1 : i32
      %add3A_53 = arith.addi %mul3A_51, %add3A_52 : i32
      %mul3A_54 = arith.constant 200 : i32
      %mul3A_55 = arith.muli %add3A_53, %mul3A_54 : i32
      %add3A_56 = arith.addi %mul3A_2, %mul3A_55 : i32
      %dma_wait3A_57 = arith.constant 0 : i32
      %dma_wait3A_58 = arith.constant 0 : i32
      %dma_wait3A_59 = tpu.memref_slice %arg2[%dma_wait3A_57, %dma_wait3A_58] : memref<10000x128xf32, #tpu.memory_space<hbm>> -> memref<10000x128xf32, #tpu.memory_space<hbm>>
      tpu.wait_indirect_dma semaphore(%arg10 : memref<!tpu.dma_semaphore, #tpu.memory_space<semaphore_mem>>) src(%dma_wait3A_59 : memref<10000x128xf32, #tpu.memory_space<hbm>>) dst(%arg8 : memref<200x128xf32, #tpu.memory_space<vmem>>)
      %dma_start3A_60 = arith.constant 0 : i32
      %dma_start3A_61 = tpu.memref_slice %arg4[%add3A_56, %dma_start3A_60] : memref<64000x128xf32, #tpu.memory_space<hbm>> -> memref<200x128xf32, #tpu.memory_space<hbm>>
      %dma_start3A_62 = arith.constant 0 : i32
      %dma_start3A_63 = tpu.memref_slice %arg4[%add3A_56, %dma_start3A_62] : memref<64000x128xf32, #tpu.memory_space<hbm>> -> memref<200x128xf32, #tpu.memory_space<hbm>>
      tpu.enqueue_dma source(%arg8 : memref<200x128xf32, #tpu.memory_space<vmem>>) target(%dma_start3A_63 : memref<200x128xf32, #tpu.memory_space<hbm>>) target_semaphore(%arg12 : memref<!tpu.dma_semaphore, #tpu.memory_space<semaphore_mem>>)
    }
    %scan3A_6 = arith.constant 5 : i32
    %dma_wait3A = arith.constant 0 : i32
    %dma_wait3A_7 = tpu.memref_slice %arg4[%mul3A_2, %dma_wait3A] : memref<64000x128xf32, #tpu.memory_space<hbm>> -> memref<200x128xf32, #tpu.memory_space<hbm>>
    %dma_wait3A_8 = arith.constant 0 : i32
    %dma_wait3A_9 = tpu.memref_slice %arg4[%mul3A_2, %dma_wait3A_8] : memref<64000x128xf32, #tpu.memory_space<hbm>> -> memref<200x128xf32, #tpu.memory_space<hbm>>
    tpu.wait_dma2 semaphore(%arg11 : memref<!tpu.dma_semaphore, #tpu.memory_space<semaphore_mem>>) src(%arg7 : memref<200x128xf32, #tpu.memory_space<vmem>>) dst(%dma_wait3A_9 : memref<200x128xf32, #tpu.memory_space<hbm>>)
    %dma_wait3A_10 = arith.constant 0 : i32
    %dma_wait3A_11 = tpu.memref_slice %arg4[%mul3A_2, %dma_wait3A_10] : memref<64000x128xf32, #tpu.memory_space<hbm>> -> memref<200x128xf32, #tpu.memory_space<hbm>>
    %dma_wait3A_12 = arith.constant 0 : i32
    %dma_wait3A_13 = tpu.memref_slice %arg4[%mul3A_2, %dma_wait3A_12] : memref<64000x128xf32, #tpu.memory_space<hbm>> -> memref<200x128xf32, #tpu.memory_space<hbm>>
    tpu.wait_dma2 semaphore(%arg12 : memref<!tpu.dma_semaphore, #tpu.memory_space<semaphore_mem>>) src(%arg8 : memref<200x128xf32, #tpu.memory_space<vmem>>) dst(%dma_wait3A_13 : memref<200x128xf32, #tpu.memory_space<hbm>>)
    return
  }
}

#map = affine_map<(d0, d1) -> (0, 0)>
#map1 = affine_map<(d0, d1) -> (0)>
module attributes {stable_mosaic.version = 14 : i64} {
  func.func @gather(%arg0: i32, %arg1: i32, %arg2: memref<10000x128xf32, #tpu.memory_space<hbm>>, %arg3: memref<64000xi32, #tpu.memory_space<hbm>>, %arg4: memref<64000x128xf32, #tpu.memory_space<hbm>>, %arg5: memref<200xi32, #tpu.memory_space<vmem>>, %arg6: memref<200xi32, #tpu.memory_space<vmem>>, %arg7: memref<200x128xf32, #tpu.memory_space<vmem>>, %arg8: memref<200x128xf32, #tpu.memory_space<vmem>>, %arg9: memref<!tpu.dma_semaphore, #tpu.memory_space<semaphore_mem>>, %arg10: memref<!tpu.dma_semaphore, #tpu.memory_space<semaphore_mem>>, %arg11: memref<!tpu.dma_semaphore, #tpu.memory_space<semaphore_mem>>, %arg12: memref<!tpu.dma_semaphore, #tpu.memory_space<semaphore_mem>>) attributes {dimension_semantics = [#tpu.dimension_semantics<core_parallel>, #tpu.dimension_semantics<subcore_parallel>], iteration_bounds = array<i64: 2, 16>, scalar_prefetch = 0 : i64, scratch_operands = 8 : i64, tpu.core_type = #tpu.core_type<sc_vector_subcore>, window_params = [{transform_indices = #map}, {transform_indices = #map1}, {transform_indices = #map}]} {
    %mul3A = arith.constant 2 : i32
    %mul3A_0 = arith.muli %arg1, %mul3A : i32
    %add3A = arith.addi %mul3A_0, %arg0 : i32
    %mul3A_1 = arith.constant 2000 : i32
    %mul3A_2 = arith.muli %add3A, %mul3A_1 : i32
    %scan3A = arith.constant 0 : i32
    %scan3A_3 = arith.constant 5 : i32
    %scan3A_4 = arith.addi %scan3A, %scan3A_3 : i32
    %scan3A_5 = arith.constant 1 : i32
    scf.for %scan3A_14 = %scan3A to %scan3A_4 step %scan3A_5  : i32 {
      %gt3A = arith.constant 0 : i32
      %gt3A_15 = arith.cmpi sgt, %scan3A_14, %gt3A : i32
      %convert_element_type3A = arith.extui %gt3A_15 : i1 to i32
      %cond3A = arith.constant 0 : i32
      %cond3A_16 = arith.cmpi ne, %convert_element_type3A, %cond3A : i32
      scf.if %cond3A_16 {
        %dma_wait3A_64 = arith.constant 0 : i32
        %dma_wait3A_65 = tpu.memref_slice %arg4[%mul3A_2, %dma_wait3A_64] : memref<64000x128xf32, #tpu.memory_space<hbm>> -> memref<200x128xf32, #tpu.memory_space<hbm>>
        %dma_wait3A_66 = arith.constant 0 : i32
        %dma_wait3A_67 = tpu.memref_slice %arg4[%mul3A_2, %dma_wait3A_66] : memref<64000x128xf32, #tpu.memory_space<hbm>> -> memref<200x128xf32, #tpu.memory_space<hbm>>
        tpu.wait_dma2 semaphore(%arg11 : memref<!tpu.dma_semaphore, #tpu.memory_space<semaphore_mem>>) src(%arg7 : memref<200x128xf32, #tpu.memory_space<vmem>>) dst(%dma_wait3A_67 : memref<200x128xf32, #tpu.memory_space<hbm>>)
        %dma_wait3A_68 = arith.constant 0 : i32
        %dma_wait3A_69 = tpu.memref_slice %arg4[%mul3A_2, %dma_wait3A_68] : memref<64000x128xf32, #tpu.memory_space<hbm>> -> memref<200x128xf32, #tpu.memory_space<hbm>>
        %dma_wait3A_70 = arith.constant 0 : i32
        %dma_wait3A_71 = tpu.memref_slice %arg4[%mul3A_2, %dma_wait3A_70] : memref<64000x128xf32, #tpu.memory_space<hbm>> -> memref<200x128xf32, #tpu.memory_space<hbm>>
        tpu.wait_dma2 semaphore(%arg12 : memref<!tpu.dma_semaphore, #tpu.memory_space<semaphore_mem>>) src(%arg8 : memref<200x128xf32, #tpu.memory_space<vmem>>) dst(%dma_wait3A_71 : memref<200x128xf32, #tpu.memory_space<hbm>>)
      } else {
      }
      %mul3A_17 = arith.constant 2 : i32
      %mul3A_18 = arith.muli %mul3A_17, %scan3A_14 : i32
      %add3A_19 = arith.constant 0 : i32
      %add3A_20 = arith.addi %mul3A_18, %add3A_19 : i32
      %mul3A_21 = arith.constant 200 : i32
      %mul3A_22 = arith.muli %add3A_20, %mul3A_21 : i32
      %add3A_23 = arith.addi %mul3A_2, %mul3A_22 : i32
      "tpu.region"() ({
        %run_scoped3A = tpu.sem_alloc : memref<!tpu.dma_semaphore, #tpu.memory_space<semaphore_mem>>
        %dma_start3A_64 = tpu.memref_slice %arg3[%add3A_23] : memref<64000xi32, #tpu.memory_space<hbm>> -> memref<200xi32, #tpu.memory_space<hbm>>
        %dma_start3A_65 = tpu.memref_slice %arg3[%add3A_23] : memref<64000xi32, #tpu.memory_space<hbm>> -> memref<200xi32, #tpu.memory_space<hbm>>
        tpu.enqueue_dma source(%dma_start3A_65 : memref<200xi32, #tpu.memory_space<hbm>>) target(%arg5 : memref<200xi32, #tpu.memory_space<vmem>>) target_semaphore(%run_scoped3A : memref<!tpu.dma_semaphore, #tpu.memory_space<semaphore_mem>>)
        %dma_wait3A_66 = tpu.memref_slice %arg3[%add3A_23] : memref<64000xi32, #tpu.memory_space<hbm>> -> memref<200xi32, #tpu.memory_space<hbm>>
        %dma_wait3A_67 = tpu.memref_slice %arg3[%add3A_23] : memref<64000xi32, #tpu.memory_space<hbm>> -> memref<200xi32, #tpu.memory_space<hbm>>
        tpu.wait_dma2 semaphore(%run_scoped3A : memref<!tpu.dma_semaphore, #tpu.memory_space<semaphore_mem>>) src(%dma_wait3A_67 : memref<200xi32, #tpu.memory_space<hbm>>) dst(%arg5 : memref<200xi32, #tpu.memory_space<vmem>>)
        tpu.yield
      }) : () -> ()
      %dma_start3A = arith.constant 0 : i32
      %dma_start3A_24 = arith.constant 0 : i32
      %dma_start3A_25 = tpu.memref_slice %arg2[%dma_start3A, %dma_start3A_24] : memref<10000x128xf32, #tpu.memory_space<hbm>> -> memref<10000x128xf32, #tpu.memory_space<hbm>>
      tpu.enqueue_indirect_dma source(%dma_start3A_25 : memref<10000x128xf32, #tpu.memory_space<hbm>>) target(%arg7 : memref<200x128xf32, #tpu.memory_space<vmem>>) offsets(%arg5 : memref<200xi32, #tpu.memory_space<vmem>>) semaphore(%arg9 : memref<!tpu.dma_semaphore, #tpu.memory_space<semaphore_mem>>)
      %mul3A_26 = arith.constant 2 : i32
      %mul3A_27 = arith.muli %mul3A_26, %scan3A_14 : i32
      %add3A_28 = arith.constant 1 : i32
      %add3A_29 = arith.addi %mul3A_27, %add3A_28 : i32
      %mul3A_30 = arith.constant 200 : i32
      %mul3A_31 = arith.muli %add3A_29, %mul3A_30 : i32
      %add3A_32 = arith.addi %mul3A_2, %mul3A_31 : i32
      "tpu.region"() ({
        %run_scoped3A = tpu.sem_alloc : memref<!tpu.dma_semaphore, #tpu.memory_space<semaphore_mem>>
        %dma_start3A_64 = tpu.memref_slice %arg3[%add3A_32] : memref<64000xi32, #tpu.memory_space<hbm>> -> memref<200xi32, #tpu.memory_space<hbm>>
        %dma_start3A_65 = tpu.memref_slice %arg3[%add3A_32] : memref<64000xi32, #tpu.memory_space<hbm>> -> memref<200xi32, #tpu.memory_space<hbm>>
        tpu.enqueue_dma source(%dma_start3A_65 : memref<200xi32, #tpu.memory_space<hbm>>) target(%arg6 : memref<200xi32, #tpu.memory_space<vmem>>) target_semaphore(%run_scoped3A : memref<!tpu.dma_semaphore, #tpu.memory_space<semaphore_mem>>)
        %dma_wait3A_66 = tpu.memref_slice %arg3[%add3A_32] : memref<64000xi32, #tpu.memory_space<hbm>> -> memref<200xi32, #tpu.memory_space<hbm>>
        %dma_wait3A_67 = tpu.memref_slice %arg3[%add3A_32] : memref<64000xi32, #tpu.memory_space<hbm>> -> memref<200xi32, #tpu.memory_space<hbm>>
        tpu.wait_dma2 semaphore(%run_scoped3A : memref<!tpu.dma_semaphore, #tpu.memory_space<semaphore_mem>>) src(%dma_wait3A_67 : memref<200xi32, #tpu.memory_space<hbm>>) dst(%arg6 : memref<200xi32, #tpu.memory_space<vmem>>)
        tpu.yield
      }) : () -> ()
      %dma_start3A_33 = arith.constant 0 : i32
      %dma_start3A_34 = arith.constant 0 : i32
      %dma_start3A_35 = tpu.memref_slice %arg2[%dma_start3A_33, %dma_start3A_34] : memref<10000x128xf32, #tpu.memory_space<hbm>> -> memref<10000x128xf32, #tpu.memory_space<hbm>>
      tpu.enqueue_indirect_dma source(%dma_start3A_35 : memref<10000x128xf32, #tpu.memory_space<hbm>>) target(%arg8 : memref<200x128xf32, #tpu.memory_space<vmem>>) offsets(%arg6 : memref<200xi32, #tpu.memory_space<vmem>>) semaphore(%arg10 : memref<!tpu.dma_semaphore, #tpu.memory_space<semaphore_mem>>)
      %mul3A_36 = arith.constant 2 : i32
      %mul3A_37 = arith.muli %mul3A_36, %scan3A_14 : i32
      %add3A_38 = arith.constant 0 : i32
      %add3A_39 = arith.addi %mul3A_37, %add3A_38 : i32
      %mul3A_40 = arith.constant 200 : i32
      %mul3A_41 = arith.muli %add3A_39, %mul3A_40 : i32
      %add3A_42 = arith.addi %mul3A_2, %mul3A_41 : i32
      %dma_wait3A_43 = arith.constant 0 : i32
      %dma_wait3A_44 = arith.constant 0 : i32
      %dma_wait3A_45 = tpu.memref_slice %arg2[%dma_wait3A_43, %dma_wait3A_44] : memref<10000x128xf32, #tpu.memory_space<hbm>> -> memref<10000x128xf32, #tpu.memory_space<hbm>>
      tpu.wait_indirect_dma semaphore(%arg9 : memref<!tpu.dma_semaphore, #tpu.memory_space<semaphore_mem>>) src(%dma_wait3A_45 : memref<10000x128xf32, #tpu.memory_space<hbm>>) dst(%arg7 : memref<200x128xf32, #tpu.memory_space<vmem>>)
      %dma_start3A_46 = arith.constant 0 : i32
      %dma_start3A_47 = tpu.memref_slice %arg4[%add3A_42, %dma_start3A_46] : memref<64000x128xf32, #tpu.memory_space<hbm>> -> memref<200x128xf32, #tpu.memory_space<hbm>>
      %dma_start3A_48 = arith.constant 0 : i32
      %dma_start3A_49 = tpu.memref_slice %arg4[%add3A_42, %dma_start3A_48] : memref<64000x128xf32, #tpu.memory_space<hbm>> -> memref<200x128xf32, #tpu.memory_space<hbm>>
      tpu.enqueue_dma source(%arg7 : memref<200x128xf32, #tpu.memory_space<vmem>>) target(%dma_start3A_49 : memref<200x128xf32, #tpu.memory_space<hbm>>) target_semaphore(%arg11 : memref<!tpu.dma_semaphore, #tpu.memory_space<semaphore_mem>>)
      %mul3A_50 = arith.constant 2 : i32
      %mul3A_51 = arith.muli %mul3A_50, %scan3A_14 : i32
      %add3A_52 = arith.constant 1 : i32
      %add3A_53 = arith.addi %mul3A_51, %add3A_52 : i32
      %mul3A_54 = arith.constant 200 : i32
      %mul3A_55 = arith.muli %add3A_53, %mul3A_54 : i32
      %add3A_56 = arith.addi %mul3A_2, %mul3A_55 : i32
      %dma_wait3A_57 = arith.constant 0 : i32
      %dma_wait3A_58 = arith.constant 0 : i32
      %dma_wait3A_59 = tpu.memref_slice %arg2[%dma_wait3A_57, %dma_wait3A_58] : memref<10000x128xf32, #tpu.memory_space<hbm>> -> memref<10000x128xf32, #tpu.memory_space<hbm>>
      tpu.wait_indirect_dma semaphore(%arg10 : memref<!tpu.dma_semaphore, #tpu.memory_space<semaphore_mem>>) src(%dma_wait3A_59 : memref<10000x128xf32, #tpu.memory_space<hbm>>) dst(%arg8 : memref<200x128xf32, #tpu.memory_space<vmem>>)
      %dma_start3A_60 = arith.constant 0 : i32
      %dma_start3A_61 = tpu.memref_slice %arg4[%add3A_56, %dma_start3A_60] : memref<64000x128xf32, #tpu.memory_space<hbm>> -> memref<200x128xf32, #tpu.memory_space<hbm>>
      %dma_start3A_62 = arith.constant 0 : i32
      %dma_start3A_63 = tpu.memref_slice %arg4[%add3A_56, %dma_start3A_62] : memref<64000x128xf32, #tpu.memory_space<hbm>> -> memref<200x128xf32, #tpu.memory_space<hbm>>
      tpu.enqueue_dma source(%arg8 : memref<200x128xf32, #tpu.memory_space<vmem>>) target(%dma_start3A_63 : memref<200x128xf32, #tpu.memory_space<hbm>>) target_semaphore(%arg12 : memref<!tpu.dma_semaphore, #tpu.memory_space<semaphore_mem>>)
    }
    %scan3A_6 = arith.constant 5 : i32
    %dma_wait3A = arith.constant 0 : i32
    %dma_wait3A_7 = tpu.memref_slice %arg4[%mul3A_2, %dma_wait3A] : memref<64000x128xf32, #tpu.memory_space<hbm>> -> memref<200x128xf32, #tpu.memory_space<hbm>>
    %dma_wait3A_8 = arith.constant 0 : i32
    %dma_wait3A_9 = tpu.memref_slice %arg4[%mul3A_2, %dma_wait3A_8] : memref<64000x128xf32, #tpu.memory_space<hbm>> -> memref<200x128xf32, #tpu.memory_space<hbm>>
    tpu.wait_dma2 semaphore(%arg11 : memref<!tpu.dma_semaphore, #tpu.memory_space<semaphore_mem>>) src(%arg7 : memref<200x128xf32, #tpu.memory_space<vmem>>) dst(%dma_wait3A_9 : memref<200x128xf32, #tpu.memory_space<hbm>>)
    %dma_wait3A_10 = arith.constant 0 : i32
    %dma_wait3A_11 = tpu.memref_slice %arg4[%mul3A_2, %dma_wait3A_10] : memref<64000x128xf32, #tpu.memory_space<hbm>> -> memref<200x128xf32, #tpu.memory_space<hbm>>
    %dma_wait3A_12 = arith.constant 0 : i32
    %dma_wait3A_13 = tpu.memref_slice %arg4[%mul3A_2, %dma_wait3A_12] : memref<64000x128xf32, #tpu.memory_space<hbm>> -> memref<200x128xf32, #tpu.memory_space<hbm>>
    tpu.wait_dma2 semaphore(%arg12 : memref<!tpu.dma_semaphore, #tpu.memory_space<semaphore_mem>>) src(%arg8 : memref<200x128xf32, #tpu.memory_space<vmem>>) dst(%dma_wait3A_13 : memref<200x128xf32, #tpu.memory_space<hbm>>)
    return
  }
}

#map = affine_map<(d0, d1) -> (0, 0)>
#map1 = affine_map<(d0, d1) -> (0)>
module attributes {stable_mosaic.version = 14 : i64} {
  func.func @gather(%arg0: i32, %arg1: i32, %arg2: memref<10000x128xf32, #tpu.memory_space<hbm>>, %arg3: memref<64000xi32, #tpu.memory_space<hbm>>, %arg4: memref<64000x128xf32, #tpu.memory_space<hbm>>, %arg5: memref<200xi32, #tpu.memory_space<vmem>>, %arg6: memref<200xi32, #tpu.memory_space<vmem>>, %arg7: memref<200x128xf32, #tpu.memory_space<vmem>>, %arg8: memref<200x128xf32, #tpu.memory_space<vmem>>, %arg9: memref<!tpu.dma_semaphore, #tpu.memory_space<semaphore_mem>>, %arg10: memref<!tpu.dma_semaphore, #tpu.memory_space<semaphore_mem>>, %arg11: memref<!tpu.dma_semaphore, #tpu.memory_space<semaphore_mem>>, %arg12: memref<!tpu.dma_semaphore, #tpu.memory_space<semaphore_mem>>) attributes {dimension_semantics = [#tpu.dimension_semantics<core_parallel>, #tpu.dimension_semantics<subcore_parallel>], iteration_bounds = array<i64: 2, 16>, scalar_prefetch = 0 : i64, scratch_operands = 8 : i64, tpu.core_type = #tpu.core_type<sc_vector_subcore>, window_params = [{transform_indices = #map}, {transform_indices = #map1}, {transform_indices = #map}]} {
    %mul3A = arith.constant 2 : i32
    %mul3A_0 = arith.muli %arg1, %mul3A : i32
    %add3A = arith.addi %mul3A_0, %arg0 : i32
    %mul3A_1 = arith.constant 2000 : i32
    %mul3A_2 = arith.muli %add3A, %mul3A_1 : i32
    %scan3A = arith.constant 0 : i32
    %scan3A_3 = arith.constant 5 : i32
    %scan3A_4 = arith.addi %scan3A, %scan3A_3 : i32
    %scan3A_5 = arith.constant 1 : i32
    scf.for %scan3A_14 = %scan3A to %scan3A_4 step %scan3A_5  : i32 {
      %gt3A = arith.constant 0 : i32
      %gt3A_15 = arith.cmpi sgt, %scan3A_14, %gt3A : i32
      %convert_element_type3A = arith.extui %gt3A_15 : i1 to i32
      %cond3A = arith.constant 0 : i32
      %cond3A_16 = arith.cmpi ne, %convert_element_type3A, %cond3A : i32
      scf.if %cond3A_16 {
        %dma_wait3A_64 = arith.constant 0 : i32
        %dma_wait3A_65 = tpu.memref_slice %arg4[%mul3A_2, %dma_wait3A_64] : memref<64000x128xf32, #tpu.memory_space<hbm>> -> memref<200x128xf32, #tpu.memory_space<hbm>>
        %dma_wait3A_66 = arith.constant 0 : i32
        %dma_wait3A_67 = tpu.memref_slice %arg4[%mul3A_2, %dma_wait3A_66] : memref<64000x128xf32, #tpu.memory_space<hbm>> -> memref<200x128xf32, #tpu.memory_space<hbm>>
        tpu.wait_dma2 semaphore(%arg11 : memref<!tpu.dma_semaphore, #tpu.memory_space<semaphore_mem>>) src(%arg7 : memref<200x128xf32, #tpu.memory_space<vmem>>) dst(%dma_wait3A_67 : memref<200x128xf32, #tpu.memory_space<hbm>>)
        %dma_wait3A_68 = arith.constant 0 : i32
        %dma_wait3A_69 = tpu.memref_slice %arg4[%mul3A_2, %dma_wait3A_68] : memref<64000x128xf32, #tpu.memory_space<hbm>> -> memref<200x128xf32, #tpu.memory_space<hbm>>
        %dma_wait3A_70 = arith.constant 0 : i32
        %dma_wait3A_71 = tpu.memref_slice %arg4[%mul3A_2, %dma_wait3A_70] : memref<64000x128xf32, #tpu.memory_space<hbm>> -> memref<200x128xf32, #tpu.memory_space<hbm>>
        tpu.wait_dma2 semaphore(%arg12 : memref<!tpu.dma_semaphore, #tpu.memory_space<semaphore_mem>>) src(%arg8 : memref<200x128xf32, #tpu.memory_space<vmem>>) dst(%dma_wait3A_71 : memref<200x128xf32, #tpu.memory_space<hbm>>)
      } else {
      }
      %mul3A_17 = arith.constant 2 : i32
      %mul3A_18 = arith.muli %mul3A_17, %scan3A_14 : i32
      %add3A_19 = arith.constant 0 : i32
      %add3A_20 = arith.addi %mul3A_18, %add3A_19 : i32
      %mul3A_21 = arith.constant 200 : i32
      %mul3A_22 = arith.muli %add3A_20, %mul3A_21 : i32
      %add3A_23 = arith.addi %mul3A_2, %mul3A_22 : i32
      "tpu.region"() ({
        %run_scoped3A = tpu.sem_alloc : memref<!tpu.dma_semaphore, #tpu.memory_space<semaphore_mem>>
        %dma_start3A_64 = tpu.memref_slice %arg3[%add3A_23] : memref<64000xi32, #tpu.memory_space<hbm>> -> memref<200xi32, #tpu.memory_space<hbm>>
        %dma_start3A_65 = tpu.memref_slice %arg3[%add3A_23] : memref<64000xi32, #tpu.memory_space<hbm>> -> memref<200xi32, #tpu.memory_space<hbm>>
        tpu.enqueue_dma source(%dma_start3A_65 : memref<200xi32, #tpu.memory_space<hbm>>) target(%arg5 : memref<200xi32, #tpu.memory_space<vmem>>) target_semaphore(%run_scoped3A : memref<!tpu.dma_semaphore, #tpu.memory_space<semaphore_mem>>)
        %dma_wait3A_66 = tpu.memref_slice %arg3[%add3A_23] : memref<64000xi32, #tpu.memory_space<hbm>> -> memref<200xi32, #tpu.memory_space<hbm>>
        %dma_wait3A_67 = tpu.memref_slice %arg3[%add3A_23] : memref<64000xi32, #tpu.memory_space<hbm>> -> memref<200xi32, #tpu.memory_space<hbm>>
        tpu.wait_dma2 semaphore(%run_scoped3A : memref<!tpu.dma_semaphore, #tpu.memory_space<semaphore_mem>>) src(%dma_wait3A_67 : memref<200xi32, #tpu.memory_space<hbm>>) dst(%arg5 : memref<200xi32, #tpu.memory_space<vmem>>)
        tpu.yield
      }) : () -> ()
      %dma_start3A = arith.constant 0 : i32
      %dma_start3A_24 = arith.constant 0 : i32
      %dma_start3A_25 = tpu.memref_slice %arg2[%dma_start3A, %dma_start3A_24] : memref<10000x128xf32, #tpu.memory_space<hbm>> -> memref<10000x128xf32, #tpu.memory_space<hbm>>
      tpu.enqueue_indirect_dma source(%dma_start3A_25 : memref<10000x128xf32, #tpu.memory_space<hbm>>) target(%arg7 : memref<200x128xf32, #tpu.memory_space<vmem>>) offsets(%arg5 : memref<200xi32, #tpu.memory_space<vmem>>) semaphore(%arg9 : memref<!tpu.dma_semaphore, #tpu.memory_space<semaphore_mem>>)
      %mul3A_26 = arith.constant 2 : i32
      %mul3A_27 = arith.muli %mul3A_26, %scan3A_14 : i32
      %add3A_28 = arith.constant 1 : i32
      %add3A_29 = arith.addi %mul3A_27, %add3A_28 : i32
      %mul3A_30 = arith.constant 200 : i32
      %mul3A_31 = arith.muli %add3A_29, %mul3A_30 : i32
      %add3A_32 = arith.addi %mul3A_2, %mul3A_31 : i32
      "tpu.region"() ({
        %run_scoped3A = tpu.sem_alloc : memref<!tpu.dma_semaphore, #tpu.memory_space<semaphore_mem>>
        %dma_start3A_64 = tpu.memref_slice %arg3[%add3A_32] : memref<64000xi32, #tpu.memory_space<hbm>> -> memref<200xi32, #tpu.memory_space<hbm>>
        %dma_start3A_65 = tpu.memref_slice %arg3[%add3A_32] : memref<64000xi32, #tpu.memory_space<hbm>> -> memref<200xi32, #tpu.memory_space<hbm>>
        tpu.enqueue_dma source(%dma_start3A_65 : memref<200xi32, #tpu.memory_space<hbm>>) target(%arg6 : memref<200xi32, #tpu.memory_space<vmem>>) target_semaphore(%run_scoped3A : memref<!tpu.dma_semaphore, #tpu.memory_space<semaphore_mem>>)
        %dma_wait3A_66 = tpu.memref_slice %arg3[%add3A_32] : memref<64000xi32, #tpu.memory_space<hbm>> -> memref<200xi32, #tpu.memory_space<hbm>>
        %dma_wait3A_67 = tpu.memref_slice %arg3[%add3A_32] : memref<64000xi32, #tpu.memory_space<hbm>> -> memref<200xi32, #tpu.memory_space<hbm>>
        tpu.wait_dma2 semaphore(%run_scoped3A : memref<!tpu.dma_semaphore, #tpu.memory_space<semaphore_mem>>) src(%dma_wait3A_67 : memref<200xi32, #tpu.memory_space<hbm>>) dst(%arg6 : memref<200xi32, #tpu.memory_space<vmem>>)
        tpu.yield
      }) : () -> ()
      %dma_start3A_33 = arith.constant 0 : i32
      %dma_start3A_34 = arith.constant 0 : i32
      %dma_start3A_35 = tpu.memref_slice %arg2[%dma_start3A_33, %dma_start3A_34] : memref<10000x128xf32, #tpu.memory_space<hbm>> -> memref<10000x128xf32, #tpu.memory_space<hbm>>
      tpu.enqueue_indirect_dma source(%dma_start3A_35 : memref<10000x128xf32, #tpu.memory_space<hbm>>) target(%arg8 : memref<200x128xf32, #tpu.memory_space<vmem>>) offsets(%arg6 : memref<200xi32, #tpu.memory_space<vmem>>) semaphore(%arg10 : memref<!tpu.dma_semaphore, #tpu.memory_space<semaphore_mem>>)
      %mul3A_36 = arith.constant 2 : i32
      %mul3A_37 = arith.muli %mul3A_36, %scan3A_14 : i32
      %add3A_38 = arith.constant 0 : i32
      %add3A_39 = arith.addi %mul3A_37, %add3A_38 : i32
      %mul3A_40 = arith.constant 200 : i32
      %mul3A_41 = arith.muli %add3A_39, %mul3A_40 : i32
      %add3A_42 = arith.addi %mul3A_2, %mul3A_41 : i32
      %dma_wait3A_43 = arith.constant 0 : i32
      %dma_wait3A_44 = arith.constant 0 : i32
      %dma_wait3A_45 = tpu.memref_slice %arg2[%dma_wait3A_43, %dma_wait3A_44] : memref<10000x128xf32, #tpu.memory_space<hbm>> -> memref<10000x128xf32, #tpu.memory_space<hbm>>
      tpu.wait_indirect_dma semaphore(%arg9 : memref<!tpu.dma_semaphore, #tpu.memory_space<semaphore_mem>>) src(%dma_wait3A_45 : memref<10000x128xf32, #tpu.memory_space<hbm>>) dst(%arg7 : memref<200x128xf32, #tpu.memory_space<vmem>>)
      %dma_start3A_46 = arith.constant 0 : i32
      %dma_start3A_47 = tpu.memref_slice %arg4[%add3A_42, %dma_start3A_46] : memref<64000x128xf32, #tpu.memory_space<hbm>> -> memref<200x128xf32, #tpu.memory_space<hbm>>
      %dma_start3A_48 = arith.constant 0 : i32
      %dma_start3A_49 = tpu.memref_slice %arg4[%add3A_42, %dma_start3A_48] : memref<64000x128xf32, #tpu.memory_space<hbm>> -> memref<200x128xf32, #tpu.memory_space<hbm>>
      tpu.enqueue_dma source(%arg7 : memref<200x128xf32, #tpu.memory_space<vmem>>) target(%dma_start3A_49 : memref<200x128xf32, #tpu.memory_space<hbm>>) target_semaphore(%arg11 : memref<!tpu.dma_semaphore, #tpu.memory_space<semaphore_mem>>)
      %mul3A_50 = arith.constant 2 : i32
      %mul3A_51 = arith.muli %mul3A_50, %scan3A_14 : i32
      %add3A_52 = arith.constant 1 : i32
      %add3A_53 = arith.addi %mul3A_51, %add3A_52 : i32
      %mul3A_54 = arith.constant 200 : i32
      %mul3A_55 = arith.muli %add3A_53, %mul3A_54 : i32
      %add3A_56 = arith.addi %mul3A_2, %mul3A_55 : i32
      %dma_wait3A_57 = arith.constant 0 : i32
      %dma_wait3A_58 = arith.constant 0 : i32
      %dma_wait3A_59 = tpu.memref_slice %arg2[%dma_wait3A_57, %dma_wait3A_58] : memref<10000x128xf32, #tpu.memory_space<hbm>> -> memref<10000x128xf32, #tpu.memory_space<hbm>>
      tpu.wait_indirect_dma semaphore(%arg10 : memref<!tpu.dma_semaphore, #tpu.memory_space<semaphore_mem>>) src(%dma_wait3A_59 : memref<10000x128xf32, #tpu.memory_space<hbm>>) dst(%arg8 : memref<200x128xf32, #tpu.memory_space<vmem>>)
      %dma_start3A_60 = arith.constant 0 : i32
      %dma_start3A_61 = tpu.memref_slice %arg4[%add3A_56, %dma_start3A_60] : memref<64000x128xf32, #tpu.memory_space<hbm>> -> memref<200x128xf32, #tpu.memory_space<hbm>>
      %dma_start3A_62 = arith.constant 0 : i32
      %dma_start3A_63 = tpu.memref_slice %arg4[%add3A_56, %dma_start3A_62] : memref<64000x128xf32, #tpu.memory_space<hbm>> -> memref<200x128xf32, #tpu.memory_space<hbm>>
      tpu.enqueue_dma source(%arg8 : memref<200x128xf32, #tpu.memory_space<vmem>>) target(%dma_start3A_63 : memref<200x128xf32, #tpu.memory_space<hbm>>) target_semaphore(%arg12 : memref<!tpu.dma_semaphore, #tpu.memory_space<semaphore_mem>>)
    }
    %scan3A_6 = arith.constant 5 : i32
    %dma_wait3A = arith.constant 0 : i32
    %dma_wait3A_7 = tpu.memref_slice %arg4[%mul3A_2, %dma_wait3A] : memref<64000x128xf32, #tpu.memory_space<hbm>> -> memref<200x128xf32, #tpu.memory_space<hbm>>
    %dma_wait3A_8 = arith.constant 0 : i32
    %dma_wait3A_9 = tpu.memref_slice %arg4[%mul3A_2, %dma_wait3A_8] : memref<64000x128xf32, #tpu.memory_space<hbm>> -> memref<200x128xf32, #tpu.memory_space<hbm>>
    tpu.wait_dma2 semaphore(%arg11 : memref<!tpu.dma_semaphore, #tpu.memory_space<semaphore_mem>>) src(%arg7 : memref<200x128xf32, #tpu.memory_space<vmem>>) dst(%dma_wait3A_9 : memref<200x128xf32, #tpu.memory_space<hbm>>)
    %dma_wait3A_10 = arith.constant 0 : i32
    %dma_wait3A_11 = tpu.memref_slice %arg4[%mul3A_2, %dma_wait3A_10] : memref<64000x128xf32, #tpu.memory_space<hbm>> -> memref<200x128xf32, #tpu.memory_space<hbm>>
    %dma_wait3A_12 = arith.constant 0 : i32
    %dma_wait3A_13 = tpu.memref_slice %arg4[%mul3A_2, %dma_wait3A_12] : memref<64000x128xf32, #tpu.memory_space<hbm>> -> memref<200x128xf32, #tpu.memory_space<hbm>>
    tpu.wait_dma2 semaphore(%arg12 : memref<!tpu.dma_semaphore, #tpu.memory_space<semaphore_mem>>) src(%arg8 : memref<200x128xf32, #tpu.memory_space<vmem>>) dst(%dma_wait3A_13 : memref<200x128xf32, #tpu.memory_space<hbm>>)
    return
  }
}

#map = affine_map<(d0, d1) -> (0, 0)>
#map1 = affine_map<(d0, d1) -> (0)>
module attributes {stable_mosaic.version = 14 : i64} {
  func.func @gather(%arg0: i32, %arg1: i32, %arg2: memref<10000x128xf32, #tpu.memory_space<hbm>>, %arg3: memref<64000xi32, #tpu.memory_space<hbm>>, %arg4: memref<64000x128xf32, #tpu.memory_space<hbm>>, %arg5: memref<200xi32, #tpu.memory_space<vmem>>, %arg6: memref<200xi32, #tpu.memory_space<vmem>>, %arg7: memref<200x128xf32, #tpu.memory_space<vmem>>, %arg8: memref<200x128xf32, #tpu.memory_space<vmem>>, %arg9: memref<!tpu.dma_semaphore, #tpu.memory_space<semaphore_mem>>, %arg10: memref<!tpu.dma_semaphore, #tpu.memory_space<semaphore_mem>>, %arg11: memref<!tpu.dma_semaphore, #tpu.memory_space<semaphore_mem>>, %arg12: memref<!tpu.dma_semaphore, #tpu.memory_space<semaphore_mem>>) attributes {dimension_semantics = [#tpu.dimension_semantics<core_parallel>, #tpu.dimension_semantics<subcore_parallel>], iteration_bounds = array<i64: 2, 16>, scalar_prefetch = 0 : i64, scratch_operands = 8 : i64, tpu.core_type = #tpu.core_type<sc_vector_subcore>, window_params = [{transform_indices = #map}, {transform_indices = #map1}, {transform_indices = #map}]} {
    %mul3A = arith.constant 2 : i32
    %mul3A_0 = arith.muli %arg1, %mul3A : i32
    %add3A = arith.addi %mul3A_0, %arg0 : i32
    %mul3A_1 = arith.constant 2000 : i32
    %mul3A_2 = arith.muli %add3A, %mul3A_1 : i32
    %scan3A = arith.constant 0 : i32
    %scan3A_3 = arith.constant 5 : i32
    %scan3A_4 = arith.addi %scan3A, %scan3A_3 : i32
    %scan3A_5 = arith.constant 1 : i32
    scf.for %scan3A_14 = %scan3A to %scan3A_4 step %scan3A_5  : i32 {
      %gt3A = arith.constant 0 : i32
      %gt3A_15 = arith.cmpi sgt, %scan3A_14, %gt3A : i32
      %convert_element_type3A = arith.extui %gt3A_15 : i1 to i32
      %cond3A = arith.constant 0 : i32
      %cond3A_16 = arith.cmpi ne, %convert_element_type3A, %cond3A : i32
      scf.if %cond3A_16 {
        %dma_wait3A_64 = arith.constant 0 : i32
        %dma_wait3A_65 = tpu.memref_slice %arg4[%mul3A_2, %dma_wait3A_64] : memref<64000x128xf32, #tpu.memory_space<hbm>> -> memref<200x128xf32, #tpu.memory_space<hbm>>
        %dma_wait3A_66 = arith.constant 0 : i32
        %dma_wait3A_67 = tpu.memref_slice %arg4[%mul3A_2, %dma_wait3A_66] : memref<64000x128xf32, #tpu.memory_space<hbm>> -> memref<200x128xf32, #tpu.memory_space<hbm>>
        tpu.wait_dma2 semaphore(%arg11 : memref<!tpu.dma_semaphore, #tpu.memory_space<semaphore_mem>>) src(%arg7 : memref<200x128xf32, #tpu.memory_space<vmem>>) dst(%dma_wait3A_67 : memref<200x128xf32, #tpu.memory_space<hbm>>)
        %dma_wait3A_68 = arith.constant 0 : i32
        %dma_wait3A_69 = tpu.memref_slice %arg4[%mul3A_2, %dma_wait3A_68] : memref<64000x128xf32, #tpu.memory_space<hbm>> -> memref<200x128xf32, #tpu.memory_space<hbm>>
        %dma_wait3A_70 = arith.constant 0 : i32
        %dma_wait3A_71 = tpu.memref_slice %arg4[%mul3A_2, %dma_wait3A_70] : memref<64000x128xf32, #tpu.memory_space<hbm>> -> memref<200x128xf32, #tpu.memory_space<hbm>>
        tpu.wait_dma2 semaphore(%arg12 : memref<!tpu.dma_semaphore, #tpu.memory_space<semaphore_mem>>) src(%arg8 : memref<200x128xf32, #tpu.memory_space<vmem>>) dst(%dma_wait3A_71 : memref<200x128xf32, #tpu.memory_space<hbm>>)
      } else {
      }
      %mul3A_17 = arith.constant 2 : i32
      %mul3A_18 = arith.muli %mul3A_17, %scan3A_14 : i32
      %add3A_19 = arith.constant 0 : i32
      %add3A_20 = arith.addi %mul3A_18, %add3A_19 : i32
      %mul3A_21 = arith.constant 200 : i32
      %mul3A_22 = arith.muli %add3A_20, %mul3A_21 : i32
      %add3A_23 = arith.addi %mul3A_2, %mul3A_22 : i32
      "tpu.region"() ({
        %run_scoped3A = tpu.sem_alloc : memref<!tpu.dma_semaphore, #tpu.memory_space<semaphore_mem>>
        %dma_start3A_64 = tpu.memref_slice %arg3[%add3A_23] : memref<64000xi32, #tpu.memory_space<hbm>> -> memref<200xi32, #tpu.memory_space<hbm>>
        %dma_start3A_65 = tpu.memref_slice %arg3[%add3A_23] : memref<64000xi32, #tpu.memory_space<hbm>> -> memref<200xi32, #tpu.memory_space<hbm>>
        tpu.enqueue_dma source(%dma_start3A_65 : memref<200xi32, #tpu.memory_space<hbm>>) target(%arg5 : memref<200xi32, #tpu.memory_space<vmem>>) target_semaphore(%run_scoped3A : memref<!tpu.dma_semaphore, #tpu.memory_space<semaphore_mem>>)
        %dma_wait3A_66 = tpu.memref_slice %arg3[%add3A_23] : memref<64000xi32, #tpu.memory_space<hbm>> -> memref<200xi32, #tpu.memory_space<hbm>>
        %dma_wait3A_67 = tpu.memref_slice %arg3[%add3A_23] : memref<64000xi32, #tpu.memory_space<hbm>> -> memref<200xi32, #tpu.memory_space<hbm>>
        tpu.wait_dma2 semaphore(%run_scoped3A : memref<!tpu.dma_semaphore, #tpu.memory_space<semaphore_mem>>) src(%dma_wait3A_67 : memref<200xi32, #tpu.memory_space<hbm>>) dst(%arg5 : memref<200xi32, #tpu.memory_space<vmem>>)
        tpu.yield
      }) : () -> ()
      %dma_start3A = arith.constant 0 : i32
      %dma_start3A_24 = arith.constant 0 : i32
      %dma_start3A_25 = tpu.memref_slice %arg2[%dma_start3A, %dma_start3A_24] : memref<10000x128xf32, #tpu.memory_space<hbm>> -> memref<10000x128xf32, #tpu.memory_space<hbm>>
      tpu.enqueue_indirect_dma source(%dma_start3A_25 : memref<10000x128xf32, #tpu.memory_space<hbm>>) target(%arg7 : memref<200x128xf32, #tpu.memory_space<vmem>>) offsets(%arg5 : memref<200xi32, #tpu.memory_space<vmem>>) semaphore(%arg9 : memref<!tpu.dma_semaphore, #tpu.memory_space<semaphore_mem>>)
      %mul3A_26 = arith.constant 2 : i32
      %mul3A_27 = arith.muli %mul3A_26, %scan3A_14 : i32
      %add3A_28 = arith.constant 1 : i32
      %add3A_29 = arith.addi %mul3A_27, %add3A_28 : i32
      %mul3A_30 = arith.constant 200 : i32
      %mul3A_31 = arith.muli %add3A_29, %mul3A_30 : i32
      %add3A_32 = arith.addi %mul3A_2, %mul3A_31 : i32
      "tpu.region"() ({
        %run_scoped3A = tpu.sem_alloc : memref<!tpu.dma_semaphore, #tpu.memory_space<semaphore_mem>>
        %dma_start3A_64 = tpu.memref_slice %arg3[%add3A_32] : memref<64000xi32, #tpu.memory_space<hbm>> -> memref<200xi32, #tpu.memory_space<hbm>>
        %dma_start3A_65 = tpu.memref_slice %arg3[%add3A_32] : memref<64000xi32, #tpu.memory_space<hbm>> -> memref<200xi32, #tpu.memory_space<hbm>>
        tpu.enqueue_dma source(%dma_start3A_65 : memref<200xi32, #tpu.memory_space<hbm>>) target(%arg6 : memref<200xi32, #tpu.memory_space<vmem>>) target_semaphore(%run_scoped3A : memref<!tpu.dma_semaphore, #tpu.memory_space<semaphore_mem>>)
        %dma_wait3A_66 = tpu.memref_slice %arg3[%add3A_32] : memref<64000xi32, #tpu.memory_space<hbm>> -> memref<200xi32, #tpu.memory_space<hbm>>
        %dma_wait3A_67 = tpu.memref_slice %arg3[%add3A_32] : memref<64000xi32, #tpu.memory_space<hbm>> -> memref<200xi32, #tpu.memory_space<hbm>>
        tpu.wait_dma2 semaphore(%run_scoped3A : memref<!tpu.dma_semaphore, #tpu.memory_space<semaphore_mem>>) src(%dma_wait3A_67 : memref<200xi32, #tpu.memory_space<hbm>>) dst(%arg6 : memref<200xi32, #tpu.memory_space<vmem>>)
        tpu.yield
      }) : () -> ()
      %dma_start3A_33 = arith.constant 0 : i32
      %dma_start3A_34 = arith.constant 0 : i32
      %dma_start3A_35 = tpu.memref_slice %arg2[%dma_start3A_33, %dma_start3A_34] : memref<10000x128xf32, #tpu.memory_space<hbm>> -> memref<10000x128xf32, #tpu.memory_space<hbm>>
      tpu.enqueue_indirect_dma source(%dma_start3A_35 : memref<10000x128xf32, #tpu.memory_space<hbm>>) target(%arg8 : memref<200x128xf32, #tpu.memory_space<vmem>>) offsets(%arg6 : memref<200xi32, #tpu.memory_space<vmem>>) semaphore(%arg10 : memref<!tpu.dma_semaphore, #tpu.memory_space<semaphore_mem>>)
      %mul3A_36 = arith.constant 2 : i32
      %mul3A_37 = arith.muli %mul3A_36, %scan3A_14 : i32
      %add3A_38 = arith.constant 0 : i32
      %add3A_39 = arith.addi %mul3A_37, %add3A_38 : i32
      %mul3A_40 = arith.constant 200 : i32
      %mul3A_41 = arith.muli %add3A_39, %mul3A_40 : i32
      %add3A_42 = arith.addi %mul3A_2, %mul3A_41 : i32
      %dma_wait3A_43 = arith.constant 0 : i32
      %dma_wait3A_44 = arith.constant 0 : i32
      %dma_wait3A_45 = tpu.memref_slice %arg2[%dma_wait3A_43, %dma_wait3A_44] : memref<10000x128xf32, #tpu.memory_space<hbm>> -> memref<10000x128xf32, #tpu.memory_space<hbm>>
      tpu.wait_indirect_dma semaphore(%arg9 : memref<!tpu.dma_semaphore, #tpu.memory_space<semaphore_mem>>) src(%dma_wait3A_45 : memref<10000x128xf32, #tpu.memory_space<hbm>>) dst(%arg7 : memref<200x128xf32, #tpu.memory_space<vmem>>)
      %dma_start3A_46 = arith.constant 0 : i32
      %dma_start3A_47 = tpu.memref_slice %arg4[%add3A_42, %dma_start3A_46] : memref<64000x128xf32, #tpu.memory_space<hbm>> -> memref<200x128xf32, #tpu.memory_space<hbm>>
      %dma_start3A_48 = arith.constant 0 : i32
      %dma_start3A_49 = tpu.memref_slice %arg4[%add3A_42, %dma_start3A_48] : memref<64000x128xf32, #tpu.memory_space<hbm>> -> memref<200x128xf32, #tpu.memory_space<hbm>>
      tpu.enqueue_dma source(%arg7 : memref<200x128xf32, #tpu.memory_space<vmem>>) target(%dma_start3A_49 : memref<200x128xf32, #tpu.memory_space<hbm>>) target_semaphore(%arg11 : memref<!tpu.dma_semaphore, #tpu.memory_space<semaphore_mem>>)
      %mul3A_50 = arith.constant 2 : i32
      %mul3A_51 = arith.muli %mul3A_50, %scan3A_14 : i32
      %add3A_52 = arith.constant 1 : i32
      %add3A_53 = arith.addi %mul3A_51, %add3A_52 : i32
      %mul3A_54 = arith.constant 200 : i32
      %mul3A_55 = arith.muli %add3A_53, %mul3A_54 : i32
      %add3A_56 = arith.addi %mul3A_2, %mul3A_55 : i32
      %dma_wait3A_57 = arith.constant 0 : i32
      %dma_wait3A_58 = arith.constant 0 : i32
      %dma_wait3A_59 = tpu.memref_slice %arg2[%dma_wait3A_57, %dma_wait3A_58] : memref<10000x128xf32, #tpu.memory_space<hbm>> -> memref<10000x128xf32, #tpu.memory_space<hbm>>
      tpu.wait_indirect_dma semaphore(%arg10 : memref<!tpu.dma_semaphore, #tpu.memory_space<semaphore_mem>>) src(%dma_wait3A_59 : memref<10000x128xf32, #tpu.memory_space<hbm>>) dst(%arg8 : memref<200x128xf32, #tpu.memory_space<vmem>>)
      %dma_start3A_60 = arith.constant 0 : i32
      %dma_start3A_61 = tpu.memref_slice %arg4[%add3A_56, %dma_start3A_60] : memref<64000x128xf32, #tpu.memory_space<hbm>> -> memref<200x128xf32, #tpu.memory_space<hbm>>
      %dma_start3A_62 = arith.constant 0 : i32
      %dma_start3A_63 = tpu.memref_slice %arg4[%add3A_56, %dma_start3A_62] : memref<64000x128xf32, #tpu.memory_space<hbm>> -> memref<200x128xf32, #tpu.memory_space<hbm>>
      tpu.enqueue_dma source(%arg8 : memref<200x128xf32, #tpu.memory_space<vmem>>) target(%dma_start3A_63 : memref<200x128xf32, #tpu.memory_space<hbm>>) target_semaphore(%arg12 : memref<!tpu.dma_semaphore, #tpu.memory_space<semaphore_mem>>)
    }
    %scan3A_6 = arith.constant 5 : i32
    %dma_wait3A = arith.constant 0 : i32
    %dma_wait3A_7 = tpu.memref_slice %arg4[%mul3A_2, %dma_wait3A] : memref<64000x128xf32, #tpu.memory_space<hbm>> -> memref<200x128xf32, #tpu.memory_space<hbm>>
    %dma_wait3A_8 = arith.constant 0 : i32
    %dma_wait3A_9 = tpu.memref_slice %arg4[%mul3A_2, %dma_wait3A_8] : memref<64000x128xf32, #tpu.memory_space<hbm>> -> memref<200x128xf32, #tpu.memory_space<hbm>>
    tpu.wait_dma2 semaphore(%arg11 : memref<!tpu.dma_semaphore, #tpu.memory_space<semaphore_mem>>) src(%arg7 : memref<200x128xf32, #tpu.memory_space<vmem>>) dst(%dma_wait3A_9 : memref<200x128xf32, #tpu.memory_space<hbm>>)
    %dma_wait3A_10 = arith.constant 0 : i32
    %dma_wait3A_11 = tpu.memref_slice %arg4[%mul3A_2, %dma_wait3A_10] : memref<64000x128xf32, #tpu.memory_space<hbm>> -> memref<200x128xf32, #tpu.memory_space<hbm>>
    %dma_wait3A_12 = arith.constant 0 : i32
    %dma_wait3A_13 = tpu.memref_slice %arg4[%mul3A_2, %dma_wait3A_12] : memref<64000x128xf32, #tpu.memory_space<hbm>> -> memref<200x128xf32, #tpu.memory_space<hbm>>
    tpu.wait_dma2 semaphore(%arg12 : memref<!tpu.dma_semaphore, #tpu.memory_space<semaphore_mem>>) src(%arg8 : memref<200x128xf32, #tpu.memory_space<vmem>>) dst(%dma_wait3A_13 : memref<200x128xf32, #tpu.memory_space<hbm>>)
    return
  }
}

module attributes {stable_mosaic.version = 14 : i64} {
  func.func @_p1_body(%arg0: i32, %arg1: memref<12800x128xf32, #tpu.memory_space<vmem>>, %arg2: memref<400x128xf32, #tpu.memory_space<vmem>>, %arg3: memref<128x128xf32, #tpu.memory_space<vmem>>, %arg4: memref<1x128xf32, #tpu.memory_space<vmem>>, %arg5: memref<128x128xf32, #tpu.memory_space<vmem>>, %arg6: memref<1x128xf32, #tpu.memory_space<vmem>>, %arg7: memref<128x128xf32, #tpu.memory_space<vmem>>, %arg8: memref<1x128xf32, #tpu.memory_space<vmem>>, %arg9: memref<128x128xf32, #tpu.memory_space<vmem>>, %arg10: memref<1x128xf32, #tpu.memory_space<vmem>>, %arg11: memref<400x128xf32, #tpu.memory_space<vmem>>, %arg12: memref<12800x128xbf16, #tpu.memory_space<vmem>>) attributes {dimension_semantics = [#tpu.dimension_semantics<arbitrary>], iteration_bounds = array<i64: 25>, scalar_prefetch = 0 : i64, scratch_operands = 0 : i64, tpu.core_type = #tpu.core_type<tc>, window_params = [{transform_indices = @transform_0, window_bounds = array<i64: 12800, 128>}, {transform_indices = @transform_1, window_bounds = array<i64: 400, 128>}, {pipeline_mode = #tpu.pipeline_mode<synchronous>, transform_indices = @transform_2, window_bounds = array<i64: 128, 128>}, {pipeline_mode = #tpu.pipeline_mode<synchronous>, transform_indices = @transform_3, window_bounds = array<i64: 1, 128>}, {pipeline_mode = #tpu.pipeline_mode<synchronous>, transform_indices = @transform_4, window_bounds = array<i64: 128, 128>}, {pipeline_mode = #tpu.pipeline_mode<synchronous>, transform_indices = @transform_5, window_bounds = array<i64: 1, 128>}, {pipeline_mode = #tpu.pipeline_mode<synchronous>, transform_indices = @transform_6, window_bounds = array<i64: 128, 128>}, {pipeline_mode = #tpu.pipeline_mode<synchronous>, transform_indices = @transform_7, window_bounds = array<i64: 1, 128>}, {pipeline_mode = #tpu.pipeline_mode<synchronous>, transform_indices = @transform_8, window_bounds = array<i64: 128, 128>}, {pipeline_mode = #tpu.pipeline_mode<synchronous>, transform_indices = @transform_9, window_bounds = array<i64: 1, 128>}, {transform_indices = @transform_10, window_bounds = array<i64: 400, 128>}, {transform_indices = @transform_11, window_bounds = array<i64: 12800, 128>}]} {
    %get3A = arith.constant 0 : index
    %get3A_0 = arith.constant 0 : index
    %get3A_1 = vector.load %arg1[%get3A, %get3A_0] : memref<12800x128xf32, #tpu.memory_space<vmem>>, vector<12800x128xf32>
    %get3A_2 = arith.constant 0 : index
    %get3A_3 = arith.constant 0 : index
    %get3A_4 = vector.load %arg2[%get3A_2, %get3A_3] : memref<400x128xf32, #tpu.memory_space<vmem>>, vector<400x128xf32>
    %get3A_5 = arith.constant 0 : index
    %get3A_6 = arith.constant 0 : index
    %get3A_7 = vector.load %arg3[%get3A_5, %get3A_6] : memref<128x128xf32, #tpu.memory_space<vmem>>, vector<128x128xf32>
    %get3A_8 = arith.constant 0 : index
    %get3A_9 = arith.constant 0 : index
    %get3A_10 = vector.load %arg4[%get3A_8, %get3A_9] : memref<1x128xf32, #tpu.memory_space<vmem>>, vector<1x128xf32>
    %get3A_11 = arith.constant 0 : index
    %get3A_12 = arith.constant 0 : index
    %get3A_13 = vector.load %arg5[%get3A_11, %get3A_12] : memref<128x128xf32, #tpu.memory_space<vmem>>, vector<128x128xf32>
    %get3A_14 = arith.constant 0 : index
    %get3A_15 = arith.constant 0 : index
    %get3A_16 = vector.load %arg6[%get3A_14, %get3A_15] : memref<1x128xf32, #tpu.memory_space<vmem>>, vector<1x128xf32>
    %get3A_17 = arith.constant 0 : index
    %get3A_18 = arith.constant 0 : index
    %get3A_19 = vector.load %arg7[%get3A_17, %get3A_18] : memref<128x128xf32, #tpu.memory_space<vmem>>, vector<128x128xf32>
    %get3A_20 = arith.constant 0 : index
    %get3A_21 = arith.constant 0 : index
    %get3A_22 = vector.load %arg8[%get3A_20, %get3A_21] : memref<1x128xf32, #tpu.memory_space<vmem>>, vector<1x128xf32>
    %get3A_23 = arith.constant 0 : index
    %get3A_24 = arith.constant 0 : index
    %get3A_25 = vector.load %arg9[%get3A_23, %get3A_24] : memref<128x128xf32, #tpu.memory_space<vmem>>, vector<128x128xf32>
    %get3A_26 = arith.constant 0 : index
    %get3A_27 = arith.constant 0 : index
    %get3A_28 = vector.load %arg10[%get3A_26, %get3A_27] : memref<1x128xf32, #tpu.memory_space<vmem>>, vector<1x128xf32>
    %dot_general3A = arith.constant dense<0.000000e+00> : vector<400x128xf32>
    %dot_general3A_29 = tpu.matmul %get3A_4, %get3A_7, %dot_general3A {dimension_numbers = #tpu.dot_dimension_numbers<[1], [0], [0], [1], [0, 0, 1, 1], [], []>, transpose_lhs_hint = false} : vector<400x128xf32>, vector<128x128xf32>, vector<400x128xf32> -> vector<400x128xf32>
    %add3A = vector.broadcast %get3A_10 : vector<1x128xf32> to vector<400x128xf32>
    %add3A_30 = arith.addf %dot_general3A_29, %add3A : vector<400x128xf32>
    %dot_general3A_31 = arith.constant dense<0.000000e+00> : vector<12800x128xf32>
    %dot_general3A_32 = tpu.matmul %get3A_1, %get3A_13, %dot_general3A_31 {dimension_numbers = #tpu.dot_dimension_numbers<[1], [0], [0], [1], [0, 0, 1, 1], [], []>, transpose_lhs_hint = false} : vector<12800x128xf32>, vector<128x128xf32>, vector<12800x128xf32> -> vector<12800x128xf32>
    %add3A_33 = vector.broadcast %get3A_16 : vector<1x128xf32> to vector<12800x128xf32>
    %add3A_34 = arith.addf %dot_general3A_32, %add3A_33 : vector<12800x128xf32>
    %dot_general3A_35 = arith.constant dense<0.000000e+00> : vector<12800x128xf32>
    %dot_general3A_36 = tpu.matmul %get3A_1, %get3A_19, %dot_general3A_35 {dimension_numbers = #tpu.dot_dimension_numbers<[1], [0], [0], [1], [0, 0, 1, 1], [], []>, transpose_lhs_hint = false} : vector<12800x128xf32>, vector<128x128xf32>, vector<12800x128xf32> -> vector<12800x128xf32>
    %add3A_37 = vector.broadcast %get3A_22 : vector<1x128xf32> to vector<12800x128xf32>
    %add3A_38 = arith.addf %dot_general3A_36, %add3A_37 : vector<12800x128xf32>
    %broadcast_in_dim3A = vector.shape_cast %add3A_30 : vector<400x128xf32> to vector<400x1x128xf32>
    %broadcast_in_dim3A_39 = vector.shape_cast %broadcast_in_dim3A : vector<400x1x128xf32> to vector<400x1x128xf32>
    %broadcast_in_dim3A_40 = vector.broadcast %broadcast_in_dim3A_39 : vector<400x1x128xf32> to vector<400x32x128xf32>
    %reshape3A = vector.shape_cast %broadcast_in_dim3A_40 : vector<400x32x128xf32> to vector<12800x128xf32>
    %mul3A = arith.mulf %reshape3A, %add3A_34 : vector<12800x128xf32>
    %iota3A = tpu.iota {dimensions = array<i32: 0>} : vector<128x128xi32>
    %iota3A_41 = tpu.iota {dimensions = array<i32: 1>} : vector<128x128xi32>
    %jit3A = arith.constant 32 : i32
    %div3A = vector.broadcast %jit3A : i32 to vector<128x128xi32>
    %div3A_42 = arith.divsi %iota3A, %div3A : vector<128x128xi32>
    %sign3A = arith.constant 0 : i32
    %sign3A_43 = vector.broadcast %sign3A : i32 to vector<128x128xi32>
    %sign3A_44 = arith.cmpi sgt, %iota3A, %sign3A_43 : vector<128x128xi32>
    %sign3A_45 = arith.extui %sign3A_44 : vector<128x128xi1> to vector<128x128xi32>
    %sign3A_46 = arith.constant 0 : i32
    %sign3A_47 = vector.broadcast %sign3A_46 : i32 to vector<128x128xi32>
    %sign3A_48 = arith.cmpi slt, %iota3A, %sign3A_47 : vector<128x128xi32>
    %sign3A_49 = arith.extui %sign3A_48 : vector<128x128xi1> to vector<128x128xi32>
    %sign3A_50 = arith.subi %sign3A_45, %sign3A_49 : vector<128x128xi32>
    %sign3A_51 = arith.constant 0 : i32
    %sign3A_52 = arith.cmpi sgt, %jit3A, %sign3A_51 : i32
    %sign3A_53 = arith.extui %sign3A_52 : i1 to i32
    %sign3A_54 = arith.constant 0 : i32
    %sign3A_55 = arith.cmpi slt, %jit3A, %sign3A_54 : i32
    %sign3A_56 = arith.extui %sign3A_55 : i1 to i32
    %sign3A_57 = arith.subi %sign3A_53, %sign3A_56 : i32
    %ne3A = vector.broadcast %sign3A_57 : i32 to vector<128x128xi32>
    %ne3A_58 = arith.cmpi ne, %sign3A_50, %ne3A : vector<128x128xi32>
    %rem3A = vector.broadcast %jit3A : i32 to vector<128x128xi32>
    %rem3A_59 = arith.remsi %iota3A, %rem3A : vector<128x128xi32>
    %ne3A_60 = arith.constant 0 : i32
    %ne3A_61 = vector.broadcast %ne3A_60 : i32 to vector<128x128xi32>
    %ne3A_62 = arith.cmpi ne, %rem3A_59, %ne3A_61 : vector<128x128xi32>
    %and3A = arith.andi %ne3A_58, %ne3A_62 : vector<128x128xi1>
    %sub3A = arith.constant 1 : i32
    %sub3A_63 = vector.broadcast %sub3A : i32 to vector<128x128xi32>
    %sub3A_64 = arith.subi %div3A_42, %sub3A_63 : vector<128x128xi32>
    %select_n3A = arith.select %and3A, %sub3A_64, %div3A_42 : vector<128x128xi1>, vector<128x128xi32>
    %jit3A_65 = arith.constant 32 : i32
    %div3A_66 = vector.broadcast %jit3A_65 : i32 to vector<128x128xi32>
    %div3A_67 = arith.divsi %iota3A_41, %div3A_66 : vector<128x128xi32>
    %sign3A_68 = arith.constant 0 : i32
    %sign3A_69 = vector.broadcast %sign3A_68 : i32 to vector<128x128xi32>
    %sign3A_70 = arith.cmpi sgt, %iota3A_41, %sign3A_69 : vector<128x128xi32>
    %sign3A_71 = arith.extui %sign3A_70 : vector<128x128xi1> to vector<128x128xi32>
    %sign3A_72 = arith.constant 0 : i32
    %sign3A_73 = vector.broadcast %sign3A_72 : i32 to vector<128x128xi32>
    %sign3A_74 = arith.cmpi slt, %iota3A_41, %sign3A_73 : vector<128x128xi32>
    %sign3A_75 = arith.extui %sign3A_74 : vector<128x128xi1> to vector<128x128xi32>
    %sign3A_76 = arith.subi %sign3A_71, %sign3A_75 : vector<128x128xi32>
    %sign3A_77 = arith.constant 0 : i32
    %sign3A_78 = arith.cmpi sgt, %jit3A_65, %sign3A_77 : i32
    %sign3A_79 = arith.extui %sign3A_78 : i1 to i32
    %sign3A_80 = arith.constant 0 : i32
    %sign3A_81 = arith.cmpi slt, %jit3A_65, %sign3A_80 : i32
    %sign3A_82 = arith.extui %sign3A_81 : i1 to i32
    %sign3A_83 = arith.subi %sign3A_79, %sign3A_82 : i32
    %ne3A_84 = vector.broadcast %sign3A_83 : i32 to vector<128x128xi32>
    %ne3A_85 = arith.cmpi ne, %sign3A_76, %ne3A_84 : vector<128x128xi32>
    %rem3A_86 = vector.broadcast %jit3A_65 : i32 to vector<128x128xi32>
    %rem3A_87 = arith.remsi %iota3A_41, %rem3A_86 : vector<128x128xi32>
    %ne3A_88 = arith.constant 0 : i32
    %ne3A_89 = vector.broadcast %ne3A_88 : i32 to vector<128x128xi32>
    %ne3A_90 = arith.cmpi ne, %rem3A_87, %ne3A_89 : vector<128x128xi32>
    %and3A_91 = arith.andi %ne3A_85, %ne3A_90 : vector<128x128xi1>
    %sub3A_92 = arith.constant 1 : i32
    %sub3A_93 = vector.broadcast %sub3A_92 : i32 to vector<128x128xi32>
    %sub3A_94 = arith.subi %div3A_67, %sub3A_93 : vector<128x128xi32>
    %select_n3A_95 = arith.select %and3A_91, %sub3A_94, %div3A_67 : vector<128x128xi1>, vector<128x128xi32>
    %eq3A = arith.cmpi eq, %select_n3A, %select_n3A_95 : vector<128x128xi32>
    %jit3A_96 = arith.constant 1.000000e+00 : f32
    %jit3A_97 = arith.constant 0.000000e+00 : f32
    %broadcast_in_dim3A_98 = vector.broadcast %jit3A_96 : f32 to vector<128x128xf32>
    %broadcast_in_dim3A_99 = vector.broadcast %jit3A_97 : f32 to vector<128x128xf32>
    %select_n3A_100 = arith.select %eq3A, %broadcast_in_dim3A_98, %broadcast_in_dim3A_99 : vector<128x128xi1>, vector<128x128xf32>
    %dot_general3A_101 = arith.constant dense<0.000000e+00> : vector<12800x128xf32>
    %dot_general3A_102 = tpu.matmul %mul3A, %select_n3A_100, %dot_general3A_101 {dimension_numbers = #tpu.dot_dimension_numbers<[1], [0], [0], [1], [0, 0, 1, 1], [], []>, transpose_lhs_hint = false} : vector<12800x128xf32>, vector<128x128xf32>, vector<12800x128xf32> -> vector<12800x128xf32>
    %mul3A_103 = arith.constant 0.176776692 : f32
    %mul3A_104 = vector.broadcast %mul3A_103 : f32 to vector<12800x128xf32>
    %mul3A_105 = arith.mulf %dot_general3A_102, %mul3A_104 : vector<12800x128xf32>
    %exp3A = math.exp %mul3A_105 : vector<12800x128xf32>
    %mul3A_106 = arith.mulf %exp3A, %add3A_38 : vector<12800x128xf32>
    %reshape3A_107 = vector.shape_cast %mul3A_106 : vector<12800x128xf32> to vector<400x32x128xf32>
    %reduce_sum3A = arith.constant dense<0.000000e+00> : vector<400x128xf32>
    %reduce_sum3A_108 = vector.multi_reduction <add>, %reshape3A_107, %reduce_sum3A [1] : vector<400x32x128xf32> to vector<400x128xf32>
    %reshape3A_109 = vector.shape_cast %exp3A : vector<12800x128xf32> to vector<400x32x128xf32>
    %reduce_sum3A_110 = arith.constant dense<0.000000e+00> : vector<400x128xf32>
    %reduce_sum3A_111 = vector.multi_reduction <add>, %reshape3A_109, %reduce_sum3A_110 [1] : vector<400x32x128xf32> to vector<400x128xf32>
    %div3A_112 = arith.divf %reduce_sum3A_108, %reduce_sum3A_111 : vector<400x128xf32>
    %dot_general3A_113 = arith.constant dense<0.000000e+00> : vector<400x128xf32>
    %dot_general3A_114 = tpu.matmul %div3A_112, %get3A_25, %dot_general3A_113 {dimension_numbers = #tpu.dot_dimension_numbers<[1], [0], [0], [1], [0, 0, 1, 1], [], []>, transpose_lhs_hint = false} : vector<400x128xf32>, vector<128x128xf32>, vector<400x128xf32> -> vector<400x128xf32>
    %add3A_115 = vector.broadcast %get3A_28 : vector<1x128xf32> to vector<400x128xf32>
    %add3A_116 = arith.addf %dot_general3A_114, %add3A_115 : vector<400x128xf32>
    %add3A_117 = arith.addf %add3A_116, %get3A_4 : vector<400x128xf32>
    %swap3A = arith.constant 0 : index
    %swap3A_118 = arith.constant 0 : index
    %swap3A_119 = vector.load %arg11[%swap3A, %swap3A_118] : memref<400x128xf32, #tpu.memory_space<vmem>>, vector<400x128xf32>
    tpu.vector_store %arg11[%swap3A, %swap3A_118], %add3A_117 {strides = array<i32>} : memref<400x128xf32, #tpu.memory_space<vmem>>, vector<400x128xf32>,
    %convert_element_type3A = arith.truncf %get3A_1 : vector<12800x128xf32> to vector<12800x128xbf16>
    %swap3A_120 = arith.constant 0 : index
    %swap3A_121 = arith.constant 0 : index
    %swap3A_122 = vector.load %arg12[%swap3A_120, %swap3A_121] : memref<12800x128xbf16, #tpu.memory_space<vmem>>, vector<12800x128xbf16>
    tpu.vector_store %arg12[%swap3A_120, %swap3A_121], %convert_element_type3A {strides = array<i32>} : memref<12800x128xbf16, #tpu.memory_space<vmem>>, vector<12800x128xbf16>,
    return
  }
  func.func @transform_0(%arg0: i32) -> (i32, i32) {
    %c0_i32 = arith.constant 0 : i32
    %c0_i32_0 = arith.constant 0 : i32
    return %arg0, %c0_i32 : i32, i32
  }
  func.func @transform_1(%arg0: i32) -> (i32, i32) {
    %c0_i32 = arith.constant 0 : i32
    %c0_i32_0 = arith.constant 0 : i32
    return %arg0, %c0_i32 : i32, i32
  }
  func.func @transform_2(%arg0: i32) -> (i32, i32) {
    %c0_i32 = arith.constant 0 : i32
    %c0_i32_0 = arith.constant 0 : i32
    %c0_i32_1 = arith.constant 0 : i32
    return %c0_i32, %c0_i32_0 : i32, i32
  }
  func.func @transform_3(%arg0: i32) -> (i32, i32) {
    %c0_i32 = arith.constant 0 : i32
    %c0_i32_0 = arith.constant 0 : i32
    %c0_i32_1 = arith.constant 0 : i32
    return %c0_i32, %c0_i32_0 : i32, i32
  }
  func.func @transform_4(%arg0: i32) -> (i32, i32) {
    %c0_i32 = arith.constant 0 : i32
    %c0_i32_0 = arith.constant 0 : i32
    %c0_i32_1 = arith.constant 0 : i32
    return %c0_i32, %c0_i32_0 : i32, i32
  }
  func.func @transform_5(%arg0: i32) -> (i32, i32) {
    %c0_i32 = arith.constant 0 : i32
    %c0_i32_0 = arith.constant 0 : i32
    %c0_i32_1 = arith.constant 0 : i32
    return %c0_i32, %c0_i32_0 : i32, i32
  }
  func.func @transform_6(%arg0: i32) -> (i32, i32) {
    %c0_i32 = arith.constant 0 : i32
    %c0_i32_0 = arith.constant 0 : i32
    %c0_i32_1 = arith.constant 0 : i32
    return %c0_i32, %c0_i32_0 : i32, i32
  }
  func.func @transform_7(%arg0: i32) -> (i32, i32) {
    %c0_i32 = arith.constant 0 : i32
    %c0_i32_0 = arith.constant 0 : i32
    %c0_i32_1 = arith.constant 0 : i32
    return %c0_i32, %c0_i32_0 : i32, i32
  }
  func.func @transform_8(%arg0: i32) -> (i32, i32) {
    %c0_i32 = arith.constant 0 : i32
    %c0_i32_0 = arith.constant 0 : i32
    %c0_i32_1 = arith.constant 0 : i32
    return %c0_i32, %c0_i32_0 : i32, i32
  }
  func.func @transform_9(%arg0: i32) -> (i32, i32) {
    %c0_i32 = arith.constant 0 : i32
    %c0_i32_0 = arith.constant 0 : i32
    %c0_i32_1 = arith.constant 0 : i32
    return %c0_i32, %c0_i32_0 : i32, i32
  }
  func.func @transform_10(%arg0: i32) -> (i32, i32) {
    %c0_i32 = arith.constant 0 : i32
    %c0_i32_0 = arith.constant 0 : i32
    return %arg0, %c0_i32 : i32, i32
  }
  func.func @transform_11(%arg0: i32) -> (i32, i32) {
    %c0_i32 = arith.constant 0 : i32
    %c0_i32_0 = arith.constant 0 : i32
    return %arg0, %c0_i32 : i32, i32
  }
}

module attributes {stable_mosaic.version = 14 : i64} {
  func.func @_p2_body(%arg0: i32, %arg1: memref<6400x128xbf16, #tpu.memory_space<vmem>>, %arg2: memref<6400x128xf32, #tpu.memory_space<vmem>>, %arg3: memref<200x128xf32, #tpu.memory_space<vmem>>, %arg4: memref<128x128xf32, #tpu.memory_space<vmem>>, %arg5: memref<1x128xf32, #tpu.memory_space<vmem>>, %arg6: memref<128x128xf32, #tpu.memory_space<vmem>>, %arg7: memref<1x128xf32, #tpu.memory_space<vmem>>, %arg8: memref<128x128xf32, #tpu.memory_space<vmem>>, %arg9: memref<1x128xf32, #tpu.memory_space<vmem>>, %arg10: memref<128x128xf32, #tpu.memory_space<vmem>>, %arg11: memref<1x128xf32, #tpu.memory_space<vmem>>, %arg12: memref<128x128xf32, #tpu.memory_space<vmem>>, %arg13: memref<1x128xf32, #tpu.memory_space<vmem>>, %arg14: memref<6400x128xbf16, #tpu.memory_space<vmem>>, %arg15: memref<200x128xf32, #tpu.memory_space<vmem>>) attributes {dimension_semantics = [#tpu.dimension_semantics<arbitrary>], iteration_bounds = array<i64: 10>, scalar_prefetch = 0 : i64, scratch_operands = 0 : i64, tpu.core_type = #tpu.core_type<tc>, window_params = [{transform_indices = @transform_0, window_bounds = array<i64: 6400, 128>}, {transform_indices = @transform_1, window_bounds = array<i64: 6400, 128>}, {transform_indices = @transform_2, window_bounds = array<i64: 200, 128>}, {pipeline_mode = #tpu.pipeline_mode<synchronous>, transform_indices = @transform_3, window_bounds = array<i64: 128, 128>}, {pipeline_mode = #tpu.pipeline_mode<synchronous>, transform_indices = @transform_4, window_bounds = array<i64: 1, 128>}, {pipeline_mode = #tpu.pipeline_mode<synchronous>, transform_indices = @transform_5, window_bounds = array<i64: 128, 128>}, {pipeline_mode = #tpu.pipeline_mode<synchronous>, transform_indices = @transform_6, window_bounds = array<i64: 1, 128>}, {pipeline_mode = #tpu.pipeline_mode<synchronous>, transform_indices = @transform_7, window_bounds = array<i64: 128, 128>}, {pipeline_mode = #tpu.pipeline_mode<synchronous>, transform_indices = @transform_8, window_bounds = array<i64: 1, 128>}, {pipeline_mode = #tpu.pipeline_mode<synchronous>, transform_indices = @transform_9, window_bounds = array<i64: 128, 128>}, {pipeline_mode = #tpu.pipeline_mode<synchronous>, transform_indices = @transform_10, window_bounds = array<i64: 1, 128>}, {pipeline_mode = #tpu.pipeline_mode<synchronous>, transform_indices = @transform_11, window_bounds = array<i64: 128, 128>}, {pipeline_mode = #tpu.pipeline_mode<synchronous>, transform_indices = @transform_12, window_bounds = array<i64: 1, 128>}, {transform_indices = @transform_13, window_bounds = array<i64: 6400, 128>}, {transform_indices = @transform_14, window_bounds = array<i64: 200, 128>}]} {
    %get3A = arith.constant 0 : index
    %get3A_0 = arith.constant 0 : index
    %get3A_1 = vector.load %arg1[%get3A, %get3A_0] : memref<6400x128xbf16, #tpu.memory_space<vmem>>, vector<6400x128xbf16>
    %convert_element_type3A = arith.extf %get3A_1 : vector<6400x128xbf16> to vector<6400x128xf32>
    %get3A_2 = arith.constant 0 : index
    %get3A_3 = arith.constant 0 : index
    %get3A_4 = vector.load %arg2[%get3A_2, %get3A_3] : memref<6400x128xf32, #tpu.memory_space<vmem>>, vector<6400x128xf32>
    %slice3A = vector.extract_strided_slice %convert_element_type3A {offsets = [1, 0], sizes = [6399, 128], strides = [1, 1]} : vector<6400x128xf32> to vector<6399x128xf32>
    %slice3A_5 = vector.extract_strided_slice %convert_element_type3A {offsets = [0, 0], sizes = [1, 128], strides = [1, 1]} : vector<6400x128xf32> to vector<1x128xf32>
    %concatenate3A = tpu.concatenate %slice3A, %slice3A_5 in 0 : vector<6399x128xf32>, vector<1x128xf32> -> vector<6400x128xf32>
    %slice3A_6 = vector.extract_strided_slice %convert_element_type3A {offsets = [6399, 0], sizes = [1, 128], strides = [1, 1]} : vector<6400x128xf32> to vector<1x128xf32>
    %slice3A_7 = vector.extract_strided_slice %convert_element_type3A {offsets = [0, 0], sizes = [6399, 128], strides = [1, 1]} : vector<6400x128xf32> to vector<6399x128xf32>
    %concatenate3A_8 = tpu.concatenate %slice3A_6, %slice3A_7 in 0 : vector<1x128xf32>, vector<6399x128xf32> -> vector<6400x128xf32>
    %iota3A = tpu.iota {dimensions = array<i32: 0>} : vector<6400x128xi32>
    %jit3A = arith.constant 2 : i32
    %eq3A = arith.constant 0 : i32
    %eq3A_9 = arith.cmpi eq, %jit3A, %eq3A : i32
    %jit3A_10 = arith.constant 1 : i32
    %select_n3A = arith.select %eq3A_9, %jit3A_10, %jit3A : i32
    %rem3A = vector.broadcast %select_n3A : i32 to vector<6400x128xi32>
    %rem3A_11 = arith.remsi %iota3A, %rem3A : vector<6400x128xi32>
    %ne3A = arith.constant 0 : i32
    %ne3A_12 = vector.broadcast %ne3A : i32 to vector<6400x128xi32>
    %ne3A_13 = arith.cmpi ne, %rem3A_11, %ne3A_12 : vector<6400x128xi32>
    %lt3A = arith.constant 0 : i32
    %lt3A_14 = vector.broadcast %lt3A : i32 to vector<6400x128xi32>
    %lt3A_15 = arith.cmpi slt, %rem3A_11, %lt3A_14 : vector<6400x128xi32>
    %lt3A_16 = arith.constant 0 : i32
    %lt3A_17 = arith.cmpi slt, %select_n3A, %lt3A_16 : i32
    %ne3A_18 = vector.broadcast %lt3A_17 : i1 to vector<6400x128xi1>
    %ne3A_19 = vector.broadcast %ne3A_18 : vector<6400x128xi1> to vector<6400x128xi1>
    %ne3A_20 = arith.xori %lt3A_15, %ne3A_19 : vector<6400x128xi1>
    %and3A = arith.andi %ne3A_20, %ne3A_13 : vector<6400x128xi1>
    %add3A = vector.broadcast %select_n3A : i32 to vector<6400x128xi32>
    %add3A_21 = arith.addi %rem3A_11, %add3A : vector<6400x128xi32>
    %select_n3A_22 = arith.select %and3A, %add3A_21, %rem3A_11 : vector<6400x128xi1>, vector<6400x128xi32>
    %eq3A_23 = arith.constant 0 : i32
    %eq3A_24 = vector.broadcast %eq3A_23 : i32 to vector<6400x128xi32>
    %eq3A_25 = arith.cmpi eq, %select_n3A_22, %eq3A_24 : vector<6400x128xi32>
    %select_n3A_26 = arith.select %eq3A_25, %concatenate3A, %concatenate3A_8 : vector<6400x128xi1>, vector<6400x128xf32>
    %sub3A = arith.subf %get3A_4, %select_n3A_26 : vector<6400x128xf32>
    %get3A_27 = arith.constant 0 : index
    %get3A_28 = arith.constant 0 : index
    %get3A_29 = vector.load %arg12[%get3A_27, %get3A_28] : memref<128x128xf32, #tpu.memory_space<vmem>>, vector<128x128xf32>
    %dot_general3A = arith.constant dense<0.000000e+00> : vector<6400x128xf32>
    %dot_general3A_30 = tpu.matmul %sub3A, %get3A_29, %dot_general3A {dimension_numbers = #tpu.dot_dimension_numbers<[1], [0], [0], [1], [0, 0, 1, 1], [], []>, transpose_lhs_hint = false} : vector<6400x128xf32>, vector<128x128xf32>, vector<6400x128xf32> -> vector<6400x128xf32>
    %add3A_31 = arith.addf %convert_element_type3A, %dot_general3A_30 : vector<6400x128xf32>
    %get3A_32 = arith.constant 0 : index
    %get3A_33 = arith.constant 0 : index
    %get3A_34 = vector.load %arg13[%get3A_32, %get3A_33] : memref<1x128xf32, #tpu.memory_space<vmem>>, vector<1x128xf32>
    %add3A_35 = vector.broadcast %get3A_34 : vector<1x128xf32> to vector<6400x128xf32>
    %add3A_36 = arith.addf %add3A_31, %add3A_35 : vector<6400x128xf32>
    %max3A = arith.constant 0.000000e+00 : f32
    %max3A_37 = vector.broadcast %max3A : f32 to vector<6400x128xf32>
    %max3A_38 = arith.maximumf %add3A_36, %max3A_37 : vector<6400x128xf32>
    %convert_element_type3A_39 = arith.truncf %max3A_38 : vector<6400x128xf32> to vector<6400x128xbf16>
    %swap3A = arith.constant 0 : index
    %swap3A_40 = arith.constant 0 : index
    %swap3A_41 = vector.load %arg14[%swap3A, %swap3A_40] : memref<6400x128xbf16, #tpu.memory_space<vmem>>, vector<6400x128xbf16>
    tpu.vector_store %arg14[%swap3A, %swap3A_40], %convert_element_type3A_39 {strides = array<i32>} : memref<6400x128xbf16, #tpu.memory_space<vmem>>, vector<6400x128xbf16>,
    %get3A_42 = arith.constant 0 : index
    %get3A_43 = arith.constant 0 : index
    %get3A_44 = vector.load %arg3[%get3A_42, %get3A_43] : memref<200x128xf32, #tpu.memory_space<vmem>>, vector<200x128xf32>
    %get3A_45 = arith.constant 0 : index
    %get3A_46 = arith.constant 0 : index
    %get3A_47 = vector.load %arg4[%get3A_45, %get3A_46] : memref<128x128xf32, #tpu.memory_space<vmem>>, vector<128x128xf32>
    %get3A_48 = arith.constant 0 : index
    %get3A_49 = arith.constant 0 : index
    %get3A_50 = vector.load %arg5[%get3A_48, %get3A_49] : memref<1x128xf32, #tpu.memory_space<vmem>>, vector<1x128xf32>
    %get3A_51 = arith.constant 0 : index
    %get3A_52 = arith.constant 0 : index
    %get3A_53 = vector.load %arg6[%get3A_51, %get3A_52] : memref<128x128xf32, #tpu.memory_space<vmem>>, vector<128x128xf32>
    %get3A_54 = arith.constant 0 : index
    %get3A_55 = arith.constant 0 : index
    %get3A_56 = vector.load %arg7[%get3A_54, %get3A_55] : memref<1x128xf32, #tpu.memory_space<vmem>>, vector<1x128xf32>
    %get3A_57 = arith.constant 0 : index
    %get3A_58 = arith.constant 0 : index
    %get3A_59 = vector.load %arg8[%get3A_57, %get3A_58] : memref<128x128xf32, #tpu.memory_space<vmem>>, vector<128x128xf32>
    %get3A_60 = arith.constant 0 : index
    %get3A_61 = arith.constant 0 : index
    %get3A_62 = vector.load %arg9[%get3A_60, %get3A_61] : memref<1x128xf32, #tpu.memory_space<vmem>>, vector<1x128xf32>
    %get3A_63 = arith.constant 0 : index
    %get3A_64 = arith.constant 0 : index
    %get3A_65 = vector.load %arg10[%get3A_63, %get3A_64] : memref<128x128xf32, #tpu.memory_space<vmem>>, vector<128x128xf32>
    %get3A_66 = arith.constant 0 : index
    %get3A_67 = arith.constant 0 : index
    %get3A_68 = vector.load %arg11[%get3A_66, %get3A_67] : memref<1x128xf32, #tpu.memory_space<vmem>>, vector<1x128xf32>
    %dot_general3A_69 = arith.constant dense<0.000000e+00> : vector<200x128xf32>
    %dot_general3A_70 = tpu.matmul %get3A_44, %get3A_47, %dot_general3A_69 {dimension_numbers = #tpu.dot_dimension_numbers<[1], [0], [0], [1], [0, 0, 1, 1], [], []>, transpose_lhs_hint = false} : vector<200x128xf32>, vector<128x128xf32>, vector<200x128xf32> -> vector<200x128xf32>
    %add3A_71 = vector.broadcast %get3A_50 : vector<1x128xf32> to vector<200x128xf32>
    %add3A_72 = arith.addf %dot_general3A_70, %add3A_71 : vector<200x128xf32>
    %dot_general3A_73 = arith.constant dense<0.000000e+00> : vector<6400x128xf32>
    %dot_general3A_74 = tpu.matmul %max3A_38, %get3A_53, %dot_general3A_73 {dimension_numbers = #tpu.dot_dimension_numbers<[1], [0], [0], [1], [0, 0, 1, 1], [], []>, transpose_lhs_hint = false} : vector<6400x128xf32>, vector<128x128xf32>, vector<6400x128xf32> -> vector<6400x128xf32>
    %add3A_75 = vector.broadcast %get3A_56 : vector<1x128xf32> to vector<6400x128xf32>
    %add3A_76 = arith.addf %dot_general3A_74, %add3A_75 : vector<6400x128xf32>
    %dot_general3A_77 = arith.constant dense<0.000000e+00> : vector<6400x128xf32>
    %dot_general3A_78 = tpu.matmul %max3A_38, %get3A_59, %dot_general3A_77 {dimension_numbers = #tpu.dot_dimension_numbers<[1], [0], [0], [1], [0, 0, 1, 1], [], []>, transpose_lhs_hint = false} : vector<6400x128xf32>, vector<128x128xf32>, vector<6400x128xf32> -> vector<6400x128xf32>
    %add3A_79 = vector.broadcast %get3A_62 : vector<1x128xf32> to vector<6400x128xf32>
    %add3A_80 = arith.addf %dot_general3A_78, %add3A_79 : vector<6400x128xf32>
    %broadcast_in_dim3A = vector.shape_cast %add3A_72 : vector<200x128xf32> to vector<200x1x128xf32>
    %broadcast_in_dim3A_81 = vector.shape_cast %broadcast_in_dim3A : vector<200x1x128xf32> to vector<200x1x128xf32>
    %broadcast_in_dim3A_82 = vector.broadcast %broadcast_in_dim3A_81 : vector<200x1x128xf32> to vector<200x32x128xf32>
    %reshape3A = vector.shape_cast %broadcast_in_dim3A_82 : vector<200x32x128xf32> to vector<6400x128xf32>
    %mul3A = arith.mulf %reshape3A, %add3A_76 : vector<6400x128xf32>
    %iota3A_83 = tpu.iota {dimensions = array<i32: 0>} : vector<128x128xi32>
    %iota3A_84 = tpu.iota {dimensions = array<i32: 1>} : vector<128x128xi32>
    %jit3A_85 = arith.constant 32 : i32
    %div3A = vector.broadcast %jit3A_85 : i32 to vector<128x128xi32>
    %div3A_86 = arith.divsi %iota3A_83, %div3A : vector<128x128xi32>
    %sign3A = arith.constant 0 : i32
    %sign3A_87 = vector.broadcast %sign3A : i32 to vector<128x128xi32>
    %sign3A_88 = arith.cmpi sgt, %iota3A_83, %sign3A_87 : vector<128x128xi32>
    %sign3A_89 = arith.extui %sign3A_88 : vector<128x128xi1> to vector<128x128xi32>
    %sign3A_90 = arith.constant 0 : i32
    %sign3A_91 = vector.broadcast %sign3A_90 : i32 to vector<128x128xi32>
    %sign3A_92 = arith.cmpi slt, %iota3A_83, %sign3A_91 : vector<128x128xi32>
    %sign3A_93 = arith.extui %sign3A_92 : vector<128x128xi1> to vector<128x128xi32>
    %sign3A_94 = arith.subi %sign3A_89, %sign3A_93 : vector<128x128xi32>
    %sign3A_95 = arith.constant 0 : i32
    %sign3A_96 = arith.cmpi sgt, %jit3A_85, %sign3A_95 : i32
    %sign3A_97 = arith.extui %sign3A_96 : i1 to i32
    %sign3A_98 = arith.constant 0 : i32
    %sign3A_99 = arith.cmpi slt, %jit3A_85, %sign3A_98 : i32
    %sign3A_100 = arith.extui %sign3A_99 : i1 to i32
    %sign3A_101 = arith.subi %sign3A_97, %sign3A_100 : i32
    %ne3A_102 = vector.broadcast %sign3A_101 : i32 to vector<128x128xi32>
    %ne3A_103 = arith.cmpi ne, %sign3A_94, %ne3A_102 : vector<128x128xi32>
    %rem3A_104 = vector.broadcast %jit3A_85 : i32 to vector<128x128xi32>
    %rem3A_105 = arith.remsi %iota3A_83, %rem3A_104 : vector<128x128xi32>
    %ne3A_106 = arith.constant 0 : i32
    %ne3A_107 = vector.broadcast %ne3A_106 : i32 to vector<128x128xi32>
    %ne3A_108 = arith.cmpi ne, %rem3A_105, %ne3A_107 : vector<128x128xi32>
    %and3A_109 = arith.andi %ne3A_103, %ne3A_108 : vector<128x128xi1>
    %sub3A_110 = arith.constant 1 : i32
    %sub3A_111 = vector.broadcast %sub3A_110 : i32 to vector<128x128xi32>
    %sub3A_112 = arith.subi %div3A_86, %sub3A_111 : vector<128x128xi32>
    %select_n3A_113 = arith.select %and3A_109, %sub3A_112, %div3A_86 : vector<128x128xi1>, vector<128x128xi32>
    %jit3A_114 = arith.constant 32 : i32
    %div3A_115 = vector.broadcast %jit3A_114 : i32 to vector<128x128xi32>
    %div3A_116 = arith.divsi %iota3A_84, %div3A_115 : vector<128x128xi32>
    %sign3A_117 = arith.constant 0 : i32
    %sign3A_118 = vector.broadcast %sign3A_117 : i32 to vector<128x128xi32>
    %sign3A_119 = arith.cmpi sgt, %iota3A_84, %sign3A_118 : vector<128x128xi32>
    %sign3A_120 = arith.extui %sign3A_119 : vector<128x128xi1> to vector<128x128xi32>
    %sign3A_121 = arith.constant 0 : i32
    %sign3A_122 = vector.broadcast %sign3A_121 : i32 to vector<128x128xi32>
    %sign3A_123 = arith.cmpi slt, %iota3A_84, %sign3A_122 : vector<128x128xi32>
    %sign3A_124 = arith.extui %sign3A_123 : vector<128x128xi1> to vector<128x128xi32>
    %sign3A_125 = arith.subi %sign3A_120, %sign3A_124 : vector<128x128xi32>
    %sign3A_126 = arith.constant 0 : i32
    %sign3A_127 = arith.cmpi sgt, %jit3A_114, %sign3A_126 : i32
    %sign3A_128 = arith.extui %sign3A_127 : i1 to i32
    %sign3A_129 = arith.constant 0 : i32
    %sign3A_130 = arith.cmpi slt, %jit3A_114, %sign3A_129 : i32
    %sign3A_131 = arith.extui %sign3A_130 : i1 to i32
    %sign3A_132 = arith.subi %sign3A_128, %sign3A_131 : i32
    %ne3A_133 = vector.broadcast %sign3A_132 : i32 to vector<128x128xi32>
    %ne3A_134 = arith.cmpi ne, %sign3A_125, %ne3A_133 : vector<128x128xi32>
    %rem3A_135 = vector.broadcast %jit3A_114 : i32 to vector<128x128xi32>
    %rem3A_136 = arith.remsi %iota3A_84, %rem3A_135 : vector<128x128xi32>
    %ne3A_137 = arith.constant 0 : i32
    %ne3A_138 = vector.broadcast %ne3A_137 : i32 to vector<128x128xi32>
    %ne3A_139 = arith.cmpi ne, %rem3A_136, %ne3A_138 : vector<128x128xi32>
    %and3A_140 = arith.andi %ne3A_134, %ne3A_139 : vector<128x128xi1>
    %sub3A_141 = arith.constant 1 : i32
    %sub3A_142 = vector.broadcast %sub3A_141 : i32 to vector<128x128xi32>
    %sub3A_143 = arith.subi %div3A_116, %sub3A_142 : vector<128x128xi32>
    %select_n3A_144 = arith.select %and3A_140, %sub3A_143, %div3A_116 : vector<128x128xi1>, vector<128x128xi32>
    %eq3A_145 = arith.cmpi eq, %select_n3A_113, %select_n3A_144 : vector<128x128xi32>
    %jit3A_146 = arith.constant 1.000000e+00 : f32
    %jit3A_147 = arith.constant 0.000000e+00 : f32
    %broadcast_in_dim3A_148 = vector.broadcast %jit3A_146 : f32 to vector<128x128xf32>
    %broadcast_in_dim3A_149 = vector.broadcast %jit3A_147 : f32 to vector<128x128xf32>
    %select_n3A_150 = arith.select %eq3A_145, %broadcast_in_dim3A_148, %broadcast_in_dim3A_149 : vector<128x128xi1>, vector<128x128xf32>
    %dot_general3A_151 = arith.constant dense<0.000000e+00> : vector<6400x128xf32>
    %dot_general3A_152 = tpu.matmul %mul3A, %select_n3A_150, %dot_general3A_151 {dimension_numbers = #tpu.dot_dimension_numbers<[1], [0], [0], [1], [0, 0, 1, 1], [], []>, transpose_lhs_hint = false} : vector<6400x128xf32>, vector<128x128xf32>, vector<6400x128xf32> -> vector<6400x128xf32>
    %mul3A_153 = arith.constant 0.176776692 : f32
    %mul3A_154 = vector.broadcast %mul3A_153 : f32 to vector<6400x128xf32>
    %mul3A_155 = arith.mulf %dot_general3A_152, %mul3A_154 : vector<6400x128xf32>
    %exp3A = math.exp %mul3A_155 : vector<6400x128xf32>
    %mul3A_156 = arith.mulf %exp3A, %add3A_80 : vector<6400x128xf32>
    %reshape3A_157 = vector.shape_cast %mul3A_156 : vector<6400x128xf32> to vector<200x32x128xf32>
    %reduce_sum3A = arith.constant dense<0.000000e+00> : vector<200x128xf32>
    %reduce_sum3A_158 = vector.multi_reduction <add>, %reshape3A_157, %reduce_sum3A [1] : vector<200x32x128xf32> to vector<200x128xf32>
    %reshape3A_159 = vector.shape_cast %exp3A : vector<6400x128xf32> to vector<200x32x128xf32>
    %reduce_sum3A_160 = arith.constant dense<0.000000e+00> : vector<200x128xf32>
    %reduce_sum3A_161 = vector.multi_reduction <add>, %reshape3A_159, %reduce_sum3A_160 [1] : vector<200x32x128xf32> to vector<200x128xf32>
    %div3A_162 = arith.divf %reduce_sum3A_158, %reduce_sum3A_161 : vector<200x128xf32>
    %dot_general3A_163 = arith.constant dense<0.000000e+00> : vector<200x128xf32>
    %dot_general3A_164 = tpu.matmul %div3A_162, %get3A_65, %dot_general3A_163 {dimension_numbers = #tpu.dot_dimension_numbers<[1], [0], [0], [1], [0, 0, 1, 1], [], []>, transpose_lhs_hint = false} : vector<200x128xf32>, vector<128x128xf32>, vector<200x128xf32> -> vector<200x128xf32>
    %add3A_165 = vector.broadcast %get3A_68 : vector<1x128xf32> to vector<200x128xf32>
    %add3A_166 = arith.addf %dot_general3A_164, %add3A_165 : vector<200x128xf32>
    %add3A_167 = arith.addf %add3A_166, %get3A_44 : vector<200x128xf32>
    %swap3A_168 = arith.constant 0 : index
    %swap3A_169 = arith.constant 0 : index
    %swap3A_170 = vector.load %arg15[%swap3A_168, %swap3A_169] : memref<200x128xf32, #tpu.memory_space<vmem>>, vector<200x128xf32>
    tpu.vector_store %arg15[%swap3A_168, %swap3A_169], %add3A_167 {strides = array<i32>} : memref<200x128xf32, #tpu.memory_space<vmem>>, vector<200x128xf32>,
    return
  }
  func.func @transform_0(%arg0: i32) -> (i32, i32) {
    %add3A = arith.constant 20 : i32
    %add3A_0 = arith.addi %arg0, %add3A : i32
    %c0_i32 = arith.constant 0 : i32
    %c0_i32_1 = arith.constant 0 : i32
    return %add3A_0, %c0_i32 : i32, i32
  }
  func.func @transform_1(%arg0: i32) -> (i32, i32) {
    %c0_i32 = arith.constant 0 : i32
    %c0_i32_0 = arith.constant 0 : i32
    return %arg0, %c0_i32 : i32, i32
  }
  func.func @transform_2(%arg0: i32) -> (i32, i32) {
    %add3A = arith.constant 20 : i32
    %add3A_0 = arith.addi %arg0, %add3A : i32
    %c0_i32 = arith.constant 0 : i32
    %c0_i32_1 = arith.constant 0 : i32
    return %add3A_0, %c0_i32 : i32, i32
  }
  func.func @transform_3(%arg0: i32) -> (i32, i32) {
    %c0_i32 = arith.constant 0 : i32
    %c0_i32_0 = arith.constant 0 : i32
    %c0_i32_1 = arith.constant 0 : i32
    return %c0_i32, %c0_i32_0 : i32, i32
  }
  func.func @transform_4(%arg0: i32) -> (i32, i32) {
    %c0_i32 = arith.constant 0 : i32
    %c0_i32_0 = arith.constant 0 : i32
    %c0_i32_1 = arith.constant 0 : i32
    return %c0_i32, %c0_i32_0 : i32, i32
  }
  func.func @transform_5(%arg0: i32) -> (i32, i32) {
    %c0_i32 = arith.constant 0 : i32
    %c0_i32_0 = arith.constant 0 : i32
    %c0_i32_1 = arith.constant 0 : i32
    return %c0_i32, %c0_i32_0 : i32, i32
  }
  func.func @transform_6(%arg0: i32) -> (i32, i32) {
    %c0_i32 = arith.constant 0 : i32
    %c0_i32_0 = arith.constant 0 : i32
    %c0_i32_1 = arith.constant 0 : i32
    return %c0_i32, %c0_i32_0 : i32, i32
  }
  func.func @transform_7(%arg0: i32) -> (i32, i32) {
    %c0_i32 = arith.constant 0 : i32
    %c0_i32_0 = arith.constant 0 : i32
    %c0_i32_1 = arith.constant 0 : i32
    return %c0_i32, %c0_i32_0 : i32, i32
  }
  func.func @transform_8(%arg0: i32) -> (i32, i32) {
    %c0_i32 = arith.constant 0 : i32
    %c0_i32_0 = arith.constant 0 : i32
    %c0_i32_1 = arith.constant 0 : i32
    return %c0_i32, %c0_i32_0 : i32, i32
  }
  func.func @transform_9(%arg0: i32) -> (i32, i32) {
    %c0_i32 = arith.constant 0 : i32
    %c0_i32_0 = arith.constant 0 : i32
    %c0_i32_1 = arith.constant 0 : i32
    return %c0_i32, %c0_i32_0 : i32, i32
  }
  func.func @transform_10(%arg0: i32) -> (i32, i32) {
    %c0_i32 = arith.constant 0 : i32
    %c0_i32_0 = arith.constant 0 : i32
    %c0_i32_1 = arith.constant 0 : i32
    return %c0_i32, %c0_i32_0 : i32, i32
  }
  func.func @transform_11(%arg0: i32) -> (i32, i32) {
    %c0_i32 = arith.constant 0 : i32
    %c0_i32_0 = arith.constant 0 : i32
    %c0_i32_1 = arith.constant 0 : i32
    return %c0_i32, %c0_i32_0 : i32, i32
  }
  func.func @transform_12(%arg0: i32) -> (i32, i32) {
    %c0_i32 = arith.constant 0 : i32
    %c0_i32_0 = arith.constant 0 : i32
    %c0_i32_1 = arith.constant 0 : i32
    return %c0_i32, %c0_i32_0 : i32, i32
  }
  func.func @transform_13(%arg0: i32) -> (i32, i32) {
    %c0_i32 = arith.constant 0 : i32
    %c0_i32_0 = arith.constant 0 : i32
    return %arg0, %c0_i32 : i32, i32
  }
  func.func @transform_14(%arg0: i32) -> (i32, i32) {
    %c0_i32 = arith.constant 0 : i32
    %c0_i32_0 = arith.constant 0 : i32
    return %arg0, %c0_i32 : i32, i32
  }
}

module attributes {stable_mosaic.version = 14 : i64} {
  func.func @_p2_body(%arg0: i32, %arg1: memref<6400x128xbf16, #tpu.memory_space<vmem>>, %arg2: memref<6400x128xf32, #tpu.memory_space<vmem>>, %arg3: memref<200x128xf32, #tpu.memory_space<vmem>>, %arg4: memref<128x128xf32, #tpu.memory_space<vmem>>, %arg5: memref<1x128xf32, #tpu.memory_space<vmem>>, %arg6: memref<128x128xf32, #tpu.memory_space<vmem>>, %arg7: memref<1x128xf32, #tpu.memory_space<vmem>>, %arg8: memref<128x128xf32, #tpu.memory_space<vmem>>, %arg9: memref<1x128xf32, #tpu.memory_space<vmem>>, %arg10: memref<128x128xf32, #tpu.memory_space<vmem>>, %arg11: memref<1x128xf32, #tpu.memory_space<vmem>>, %arg12: memref<128x128xf32, #tpu.memory_space<vmem>>, %arg13: memref<1x128xf32, #tpu.memory_space<vmem>>, %arg14: memref<6400x128xbf16, #tpu.memory_space<vmem>>, %arg15: memref<200x128xf32, #tpu.memory_space<vmem>>) attributes {dimension_semantics = [#tpu.dimension_semantics<arbitrary>], iteration_bounds = array<i64: 10>, scalar_prefetch = 0 : i64, scratch_operands = 0 : i64, tpu.core_type = #tpu.core_type<tc>, window_params = [{transform_indices = @transform_0, window_bounds = array<i64: 6400, 128>}, {transform_indices = @transform_1, window_bounds = array<i64: 6400, 128>}, {transform_indices = @transform_2, window_bounds = array<i64: 200, 128>}, {pipeline_mode = #tpu.pipeline_mode<synchronous>, transform_indices = @transform_3, window_bounds = array<i64: 128, 128>}, {pipeline_mode = #tpu.pipeline_mode<synchronous>, transform_indices = @transform_4, window_bounds = array<i64: 1, 128>}, {pipeline_mode = #tpu.pipeline_mode<synchronous>, transform_indices = @transform_5, window_bounds = array<i64: 128, 128>}, {pipeline_mode = #tpu.pipeline_mode<synchronous>, transform_indices = @transform_6, window_bounds = array<i64: 1, 128>}, {pipeline_mode = #tpu.pipeline_mode<synchronous>, transform_indices = @transform_7, window_bounds = array<i64: 128, 128>}, {pipeline_mode = #tpu.pipeline_mode<synchronous>, transform_indices = @transform_8, window_bounds = array<i64: 1, 128>}, {pipeline_mode = #tpu.pipeline_mode<synchronous>, transform_indices = @transform_9, window_bounds = array<i64: 128, 128>}, {pipeline_mode = #tpu.pipeline_mode<synchronous>, transform_indices = @transform_10, window_bounds = array<i64: 1, 128>}, {pipeline_mode = #tpu.pipeline_mode<synchronous>, transform_indices = @transform_11, window_bounds = array<i64: 128, 128>}, {pipeline_mode = #tpu.pipeline_mode<synchronous>, transform_indices = @transform_12, window_bounds = array<i64: 1, 128>}, {transform_indices = @transform_13, window_bounds = array<i64: 6400, 128>}, {transform_indices = @transform_14, window_bounds = array<i64: 200, 128>}]} {
    %get3A = arith.constant 0 : index
    %get3A_0 = arith.constant 0 : index
    %get3A_1 = vector.load %arg1[%get3A, %get3A_0] : memref<6400x128xbf16, #tpu.memory_space<vmem>>, vector<6400x128xbf16>
    %convert_element_type3A = arith.extf %get3A_1 : vector<6400x128xbf16> to vector<6400x128xf32>
    %get3A_2 = arith.constant 0 : index
    %get3A_3 = arith.constant 0 : index
    %get3A_4 = vector.load %arg2[%get3A_2, %get3A_3] : memref<6400x128xf32, #tpu.memory_space<vmem>>, vector<6400x128xf32>
    %slice3A = vector.extract_strided_slice %convert_element_type3A {offsets = [1, 0], sizes = [6399, 128], strides = [1, 1]} : vector<6400x128xf32> to vector<6399x128xf32>
    %slice3A_5 = vector.extract_strided_slice %convert_element_type3A {offsets = [0, 0], sizes = [1, 128], strides = [1, 1]} : vector<6400x128xf32> to vector<1x128xf32>
    %concatenate3A = tpu.concatenate %slice3A, %slice3A_5 in 0 : vector<6399x128xf32>, vector<1x128xf32> -> vector<6400x128xf32>
    %slice3A_6 = vector.extract_strided_slice %convert_element_type3A {offsets = [6399, 0], sizes = [1, 128], strides = [1, 1]} : vector<6400x128xf32> to vector<1x128xf32>
    %slice3A_7 = vector.extract_strided_slice %convert_element_type3A {offsets = [0, 0], sizes = [6399, 128], strides = [1, 1]} : vector<6400x128xf32> to vector<6399x128xf32>
    %concatenate3A_8 = tpu.concatenate %slice3A_6, %slice3A_7 in 0 : vector<1x128xf32>, vector<6399x128xf32> -> vector<6400x128xf32>
    %iota3A = tpu.iota {dimensions = array<i32: 0>} : vector<6400x128xi32>
    %jit3A = arith.constant 2 : i32
    %eq3A = arith.constant 0 : i32
    %eq3A_9 = arith.cmpi eq, %jit3A, %eq3A : i32
    %jit3A_10 = arith.constant 1 : i32
    %select_n3A = arith.select %eq3A_9, %jit3A_10, %jit3A : i32
    %rem3A = vector.broadcast %select_n3A : i32 to vector<6400x128xi32>
    %rem3A_11 = arith.remsi %iota3A, %rem3A : vector<6400x128xi32>
    %ne3A = arith.constant 0 : i32
    %ne3A_12 = vector.broadcast %ne3A : i32 to vector<6400x128xi32>
    %ne3A_13 = arith.cmpi ne, %rem3A_11, %ne3A_12 : vector<6400x128xi32>
    %lt3A = arith.constant 0 : i32
    %lt3A_14 = vector.broadcast %lt3A : i32 to vector<6400x128xi32>
    %lt3A_15 = arith.cmpi slt, %rem3A_11, %lt3A_14 : vector<6400x128xi32>
    %lt3A_16 = arith.constant 0 : i32
    %lt3A_17 = arith.cmpi slt, %select_n3A, %lt3A_16 : i32
    %ne3A_18 = vector.broadcast %lt3A_17 : i1 to vector<6400x128xi1>
    %ne3A_19 = vector.broadcast %ne3A_18 : vector<6400x128xi1> to vector<6400x128xi1>
    %ne3A_20 = arith.xori %lt3A_15, %ne3A_19 : vector<6400x128xi1>
    %and3A = arith.andi %ne3A_20, %ne3A_13 : vector<6400x128xi1>
    %add3A = vector.broadcast %select_n3A : i32 to vector<6400x128xi32>
    %add3A_21 = arith.addi %rem3A_11, %add3A : vector<6400x128xi32>
    %select_n3A_22 = arith.select %and3A, %add3A_21, %rem3A_11 : vector<6400x128xi1>, vector<6400x128xi32>
    %eq3A_23 = arith.constant 0 : i32
    %eq3A_24 = vector.broadcast %eq3A_23 : i32 to vector<6400x128xi32>
    %eq3A_25 = arith.cmpi eq, %select_n3A_22, %eq3A_24 : vector<6400x128xi32>
    %select_n3A_26 = arith.select %eq3A_25, %concatenate3A, %concatenate3A_8 : vector<6400x128xi1>, vector<6400x128xf32>
    %sub3A = arith.subf %get3A_4, %select_n3A_26 : vector<6400x128xf32>
    %get3A_27 = arith.constant 0 : index
    %get3A_28 = arith.constant 0 : index
    %get3A_29 = vector.load %arg12[%get3A_27, %get3A_28] : memref<128x128xf32, #tpu.memory_space<vmem>>, vector<128x128xf32>
    %dot_general3A = arith.constant dense<0.000000e+00> : vector<6400x128xf32>
    %dot_general3A_30 = tpu.matmul %sub3A, %get3A_29, %dot_general3A {dimension_numbers = #tpu.dot_dimension_numbers<[1], [0], [0], [1], [0, 0, 1, 1], [], []>, transpose_lhs_hint = false} : vector<6400x128xf32>, vector<128x128xf32>, vector<6400x128xf32> -> vector<6400x128xf32>
    %add3A_31 = arith.addf %convert_element_type3A, %dot_general3A_30 : vector<6400x128xf32>
    %get3A_32 = arith.constant 0 : index
    %get3A_33 = arith.constant 0 : index
    %get3A_34 = vector.load %arg13[%get3A_32, %get3A_33] : memref<1x128xf32, #tpu.memory_space<vmem>>, vector<1x128xf32>
    %add3A_35 = vector.broadcast %get3A_34 : vector<1x128xf32> to vector<6400x128xf32>
    %add3A_36 = arith.addf %add3A_31, %add3A_35 : vector<6400x128xf32>
    %max3A = arith.constant 0.000000e+00 : f32
    %max3A_37 = vector.broadcast %max3A : f32 to vector<6400x128xf32>
    %max3A_38 = arith.maximumf %add3A_36, %max3A_37 : vector<6400x128xf32>
    %convert_element_type3A_39 = arith.truncf %max3A_38 : vector<6400x128xf32> to vector<6400x128xbf16>
    %swap3A = arith.constant 0 : index
    %swap3A_40 = arith.constant 0 : index
    %swap3A_41 = vector.load %arg14[%swap3A, %swap3A_40] : memref<6400x128xbf16, #tpu.memory_space<vmem>>, vector<6400x128xbf16>
    tpu.vector_store %arg14[%swap3A, %swap3A_40], %convert_element_type3A_39 {strides = array<i32>} : memref<6400x128xbf16, #tpu.memory_space<vmem>>, vector<6400x128xbf16>,
    %get3A_42 = arith.constant 0 : index
    %get3A_43 = arith.constant 0 : index
    %get3A_44 = vector.load %arg3[%get3A_42, %get3A_43] : memref<200x128xf32, #tpu.memory_space<vmem>>, vector<200x128xf32>
    %get3A_45 = arith.constant 0 : index
    %get3A_46 = arith.constant 0 : index
    %get3A_47 = vector.load %arg4[%get3A_45, %get3A_46] : memref<128x128xf32, #tpu.memory_space<vmem>>, vector<128x128xf32>
    %get3A_48 = arith.constant 0 : index
    %get3A_49 = arith.constant 0 : index
    %get3A_50 = vector.load %arg5[%get3A_48, %get3A_49] : memref<1x128xf32, #tpu.memory_space<vmem>>, vector<1x128xf32>
    %get3A_51 = arith.constant 0 : index
    %get3A_52 = arith.constant 0 : index
    %get3A_53 = vector.load %arg6[%get3A_51, %get3A_52] : memref<128x128xf32, #tpu.memory_space<vmem>>, vector<128x128xf32>
    %get3A_54 = arith.constant 0 : index
    %get3A_55 = arith.constant 0 : index
    %get3A_56 = vector.load %arg7[%get3A_54, %get3A_55] : memref<1x128xf32, #tpu.memory_space<vmem>>, vector<1x128xf32>
    %get3A_57 = arith.constant 0 : index
    %get3A_58 = arith.constant 0 : index
    %get3A_59 = vector.load %arg8[%get3A_57, %get3A_58] : memref<128x128xf32, #tpu.memory_space<vmem>>, vector<128x128xf32>
    %get3A_60 = arith.constant 0 : index
    %get3A_61 = arith.constant 0 : index
    %get3A_62 = vector.load %arg9[%get3A_60, %get3A_61] : memref<1x128xf32, #tpu.memory_space<vmem>>, vector<1x128xf32>
    %get3A_63 = arith.constant 0 : index
    %get3A_64 = arith.constant 0 : index
    %get3A_65 = vector.load %arg10[%get3A_63, %get3A_64] : memref<128x128xf32, #tpu.memory_space<vmem>>, vector<128x128xf32>
    %get3A_66 = arith.constant 0 : index
    %get3A_67 = arith.constant 0 : index
    %get3A_68 = vector.load %arg11[%get3A_66, %get3A_67] : memref<1x128xf32, #tpu.memory_space<vmem>>, vector<1x128xf32>
    %dot_general3A_69 = arith.constant dense<0.000000e+00> : vector<200x128xf32>
    %dot_general3A_70 = tpu.matmul %get3A_44, %get3A_47, %dot_general3A_69 {dimension_numbers = #tpu.dot_dimension_numbers<[1], [0], [0], [1], [0, 0, 1, 1], [], []>, transpose_lhs_hint = false} : vector<200x128xf32>, vector<128x128xf32>, vector<200x128xf32> -> vector<200x128xf32>
    %add3A_71 = vector.broadcast %get3A_50 : vector<1x128xf32> to vector<200x128xf32>
    %add3A_72 = arith.addf %dot_general3A_70, %add3A_71 : vector<200x128xf32>
    %dot_general3A_73 = arith.constant dense<0.000000e+00> : vector<6400x128xf32>
    %dot_general3A_74 = tpu.matmul %max3A_38, %get3A_53, %dot_general3A_73 {dimension_numbers = #tpu.dot_dimension_numbers<[1], [0], [0], [1], [0, 0, 1, 1], [], []>, transpose_lhs_hint = false} : vector<6400x128xf32>, vector<128x128xf32>, vector<6400x128xf32> -> vector<6400x128xf32>
    %add3A_75 = vector.broadcast %get3A_56 : vector<1x128xf32> to vector<6400x128xf32>
    %add3A_76 = arith.addf %dot_general3A_74, %add3A_75 : vector<6400x128xf32>
    %dot_general3A_77 = arith.constant dense<0.000000e+00> : vector<6400x128xf32>
    %dot_general3A_78 = tpu.matmul %max3A_38, %get3A_59, %dot_general3A_77 {dimension_numbers = #tpu.dot_dimension_numbers<[1], [0], [0], [1], [0, 0, 1, 1], [], []>, transpose_lhs_hint = false} : vector<6400x128xf32>, vector<128x128xf32>, vector<6400x128xf32> -> vector<6400x128xf32>
    %add3A_79 = vector.broadcast %get3A_62 : vector<1x128xf32> to vector<6400x128xf32>
    %add3A_80 = arith.addf %dot_general3A_78, %add3A_79 : vector<6400x128xf32>
    %broadcast_in_dim3A = vector.shape_cast %add3A_72 : vector<200x128xf32> to vector<200x1x128xf32>
    %broadcast_in_dim3A_81 = vector.shape_cast %broadcast_in_dim3A : vector<200x1x128xf32> to vector<200x1x128xf32>
    %broadcast_in_dim3A_82 = vector.broadcast %broadcast_in_dim3A_81 : vector<200x1x128xf32> to vector<200x32x128xf32>
    %reshape3A = vector.shape_cast %broadcast_in_dim3A_82 : vector<200x32x128xf32> to vector<6400x128xf32>
    %mul3A = arith.mulf %reshape3A, %add3A_76 : vector<6400x128xf32>
    %iota3A_83 = tpu.iota {dimensions = array<i32: 0>} : vector<128x128xi32>
    %iota3A_84 = tpu.iota {dimensions = array<i32: 1>} : vector<128x128xi32>
    %jit3A_85 = arith.constant 32 : i32
    %div3A = vector.broadcast %jit3A_85 : i32 to vector<128x128xi32>
    %div3A_86 = arith.divsi %iota3A_83, %div3A : vector<128x128xi32>
    %sign3A = arith.constant 0 : i32
    %sign3A_87 = vector.broadcast %sign3A : i32 to vector<128x128xi32>
    %sign3A_88 = arith.cmpi sgt, %iota3A_83, %sign3A_87 : vector<128x128xi32>
    %sign3A_89 = arith.extui %sign3A_88 : vector<128x128xi1> to vector<128x128xi32>
    %sign3A_90 = arith.constant 0 : i32
    %sign3A_91 = vector.broadcast %sign3A_90 : i32 to vector<128x128xi32>
    %sign3A_92 = arith.cmpi slt, %iota3A_83, %sign3A_91 : vector<128x128xi32>
    %sign3A_93 = arith.extui %sign3A_92 : vector<128x128xi1> to vector<128x128xi32>
    %sign3A_94 = arith.subi %sign3A_89, %sign3A_93 : vector<128x128xi32>
    %sign3A_95 = arith.constant 0 : i32
    %sign3A_96 = arith.cmpi sgt, %jit3A_85, %sign3A_95 : i32
    %sign3A_97 = arith.extui %sign3A_96 : i1 to i32
    %sign3A_98 = arith.constant 0 : i32
    %sign3A_99 = arith.cmpi slt, %jit3A_85, %sign3A_98 : i32
    %sign3A_100 = arith.extui %sign3A_99 : i1 to i32
    %sign3A_101 = arith.subi %sign3A_97, %sign3A_100 : i32
    %ne3A_102 = vector.broadcast %sign3A_101 : i32 to vector<128x128xi32>
    %ne3A_103 = arith.cmpi ne, %sign3A_94, %ne3A_102 : vector<128x128xi32>
    %rem3A_104 = vector.broadcast %jit3A_85 : i32 to vector<128x128xi32>
    %rem3A_105 = arith.remsi %iota3A_83, %rem3A_104 : vector<128x128xi32>
    %ne3A_106 = arith.constant 0 : i32
    %ne3A_107 = vector.broadcast %ne3A_106 : i32 to vector<128x128xi32>
    %ne3A_108 = arith.cmpi ne, %rem3A_105, %ne3A_107 : vector<128x128xi32>
    %and3A_109 = arith.andi %ne3A_103, %ne3A_108 : vector<128x128xi1>
    %sub3A_110 = arith.constant 1 : i32
    %sub3A_111 = vector.broadcast %sub3A_110 : i32 to vector<128x128xi32>
    %sub3A_112 = arith.subi %div3A_86, %sub3A_111 : vector<128x128xi32>
    %select_n3A_113 = arith.select %and3A_109, %sub3A_112, %div3A_86 : vector<128x128xi1>, vector<128x128xi32>
    %jit3A_114 = arith.constant 32 : i32
    %div3A_115 = vector.broadcast %jit3A_114 : i32 to vector<128x128xi32>
    %div3A_116 = arith.divsi %iota3A_84, %div3A_115 : vector<128x128xi32>
    %sign3A_117 = arith.constant 0 : i32
    %sign3A_118 = vector.broadcast %sign3A_117 : i32 to vector<128x128xi32>
    %sign3A_119 = arith.cmpi sgt, %iota3A_84, %sign3A_118 : vector<128x128xi32>
    %sign3A_120 = arith.extui %sign3A_119 : vector<128x128xi1> to vector<128x128xi32>
    %sign3A_121 = arith.constant 0 : i32
    %sign3A_122 = vector.broadcast %sign3A_121 : i32 to vector<128x128xi32>
    %sign3A_123 = arith.cmpi slt, %iota3A_84, %sign3A_122 : vector<128x128xi32>
    %sign3A_124 = arith.extui %sign3A_123 : vector<128x128xi1> to vector<128x128xi32>
    %sign3A_125 = arith.subi %sign3A_120, %sign3A_124 : vector<128x128xi32>
    %sign3A_126 = arith.constant 0 : i32
    %sign3A_127 = arith.cmpi sgt, %jit3A_114, %sign3A_126 : i32
    %sign3A_128 = arith.extui %sign3A_127 : i1 to i32
    %sign3A_129 = arith.constant 0 : i32
    %sign3A_130 = arith.cmpi slt, %jit3A_114, %sign3A_129 : i32
    %sign3A_131 = arith.extui %sign3A_130 : i1 to i32
    %sign3A_132 = arith.subi %sign3A_128, %sign3A_131 : i32
    %ne3A_133 = vector.broadcast %sign3A_132 : i32 to vector<128x128xi32>
    %ne3A_134 = arith.cmpi ne, %sign3A_125, %ne3A_133 : vector<128x128xi32>
    %rem3A_135 = vector.broadcast %jit3A_114 : i32 to vector<128x128xi32>
    %rem3A_136 = arith.remsi %iota3A_84, %rem3A_135 : vector<128x128xi32>
    %ne3A_137 = arith.constant 0 : i32
    %ne3A_138 = vector.broadcast %ne3A_137 : i32 to vector<128x128xi32>
    %ne3A_139 = arith.cmpi ne, %rem3A_136, %ne3A_138 : vector<128x128xi32>
    %and3A_140 = arith.andi %ne3A_134, %ne3A_139 : vector<128x128xi1>
    %sub3A_141 = arith.constant 1 : i32
    %sub3A_142 = vector.broadcast %sub3A_141 : i32 to vector<128x128xi32>
    %sub3A_143 = arith.subi %div3A_116, %sub3A_142 : vector<128x128xi32>
    %select_n3A_144 = arith.select %and3A_140, %sub3A_143, %div3A_116 : vector<128x128xi1>, vector<128x128xi32>
    %eq3A_145 = arith.cmpi eq, %select_n3A_113, %select_n3A_144 : vector<128x128xi32>
    %jit3A_146 = arith.constant 1.000000e+00 : f32
    %jit3A_147 = arith.constant 0.000000e+00 : f32
    %broadcast_in_dim3A_148 = vector.broadcast %jit3A_146 : f32 to vector<128x128xf32>
    %broadcast_in_dim3A_149 = vector.broadcast %jit3A_147 : f32 to vector<128x128xf32>
    %select_n3A_150 = arith.select %eq3A_145, %broadcast_in_dim3A_148, %broadcast_in_dim3A_149 : vector<128x128xi1>, vector<128x128xf32>
    %dot_general3A_151 = arith.constant dense<0.000000e+00> : vector<6400x128xf32>
    %dot_general3A_152 = tpu.matmul %mul3A, %select_n3A_150, %dot_general3A_151 {dimension_numbers = #tpu.dot_dimension_numbers<[1], [0], [0], [1], [0, 0, 1, 1], [], []>, transpose_lhs_hint = false} : vector<6400x128xf32>, vector<128x128xf32>, vector<6400x128xf32> -> vector<6400x128xf32>
    %mul3A_153 = arith.constant 0.176776692 : f32
    %mul3A_154 = vector.broadcast %mul3A_153 : f32 to vector<6400x128xf32>
    %mul3A_155 = arith.mulf %dot_general3A_152, %mul3A_154 : vector<6400x128xf32>
    %exp3A = math.exp %mul3A_155 : vector<6400x128xf32>
    %mul3A_156 = arith.mulf %exp3A, %add3A_80 : vector<6400x128xf32>
    %reshape3A_157 = vector.shape_cast %mul3A_156 : vector<6400x128xf32> to vector<200x32x128xf32>
    %reduce_sum3A = arith.constant dense<0.000000e+00> : vector<200x128xf32>
    %reduce_sum3A_158 = vector.multi_reduction <add>, %reshape3A_157, %reduce_sum3A [1] : vector<200x32x128xf32> to vector<200x128xf32>
    %reshape3A_159 = vector.shape_cast %exp3A : vector<6400x128xf32> to vector<200x32x128xf32>
    %reduce_sum3A_160 = arith.constant dense<0.000000e+00> : vector<200x128xf32>
    %reduce_sum3A_161 = vector.multi_reduction <add>, %reshape3A_159, %reduce_sum3A_160 [1] : vector<200x32x128xf32> to vector<200x128xf32>
    %div3A_162 = arith.divf %reduce_sum3A_158, %reduce_sum3A_161 : vector<200x128xf32>
    %dot_general3A_163 = arith.constant dense<0.000000e+00> : vector<200x128xf32>
    %dot_general3A_164 = tpu.matmul %div3A_162, %get3A_65, %dot_general3A_163 {dimension_numbers = #tpu.dot_dimension_numbers<[1], [0], [0], [1], [0, 0, 1, 1], [], []>, transpose_lhs_hint = false} : vector<200x128xf32>, vector<128x128xf32>, vector<200x128xf32> -> vector<200x128xf32>
    %add3A_165 = vector.broadcast %get3A_68 : vector<1x128xf32> to vector<200x128xf32>
    %add3A_166 = arith.addf %dot_general3A_164, %add3A_165 : vector<200x128xf32>
    %add3A_167 = arith.addf %add3A_166, %get3A_44 : vector<200x128xf32>
    %swap3A_168 = arith.constant 0 : index
    %swap3A_169 = arith.constant 0 : index
    %swap3A_170 = vector.load %arg15[%swap3A_168, %swap3A_169] : memref<200x128xf32, #tpu.memory_space<vmem>>, vector<200x128xf32>
    tpu.vector_store %arg15[%swap3A_168, %swap3A_169], %add3A_167 {strides = array<i32>} : memref<200x128xf32, #tpu.memory_space<vmem>>, vector<200x128xf32>,
    return
  }
  func.func @transform_0(%arg0: i32) -> (i32, i32) {
    %add3A = arith.constant 30 : i32
    %add3A_0 = arith.addi %arg0, %add3A : i32
    %c0_i32 = arith.constant 0 : i32
    %c0_i32_1 = arith.constant 0 : i32
    return %add3A_0, %c0_i32 : i32, i32
  }
  func.func @transform_1(%arg0: i32) -> (i32, i32) {
    %c0_i32 = arith.constant 0 : i32
    %c0_i32_0 = arith.constant 0 : i32
    return %arg0, %c0_i32 : i32, i32
  }
  func.func @transform_2(%arg0: i32) -> (i32, i32) {
    %add3A = arith.constant 30 : i32
    %add3A_0 = arith.addi %arg0, %add3A : i32
    %c0_i32 = arith.constant 0 : i32
    %c0_i32_1 = arith.constant 0 : i32
    return %add3A_0, %c0_i32 : i32, i32
  }
  func.func @transform_3(%arg0: i32) -> (i32, i32) {
    %c0_i32 = arith.constant 0 : i32
    %c0_i32_0 = arith.constant 0 : i32
    %c0_i32_1 = arith.constant 0 : i32
    return %c0_i32, %c0_i32_0 : i32, i32
  }
  func.func @transform_4(%arg0: i32) -> (i32, i32) {
    %c0_i32 = arith.constant 0 : i32
    %c0_i32_0 = arith.constant 0 : i32
    %c0_i32_1 = arith.constant 0 : i32
    return %c0_i32, %c0_i32_0 : i32, i32
  }
  func.func @transform_5(%arg0: i32) -> (i32, i32) {
    %c0_i32 = arith.constant 0 : i32
    %c0_i32_0 = arith.constant 0 : i32
    %c0_i32_1 = arith.constant 0 : i32
    return %c0_i32, %c0_i32_0 : i32, i32
  }
  func.func @transform_6(%arg0: i32) -> (i32, i32) {
    %c0_i32 = arith.constant 0 : i32
    %c0_i32_0 = arith.constant 0 : i32
    %c0_i32_1 = arith.constant 0 : i32
    return %c0_i32, %c0_i32_0 : i32, i32
  }
  func.func @transform_7(%arg0: i32) -> (i32, i32) {
    %c0_i32 = arith.constant 0 : i32
    %c0_i32_0 = arith.constant 0 : i32
    %c0_i32_1 = arith.constant 0 : i32
    return %c0_i32, %c0_i32_0 : i32, i32
  }
  func.func @transform_8(%arg0: i32) -> (i32, i32) {
    %c0_i32 = arith.constant 0 : i32
    %c0_i32_0 = arith.constant 0 : i32
    %c0_i32_1 = arith.constant 0 : i32
    return %c0_i32, %c0_i32_0 : i32, i32
  }
  func.func @transform_9(%arg0: i32) -> (i32, i32) {
    %c0_i32 = arith.constant 0 : i32
    %c0_i32_0 = arith.constant 0 : i32
    %c0_i32_1 = arith.constant 0 : i32
    return %c0_i32, %c0_i32_0 : i32, i32
  }
  func.func @transform_10(%arg0: i32) -> (i32, i32) {
    %c0_i32 = arith.constant 0 : i32
    %c0_i32_0 = arith.constant 0 : i32
    %c0_i32_1 = arith.constant 0 : i32
    return %c0_i32, %c0_i32_0 : i32, i32
  }
  func.func @transform_11(%arg0: i32) -> (i32, i32) {
    %c0_i32 = arith.constant 0 : i32
    %c0_i32_0 = arith.constant 0 : i32
    %c0_i32_1 = arith.constant 0 : i32
    return %c0_i32, %c0_i32_0 : i32, i32
  }
  func.func @transform_12(%arg0: i32) -> (i32, i32) {
    %c0_i32 = arith.constant 0 : i32
    %c0_i32_0 = arith.constant 0 : i32
    %c0_i32_1 = arith.constant 0 : i32
    return %c0_i32, %c0_i32_0 : i32, i32
  }
  func.func @transform_13(%arg0: i32) -> (i32, i32) {
    %c0_i32 = arith.constant 0 : i32
    %c0_i32_0 = arith.constant 0 : i32
    return %arg0, %c0_i32 : i32, i32
  }
  func.func @transform_14(%arg0: i32) -> (i32, i32) {
    %c0_i32 = arith.constant 0 : i32
    %c0_i32_0 = arith.constant 0 : i32
    return %arg0, %c0_i32 : i32, i32
  }
}

module attributes {stable_mosaic.version = 14 : i64} {
  func.func @_p2_body(%arg0: i32, %arg1: memref<6400x128xbf16, #tpu.memory_space<vmem>>, %arg2: memref<6400x128xf32, #tpu.memory_space<vmem>>, %arg3: memref<200x128xf32, #tpu.memory_space<vmem>>, %arg4: memref<128x128xf32, #tpu.memory_space<vmem>>, %arg5: memref<1x128xf32, #tpu.memory_space<vmem>>, %arg6: memref<128x128xf32, #tpu.memory_space<vmem>>, %arg7: memref<1x128xf32, #tpu.memory_space<vmem>>, %arg8: memref<128x128xf32, #tpu.memory_space<vmem>>, %arg9: memref<1x128xf32, #tpu.memory_space<vmem>>, %arg10: memref<128x128xf32, #tpu.memory_space<vmem>>, %arg11: memref<1x128xf32, #tpu.memory_space<vmem>>, %arg12: memref<128x128xf32, #tpu.memory_space<vmem>>, %arg13: memref<1x128xf32, #tpu.memory_space<vmem>>, %arg14: memref<6400x128xbf16, #tpu.memory_space<vmem>>, %arg15: memref<200x128xf32, #tpu.memory_space<vmem>>) attributes {dimension_semantics = [#tpu.dimension_semantics<arbitrary>], iteration_bounds = array<i64: 10>, scalar_prefetch = 0 : i64, scratch_operands = 0 : i64, tpu.core_type = #tpu.core_type<tc>, window_params = [{transform_indices = @transform_0, window_bounds = array<i64: 6400, 128>}, {transform_indices = @transform_1, window_bounds = array<i64: 6400, 128>}, {transform_indices = @transform_2, window_bounds = array<i64: 200, 128>}, {pipeline_mode = #tpu.pipeline_mode<synchronous>, transform_indices = @transform_3, window_bounds = array<i64: 128, 128>}, {pipeline_mode = #tpu.pipeline_mode<synchronous>, transform_indices = @transform_4, window_bounds = array<i64: 1, 128>}, {pipeline_mode = #tpu.pipeline_mode<synchronous>, transform_indices = @transform_5, window_bounds = array<i64: 128, 128>}, {pipeline_mode = #tpu.pipeline_mode<synchronous>, transform_indices = @transform_6, window_bounds = array<i64: 1, 128>}, {pipeline_mode = #tpu.pipeline_mode<synchronous>, transform_indices = @transform_7, window_bounds = array<i64: 128, 128>}, {pipeline_mode = #tpu.pipeline_mode<synchronous>, transform_indices = @transform_8, window_bounds = array<i64: 1, 128>}, {pipeline_mode = #tpu.pipeline_mode<synchronous>, transform_indices = @transform_9, window_bounds = array<i64: 128, 128>}, {pipeline_mode = #tpu.pipeline_mode<synchronous>, transform_indices = @transform_10, window_bounds = array<i64: 1, 128>}, {pipeline_mode = #tpu.pipeline_mode<synchronous>, transform_indices = @transform_11, window_bounds = array<i64: 128, 128>}, {pipeline_mode = #tpu.pipeline_mode<synchronous>, transform_indices = @transform_12, window_bounds = array<i64: 1, 128>}, {transform_indices = @transform_13, window_bounds = array<i64: 6400, 128>}, {transform_indices = @transform_14, window_bounds = array<i64: 200, 128>}]} {
    %get3A = arith.constant 0 : index
    %get3A_0 = arith.constant 0 : index
    %get3A_1 = vector.load %arg1[%get3A, %get3A_0] : memref<6400x128xbf16, #tpu.memory_space<vmem>>, vector<6400x128xbf16>
    %convert_element_type3A = arith.extf %get3A_1 : vector<6400x128xbf16> to vector<6400x128xf32>
    %get3A_2 = arith.constant 0 : index
    %get3A_3 = arith.constant 0 : index
    %get3A_4 = vector.load %arg2[%get3A_2, %get3A_3] : memref<6400x128xf32, #tpu.memory_space<vmem>>, vector<6400x128xf32>
    %slice3A = vector.extract_strided_slice %convert_element_type3A {offsets = [1, 0], sizes = [6399, 128], strides = [1, 1]} : vector<6400x128xf32> to vector<6399x128xf32>
    %slice3A_5 = vector.extract_strided_slice %convert_element_type3A {offsets = [0, 0], sizes = [1, 128], strides = [1, 1]} : vector<6400x128xf32> to vector<1x128xf32>
    %concatenate3A = tpu.concatenate %slice3A, %slice3A_5 in 0 : vector<6399x128xf32>, vector<1x128xf32> -> vector<6400x128xf32>
    %slice3A_6 = vector.extract_strided_slice %convert_element_type3A {offsets = [6399, 0], sizes = [1, 128], strides = [1, 1]} : vector<6400x128xf32> to vector<1x128xf32>
    %slice3A_7 = vector.extract_strided_slice %convert_element_type3A {offsets = [0, 0], sizes = [6399, 128], strides = [1, 1]} : vector<6400x128xf32> to vector<6399x128xf32>
    %concatenate3A_8 = tpu.concatenate %slice3A_6, %slice3A_7 in 0 : vector<1x128xf32>, vector<6399x128xf32> -> vector<6400x128xf32>
    %iota3A = tpu.iota {dimensions = array<i32: 0>} : vector<6400x128xi32>
    %jit3A = arith.constant 2 : i32
    %eq3A = arith.constant 0 : i32
    %eq3A_9 = arith.cmpi eq, %jit3A, %eq3A : i32
    %jit3A_10 = arith.constant 1 : i32
    %select_n3A = arith.select %eq3A_9, %jit3A_10, %jit3A : i32
    %rem3A = vector.broadcast %select_n3A : i32 to vector<6400x128xi32>
    %rem3A_11 = arith.remsi %iota3A, %rem3A : vector<6400x128xi32>
    %ne3A = arith.constant 0 : i32
    %ne3A_12 = vector.broadcast %ne3A : i32 to vector<6400x128xi32>
    %ne3A_13 = arith.cmpi ne, %rem3A_11, %ne3A_12 : vector<6400x128xi32>
    %lt3A = arith.constant 0 : i32
    %lt3A_14 = vector.broadcast %lt3A : i32 to vector<6400x128xi32>
    %lt3A_15 = arith.cmpi slt, %rem3A_11, %lt3A_14 : vector<6400x128xi32>
    %lt3A_16 = arith.constant 0 : i32
    %lt3A_17 = arith.cmpi slt, %select_n3A, %lt3A_16 : i32
    %ne3A_18 = vector.broadcast %lt3A_17 : i1 to vector<6400x128xi1>
    %ne3A_19 = vector.broadcast %ne3A_18 : vector<6400x128xi1> to vector<6400x128xi1>
    %ne3A_20 = arith.xori %lt3A_15, %ne3A_19 : vector<6400x128xi1>
    %and3A = arith.andi %ne3A_20, %ne3A_13 : vector<6400x128xi1>
    %add3A = vector.broadcast %select_n3A : i32 to vector<6400x128xi32>
    %add3A_21 = arith.addi %rem3A_11, %add3A : vector<6400x128xi32>
    %select_n3A_22 = arith.select %and3A, %add3A_21, %rem3A_11 : vector<6400x128xi1>, vector<6400x128xi32>
    %eq3A_23 = arith.constant 0 : i32
    %eq3A_24 = vector.broadcast %eq3A_23 : i32 to vector<6400x128xi32>
    %eq3A_25 = arith.cmpi eq, %select_n3A_22, %eq3A_24 : vector<6400x128xi32>
    %select_n3A_26 = arith.select %eq3A_25, %concatenate3A, %concatenate3A_8 : vector<6400x128xi1>, vector<6400x128xf32>
    %sub3A = arith.subf %get3A_4, %select_n3A_26 : vector<6400x128xf32>
    %get3A_27 = arith.constant 0 : index
    %get3A_28 = arith.constant 0 : index
    %get3A_29 = vector.load %arg12[%get3A_27, %get3A_28] : memref<128x128xf32, #tpu.memory_space<vmem>>, vector<128x128xf32>
    %dot_general3A = arith.constant dense<0.000000e+00> : vector<6400x128xf32>
    %dot_general3A_30 = tpu.matmul %sub3A, %get3A_29, %dot_general3A {dimension_numbers = #tpu.dot_dimension_numbers<[1], [0], [0], [1], [0, 0, 1, 1], [], []>, transpose_lhs_hint = false} : vector<6400x128xf32>, vector<128x128xf32>, vector<6400x128xf32> -> vector<6400x128xf32>
    %add3A_31 = arith.addf %convert_element_type3A, %dot_general3A_30 : vector<6400x128xf32>
    %get3A_32 = arith.constant 0 : index
    %get3A_33 = arith.constant 0 : index
    %get3A_34 = vector.load %arg13[%get3A_32, %get3A_33] : memref<1x128xf32, #tpu.memory_space<vmem>>, vector<1x128xf32>
    %add3A_35 = vector.broadcast %get3A_34 : vector<1x128xf32> to vector<6400x128xf32>
    %add3A_36 = arith.addf %add3A_31, %add3A_35 : vector<6400x128xf32>
    %max3A = arith.constant 0.000000e+00 : f32
    %max3A_37 = vector.broadcast %max3A : f32 to vector<6400x128xf32>
    %max3A_38 = arith.maximumf %add3A_36, %max3A_37 : vector<6400x128xf32>
    %convert_element_type3A_39 = arith.truncf %max3A_38 : vector<6400x128xf32> to vector<6400x128xbf16>
    %swap3A = arith.constant 0 : index
    %swap3A_40 = arith.constant 0 : index
    %swap3A_41 = vector.load %arg14[%swap3A, %swap3A_40] : memref<6400x128xbf16, #tpu.memory_space<vmem>>, vector<6400x128xbf16>
    tpu.vector_store %arg14[%swap3A, %swap3A_40], %convert_element_type3A_39 {strides = array<i32>} : memref<6400x128xbf16, #tpu.memory_space<vmem>>, vector<6400x128xbf16>,
    %get3A_42 = arith.constant 0 : index
    %get3A_43 = arith.constant 0 : index
    %get3A_44 = vector.load %arg3[%get3A_42, %get3A_43] : memref<200x128xf32, #tpu.memory_space<vmem>>, vector<200x128xf32>
    %get3A_45 = arith.constant 0 : index
    %get3A_46 = arith.constant 0 : index
    %get3A_47 = vector.load %arg4[%get3A_45, %get3A_46] : memref<128x128xf32, #tpu.memory_space<vmem>>, vector<128x128xf32>
    %get3A_48 = arith.constant 0 : index
    %get3A_49 = arith.constant 0 : index
    %get3A_50 = vector.load %arg5[%get3A_48, %get3A_49] : memref<1x128xf32, #tpu.memory_space<vmem>>, vector<1x128xf32>
    %get3A_51 = arith.constant 0 : index
    %get3A_52 = arith.constant 0 : index
    %get3A_53 = vector.load %arg6[%get3A_51, %get3A_52] : memref<128x128xf32, #tpu.memory_space<vmem>>, vector<128x128xf32>
    %get3A_54 = arith.constant 0 : index
    %get3A_55 = arith.constant 0 : index
    %get3A_56 = vector.load %arg7[%get3A_54, %get3A_55] : memref<1x128xf32, #tpu.memory_space<vmem>>, vector<1x128xf32>
    %get3A_57 = arith.constant 0 : index
    %get3A_58 = arith.constant 0 : index
    %get3A_59 = vector.load %arg8[%get3A_57, %get3A_58] : memref<128x128xf32, #tpu.memory_space<vmem>>, vector<128x128xf32>
    %get3A_60 = arith.constant 0 : index
    %get3A_61 = arith.constant 0 : index
    %get3A_62 = vector.load %arg9[%get3A_60, %get3A_61] : memref<1x128xf32, #tpu.memory_space<vmem>>, vector<1x128xf32>
    %get3A_63 = arith.constant 0 : index
    %get3A_64 = arith.constant 0 : index
    %get3A_65 = vector.load %arg10[%get3A_63, %get3A_64] : memref<128x128xf32, #tpu.memory_space<vmem>>, vector<128x128xf32>
    %get3A_66 = arith.constant 0 : index
    %get3A_67 = arith.constant 0 : index
    %get3A_68 = vector.load %arg11[%get3A_66, %get3A_67] : memref<1x128xf32, #tpu.memory_space<vmem>>, vector<1x128xf32>
    %dot_general3A_69 = arith.constant dense<0.000000e+00> : vector<200x128xf32>
    %dot_general3A_70 = tpu.matmul %get3A_44, %get3A_47, %dot_general3A_69 {dimension_numbers = #tpu.dot_dimension_numbers<[1], [0], [0], [1], [0, 0, 1, 1], [], []>, transpose_lhs_hint = false} : vector<200x128xf32>, vector<128x128xf32>, vector<200x128xf32> -> vector<200x128xf32>
    %add3A_71 = vector.broadcast %get3A_50 : vector<1x128xf32> to vector<200x128xf32>
    %add3A_72 = arith.addf %dot_general3A_70, %add3A_71 : vector<200x128xf32>
    %dot_general3A_73 = arith.constant dense<0.000000e+00> : vector<6400x128xf32>
    %dot_general3A_74 = tpu.matmul %max3A_38, %get3A_53, %dot_general3A_73 {dimension_numbers = #tpu.dot_dimension_numbers<[1], [0], [0], [1], [0, 0, 1, 1], [], []>, transpose_lhs_hint = false} : vector<6400x128xf32>, vector<128x128xf32>, vector<6400x128xf32> -> vector<6400x128xf32>
    %add3A_75 = vector.broadcast %get3A_56 : vector<1x128xf32> to vector<6400x128xf32>
    %add3A_76 = arith.addf %dot_general3A_74, %add3A_75 : vector<6400x128xf32>
    %dot_general3A_77 = arith.constant dense<0.000000e+00> : vector<6400x128xf32>
    %dot_general3A_78 = tpu.matmul %max3A_38, %get3A_59, %dot_general3A_77 {dimension_numbers = #tpu.dot_dimension_numbers<[1], [0], [0], [1], [0, 0, 1, 1], [], []>, transpose_lhs_hint = false} : vector<6400x128xf32>, vector<128x128xf32>, vector<6400x128xf32> -> vector<6400x128xf32>
    %add3A_79 = vector.broadcast %get3A_62 : vector<1x128xf32> to vector<6400x128xf32>
    %add3A_80 = arith.addf %dot_general3A_78, %add3A_79 : vector<6400x128xf32>
    %broadcast_in_dim3A = vector.shape_cast %add3A_72 : vector<200x128xf32> to vector<200x1x128xf32>
    %broadcast_in_dim3A_81 = vector.shape_cast %broadcast_in_dim3A : vector<200x1x128xf32> to vector<200x1x128xf32>
    %broadcast_in_dim3A_82 = vector.broadcast %broadcast_in_dim3A_81 : vector<200x1x128xf32> to vector<200x32x128xf32>
    %reshape3A = vector.shape_cast %broadcast_in_dim3A_82 : vector<200x32x128xf32> to vector<6400x128xf32>
    %mul3A = arith.mulf %reshape3A, %add3A_76 : vector<6400x128xf32>
    %iota3A_83 = tpu.iota {dimensions = array<i32: 0>} : vector<128x128xi32>
    %iota3A_84 = tpu.iota {dimensions = array<i32: 1>} : vector<128x128xi32>
    %jit3A_85 = arith.constant 32 : i32
    %div3A = vector.broadcast %jit3A_85 : i32 to vector<128x128xi32>
    %div3A_86 = arith.divsi %iota3A_83, %div3A : vector<128x128xi32>
    %sign3A = arith.constant 0 : i32
    %sign3A_87 = vector.broadcast %sign3A : i32 to vector<128x128xi32>
    %sign3A_88 = arith.cmpi sgt, %iota3A_83, %sign3A_87 : vector<128x128xi32>
    %sign3A_89 = arith.extui %sign3A_88 : vector<128x128xi1> to vector<128x128xi32>
    %sign3A_90 = arith.constant 0 : i32
    %sign3A_91 = vector.broadcast %sign3A_90 : i32 to vector<128x128xi32>
    %sign3A_92 = arith.cmpi slt, %iota3A_83, %sign3A_91 : vector<128x128xi32>
    %sign3A_93 = arith.extui %sign3A_92 : vector<128x128xi1> to vector<128x128xi32>
    %sign3A_94 = arith.subi %sign3A_89, %sign3A_93 : vector<128x128xi32>
    %sign3A_95 = arith.constant 0 : i32
    %sign3A_96 = arith.cmpi sgt, %jit3A_85, %sign3A_95 : i32
    %sign3A_97 = arith.extui %sign3A_96 : i1 to i32
    %sign3A_98 = arith.constant 0 : i32
    %sign3A_99 = arith.cmpi slt, %jit3A_85, %sign3A_98 : i32
    %sign3A_100 = arith.extui %sign3A_99 : i1 to i32
    %sign3A_101 = arith.subi %sign3A_97, %sign3A_100 : i32
    %ne3A_102 = vector.broadcast %sign3A_101 : i32 to vector<128x128xi32>
    %ne3A_103 = arith.cmpi ne, %sign3A_94, %ne3A_102 : vector<128x128xi32>
    %rem3A_104 = vector.broadcast %jit3A_85 : i32 to vector<128x128xi32>
    %rem3A_105 = arith.remsi %iota3A_83, %rem3A_104 : vector<128x128xi32>
    %ne3A_106 = arith.constant 0 : i32
    %ne3A_107 = vector.broadcast %ne3A_106 : i32 to vector<128x128xi32>
    %ne3A_108 = arith.cmpi ne, %rem3A_105, %ne3A_107 : vector<128x128xi32>
    %and3A_109 = arith.andi %ne3A_103, %ne3A_108 : vector<128x128xi1>
    %sub3A_110 = arith.constant 1 : i32
    %sub3A_111 = vector.broadcast %sub3A_110 : i32 to vector<128x128xi32>
    %sub3A_112 = arith.subi %div3A_86, %sub3A_111 : vector<128x128xi32>
    %select_n3A_113 = arith.select %and3A_109, %sub3A_112, %div3A_86 : vector<128x128xi1>, vector<128x128xi32>
    %jit3A_114 = arith.constant 32 : i32
    %div3A_115 = vector.broadcast %jit3A_114 : i32 to vector<128x128xi32>
    %div3A_116 = arith.divsi %iota3A_84, %div3A_115 : vector<128x128xi32>
    %sign3A_117 = arith.constant 0 : i32
    %sign3A_118 = vector.broadcast %sign3A_117 : i32 to vector<128x128xi32>
    %sign3A_119 = arith.cmpi sgt, %iota3A_84, %sign3A_118 : vector<128x128xi32>
    %sign3A_120 = arith.extui %sign3A_119 : vector<128x128xi1> to vector<128x128xi32>
    %sign3A_121 = arith.constant 0 : i32
    %sign3A_122 = vector.broadcast %sign3A_121 : i32 to vector<128x128xi32>
    %sign3A_123 = arith.cmpi slt, %iota3A_84, %sign3A_122 : vector<128x128xi32>
    %sign3A_124 = arith.extui %sign3A_123 : vector<128x128xi1> to vector<128x128xi32>
    %sign3A_125 = arith.subi %sign3A_120, %sign3A_124 : vector<128x128xi32>
    %sign3A_126 = arith.constant 0 : i32
    %sign3A_127 = arith.cmpi sgt, %jit3A_114, %sign3A_126 : i32
    %sign3A_128 = arith.extui %sign3A_127 : i1 to i32
    %sign3A_129 = arith.constant 0 : i32
    %sign3A_130 = arith.cmpi slt, %jit3A_114, %sign3A_129 : i32
    %sign3A_131 = arith.extui %sign3A_130 : i1 to i32
    %sign3A_132 = arith.subi %sign3A_128, %sign3A_131 : i32
    %ne3A_133 = vector.broadcast %sign3A_132 : i32 to vector<128x128xi32>
    %ne3A_134 = arith.cmpi ne, %sign3A_125, %ne3A_133 : vector<128x128xi32>
    %rem3A_135 = vector.broadcast %jit3A_114 : i32 to vector<128x128xi32>
    %rem3A_136 = arith.remsi %iota3A_84, %rem3A_135 : vector<128x128xi32>
    %ne3A_137 = arith.constant 0 : i32
    %ne3A_138 = vector.broadcast %ne3A_137 : i32 to vector<128x128xi32>
    %ne3A_139 = arith.cmpi ne, %rem3A_136, %ne3A_138 : vector<128x128xi32>
    %and3A_140 = arith.andi %ne3A_134, %ne3A_139 : vector<128x128xi1>
    %sub3A_141 = arith.constant 1 : i32
    %sub3A_142 = vector.broadcast %sub3A_141 : i32 to vector<128x128xi32>
    %sub3A_143 = arith.subi %div3A_116, %sub3A_142 : vector<128x128xi32>
    %select_n3A_144 = arith.select %and3A_140, %sub3A_143, %div3A_116 : vector<128x128xi1>, vector<128x128xi32>
    %eq3A_145 = arith.cmpi eq, %select_n3A_113, %select_n3A_144 : vector<128x128xi32>
    %jit3A_146 = arith.constant 1.000000e+00 : f32
    %jit3A_147 = arith.constant 0.000000e+00 : f32
    %broadcast_in_dim3A_148 = vector.broadcast %jit3A_146 : f32 to vector<128x128xf32>
    %broadcast_in_dim3A_149 = vector.broadcast %jit3A_147 : f32 to vector<128x128xf32>
    %select_n3A_150 = arith.select %eq3A_145, %broadcast_in_dim3A_148, %broadcast_in_dim3A_149 : vector<128x128xi1>, vector<128x128xf32>
    %dot_general3A_151 = arith.constant dense<0.000000e+00> : vector<6400x128xf32>
    %dot_general3A_152 = tpu.matmul %mul3A, %select_n3A_150, %dot_general3A_151 {dimension_numbers = #tpu.dot_dimension_numbers<[1], [0], [0], [1], [0, 0, 1, 1], [], []>, transpose_lhs_hint = false} : vector<6400x128xf32>, vector<128x128xf32>, vector<6400x128xf32> -> vector<6400x128xf32>
    %mul3A_153 = arith.constant 0.176776692 : f32
    %mul3A_154 = vector.broadcast %mul3A_153 : f32 to vector<6400x128xf32>
    %mul3A_155 = arith.mulf %dot_general3A_152, %mul3A_154 : vector<6400x128xf32>
    %exp3A = math.exp %mul3A_155 : vector<6400x128xf32>
    %mul3A_156 = arith.mulf %exp3A, %add3A_80 : vector<6400x128xf32>
    %reshape3A_157 = vector.shape_cast %mul3A_156 : vector<6400x128xf32> to vector<200x32x128xf32>
    %reduce_sum3A = arith.constant dense<0.000000e+00> : vector<200x128xf32>
    %reduce_sum3A_158 = vector.multi_reduction <add>, %reshape3A_157, %reduce_sum3A [1] : vector<200x32x128xf32> to vector<200x128xf32>
    %reshape3A_159 = vector.shape_cast %exp3A : vector<6400x128xf32> to vector<200x32x128xf32>
    %reduce_sum3A_160 = arith.constant dense<0.000000e+00> : vector<200x128xf32>
    %reduce_sum3A_161 = vector.multi_reduction <add>, %reshape3A_159, %reduce_sum3A_160 [1] : vector<200x32x128xf32> to vector<200x128xf32>
    %div3A_162 = arith.divf %reduce_sum3A_158, %reduce_sum3A_161 : vector<200x128xf32>
    %dot_general3A_163 = arith.constant dense<0.000000e+00> : vector<200x128xf32>
    %dot_general3A_164 = tpu.matmul %div3A_162, %get3A_65, %dot_general3A_163 {dimension_numbers = #tpu.dot_dimension_numbers<[1], [0], [0], [1], [0, 0, 1, 1], [], []>, transpose_lhs_hint = false} : vector<200x128xf32>, vector<128x128xf32>, vector<200x128xf32> -> vector<200x128xf32>
    %add3A_165 = vector.broadcast %get3A_68 : vector<1x128xf32> to vector<200x128xf32>
    %add3A_166 = arith.addf %dot_general3A_164, %add3A_165 : vector<200x128xf32>
    %add3A_167 = arith.addf %add3A_166, %get3A_44 : vector<200x128xf32>
    %swap3A_168 = arith.constant 0 : index
    %swap3A_169 = arith.constant 0 : index
    %swap3A_170 = vector.load %arg15[%swap3A_168, %swap3A_169] : memref<200x128xf32, #tpu.memory_space<vmem>>, vector<200x128xf32>
    tpu.vector_store %arg15[%swap3A_168, %swap3A_169], %add3A_167 {strides = array<i32>} : memref<200x128xf32, #tpu.memory_space<vmem>>, vector<200x128xf32>,
    return
  }
  func.func @transform_0(%arg0: i32) -> (i32, i32) {
    %add3A = arith.constant 10 : i32
    %add3A_0 = arith.addi %arg0, %add3A : i32
    %c0_i32 = arith.constant 0 : i32
    %c0_i32_1 = arith.constant 0 : i32
    return %add3A_0, %c0_i32 : i32, i32
  }
  func.func @transform_1(%arg0: i32) -> (i32, i32) {
    %c0_i32 = arith.constant 0 : i32
    %c0_i32_0 = arith.constant 0 : i32
    return %arg0, %c0_i32 : i32, i32
  }
  func.func @transform_2(%arg0: i32) -> (i32, i32) {
    %add3A = arith.constant 10 : i32
    %add3A_0 = arith.addi %arg0, %add3A : i32
    %c0_i32 = arith.constant 0 : i32
    %c0_i32_1 = arith.constant 0 : i32
    return %add3A_0, %c0_i32 : i32, i32
  }
  func.func @transform_3(%arg0: i32) -> (i32, i32) {
    %c0_i32 = arith.constant 0 : i32
    %c0_i32_0 = arith.constant 0 : i32
    %c0_i32_1 = arith.constant 0 : i32
    return %c0_i32, %c0_i32_0 : i32, i32
  }
  func.func @transform_4(%arg0: i32) -> (i32, i32) {
    %c0_i32 = arith.constant 0 : i32
    %c0_i32_0 = arith.constant 0 : i32
    %c0_i32_1 = arith.constant 0 : i32
    return %c0_i32, %c0_i32_0 : i32, i32
  }
  func.func @transform_5(%arg0: i32) -> (i32, i32) {
    %c0_i32 = arith.constant 0 : i32
    %c0_i32_0 = arith.constant 0 : i32
    %c0_i32_1 = arith.constant 0 : i32
    return %c0_i32, %c0_i32_0 : i32, i32
  }
  func.func @transform_6(%arg0: i32) -> (i32, i32) {
    %c0_i32 = arith.constant 0 : i32
    %c0_i32_0 = arith.constant 0 : i32
    %c0_i32_1 = arith.constant 0 : i32
    return %c0_i32, %c0_i32_0 : i32, i32
  }
  func.func @transform_7(%arg0: i32) -> (i32, i32) {
    %c0_i32 = arith.constant 0 : i32
    %c0_i32_0 = arith.constant 0 : i32
    %c0_i32_1 = arith.constant 0 : i32
    return %c0_i32, %c0_i32_0 : i32, i32
  }
  func.func @transform_8(%arg0: i32) -> (i32, i32) {
    %c0_i32 = arith.constant 0 : i32
    %c0_i32_0 = arith.constant 0 : i32
    %c0_i32_1 = arith.constant 0 : i32
    return %c0_i32, %c0_i32_0 : i32, i32
  }
  func.func @transform_9(%arg0: i32) -> (i32, i32) {
    %c0_i32 = arith.constant 0 : i32
    %c0_i32_0 = arith.constant 0 : i32
    %c0_i32_1 = arith.constant 0 : i32
    return %c0_i32, %c0_i32_0 : i32, i32
  }
  func.func @transform_10(%arg0: i32) -> (i32, i32) {
    %c0_i32 = arith.constant 0 : i32
    %c0_i32_0 = arith.constant 0 : i32
    %c0_i32_1 = arith.constant 0 : i32
    return %c0_i32, %c0_i32_0 : i32, i32
  }
  func.func @transform_11(%arg0: i32) -> (i32, i32) {
    %c0_i32 = arith.constant 0 : i32
    %c0_i32_0 = arith.constant 0 : i32
    %c0_i32_1 = arith.constant 0 : i32
    return %c0_i32, %c0_i32_0 : i32, i32
  }
  func.func @transform_12(%arg0: i32) -> (i32, i32) {
    %c0_i32 = arith.constant 0 : i32
    %c0_i32_0 = arith.constant 0 : i32
    %c0_i32_1 = arith.constant 0 : i32
    return %c0_i32, %c0_i32_0 : i32, i32
  }
  func.func @transform_13(%arg0: i32) -> (i32, i32) {
    %c0_i32 = arith.constant 0 : i32
    %c0_i32_0 = arith.constant 0 : i32
    return %arg0, %c0_i32 : i32, i32
  }
  func.func @transform_14(%arg0: i32) -> (i32, i32) {
    %c0_i32 = arith.constant 0 : i32
    %c0_i32_0 = arith.constant 0 : i32
    return %arg0, %c0_i32 : i32, i32
  }
}

module attributes {stable_mosaic.version = 14 : i64} {
  func.func @_p2_body(%arg0: i32, %arg1: memref<6400x128xbf16, #tpu.memory_space<vmem>>, %arg2: memref<6400x128xf32, #tpu.memory_space<vmem>>, %arg3: memref<200x128xf32, #tpu.memory_space<vmem>>, %arg4: memref<128x128xf32, #tpu.memory_space<vmem>>, %arg5: memref<1x128xf32, #tpu.memory_space<vmem>>, %arg6: memref<128x128xf32, #tpu.memory_space<vmem>>, %arg7: memref<1x128xf32, #tpu.memory_space<vmem>>, %arg8: memref<128x128xf32, #tpu.memory_space<vmem>>, %arg9: memref<1x128xf32, #tpu.memory_space<vmem>>, %arg10: memref<128x128xf32, #tpu.memory_space<vmem>>, %arg11: memref<1x128xf32, #tpu.memory_space<vmem>>, %arg12: memref<128x128xf32, #tpu.memory_space<vmem>>, %arg13: memref<1x128xf32, #tpu.memory_space<vmem>>, %arg14: memref<6400x128xbf16, #tpu.memory_space<vmem>>, %arg15: memref<200x128xf32, #tpu.memory_space<vmem>>) attributes {dimension_semantics = [#tpu.dimension_semantics<arbitrary>], iteration_bounds = array<i64: 10>, scalar_prefetch = 0 : i64, scratch_operands = 0 : i64, tpu.core_type = #tpu.core_type<tc>, window_params = [{transform_indices = @transform_0, window_bounds = array<i64: 6400, 128>}, {transform_indices = @transform_1, window_bounds = array<i64: 6400, 128>}, {transform_indices = @transform_2, window_bounds = array<i64: 200, 128>}, {pipeline_mode = #tpu.pipeline_mode<synchronous>, transform_indices = @transform_3, window_bounds = array<i64: 128, 128>}, {pipeline_mode = #tpu.pipeline_mode<synchronous>, transform_indices = @transform_4, window_bounds = array<i64: 1, 128>}, {pipeline_mode = #tpu.pipeline_mode<synchronous>, transform_indices = @transform_5, window_bounds = array<i64: 128, 128>}, {pipeline_mode = #tpu.pipeline_mode<synchronous>, transform_indices = @transform_6, window_bounds = array<i64: 1, 128>}, {pipeline_mode = #tpu.pipeline_mode<synchronous>, transform_indices = @transform_7, window_bounds = array<i64: 128, 128>}, {pipeline_mode = #tpu.pipeline_mode<synchronous>, transform_indices = @transform_8, window_bounds = array<i64: 1, 128>}, {pipeline_mode = #tpu.pipeline_mode<synchronous>, transform_indices = @transform_9, window_bounds = array<i64: 128, 128>}, {pipeline_mode = #tpu.pipeline_mode<synchronous>, transform_indices = @transform_10, window_bounds = array<i64: 1, 128>}, {pipeline_mode = #tpu.pipeline_mode<synchronous>, transform_indices = @transform_11, window_bounds = array<i64: 128, 128>}, {pipeline_mode = #tpu.pipeline_mode<synchronous>, transform_indices = @transform_12, window_bounds = array<i64: 1, 128>}, {transform_indices = @transform_13, window_bounds = array<i64: 6400, 128>}, {transform_indices = @transform_14, window_bounds = array<i64: 200, 128>}]} {
    %get3A = arith.constant 0 : index
    %get3A_0 = arith.constant 0 : index
    %get3A_1 = vector.load %arg1[%get3A, %get3A_0] : memref<6400x128xbf16, #tpu.memory_space<vmem>>, vector<6400x128xbf16>
    %convert_element_type3A = arith.extf %get3A_1 : vector<6400x128xbf16> to vector<6400x128xf32>
    %get3A_2 = arith.constant 0 : index
    %get3A_3 = arith.constant 0 : index
    %get3A_4 = vector.load %arg2[%get3A_2, %get3A_3] : memref<6400x128xf32, #tpu.memory_space<vmem>>, vector<6400x128xf32>
    %slice3A = vector.extract_strided_slice %convert_element_type3A {offsets = [1, 0], sizes = [6399, 128], strides = [1, 1]} : vector<6400x128xf32> to vector<6399x128xf32>
    %slice3A_5 = vector.extract_strided_slice %convert_element_type3A {offsets = [0, 0], sizes = [1, 128], strides = [1, 1]} : vector<6400x128xf32> to vector<1x128xf32>
    %concatenate3A = tpu.concatenate %slice3A, %slice3A_5 in 0 : vector<6399x128xf32>, vector<1x128xf32> -> vector<6400x128xf32>
    %slice3A_6 = vector.extract_strided_slice %convert_element_type3A {offsets = [6399, 0], sizes = [1, 128], strides = [1, 1]} : vector<6400x128xf32> to vector<1x128xf32>
    %slice3A_7 = vector.extract_strided_slice %convert_element_type3A {offsets = [0, 0], sizes = [6399, 128], strides = [1, 1]} : vector<6400x128xf32> to vector<6399x128xf32>
    %concatenate3A_8 = tpu.concatenate %slice3A_6, %slice3A_7 in 0 : vector<1x128xf32>, vector<6399x128xf32> -> vector<6400x128xf32>
    %iota3A = tpu.iota {dimensions = array<i32: 0>} : vector<6400x128xi32>
    %jit3A = arith.constant 2 : i32
    %eq3A = arith.constant 0 : i32
    %eq3A_9 = arith.cmpi eq, %jit3A, %eq3A : i32
    %jit3A_10 = arith.constant 1 : i32
    %select_n3A = arith.select %eq3A_9, %jit3A_10, %jit3A : i32
    %rem3A = vector.broadcast %select_n3A : i32 to vector<6400x128xi32>
    %rem3A_11 = arith.remsi %iota3A, %rem3A : vector<6400x128xi32>
    %ne3A = arith.constant 0 : i32
    %ne3A_12 = vector.broadcast %ne3A : i32 to vector<6400x128xi32>
    %ne3A_13 = arith.cmpi ne, %rem3A_11, %ne3A_12 : vector<6400x128xi32>
    %lt3A = arith.constant 0 : i32
    %lt3A_14 = vector.broadcast %lt3A : i32 to vector<6400x128xi32>
    %lt3A_15 = arith.cmpi slt, %rem3A_11, %lt3A_14 : vector<6400x128xi32>
    %lt3A_16 = arith.constant 0 : i32
    %lt3A_17 = arith.cmpi slt, %select_n3A, %lt3A_16 : i32
    %ne3A_18 = vector.broadcast %lt3A_17 : i1 to vector<6400x128xi1>
    %ne3A_19 = vector.broadcast %ne3A_18 : vector<6400x128xi1> to vector<6400x128xi1>
    %ne3A_20 = arith.xori %lt3A_15, %ne3A_19 : vector<6400x128xi1>
    %and3A = arith.andi %ne3A_20, %ne3A_13 : vector<6400x128xi1>
    %add3A = vector.broadcast %select_n3A : i32 to vector<6400x128xi32>
    %add3A_21 = arith.addi %rem3A_11, %add3A : vector<6400x128xi32>
    %select_n3A_22 = arith.select %and3A, %add3A_21, %rem3A_11 : vector<6400x128xi1>, vector<6400x128xi32>
    %eq3A_23 = arith.constant 0 : i32
    %eq3A_24 = vector.broadcast %eq3A_23 : i32 to vector<6400x128xi32>
    %eq3A_25 = arith.cmpi eq, %select_n3A_22, %eq3A_24 : vector<6400x128xi32>
    %select_n3A_26 = arith.select %eq3A_25, %concatenate3A, %concatenate3A_8 : vector<6400x128xi1>, vector<6400x128xf32>
    %sub3A = arith.subf %get3A_4, %select_n3A_26 : vector<6400x128xf32>
    %get3A_27 = arith.constant 0 : index
    %get3A_28 = arith.constant 0 : index
    %get3A_29 = vector.load %arg12[%get3A_27, %get3A_28] : memref<128x128xf32, #tpu.memory_space<vmem>>, vector<128x128xf32>
    %dot_general3A = arith.constant dense<0.000000e+00> : vector<6400x128xf32>
    %dot_general3A_30 = tpu.matmul %sub3A, %get3A_29, %dot_general3A {dimension_numbers = #tpu.dot_dimension_numbers<[1], [0], [0], [1], [0, 0, 1, 1], [], []>, transpose_lhs_hint = false} : vector<6400x128xf32>, vector<128x128xf32>, vector<6400x128xf32> -> vector<6400x128xf32>
    %add3A_31 = arith.addf %convert_element_type3A, %dot_general3A_30 : vector<6400x128xf32>
    %get3A_32 = arith.constant 0 : index
    %get3A_33 = arith.constant 0 : index
    %get3A_34 = vector.load %arg13[%get3A_32, %get3A_33] : memref<1x128xf32, #tpu.memory_space<vmem>>, vector<1x128xf32>
    %add3A_35 = vector.broadcast %get3A_34 : vector<1x128xf32> to vector<6400x128xf32>
    %add3A_36 = arith.addf %add3A_31, %add3A_35 : vector<6400x128xf32>
    %max3A = arith.constant 0.000000e+00 : f32
    %max3A_37 = vector.broadcast %max3A : f32 to vector<6400x128xf32>
    %max3A_38 = arith.maximumf %add3A_36, %max3A_37 : vector<6400x128xf32>
    %convert_element_type3A_39 = arith.truncf %max3A_38 : vector<6400x128xf32> to vector<6400x128xbf16>
    %swap3A = arith.constant 0 : index
    %swap3A_40 = arith.constant 0 : index
    %swap3A_41 = vector.load %arg14[%swap3A, %swap3A_40] : memref<6400x128xbf16, #tpu.memory_space<vmem>>, vector<6400x128xbf16>
    tpu.vector_store %arg14[%swap3A, %swap3A_40], %convert_element_type3A_39 {strides = array<i32>} : memref<6400x128xbf16, #tpu.memory_space<vmem>>, vector<6400x128xbf16>,
    %get3A_42 = arith.constant 0 : index
    %get3A_43 = arith.constant 0 : index
    %get3A_44 = vector.load %arg3[%get3A_42, %get3A_43] : memref<200x128xf32, #tpu.memory_space<vmem>>, vector<200x128xf32>
    %get3A_45 = arith.constant 0 : index
    %get3A_46 = arith.constant 0 : index
    %get3A_47 = vector.load %arg4[%get3A_45, %get3A_46] : memref<128x128xf32, #tpu.memory_space<vmem>>, vector<128x128xf32>
    %get3A_48 = arith.constant 0 : index
    %get3A_49 = arith.constant 0 : index
    %get3A_50 = vector.load %arg5[%get3A_48, %get3A_49] : memref<1x128xf32, #tpu.memory_space<vmem>>, vector<1x128xf32>
    %get3A_51 = arith.constant 0 : index
    %get3A_52 = arith.constant 0 : index
    %get3A_53 = vector.load %arg6[%get3A_51, %get3A_52] : memref<128x128xf32, #tpu.memory_space<vmem>>, vector<128x128xf32>
    %get3A_54 = arith.constant 0 : index
    %get3A_55 = arith.constant 0 : index
    %get3A_56 = vector.load %arg7[%get3A_54, %get3A_55] : memref<1x128xf32, #tpu.memory_space<vmem>>, vector<1x128xf32>
    %get3A_57 = arith.constant 0 : index
    %get3A_58 = arith.constant 0 : index
    %get3A_59 = vector.load %arg8[%get3A_57, %get3A_58] : memref<128x128xf32, #tpu.memory_space<vmem>>, vector<128x128xf32>
    %get3A_60 = arith.constant 0 : index
    %get3A_61 = arith.constant 0 : index
    %get3A_62 = vector.load %arg9[%get3A_60, %get3A_61] : memref<1x128xf32, #tpu.memory_space<vmem>>, vector<1x128xf32>
    %get3A_63 = arith.constant 0 : index
    %get3A_64 = arith.constant 0 : index
    %get3A_65 = vector.load %arg10[%get3A_63, %get3A_64] : memref<128x128xf32, #tpu.memory_space<vmem>>, vector<128x128xf32>
    %get3A_66 = arith.constant 0 : index
    %get3A_67 = arith.constant 0 : index
    %get3A_68 = vector.load %arg11[%get3A_66, %get3A_67] : memref<1x128xf32, #tpu.memory_space<vmem>>, vector<1x128xf32>
    %dot_general3A_69 = arith.constant dense<0.000000e+00> : vector<200x128xf32>
    %dot_general3A_70 = tpu.matmul %get3A_44, %get3A_47, %dot_general3A_69 {dimension_numbers = #tpu.dot_dimension_numbers<[1], [0], [0], [1], [0, 0, 1, 1], [], []>, transpose_lhs_hint = false} : vector<200x128xf32>, vector<128x128xf32>, vector<200x128xf32> -> vector<200x128xf32>
    %add3A_71 = vector.broadcast %get3A_50 : vector<1x128xf32> to vector<200x128xf32>
    %add3A_72 = arith.addf %dot_general3A_70, %add3A_71 : vector<200x128xf32>
    %dot_general3A_73 = arith.constant dense<0.000000e+00> : vector<6400x128xf32>
    %dot_general3A_74 = tpu.matmul %max3A_38, %get3A_53, %dot_general3A_73 {dimension_numbers = #tpu.dot_dimension_numbers<[1], [0], [0], [1], [0, 0, 1, 1], [], []>, transpose_lhs_hint = false} : vector<6400x128xf32>, vector<128x128xf32>, vector<6400x128xf32> -> vector<6400x128xf32>
    %add3A_75 = vector.broadcast %get3A_56 : vector<1x128xf32> to vector<6400x128xf32>
    %add3A_76 = arith.addf %dot_general3A_74, %add3A_75 : vector<6400x128xf32>
    %dot_general3A_77 = arith.constant dense<0.000000e+00> : vector<6400x128xf32>
    %dot_general3A_78 = tpu.matmul %max3A_38, %get3A_59, %dot_general3A_77 {dimension_numbers = #tpu.dot_dimension_numbers<[1], [0], [0], [1], [0, 0, 1, 1], [], []>, transpose_lhs_hint = false} : vector<6400x128xf32>, vector<128x128xf32>, vector<6400x128xf32> -> vector<6400x128xf32>
    %add3A_79 = vector.broadcast %get3A_62 : vector<1x128xf32> to vector<6400x128xf32>
    %add3A_80 = arith.addf %dot_general3A_78, %add3A_79 : vector<6400x128xf32>
    %broadcast_in_dim3A = vector.shape_cast %add3A_72 : vector<200x128xf32> to vector<200x1x128xf32>
    %broadcast_in_dim3A_81 = vector.shape_cast %broadcast_in_dim3A : vector<200x1x128xf32> to vector<200x1x128xf32>
    %broadcast_in_dim3A_82 = vector.broadcast %broadcast_in_dim3A_81 : vector<200x1x128xf32> to vector<200x32x128xf32>
    %reshape3A = vector.shape_cast %broadcast_in_dim3A_82 : vector<200x32x128xf32> to vector<6400x128xf32>
    %mul3A = arith.mulf %reshape3A, %add3A_76 : vector<6400x128xf32>
    %iota3A_83 = tpu.iota {dimensions = array<i32: 0>} : vector<128x128xi32>
    %iota3A_84 = tpu.iota {dimensions = array<i32: 1>} : vector<128x128xi32>
    %jit3A_85 = arith.constant 32 : i32
    %div3A = vector.broadcast %jit3A_85 : i32 to vector<128x128xi32>
    %div3A_86 = arith.divsi %iota3A_83, %div3A : vector<128x128xi32>
    %sign3A = arith.constant 0 : i32
    %sign3A_87 = vector.broadcast %sign3A : i32 to vector<128x128xi32>
    %sign3A_88 = arith.cmpi sgt, %iota3A_83, %sign3A_87 : vector<128x128xi32>
    %sign3A_89 = arith.extui %sign3A_88 : vector<128x128xi1> to vector<128x128xi32>
    %sign3A_90 = arith.constant 0 : i32
    %sign3A_91 = vector.broadcast %sign3A_90 : i32 to vector<128x128xi32>
    %sign3A_92 = arith.cmpi slt, %iota3A_83, %sign3A_91 : vector<128x128xi32>
    %sign3A_93 = arith.extui %sign3A_92 : vector<128x128xi1> to vector<128x128xi32>
    %sign3A_94 = arith.subi %sign3A_89, %sign3A_93 : vector<128x128xi32>
    %sign3A_95 = arith.constant 0 : i32
    %sign3A_96 = arith.cmpi sgt, %jit3A_85, %sign3A_95 : i32
    %sign3A_97 = arith.extui %sign3A_96 : i1 to i32
    %sign3A_98 = arith.constant 0 : i32
    %sign3A_99 = arith.cmpi slt, %jit3A_85, %sign3A_98 : i32
    %sign3A_100 = arith.extui %sign3A_99 : i1 to i32
    %sign3A_101 = arith.subi %sign3A_97, %sign3A_100 : i32
    %ne3A_102 = vector.broadcast %sign3A_101 : i32 to vector<128x128xi32>
    %ne3A_103 = arith.cmpi ne, %sign3A_94, %ne3A_102 : vector<128x128xi32>
    %rem3A_104 = vector.broadcast %jit3A_85 : i32 to vector<128x128xi32>
    %rem3A_105 = arith.remsi %iota3A_83, %rem3A_104 : vector<128x128xi32>
    %ne3A_106 = arith.constant 0 : i32
    %ne3A_107 = vector.broadcast %ne3A_106 : i32 to vector<128x128xi32>
    %ne3A_108 = arith.cmpi ne, %rem3A_105, %ne3A_107 : vector<128x128xi32>
    %and3A_109 = arith.andi %ne3A_103, %ne3A_108 : vector<128x128xi1>
    %sub3A_110 = arith.constant 1 : i32
    %sub3A_111 = vector.broadcast %sub3A_110 : i32 to vector<128x128xi32>
    %sub3A_112 = arith.subi %div3A_86, %sub3A_111 : vector<128x128xi32>
    %select_n3A_113 = arith.select %and3A_109, %sub3A_112, %div3A_86 : vector<128x128xi1>, vector<128x128xi32>
    %jit3A_114 = arith.constant 32 : i32
    %div3A_115 = vector.broadcast %jit3A_114 : i32 to vector<128x128xi32>
    %div3A_116 = arith.divsi %iota3A_84, %div3A_115 : vector<128x128xi32>
    %sign3A_117 = arith.constant 0 : i32
    %sign3A_118 = vector.broadcast %sign3A_117 : i32 to vector<128x128xi32>
    %sign3A_119 = arith.cmpi sgt, %iota3A_84, %sign3A_118 : vector<128x128xi32>
    %sign3A_120 = arith.extui %sign3A_119 : vector<128x128xi1> to vector<128x128xi32>
    %sign3A_121 = arith.constant 0 : i32
    %sign3A_122 = vector.broadcast %sign3A_121 : i32 to vector<128x128xi32>
    %sign3A_123 = arith.cmpi slt, %iota3A_84, %sign3A_122 : vector<128x128xi32>
    %sign3A_124 = arith.extui %sign3A_123 : vector<128x128xi1> to vector<128x128xi32>
    %sign3A_125 = arith.subi %sign3A_120, %sign3A_124 : vector<128x128xi32>
    %sign3A_126 = arith.constant 0 : i32
    %sign3A_127 = arith.cmpi sgt, %jit3A_114, %sign3A_126 : i32
    %sign3A_128 = arith.extui %sign3A_127 : i1 to i32
    %sign3A_129 = arith.constant 0 : i32
    %sign3A_130 = arith.cmpi slt, %jit3A_114, %sign3A_129 : i32
    %sign3A_131 = arith.extui %sign3A_130 : i1 to i32
    %sign3A_132 = arith.subi %sign3A_128, %sign3A_131 : i32
    %ne3A_133 = vector.broadcast %sign3A_132 : i32 to vector<128x128xi32>
    %ne3A_134 = arith.cmpi ne, %sign3A_125, %ne3A_133 : vector<128x128xi32>
    %rem3A_135 = vector.broadcast %jit3A_114 : i32 to vector<128x128xi32>
    %rem3A_136 = arith.remsi %iota3A_84, %rem3A_135 : vector<128x128xi32>
    %ne3A_137 = arith.constant 0 : i32
    %ne3A_138 = vector.broadcast %ne3A_137 : i32 to vector<128x128xi32>
    %ne3A_139 = arith.cmpi ne, %rem3A_136, %ne3A_138 : vector<128x128xi32>
    %and3A_140 = arith.andi %ne3A_134, %ne3A_139 : vector<128x128xi1>
    %sub3A_141 = arith.constant 1 : i32
    %sub3A_142 = vector.broadcast %sub3A_141 : i32 to vector<128x128xi32>
    %sub3A_143 = arith.subi %div3A_116, %sub3A_142 : vector<128x128xi32>
    %select_n3A_144 = arith.select %and3A_140, %sub3A_143, %div3A_116 : vector<128x128xi1>, vector<128x128xi32>
    %eq3A_145 = arith.cmpi eq, %select_n3A_113, %select_n3A_144 : vector<128x128xi32>
    %jit3A_146 = arith.constant 1.000000e+00 : f32
    %jit3A_147 = arith.constant 0.000000e+00 : f32
    %broadcast_in_dim3A_148 = vector.broadcast %jit3A_146 : f32 to vector<128x128xf32>
    %broadcast_in_dim3A_149 = vector.broadcast %jit3A_147 : f32 to vector<128x128xf32>
    %select_n3A_150 = arith.select %eq3A_145, %broadcast_in_dim3A_148, %broadcast_in_dim3A_149 : vector<128x128xi1>, vector<128x128xf32>
    %dot_general3A_151 = arith.constant dense<0.000000e+00> : vector<6400x128xf32>
    %dot_general3A_152 = tpu.matmul %mul3A, %select_n3A_150, %dot_general3A_151 {dimension_numbers = #tpu.dot_dimension_numbers<[1], [0], [0], [1], [0, 0, 1, 1], [], []>, transpose_lhs_hint = false} : vector<6400x128xf32>, vector<128x128xf32>, vector<6400x128xf32> -> vector<6400x128xf32>
    %mul3A_153 = arith.constant 0.176776692 : f32
    %mul3A_154 = vector.broadcast %mul3A_153 : f32 to vector<6400x128xf32>
    %mul3A_155 = arith.mulf %dot_general3A_152, %mul3A_154 : vector<6400x128xf32>
    %exp3A = math.exp %mul3A_155 : vector<6400x128xf32>
    %mul3A_156 = arith.mulf %exp3A, %add3A_80 : vector<6400x128xf32>
    %reshape3A_157 = vector.shape_cast %mul3A_156 : vector<6400x128xf32> to vector<200x32x128xf32>
    %reduce_sum3A = arith.constant dense<0.000000e+00> : vector<200x128xf32>
    %reduce_sum3A_158 = vector.multi_reduction <add>, %reshape3A_157, %reduce_sum3A [1] : vector<200x32x128xf32> to vector<200x128xf32>
    %reshape3A_159 = vector.shape_cast %exp3A : vector<6400x128xf32> to vector<200x32x128xf32>
    %reduce_sum3A_160 = arith.constant dense<0.000000e+00> : vector<200x128xf32>
    %reduce_sum3A_161 = vector.multi_reduction <add>, %reshape3A_159, %reduce_sum3A_160 [1] : vector<200x32x128xf32> to vector<200x128xf32>
    %div3A_162 = arith.divf %reduce_sum3A_158, %reduce_sum3A_161 : vector<200x128xf32>
    %dot_general3A_163 = arith.constant dense<0.000000e+00> : vector<200x128xf32>
    %dot_general3A_164 = tpu.matmul %div3A_162, %get3A_65, %dot_general3A_163 {dimension_numbers = #tpu.dot_dimension_numbers<[1], [0], [0], [1], [0, 0, 1, 1], [], []>, transpose_lhs_hint = false} : vector<200x128xf32>, vector<128x128xf32>, vector<200x128xf32> -> vector<200x128xf32>
    %add3A_165 = vector.broadcast %get3A_68 : vector<1x128xf32> to vector<200x128xf32>
    %add3A_166 = arith.addf %dot_general3A_164, %add3A_165 : vector<200x128xf32>
    %add3A_167 = arith.addf %add3A_166, %get3A_44 : vector<200x128xf32>
    %swap3A_168 = arith.constant 0 : index
    %swap3A_169 = arith.constant 0 : index
    %swap3A_170 = vector.load %arg15[%swap3A_168, %swap3A_169] : memref<200x128xf32, #tpu.memory_space<vmem>>, vector<200x128xf32>
    tpu.vector_store %arg15[%swap3A_168, %swap3A_169], %add3A_167 {strides = array<i32>} : memref<200x128xf32, #tpu.memory_space<vmem>>, vector<200x128xf32>,
    return
  }
  func.func @transform_0(%arg0: i32) -> (i32, i32) {
    %add3A = arith.constant 0 : i32
    %add3A_0 = arith.addi %arg0, %add3A : i32
    %c0_i32 = arith.constant 0 : i32
    %c0_i32_1 = arith.constant 0 : i32
    return %add3A_0, %c0_i32 : i32, i32
  }
  func.func @transform_1(%arg0: i32) -> (i32, i32) {
    %c0_i32 = arith.constant 0 : i32
    %c0_i32_0 = arith.constant 0 : i32
    return %arg0, %c0_i32 : i32, i32
  }
  func.func @transform_2(%arg0: i32) -> (i32, i32) {
    %add3A = arith.constant 0 : i32
    %add3A_0 = arith.addi %arg0, %add3A : i32
    %c0_i32 = arith.constant 0 : i32
    %c0_i32_1 = arith.constant 0 : i32
    return %add3A_0, %c0_i32 : i32, i32
  }
  func.func @transform_3(%arg0: i32) -> (i32, i32) {
    %c0_i32 = arith.constant 0 : i32
    %c0_i32_0 = arith.constant 0 : i32
    %c0_i32_1 = arith.constant 0 : i32
    return %c0_i32, %c0_i32_0 : i32, i32
  }
  func.func @transform_4(%arg0: i32) -> (i32, i32) {
    %c0_i32 = arith.constant 0 : i32
    %c0_i32_0 = arith.constant 0 : i32
    %c0_i32_1 = arith.constant 0 : i32
    return %c0_i32, %c0_i32_0 : i32, i32
  }
  func.func @transform_5(%arg0: i32) -> (i32, i32) {
    %c0_i32 = arith.constant 0 : i32
    %c0_i32_0 = arith.constant 0 : i32
    %c0_i32_1 = arith.constant 0 : i32
    return %c0_i32, %c0_i32_0 : i32, i32
  }
  func.func @transform_6(%arg0: i32) -> (i32, i32) {
    %c0_i32 = arith.constant 0 : i32
    %c0_i32_0 = arith.constant 0 : i32
    %c0_i32_1 = arith.constant 0 : i32
    return %c0_i32, %c0_i32_0 : i32, i32
  }
  func.func @transform_7(%arg0: i32) -> (i32, i32) {
    %c0_i32 = arith.constant 0 : i32
    %c0_i32_0 = arith.constant 0 : i32
    %c0_i32_1 = arith.constant 0 : i32
    return %c0_i32, %c0_i32_0 : i32, i32
  }
  func.func @transform_8(%arg0: i32) -> (i32, i32) {
    %c0_i32 = arith.constant 0 : i32
    %c0_i32_0 = arith.constant 0 : i32
    %c0_i32_1 = arith.constant 0 : i32
    return %c0_i32, %c0_i32_0 : i32, i32
  }
  func.func @transform_9(%arg0: i32) -> (i32, i32) {
    %c0_i32 = arith.constant 0 : i32
    %c0_i32_0 = arith.constant 0 : i32
    %c0_i32_1 = arith.constant 0 : i32
    return %c0_i32, %c0_i32_0 : i32, i32
  }
  func.func @transform_10(%arg0: i32) -> (i32, i32) {
    %c0_i32 = arith.constant 0 : i32
    %c0_i32_0 = arith.constant 0 : i32
    %c0_i32_1 = arith.constant 0 : i32
    return %c0_i32, %c0_i32_0 : i32, i32
  }
  func.func @transform_11(%arg0: i32) -> (i32, i32) {
    %c0_i32 = arith.constant 0 : i32
    %c0_i32_0 = arith.constant 0 : i32
    %c0_i32_1 = arith.constant 0 : i32
    return %c0_i32, %c0_i32_0 : i32, i32
  }
  func.func @transform_12(%arg0: i32) -> (i32, i32) {
    %c0_i32 = arith.constant 0 : i32
    %c0_i32_0 = arith.constant 0 : i32
    %c0_i32_1 = arith.constant 0 : i32
    return %c0_i32, %c0_i32_0 : i32, i32
  }
  func.func @transform_13(%arg0: i32) -> (i32, i32) {
    %c0_i32 = arith.constant 0 : i32
    %c0_i32_0 = arith.constant 0 : i32
    return %arg0, %c0_i32 : i32, i32
  }
  func.func @transform_14(%arg0: i32) -> (i32, i32) {
    %c0_i32 = arith.constant 0 : i32
    %c0_i32_0 = arith.constant 0 : i32
    return %arg0, %c0_i32 : i32, i32
  }
}

module attributes {stable_mosaic.version = 14 : i64} {
  func.func @_p2_body(%arg0: i32, %arg1: memref<6400x128xbf16, #tpu.memory_space<vmem>>, %arg2: memref<6400x128xf32, #tpu.memory_space<vmem>>, %arg3: memref<200x128xf32, #tpu.memory_space<vmem>>, %arg4: memref<128x128xf32, #tpu.memory_space<vmem>>, %arg5: memref<1x128xf32, #tpu.memory_space<vmem>>, %arg6: memref<128x128xf32, #tpu.memory_space<vmem>>, %arg7: memref<1x128xf32, #tpu.memory_space<vmem>>, %arg8: memref<128x128xf32, #tpu.memory_space<vmem>>, %arg9: memref<1x128xf32, #tpu.memory_space<vmem>>, %arg10: memref<128x128xf32, #tpu.memory_space<vmem>>, %arg11: memref<1x128xf32, #tpu.memory_space<vmem>>, %arg12: memref<128x128xf32, #tpu.memory_space<vmem>>, %arg13: memref<1x128xf32, #tpu.memory_space<vmem>>, %arg14: memref<6400x128xbf16, #tpu.memory_space<vmem>>, %arg15: memref<200x128xf32, #tpu.memory_space<vmem>>) attributes {dimension_semantics = [#tpu.dimension_semantics<arbitrary>], iteration_bounds = array<i64: 10>, scalar_prefetch = 0 : i64, scratch_operands = 0 : i64, tpu.core_type = #tpu.core_type<tc>, window_params = [{transform_indices = @transform_0, window_bounds = array<i64: 6400, 128>}, {transform_indices = @transform_1, window_bounds = array<i64: 6400, 128>}, {transform_indices = @transform_2, window_bounds = array<i64: 200, 128>}, {pipeline_mode = #tpu.pipeline_mode<synchronous>, transform_indices = @transform_3, window_bounds = array<i64: 128, 128>}, {pipeline_mode = #tpu.pipeline_mode<synchronous>, transform_indices = @transform_4, window_bounds = array<i64: 1, 128>}, {pipeline_mode = #tpu.pipeline_mode<synchronous>, transform_indices = @transform_5, window_bounds = array<i64: 128, 128>}, {pipeline_mode = #tpu.pipeline_mode<synchronous>, transform_indices = @transform_6, window_bounds = array<i64: 1, 128>}, {pipeline_mode = #tpu.pipeline_mode<synchronous>, transform_indices = @transform_7, window_bounds = array<i64: 128, 128>}, {pipeline_mode = #tpu.pipeline_mode<synchronous>, transform_indices = @transform_8, window_bounds = array<i64: 1, 128>}, {pipeline_mode = #tpu.pipeline_mode<synchronous>, transform_indices = @transform_9, window_bounds = array<i64: 128, 128>}, {pipeline_mode = #tpu.pipeline_mode<synchronous>, transform_indices = @transform_10, window_bounds = array<i64: 1, 128>}, {pipeline_mode = #tpu.pipeline_mode<synchronous>, transform_indices = @transform_11, window_bounds = array<i64: 128, 128>}, {pipeline_mode = #tpu.pipeline_mode<synchronous>, transform_indices = @transform_12, window_bounds = array<i64: 1, 128>}, {transform_indices = @transform_13, window_bounds = array<i64: 6400, 128>}, {transform_indices = @transform_14, window_bounds = array<i64: 200, 128>}]} {
    %get3A = arith.constant 0 : index
    %get3A_0 = arith.constant 0 : index
    %get3A_1 = vector.load %arg1[%get3A, %get3A_0] : memref<6400x128xbf16, #tpu.memory_space<vmem>>, vector<6400x128xbf16>
    %convert_element_type3A = arith.extf %get3A_1 : vector<6400x128xbf16> to vector<6400x128xf32>
    %get3A_2 = arith.constant 0 : index
    %get3A_3 = arith.constant 0 : index
    %get3A_4 = vector.load %arg2[%get3A_2, %get3A_3] : memref<6400x128xf32, #tpu.memory_space<vmem>>, vector<6400x128xf32>
    %slice3A = vector.extract_strided_slice %convert_element_type3A {offsets = [1, 0], sizes = [6399, 128], strides = [1, 1]} : vector<6400x128xf32> to vector<6399x128xf32>
    %slice3A_5 = vector.extract_strided_slice %convert_element_type3A {offsets = [0, 0], sizes = [1, 128], strides = [1, 1]} : vector<6400x128xf32> to vector<1x128xf32>
    %concatenate3A = tpu.concatenate %slice3A, %slice3A_5 in 0 : vector<6399x128xf32>, vector<1x128xf32> -> vector<6400x128xf32>
    %slice3A_6 = vector.extract_strided_slice %convert_element_type3A {offsets = [6399, 0], sizes = [1, 128], strides = [1, 1]} : vector<6400x128xf32> to vector<1x128xf32>
    %slice3A_7 = vector.extract_strided_slice %convert_element_type3A {offsets = [0, 0], sizes = [6399, 128], strides = [1, 1]} : vector<6400x128xf32> to vector<6399x128xf32>
    %concatenate3A_8 = tpu.concatenate %slice3A_6, %slice3A_7 in 0 : vector<1x128xf32>, vector<6399x128xf32> -> vector<6400x128xf32>
    %iota3A = tpu.iota {dimensions = array<i32: 0>} : vector<6400x128xi32>
    %jit3A = arith.constant 2 : i32
    %eq3A = arith.constant 0 : i32
    %eq3A_9 = arith.cmpi eq, %jit3A, %eq3A : i32
    %jit3A_10 = arith.constant 1 : i32
    %select_n3A = arith.select %eq3A_9, %jit3A_10, %jit3A : i32
    %rem3A = vector.broadcast %select_n3A : i32 to vector<6400x128xi32>
    %rem3A_11 = arith.remsi %iota3A, %rem3A : vector<6400x128xi32>
    %ne3A = arith.constant 0 : i32
    %ne3A_12 = vector.broadcast %ne3A : i32 to vector<6400x128xi32>
    %ne3A_13 = arith.cmpi ne, %rem3A_11, %ne3A_12 : vector<6400x128xi32>
    %lt3A = arith.constant 0 : i32
    %lt3A_14 = vector.broadcast %lt3A : i32 to vector<6400x128xi32>
    %lt3A_15 = arith.cmpi slt, %rem3A_11, %lt3A_14 : vector<6400x128xi32>
    %lt3A_16 = arith.constant 0 : i32
    %lt3A_17 = arith.cmpi slt, %select_n3A, %lt3A_16 : i32
    %ne3A_18 = vector.broadcast %lt3A_17 : i1 to vector<6400x128xi1>
    %ne3A_19 = vector.broadcast %ne3A_18 : vector<6400x128xi1> to vector<6400x128xi1>
    %ne3A_20 = arith.xori %lt3A_15, %ne3A_19 : vector<6400x128xi1>
    %and3A = arith.andi %ne3A_20, %ne3A_13 : vector<6400x128xi1>
    %add3A = vector.broadcast %select_n3A : i32 to vector<6400x128xi32>
    %add3A_21 = arith.addi %rem3A_11, %add3A : vector<6400x128xi32>
    %select_n3A_22 = arith.select %and3A, %add3A_21, %rem3A_11 : vector<6400x128xi1>, vector<6400x128xi32>
    %eq3A_23 = arith.constant 0 : i32
    %eq3A_24 = vector.broadcast %eq3A_23 : i32 to vector<6400x128xi32>
    %eq3A_25 = arith.cmpi eq, %select_n3A_22, %eq3A_24 : vector<6400x128xi32>
    %select_n3A_26 = arith.select %eq3A_25, %concatenate3A, %concatenate3A_8 : vector<6400x128xi1>, vector<6400x128xf32>
    %sub3A = arith.subf %get3A_4, %select_n3A_26 : vector<6400x128xf32>
    %get3A_27 = arith.constant 0 : index
    %get3A_28 = arith.constant 0 : index
    %get3A_29 = vector.load %arg12[%get3A_27, %get3A_28] : memref<128x128xf32, #tpu.memory_space<vmem>>, vector<128x128xf32>
    %dot_general3A = arith.constant dense<0.000000e+00> : vector<6400x128xf32>
    %dot_general3A_30 = tpu.matmul %sub3A, %get3A_29, %dot_general3A {dimension_numbers = #tpu.dot_dimension_numbers<[1], [0], [0], [1], [0, 0, 1, 1], [], []>, transpose_lhs_hint = false} : vector<6400x128xf32>, vector<128x128xf32>, vector<6400x128xf32> -> vector<6400x128xf32>
    %add3A_31 = arith.addf %convert_element_type3A, %dot_general3A_30 : vector<6400x128xf32>
    %get3A_32 = arith.constant 0 : index
    %get3A_33 = arith.constant 0 : index
    %get3A_34 = vector.load %arg13[%get3A_32, %get3A_33] : memref<1x128xf32, #tpu.memory_space<vmem>>, vector<1x128xf32>
    %add3A_35 = vector.broadcast %get3A_34 : vector<1x128xf32> to vector<6400x128xf32>
    %add3A_36 = arith.addf %add3A_31, %add3A_35 : vector<6400x128xf32>
    %max3A = arith.constant 0.000000e+00 : f32
    %max3A_37 = vector.broadcast %max3A : f32 to vector<6400x128xf32>
    %max3A_38 = arith.maximumf %add3A_36, %max3A_37 : vector<6400x128xf32>
    %convert_element_type3A_39 = arith.truncf %max3A_38 : vector<6400x128xf32> to vector<6400x128xbf16>
    %swap3A = arith.constant 0 : index
    %swap3A_40 = arith.constant 0 : index
    %swap3A_41 = vector.load %arg14[%swap3A, %swap3A_40] : memref<6400x128xbf16, #tpu.memory_space<vmem>>, vector<6400x128xbf16>
    tpu.vector_store %arg14[%swap3A, %swap3A_40], %convert_element_type3A_39 {strides = array<i32>} : memref<6400x128xbf16, #tpu.memory_space<vmem>>, vector<6400x128xbf16>,
    %get3A_42 = arith.constant 0 : index
    %get3A_43 = arith.constant 0 : index
    %get3A_44 = vector.load %arg3[%get3A_42, %get3A_43] : memref<200x128xf32, #tpu.memory_space<vmem>>, vector<200x128xf32>
    %get3A_45 = arith.constant 0 : index
    %get3A_46 = arith.constant 0 : index
    %get3A_47 = vector.load %arg4[%get3A_45, %get3A_46] : memref<128x128xf32, #tpu.memory_space<vmem>>, vector<128x128xf32>
    %get3A_48 = arith.constant 0 : index
    %get3A_49 = arith.constant 0 : index
    %get3A_50 = vector.load %arg5[%get3A_48, %get3A_49] : memref<1x128xf32, #tpu.memory_space<vmem>>, vector<1x128xf32>
    %get3A_51 = arith.constant 0 : index
    %get3A_52 = arith.constant 0 : index
    %get3A_53 = vector.load %arg6[%get3A_51, %get3A_52] : memref<128x128xf32, #tpu.memory_space<vmem>>, vector<128x128xf32>
    %get3A_54 = arith.constant 0 : index
    %get3A_55 = arith.constant 0 : index
    %get3A_56 = vector.load %arg7[%get3A_54, %get3A_55] : memref<1x128xf32, #tpu.memory_space<vmem>>, vector<1x128xf32>
    %get3A_57 = arith.constant 0 : index
    %get3A_58 = arith.constant 0 : index
    %get3A_59 = vector.load %arg8[%get3A_57, %get3A_58] : memref<128x128xf32, #tpu.memory_space<vmem>>, vector<128x128xf32>
    %get3A_60 = arith.constant 0 : index
    %get3A_61 = arith.constant 0 : index
    %get3A_62 = vector.load %arg9[%get3A_60, %get3A_61] : memref<1x128xf32, #tpu.memory_space<vmem>>, vector<1x128xf32>
    %get3A_63 = arith.constant 0 : index
    %get3A_64 = arith.constant 0 : index
    %get3A_65 = vector.load %arg10[%get3A_63, %get3A_64] : memref<128x128xf32, #tpu.memory_space<vmem>>, vector<128x128xf32>
    %get3A_66 = arith.constant 0 : index
    %get3A_67 = arith.constant 0 : index
    %get3A_68 = vector.load %arg11[%get3A_66, %get3A_67] : memref<1x128xf32, #tpu.memory_space<vmem>>, vector<1x128xf32>
    %dot_general3A_69 = arith.constant dense<0.000000e+00> : vector<200x128xf32>
    %dot_general3A_70 = tpu.matmul %get3A_44, %get3A_47, %dot_general3A_69 {dimension_numbers = #tpu.dot_dimension_numbers<[1], [0], [0], [1], [0, 0, 1, 1], [], []>, transpose_lhs_hint = false} : vector<200x128xf32>, vector<128x128xf32>, vector<200x128xf32> -> vector<200x128xf32>
    %add3A_71 = vector.broadcast %get3A_50 : vector<1x128xf32> to vector<200x128xf32>
    %add3A_72 = arith.addf %dot_general3A_70, %add3A_71 : vector<200x128xf32>
    %dot_general3A_73 = arith.constant dense<0.000000e+00> : vector<6400x128xf32>
    %dot_general3A_74 = tpu.matmul %max3A_38, %get3A_53, %dot_general3A_73 {dimension_numbers = #tpu.dot_dimension_numbers<[1], [0], [0], [1], [0, 0, 1, 1], [], []>, transpose_lhs_hint = false} : vector<6400x128xf32>, vector<128x128xf32>, vector<6400x128xf32> -> vector<6400x128xf32>
    %add3A_75 = vector.broadcast %get3A_56 : vector<1x128xf32> to vector<6400x128xf32>
    %add3A_76 = arith.addf %dot_general3A_74, %add3A_75 : vector<6400x128xf32>
    %dot_general3A_77 = arith.constant dense<0.000000e+00> : vector<6400x128xf32>
    %dot_general3A_78 = tpu.matmul %max3A_38, %get3A_59, %dot_general3A_77 {dimension_numbers = #tpu.dot_dimension_numbers<[1], [0], [0], [1], [0, 0, 1, 1], [], []>, transpose_lhs_hint = false} : vector<6400x128xf32>, vector<128x128xf32>, vector<6400x128xf32> -> vector<6400x128xf32>
    %add3A_79 = vector.broadcast %get3A_62 : vector<1x128xf32> to vector<6400x128xf32>
    %add3A_80 = arith.addf %dot_general3A_78, %add3A_79 : vector<6400x128xf32>
    %broadcast_in_dim3A = vector.shape_cast %add3A_72 : vector<200x128xf32> to vector<200x1x128xf32>
    %broadcast_in_dim3A_81 = vector.shape_cast %broadcast_in_dim3A : vector<200x1x128xf32> to vector<200x1x128xf32>
    %broadcast_in_dim3A_82 = vector.broadcast %broadcast_in_dim3A_81 : vector<200x1x128xf32> to vector<200x32x128xf32>
    %reshape3A = vector.shape_cast %broadcast_in_dim3A_82 : vector<200x32x128xf32> to vector<6400x128xf32>
    %mul3A = arith.mulf %reshape3A, %add3A_76 : vector<6400x128xf32>
    %iota3A_83 = tpu.iota {dimensions = array<i32: 0>} : vector<128x128xi32>
    %iota3A_84 = tpu.iota {dimensions = array<i32: 1>} : vector<128x128xi32>
    %jit3A_85 = arith.constant 32 : i32
    %div3A = vector.broadcast %jit3A_85 : i32 to vector<128x128xi32>
    %div3A_86 = arith.divsi %iota3A_83, %div3A : vector<128x128xi32>
    %sign3A = arith.constant 0 : i32
    %sign3A_87 = vector.broadcast %sign3A : i32 to vector<128x128xi32>
    %sign3A_88 = arith.cmpi sgt, %iota3A_83, %sign3A_87 : vector<128x128xi32>
    %sign3A_89 = arith.extui %sign3A_88 : vector<128x128xi1> to vector<128x128xi32>
    %sign3A_90 = arith.constant 0 : i32
    %sign3A_91 = vector.broadcast %sign3A_90 : i32 to vector<128x128xi32>
    %sign3A_92 = arith.cmpi slt, %iota3A_83, %sign3A_91 : vector<128x128xi32>
    %sign3A_93 = arith.extui %sign3A_92 : vector<128x128xi1> to vector<128x128xi32>
    %sign3A_94 = arith.subi %sign3A_89, %sign3A_93 : vector<128x128xi32>
    %sign3A_95 = arith.constant 0 : i32
    %sign3A_96 = arith.cmpi sgt, %jit3A_85, %sign3A_95 : i32
    %sign3A_97 = arith.extui %sign3A_96 : i1 to i32
    %sign3A_98 = arith.constant 0 : i32
    %sign3A_99 = arith.cmpi slt, %jit3A_85, %sign3A_98 : i32
    %sign3A_100 = arith.extui %sign3A_99 : i1 to i32
    %sign3A_101 = arith.subi %sign3A_97, %sign3A_100 : i32
    %ne3A_102 = vector.broadcast %sign3A_101 : i32 to vector<128x128xi32>
    %ne3A_103 = arith.cmpi ne, %sign3A_94, %ne3A_102 : vector<128x128xi32>
    %rem3A_104 = vector.broadcast %jit3A_85 : i32 to vector<128x128xi32>
    %rem3A_105 = arith.remsi %iota3A_83, %rem3A_104 : vector<128x128xi32>
    %ne3A_106 = arith.constant 0 : i32
    %ne3A_107 = vector.broadcast %ne3A_106 : i32 to vector<128x128xi32>
    %ne3A_108 = arith.cmpi ne, %rem3A_105, %ne3A_107 : vector<128x128xi32>
    %and3A_109 = arith.andi %ne3A_103, %ne3A_108 : vector<128x128xi1>
    %sub3A_110 = arith.constant 1 : i32
    %sub3A_111 = vector.broadcast %sub3A_110 : i32 to vector<128x128xi32>
    %sub3A_112 = arith.subi %div3A_86, %sub3A_111 : vector<128x128xi32>
    %select_n3A_113 = arith.select %and3A_109, %sub3A_112, %div3A_86 : vector<128x128xi1>, vector<128x128xi32>
    %jit3A_114 = arith.constant 32 : i32
    %div3A_115 = vector.broadcast %jit3A_114 : i32 to vector<128x128xi32>
    %div3A_116 = arith.divsi %iota3A_84, %div3A_115 : vector<128x128xi32>
    %sign3A_117 = arith.constant 0 : i32
    %sign3A_118 = vector.broadcast %sign3A_117 : i32 to vector<128x128xi32>
    %sign3A_119 = arith.cmpi sgt, %iota3A_84, %sign3A_118 : vector<128x128xi32>
    %sign3A_120 = arith.extui %sign3A_119 : vector<128x128xi1> to vector<128x128xi32>
    %sign3A_121 = arith.constant 0 : i32
    %sign3A_122 = vector.broadcast %sign3A_121 : i32 to vector<128x128xi32>
    %sign3A_123 = arith.cmpi slt, %iota3A_84, %sign3A_122 : vector<128x128xi32>
    %sign3A_124 = arith.extui %sign3A_123 : vector<128x128xi1> to vector<128x128xi32>
    %sign3A_125 = arith.subi %sign3A_120, %sign3A_124 : vector<128x128xi32>
    %sign3A_126 = arith.constant 0 : i32
    %sign3A_127 = arith.cmpi sgt, %jit3A_114, %sign3A_126 : i32
    %sign3A_128 = arith.extui %sign3A_127 : i1 to i32
    %sign3A_129 = arith.constant 0 : i32
    %sign3A_130 = arith.cmpi slt, %jit3A_114, %sign3A_129 : i32
    %sign3A_131 = arith.extui %sign3A_130 : i1 to i32
    %sign3A_132 = arith.subi %sign3A_128, %sign3A_131 : i32
    %ne3A_133 = vector.broadcast %sign3A_132 : i32 to vector<128x128xi32>
    %ne3A_134 = arith.cmpi ne, %sign3A_125, %ne3A_133 : vector<128x128xi32>
    %rem3A_135 = vector.broadcast %jit3A_114 : i32 to vector<128x128xi32>
    %rem3A_136 = arith.remsi %iota3A_84, %rem3A_135 : vector<128x128xi32>
    %ne3A_137 = arith.constant 0 : i32
    %ne3A_138 = vector.broadcast %ne3A_137 : i32 to vector<128x128xi32>
    %ne3A_139 = arith.cmpi ne, %rem3A_136, %ne3A_138 : vector<128x128xi32>
    %and3A_140 = arith.andi %ne3A_134, %ne3A_139 : vector<128x128xi1>
    %sub3A_141 = arith.constant 1 : i32
    %sub3A_142 = vector.broadcast %sub3A_141 : i32 to vector<128x128xi32>
    %sub3A_143 = arith.subi %div3A_116, %sub3A_142 : vector<128x128xi32>
    %select_n3A_144 = arith.select %and3A_140, %sub3A_143, %div3A_116 : vector<128x128xi1>, vector<128x128xi32>
    %eq3A_145 = arith.cmpi eq, %select_n3A_113, %select_n3A_144 : vector<128x128xi32>
    %jit3A_146 = arith.constant 1.000000e+00 : f32
    %jit3A_147 = arith.constant 0.000000e+00 : f32
    %broadcast_in_dim3A_148 = vector.broadcast %jit3A_146 : f32 to vector<128x128xf32>
    %broadcast_in_dim3A_149 = vector.broadcast %jit3A_147 : f32 to vector<128x128xf32>
    %select_n3A_150 = arith.select %eq3A_145, %broadcast_in_dim3A_148, %broadcast_in_dim3A_149 : vector<128x128xi1>, vector<128x128xf32>
    %dot_general3A_151 = arith.constant dense<0.000000e+00> : vector<6400x128xf32>
    %dot_general3A_152 = tpu.matmul %mul3A, %select_n3A_150, %dot_general3A_151 {dimension_numbers = #tpu.dot_dimension_numbers<[1], [0], [0], [1], [0, 0, 1, 1], [], []>, transpose_lhs_hint = false} : vector<6400x128xf32>, vector<128x128xf32>, vector<6400x128xf32> -> vector<6400x128xf32>
    %mul3A_153 = arith.constant 0.176776692 : f32
    %mul3A_154 = vector.broadcast %mul3A_153 : f32 to vector<6400x128xf32>
    %mul3A_155 = arith.mulf %dot_general3A_152, %mul3A_154 : vector<6400x128xf32>
    %exp3A = math.exp %mul3A_155 : vector<6400x128xf32>
    %mul3A_156 = arith.mulf %exp3A, %add3A_80 : vector<6400x128xf32>
    %reshape3A_157 = vector.shape_cast %mul3A_156 : vector<6400x128xf32> to vector<200x32x128xf32>
    %reduce_sum3A = arith.constant dense<0.000000e+00> : vector<200x128xf32>
    %reduce_sum3A_158 = vector.multi_reduction <add>, %reshape3A_157, %reduce_sum3A [1] : vector<200x32x128xf32> to vector<200x128xf32>
    %reshape3A_159 = vector.shape_cast %exp3A : vector<6400x128xf32> to vector<200x32x128xf32>
    %reduce_sum3A_160 = arith.constant dense<0.000000e+00> : vector<200x128xf32>
    %reduce_sum3A_161 = vector.multi_reduction <add>, %reshape3A_159, %reduce_sum3A_160 [1] : vector<200x32x128xf32> to vector<200x128xf32>
    %div3A_162 = arith.divf %reduce_sum3A_158, %reduce_sum3A_161 : vector<200x128xf32>
    %dot_general3A_163 = arith.constant dense<0.000000e+00> : vector<200x128xf32>
    %dot_general3A_164 = tpu.matmul %div3A_162, %get3A_65, %dot_general3A_163 {dimension_numbers = #tpu.dot_dimension_numbers<[1], [0], [0], [1], [0, 0, 1, 1], [], []>, transpose_lhs_hint = false} : vector<200x128xf32>, vector<128x128xf32>, vector<200x128xf32> -> vector<200x128xf32>
    %add3A_165 = vector.broadcast %get3A_68 : vector<1x128xf32> to vector<200x128xf32>
    %add3A_166 = arith.addf %dot_general3A_164, %add3A_165 : vector<200x128xf32>
    %add3A_167 = arith.addf %add3A_166, %get3A_44 : vector<200x128xf32>
    %swap3A_168 = arith.constant 0 : index
    %swap3A_169 = arith.constant 0 : index
    %swap3A_170 = vector.load %arg15[%swap3A_168, %swap3A_169] : memref<200x128xf32, #tpu.memory_space<vmem>>, vector<200x128xf32>
    tpu.vector_store %arg15[%swap3A_168, %swap3A_169], %add3A_167 {strides = array<i32>} : memref<200x128xf32, #tpu.memory_space<vmem>>, vector<200x128xf32>,
    return
  }
  func.func @transform_0(%arg0: i32) -> (i32, i32) {
    %add3A = arith.constant 40 : i32
    %add3A_0 = arith.addi %arg0, %add3A : i32
    %c0_i32 = arith.constant 0 : i32
    %c0_i32_1 = arith.constant 0 : i32
    return %add3A_0, %c0_i32 : i32, i32
  }
  func.func @transform_1(%arg0: i32) -> (i32, i32) {
    %c0_i32 = arith.constant 0 : i32
    %c0_i32_0 = arith.constant 0 : i32
    return %arg0, %c0_i32 : i32, i32
  }
  func.func @transform_2(%arg0: i32) -> (i32, i32) {
    %add3A = arith.constant 40 : i32
    %add3A_0 = arith.addi %arg0, %add3A : i32
    %c0_i32 = arith.constant 0 : i32
    %c0_i32_1 = arith.constant 0 : i32
    return %add3A_0, %c0_i32 : i32, i32
  }
  func.func @transform_3(%arg0: i32) -> (i32, i32) {
    %c0_i32 = arith.constant 0 : i32
    %c0_i32_0 = arith.constant 0 : i32
    %c0_i32_1 = arith.constant 0 : i32
    return %c0_i32, %c0_i32_0 : i32, i32
  }
  func.func @transform_4(%arg0: i32) -> (i32, i32) {
    %c0_i32 = arith.constant 0 : i32
    %c0_i32_0 = arith.constant 0 : i32
    %c0_i32_1 = arith.constant 0 : i32
    return %c0_i32, %c0_i32_0 : i32, i32
  }
  func.func @transform_5(%arg0: i32) -> (i32, i32) {
    %c0_i32 = arith.constant 0 : i32
    %c0_i32_0 = arith.constant 0 : i32
    %c0_i32_1 = arith.constant 0 : i32
    return %c0_i32, %c0_i32_0 : i32, i32
  }
  func.func @transform_6(%arg0: i32) -> (i32, i32) {
    %c0_i32 = arith.constant 0 : i32
    %c0_i32_0 = arith.constant 0 : i32
    %c0_i32_1 = arith.constant 0 : i32
    return %c0_i32, %c0_i32_0 : i32, i32
  }
  func.func @transform_7(%arg0: i32) -> (i32, i32) {
    %c0_i32 = arith.constant 0 : i32
    %c0_i32_0 = arith.constant 0 : i32
    %c0_i32_1 = arith.constant 0 : i32
    return %c0_i32, %c0_i32_0 : i32, i32
  }
  func.func @transform_8(%arg0: i32) -> (i32, i32) {
    %c0_i32 = arith.constant 0 : i32
    %c0_i32_0 = arith.constant 0 : i32
    %c0_i32_1 = arith.constant 0 : i32
    return %c0_i32, %c0_i32_0 : i32, i32
  }
  func.func @transform_9(%arg0: i32) -> (i32, i32) {
    %c0_i32 = arith.constant 0 : i32
    %c0_i32_0 = arith.constant 0 : i32
    %c0_i32_1 = arith.constant 0 : i32
    return %c0_i32, %c0_i32_0 : i32, i32
  }
  func.func @transform_10(%arg0: i32) -> (i32, i32) {
    %c0_i32 = arith.constant 0 : i32
    %c0_i32_0 = arith.constant 0 : i32
    %c0_i32_1 = arith.constant 0 : i32
    return %c0_i32, %c0_i32_0 : i32, i32
  }
  func.func @transform_11(%arg0: i32) -> (i32, i32) {
    %c0_i32 = arith.constant 0 : i32
    %c0_i32_0 = arith.constant 0 : i32
    %c0_i32_1 = arith.constant 0 : i32
    return %c0_i32, %c0_i32_0 : i32, i32
  }
  func.func @transform_12(%arg0: i32) -> (i32, i32) {
    %c0_i32 = arith.constant 0 : i32
    %c0_i32_0 = arith.constant 0 : i32
    %c0_i32_1 = arith.constant 0 : i32
    return %c0_i32, %c0_i32_0 : i32, i32
  }
  func.func @transform_13(%arg0: i32) -> (i32, i32) {
    %c0_i32 = arith.constant 0 : i32
    %c0_i32_0 = arith.constant 0 : i32
    return %arg0, %c0_i32 : i32, i32
  }
  func.func @transform_14(%arg0: i32) -> (i32, i32) {
    %c0_i32 = arith.constant 0 : i32
    %c0_i32_0 = arith.constant 0 : i32
    return %arg0, %c0_i32 : i32, i32
  }
}

module attributes {stable_mosaic.version = 14 : i64} {
  func.func @_p3_body(%arg0: i32, %arg1: memref<6400x128xbf16, #tpu.memory_space<vmem>>, %arg2: memref<6400x128xf32, #tpu.memory_space<vmem>>, %arg3: memref<6400x128xbf16, #tpu.memory_space<vmem>>, %arg4: memref<200x128xf32, #tpu.memory_space<vmem>>, %arg5: memref<200x128xf32, #tpu.memory_space<vmem>>, %arg6: memref<128x128xf32, #tpu.memory_space<vmem>>, %arg7: memref<1x128xf32, #tpu.memory_space<vmem>>, %arg8: memref<384x128xf32, #tpu.memory_space<vmem>>, %arg9: memref<1x128xf32, #tpu.memory_space<vmem>>, %arg10: memref<200x128xf32, #tpu.memory_space<vmem>>) attributes {dimension_semantics = [#tpu.dimension_semantics<arbitrary>], iteration_bounds = array<i64: 10>, scalar_prefetch = 0 : i64, scratch_operands = 0 : i64, tpu.core_type = #tpu.core_type<tc>, window_params = [{transform_indices = @transform_0, window_bounds = array<i64: 6400, 128>}, {transform_indices = @transform_1, window_bounds = array<i64: 6400, 128>}, {transform_indices = @transform_2, window_bounds = array<i64: 6400, 128>}, {transform_indices = @transform_3, window_bounds = array<i64: 200, 128>}, {transform_indices = @transform_4, window_bounds = array<i64: 200, 128>}, {pipeline_mode = #tpu.pipeline_mode<synchronous>, transform_indices = @transform_5, window_bounds = array<i64: 128, 128>}, {pipeline_mode = #tpu.pipeline_mode<synchronous>, transform_indices = @transform_6, window_bounds = array<i64: 1, 128>}, {pipeline_mode = #tpu.pipeline_mode<synchronous>, transform_indices = @transform_7, window_bounds = array<i64: 384, 128>}, {pipeline_mode = #tpu.pipeline_mode<synchronous>, transform_indices = @transform_8, window_bounds = array<i64: 1, 128>}, {transform_indices = @transform_9, window_bounds = array<i64: 200, 128>}]} {
    %get3A = arith.constant 0 : index
    %get3A_0 = arith.constant 0 : index
    %get3A_1 = vector.load %arg1[%get3A, %get3A_0] : memref<6400x128xbf16, #tpu.memory_space<vmem>>, vector<6400x128xbf16>
    %convert_element_type3A = arith.extf %get3A_1 : vector<6400x128xbf16> to vector<6400x128xf32>
    %get3A_2 = arith.constant 0 : index
    %get3A_3 = arith.constant 0 : index
    %get3A_4 = vector.load %arg3[%get3A_2, %get3A_3] : memref<6400x128xbf16, #tpu.memory_space<vmem>>, vector<6400x128xbf16>
    %convert_element_type3A_5 = arith.extf %get3A_4 : vector<6400x128xbf16> to vector<6400x128xf32>
    %get3A_6 = arith.constant 0 : index
    %get3A_7 = arith.constant 0 : index
    %get3A_8 = vector.load %arg2[%get3A_6, %get3A_7] : memref<6400x128xf32, #tpu.memory_space<vmem>>, vector<6400x128xf32>
    %slice3A = vector.extract_strided_slice %convert_element_type3A_5 {offsets = [1, 0], sizes = [6399, 128], strides = [1, 1]} : vector<6400x128xf32> to vector<6399x128xf32>
    %slice3A_9 = vector.extract_strided_slice %convert_element_type3A_5 {offsets = [0, 0], sizes = [1, 128], strides = [1, 1]} : vector<6400x128xf32> to vector<1x128xf32>
    %concatenate3A = tpu.concatenate %slice3A, %slice3A_9 in 0 : vector<6399x128xf32>, vector<1x128xf32> -> vector<6400x128xf32>
    %slice3A_10 = vector.extract_strided_slice %convert_element_type3A_5 {offsets = [6399, 0], sizes = [1, 128], strides = [1, 1]} : vector<6400x128xf32> to vector<1x128xf32>
    %slice3A_11 = vector.extract_strided_slice %convert_element_type3A_5 {offsets = [0, 0], sizes = [6399, 128], strides = [1, 1]} : vector<6400x128xf32> to vector<6399x128xf32>
    %concatenate3A_12 = tpu.concatenate %slice3A_10, %slice3A_11 in 0 : vector<1x128xf32>, vector<6399x128xf32> -> vector<6400x128xf32>
    %iota3A = tpu.iota {dimensions = array<i32: 0>} : vector<6400x128xi32>
    %jit3A = arith.constant 2 : i32
    %eq3A = arith.constant 0 : i32
    %eq3A_13 = arith.cmpi eq, %jit3A, %eq3A : i32
    %jit3A_14 = arith.constant 1 : i32
    %select_n3A = arith.select %eq3A_13, %jit3A_14, %jit3A : i32
    %rem3A = vector.broadcast %select_n3A : i32 to vector<6400x128xi32>
    %rem3A_15 = arith.remsi %iota3A, %rem3A : vector<6400x128xi32>
    %ne3A = arith.constant 0 : i32
    %ne3A_16 = vector.broadcast %ne3A : i32 to vector<6400x128xi32>
    %ne3A_17 = arith.cmpi ne, %rem3A_15, %ne3A_16 : vector<6400x128xi32>
    %lt3A = arith.constant 0 : i32
    %lt3A_18 = vector.broadcast %lt3A : i32 to vector<6400x128xi32>
    %lt3A_19 = arith.cmpi slt, %rem3A_15, %lt3A_18 : vector<6400x128xi32>
    %lt3A_20 = arith.constant 0 : i32
    %lt3A_21 = arith.cmpi slt, %select_n3A, %lt3A_20 : i32
    %ne3A_22 = vector.broadcast %lt3A_21 : i1 to vector<6400x128xi1>
    %ne3A_23 = vector.broadcast %ne3A_22 : vector<6400x128xi1> to vector<6400x128xi1>
    %ne3A_24 = arith.xori %lt3A_19, %ne3A_23 : vector<6400x128xi1>
    %and3A = arith.andi %ne3A_24, %ne3A_17 : vector<6400x128xi1>
    %add3A = vector.broadcast %select_n3A : i32 to vector<6400x128xi32>
    %add3A_25 = arith.addi %rem3A_15, %add3A : vector<6400x128xi32>
    %select_n3A_26 = arith.select %and3A, %add3A_25, %rem3A_15 : vector<6400x128xi1>, vector<6400x128xi32>
    %eq3A_27 = arith.constant 0 : i32
    %eq3A_28 = vector.broadcast %eq3A_27 : i32 to vector<6400x128xi32>
    %eq3A_29 = arith.cmpi eq, %select_n3A_26, %eq3A_28 : vector<6400x128xi32>
    %select_n3A_30 = arith.select %eq3A_29, %concatenate3A, %concatenate3A_12 : vector<6400x128xi1>, vector<6400x128xf32>
    %sub3A = arith.subf %get3A_8, %select_n3A_30 : vector<6400x128xf32>
    %get3A_31 = arith.constant 0 : index
    %get3A_32 = arith.constant 0 : index
    %get3A_33 = vector.load %arg6[%get3A_31, %get3A_32] : memref<128x128xf32, #tpu.memory_space<vmem>>, vector<128x128xf32>
    %dot_general3A = arith.constant dense<0.000000e+00> : vector<6400x128xf32>
    %dot_general3A_34 = tpu.matmul %sub3A, %get3A_33, %dot_general3A {dimension_numbers = #tpu.dot_dimension_numbers<[1], [0], [0], [1], [0, 0, 1, 1], [], []>, transpose_lhs_hint = false} : vector<6400x128xf32>, vector<128x128xf32>, vector<6400x128xf32> -> vector<6400x128xf32>
    %add3A_35 = arith.addf %convert_element_type3A, %dot_general3A_34 : vector<6400x128xf32>
    %get3A_36 = arith.constant 0 : index
    %get3A_37 = arith.constant 0 : index
    %get3A_38 = vector.load %arg7[%get3A_36, %get3A_37] : memref<1x128xf32, #tpu.memory_space<vmem>>, vector<1x128xf32>
    %add3A_39 = vector.broadcast %get3A_38 : vector<1x128xf32> to vector<6400x128xf32>
    %add3A_40 = arith.addf %add3A_35, %add3A_39 : vector<6400x128xf32>
    %max3A = arith.constant 0.000000e+00 : f32
    %max3A_41 = vector.broadcast %max3A : f32 to vector<6400x128xf32>
    %max3A_42 = arith.maximumf %add3A_40, %max3A_41 : vector<6400x128xf32>
    %reshape3A = vector.shape_cast %max3A_42 : vector<6400x128xf32> to vector<200x32x128xf32>
    %reduce_sum3A = arith.constant dense<0.000000e+00> : vector<200x128xf32>
    %reduce_sum3A_43 = vector.multi_reduction <add>, %reshape3A, %reduce_sum3A [1] : vector<200x32x128xf32> to vector<200x128xf32>
    %get3A_44 = arith.constant 0 : index
    %get3A_45 = arith.constant 0 : index
    %get3A_46 = vector.load %arg8[%get3A_44, %get3A_45] : memref<384x128xf32, #tpu.memory_space<vmem>>, vector<384x128xf32>
    %slice3A_47 = vector.extract_strided_slice %get3A_46 {offsets = [0, 0], sizes = [128, 128], strides = [1, 1]} : vector<384x128xf32> to vector<128x128xf32>
    %dot_general3A_48 = arith.constant dense<0.000000e+00> : vector<200x128xf32>
    %dot_general3A_49 = tpu.matmul %reduce_sum3A_43, %slice3A_47, %dot_general3A_48 {dimension_numbers = #tpu.dot_dimension_numbers<[1], [0], [0], [1], [0, 0, 1, 1], [], []>, transpose_lhs_hint = false} : vector<200x128xf32>, vector<128x128xf32>, vector<200x128xf32> -> vector<200x128xf32>
    %get3A_50 = arith.constant 0 : index
    %get3A_51 = arith.constant 0 : index
    %get3A_52 = vector.load %arg4[%get3A_50, %get3A_51] : memref<200x128xf32, #tpu.memory_space<vmem>>, vector<200x128xf32>
    %slice3A_53 = vector.extract_strided_slice %get3A_46 {offsets = [128, 0], sizes = [128, 128], strides = [1, 1]} : vector<384x128xf32> to vector<128x128xf32>
    %dot_general3A_54 = arith.constant dense<0.000000e+00> : vector<200x128xf32>
    %dot_general3A_55 = tpu.matmul %get3A_52, %slice3A_53, %dot_general3A_54 {dimension_numbers = #tpu.dot_dimension_numbers<[1], [0], [0], [1], [0, 0, 1, 1], [], []>, transpose_lhs_hint = false} : vector<200x128xf32>, vector<128x128xf32>, vector<200x128xf32> -> vector<200x128xf32>
    %add3A_56 = arith.addf %dot_general3A_49, %dot_general3A_55 : vector<200x128xf32>
    %get3A_57 = arith.constant 0 : index
    %get3A_58 = arith.constant 0 : index
    %get3A_59 = vector.load %arg5[%get3A_57, %get3A_58] : memref<200x128xf32, #tpu.memory_space<vmem>>, vector<200x128xf32>
    %slice3A_60 = vector.extract_strided_slice %get3A_46 {offsets = [256, 0], sizes = [128, 128], strides = [1, 1]} : vector<384x128xf32> to vector<128x128xf32>
    %dot_general3A_61 = arith.constant dense<0.000000e+00> : vector<200x128xf32>
    %dot_general3A_62 = tpu.matmul %get3A_59, %slice3A_60, %dot_general3A_61 {dimension_numbers = #tpu.dot_dimension_numbers<[1], [0], [0], [1], [0, 0, 1, 1], [], []>, transpose_lhs_hint = false} : vector<200x128xf32>, vector<128x128xf32>, vector<200x128xf32> -> vector<200x128xf32>
    %add3A_63 = arith.addf %add3A_56, %dot_general3A_62 : vector<200x128xf32>
    %get3A_64 = arith.constant 0 : index
    %get3A_65 = arith.constant 0 : index
    %get3A_66 = vector.load %arg9[%get3A_64, %get3A_65] : memref<1x128xf32, #tpu.memory_space<vmem>>, vector<1x128xf32>
    %add3A_67 = vector.broadcast %get3A_66 : vector<1x128xf32> to vector<200x128xf32>
    %add3A_68 = arith.addf %add3A_63, %add3A_67 : vector<200x128xf32>
    %swap3A = arith.constant 0 : index
    %swap3A_69 = arith.constant 0 : index
    %swap3A_70 = vector.load %arg10[%swap3A, %swap3A_69] : memref<200x128xf32, #tpu.memory_space<vmem>>, vector<200x128xf32>
    tpu.vector_store %arg10[%swap3A, %swap3A_69], %add3A_68 {strides = array<i32>} : memref<200x128xf32, #tpu.memory_space<vmem>>, vector<200x128xf32>,
    return
  }
  func.func @transform_0(%arg0: i32) -> (i32, i32) {
    %add3A = arith.constant 30 : i32
    %add3A_0 = arith.addi %arg0, %add3A : i32
    %c0_i32 = arith.constant 0 : i32
    %c0_i32_1 = arith.constant 0 : i32
    return %add3A_0, %c0_i32 : i32, i32
  }
  func.func @transform_1(%arg0: i32) -> (i32, i32) {
    %c0_i32 = arith.constant 0 : i32
    %c0_i32_0 = arith.constant 0 : i32
    return %arg0, %c0_i32 : i32, i32
  }
  func.func @transform_2(%arg0: i32) -> (i32, i32) {
    %c0_i32 = arith.constant 0 : i32
    %c0_i32_0 = arith.constant 0 : i32
    return %arg0, %c0_i32 : i32, i32
  }
  func.func @transform_3(%arg0: i32) -> (i32, i32) {
    %c0_i32 = arith.constant 0 : i32
    %c0_i32_0 = arith.constant 0 : i32
    return %arg0, %c0_i32 : i32, i32
  }
  func.func @transform_4(%arg0: i32) -> (i32, i32) {
    %add3A = arith.constant 30 : i32
    %add3A_0 = arith.addi %arg0, %add3A : i32
    %c0_i32 = arith.constant 0 : i32
    %c0_i32_1 = arith.constant 0 : i32
    return %add3A_0, %c0_i32 : i32, i32
  }
  func.func @transform_5(%arg0: i32) -> (i32, i32) {
    %c0_i32 = arith.constant 0 : i32
    %c0_i32_0 = arith.constant 0 : i32
    %c0_i32_1 = arith.constant 0 : i32
    return %c0_i32, %c0_i32_0 : i32, i32
  }
  func.func @transform_6(%arg0: i32) -> (i32, i32) {
    %c0_i32 = arith.constant 0 : i32
    %c0_i32_0 = arith.constant 0 : i32
    %c0_i32_1 = arith.constant 0 : i32
    return %c0_i32, %c0_i32_0 : i32, i32
  }
  func.func @transform_7(%arg0: i32) -> (i32, i32) {
    %c0_i32 = arith.constant 0 : i32
    %c0_i32_0 = arith.constant 0 : i32
    %c0_i32_1 = arith.constant 0 : i32
    return %c0_i32, %c0_i32_0 : i32, i32
  }
  func.func @transform_8(%arg0: i32) -> (i32, i32) {
    %c0_i32 = arith.constant 0 : i32
    %c0_i32_0 = arith.constant 0 : i32
    %c0_i32_1 = arith.constant 0 : i32
    return %c0_i32, %c0_i32_0 : i32, i32
  }
  func.func @transform_9(%arg0: i32) -> (i32, i32) {
    %c0_i32 = arith.constant 0 : i32
    %c0_i32_0 = arith.constant 0 : i32
    return %arg0, %c0_i32 : i32, i32
  }
}

module attributes {stable_mosaic.version = 14 : i64} {
  func.func @_p3_body(%arg0: i32, %arg1: memref<6400x128xbf16, #tpu.memory_space<vmem>>, %arg2: memref<6400x128xf32, #tpu.memory_space<vmem>>, %arg3: memref<6400x128xbf16, #tpu.memory_space<vmem>>, %arg4: memref<200x128xf32, #tpu.memory_space<vmem>>, %arg5: memref<200x128xf32, #tpu.memory_space<vmem>>, %arg6: memref<128x128xf32, #tpu.memory_space<vmem>>, %arg7: memref<1x128xf32, #tpu.memory_space<vmem>>, %arg8: memref<384x128xf32, #tpu.memory_space<vmem>>, %arg9: memref<1x128xf32, #tpu.memory_space<vmem>>, %arg10: memref<200x128xf32, #tpu.memory_space<vmem>>) attributes {dimension_semantics = [#tpu.dimension_semantics<arbitrary>], iteration_bounds = array<i64: 10>, scalar_prefetch = 0 : i64, scratch_operands = 0 : i64, tpu.core_type = #tpu.core_type<tc>, window_params = [{transform_indices = @transform_0, window_bounds = array<i64: 6400, 128>}, {transform_indices = @transform_1, window_bounds = array<i64: 6400, 128>}, {transform_indices = @transform_2, window_bounds = array<i64: 6400, 128>}, {transform_indices = @transform_3, window_bounds = array<i64: 200, 128>}, {transform_indices = @transform_4, window_bounds = array<i64: 200, 128>}, {pipeline_mode = #tpu.pipeline_mode<synchronous>, transform_indices = @transform_5, window_bounds = array<i64: 128, 128>}, {pipeline_mode = #tpu.pipeline_mode<synchronous>, transform_indices = @transform_6, window_bounds = array<i64: 1, 128>}, {pipeline_mode = #tpu.pipeline_mode<synchronous>, transform_indices = @transform_7, window_bounds = array<i64: 384, 128>}, {pipeline_mode = #tpu.pipeline_mode<synchronous>, transform_indices = @transform_8, window_bounds = array<i64: 1, 128>}, {transform_indices = @transform_9, window_bounds = array<i64: 200, 128>}]} {
    %get3A = arith.constant 0 : index
    %get3A_0 = arith.constant 0 : index
    %get3A_1 = vector.load %arg1[%get3A, %get3A_0] : memref<6400x128xbf16, #tpu.memory_space<vmem>>, vector<6400x128xbf16>
    %convert_element_type3A = arith.extf %get3A_1 : vector<6400x128xbf16> to vector<6400x128xf32>
    %get3A_2 = arith.constant 0 : index
    %get3A_3 = arith.constant 0 : index
    %get3A_4 = vector.load %arg3[%get3A_2, %get3A_3] : memref<6400x128xbf16, #tpu.memory_space<vmem>>, vector<6400x128xbf16>
    %convert_element_type3A_5 = arith.extf %get3A_4 : vector<6400x128xbf16> to vector<6400x128xf32>
    %get3A_6 = arith.constant 0 : index
    %get3A_7 = arith.constant 0 : index
    %get3A_8 = vector.load %arg2[%get3A_6, %get3A_7] : memref<6400x128xf32, #tpu.memory_space<vmem>>, vector<6400x128xf32>
    %slice3A = vector.extract_strided_slice %convert_element_type3A_5 {offsets = [1, 0], sizes = [6399, 128], strides = [1, 1]} : vector<6400x128xf32> to vector<6399x128xf32>
    %slice3A_9 = vector.extract_strided_slice %convert_element_type3A_5 {offsets = [0, 0], sizes = [1, 128], strides = [1, 1]} : vector<6400x128xf32> to vector<1x128xf32>
    %concatenate3A = tpu.concatenate %slice3A, %slice3A_9 in 0 : vector<6399x128xf32>, vector<1x128xf32> -> vector<6400x128xf32>
    %slice3A_10 = vector.extract_strided_slice %convert_element_type3A_5 {offsets = [6399, 0], sizes = [1, 128], strides = [1, 1]} : vector<6400x128xf32> to vector<1x128xf32>
    %slice3A_11 = vector.extract_strided_slice %convert_element_type3A_5 {offsets = [0, 0], sizes = [6399, 128], strides = [1, 1]} : vector<6400x128xf32> to vector<6399x128xf32>
    %concatenate3A_12 = tpu.concatenate %slice3A_10, %slice3A_11 in 0 : vector<1x128xf32>, vector<6399x128xf32> -> vector<6400x128xf32>
    %iota3A = tpu.iota {dimensions = array<i32: 0>} : vector<6400x128xi32>
    %jit3A = arith.constant 2 : i32
    %eq3A = arith.constant 0 : i32
    %eq3A_13 = arith.cmpi eq, %jit3A, %eq3A : i32
    %jit3A_14 = arith.constant 1 : i32
    %select_n3A = arith.select %eq3A_13, %jit3A_14, %jit3A : i32
    %rem3A = vector.broadcast %select_n3A : i32 to vector<6400x128xi32>
    %rem3A_15 = arith.remsi %iota3A, %rem3A : vector<6400x128xi32>
    %ne3A = arith.constant 0 : i32
    %ne3A_16 = vector.broadcast %ne3A : i32 to vector<6400x128xi32>
    %ne3A_17 = arith.cmpi ne, %rem3A_15, %ne3A_16 : vector<6400x128xi32>
    %lt3A = arith.constant 0 : i32
    %lt3A_18 = vector.broadcast %lt3A : i32 to vector<6400x128xi32>
    %lt3A_19 = arith.cmpi slt, %rem3A_15, %lt3A_18 : vector<6400x128xi32>
    %lt3A_20 = arith.constant 0 : i32
    %lt3A_21 = arith.cmpi slt, %select_n3A, %lt3A_20 : i32
    %ne3A_22 = vector.broadcast %lt3A_21 : i1 to vector<6400x128xi1>
    %ne3A_23 = vector.broadcast %ne3A_22 : vector<6400x128xi1> to vector<6400x128xi1>
    %ne3A_24 = arith.xori %lt3A_19, %ne3A_23 : vector<6400x128xi1>
    %and3A = arith.andi %ne3A_24, %ne3A_17 : vector<6400x128xi1>
    %add3A = vector.broadcast %select_n3A : i32 to vector<6400x128xi32>
    %add3A_25 = arith.addi %rem3A_15, %add3A : vector<6400x128xi32>
    %select_n3A_26 = arith.select %and3A, %add3A_25, %rem3A_15 : vector<6400x128xi1>, vector<6400x128xi32>
    %eq3A_27 = arith.constant 0 : i32
    %eq3A_28 = vector.broadcast %eq3A_27 : i32 to vector<6400x128xi32>
    %eq3A_29 = arith.cmpi eq, %select_n3A_26, %eq3A_28 : vector<6400x128xi32>
    %select_n3A_30 = arith.select %eq3A_29, %concatenate3A, %concatenate3A_12 : vector<6400x128xi1>, vector<6400x128xf32>
    %sub3A = arith.subf %get3A_8, %select_n3A_30 : vector<6400x128xf32>
    %get3A_31 = arith.constant 0 : index
    %get3A_32 = arith.constant 0 : index
    %get3A_33 = vector.load %arg6[%get3A_31, %get3A_32] : memref<128x128xf32, #tpu.memory_space<vmem>>, vector<128x128xf32>
    %dot_general3A = arith.constant dense<0.000000e+00> : vector<6400x128xf32>
    %dot_general3A_34 = tpu.matmul %sub3A, %get3A_33, %dot_general3A {dimension_numbers = #tpu.dot_dimension_numbers<[1], [0], [0], [1], [0, 0, 1, 1], [], []>, transpose_lhs_hint = false} : vector<6400x128xf32>, vector<128x128xf32>, vector<6400x128xf32> -> vector<6400x128xf32>
    %add3A_35 = arith.addf %convert_element_type3A, %dot_general3A_34 : vector<6400x128xf32>
    %get3A_36 = arith.constant 0 : index
    %get3A_37 = arith.constant 0 : index
    %get3A_38 = vector.load %arg7[%get3A_36, %get3A_37] : memref<1x128xf32, #tpu.memory_space<vmem>>, vector<1x128xf32>
    %add3A_39 = vector.broadcast %get3A_38 : vector<1x128xf32> to vector<6400x128xf32>
    %add3A_40 = arith.addf %add3A_35, %add3A_39 : vector<6400x128xf32>
    %max3A = arith.constant 0.000000e+00 : f32
    %max3A_41 = vector.broadcast %max3A : f32 to vector<6400x128xf32>
    %max3A_42 = arith.maximumf %add3A_40, %max3A_41 : vector<6400x128xf32>
    %reshape3A = vector.shape_cast %max3A_42 : vector<6400x128xf32> to vector<200x32x128xf32>
    %reduce_sum3A = arith.constant dense<0.000000e+00> : vector<200x128xf32>
    %reduce_sum3A_43 = vector.multi_reduction <add>, %reshape3A, %reduce_sum3A [1] : vector<200x32x128xf32> to vector<200x128xf32>
    %get3A_44 = arith.constant 0 : index
    %get3A_45 = arith.constant 0 : index
    %get3A_46 = vector.load %arg8[%get3A_44, %get3A_45] : memref<384x128xf32, #tpu.memory_space<vmem>>, vector<384x128xf32>
    %slice3A_47 = vector.extract_strided_slice %get3A_46 {offsets = [0, 0], sizes = [128, 128], strides = [1, 1]} : vector<384x128xf32> to vector<128x128xf32>
    %dot_general3A_48 = arith.constant dense<0.000000e+00> : vector<200x128xf32>
    %dot_general3A_49 = tpu.matmul %reduce_sum3A_43, %slice3A_47, %dot_general3A_48 {dimension_numbers = #tpu.dot_dimension_numbers<[1], [0], [0], [1], [0, 0, 1, 1], [], []>, transpose_lhs_hint = false} : vector<200x128xf32>, vector<128x128xf32>, vector<200x128xf32> -> vector<200x128xf32>
    %get3A_50 = arith.constant 0 : index
    %get3A_51 = arith.constant 0 : index
    %get3A_52 = vector.load %arg4[%get3A_50, %get3A_51] : memref<200x128xf32, #tpu.memory_space<vmem>>, vector<200x128xf32>
    %slice3A_53 = vector.extract_strided_slice %get3A_46 {offsets = [128, 0], sizes = [128, 128], strides = [1, 1]} : vector<384x128xf32> to vector<128x128xf32>
    %dot_general3A_54 = arith.constant dense<0.000000e+00> : vector<200x128xf32>
    %dot_general3A_55 = tpu.matmul %get3A_52, %slice3A_53, %dot_general3A_54 {dimension_numbers = #tpu.dot_dimension_numbers<[1], [0], [0], [1], [0, 0, 1, 1], [], []>, transpose_lhs_hint = false} : vector<200x128xf32>, vector<128x128xf32>, vector<200x128xf32> -> vector<200x128xf32>
    %add3A_56 = arith.addf %dot_general3A_49, %dot_general3A_55 : vector<200x128xf32>
    %get3A_57 = arith.constant 0 : index
    %get3A_58 = arith.constant 0 : index
    %get3A_59 = vector.load %arg5[%get3A_57, %get3A_58] : memref<200x128xf32, #tpu.memory_space<vmem>>, vector<200x128xf32>
    %slice3A_60 = vector.extract_strided_slice %get3A_46 {offsets = [256, 0], sizes = [128, 128], strides = [1, 1]} : vector<384x128xf32> to vector<128x128xf32>
    %dot_general3A_61 = arith.constant dense<0.000000e+00> : vector<200x128xf32>
    %dot_general3A_62 = tpu.matmul %get3A_59, %slice3A_60, %dot_general3A_61 {dimension_numbers = #tpu.dot_dimension_numbers<[1], [0], [0], [1], [0, 0, 1, 1], [], []>, transpose_lhs_hint = false} : vector<200x128xf32>, vector<128x128xf32>, vector<200x128xf32> -> vector<200x128xf32>
    %add3A_63 = arith.addf %add3A_56, %dot_general3A_62 : vector<200x128xf32>
    %get3A_64 = arith.constant 0 : index
    %get3A_65 = arith.constant 0 : index
    %get3A_66 = vector.load %arg9[%get3A_64, %get3A_65] : memref<1x128xf32, #tpu.memory_space<vmem>>, vector<1x128xf32>
    %add3A_67 = vector.broadcast %get3A_66 : vector<1x128xf32> to vector<200x128xf32>
    %add3A_68 = arith.addf %add3A_63, %add3A_67 : vector<200x128xf32>
    %swap3A = arith.constant 0 : index
    %swap3A_69 = arith.constant 0 : index
    %swap3A_70 = vector.load %arg10[%swap3A, %swap3A_69] : memref<200x128xf32, #tpu.memory_space<vmem>>, vector<200x128xf32>
    tpu.vector_store %arg10[%swap3A, %swap3A_69], %add3A_68 {strides = array<i32>} : memref<200x128xf32, #tpu.memory_space<vmem>>, vector<200x128xf32>,
    return
  }
  func.func @transform_0(%arg0: i32) -> (i32, i32) {
    %add3A = arith.constant 20 : i32
    %add3A_0 = arith.addi %arg0, %add3A : i32
    %c0_i32 = arith.constant 0 : i32
    %c0_i32_1 = arith.constant 0 : i32
    return %add3A_0, %c0_i32 : i32, i32
  }
  func.func @transform_1(%arg0: i32) -> (i32, i32) {
    %c0_i32 = arith.constant 0 : i32
    %c0_i32_0 = arith.constant 0 : i32
    return %arg0, %c0_i32 : i32, i32
  }
  func.func @transform_2(%arg0: i32) -> (i32, i32) {
    %c0_i32 = arith.constant 0 : i32
    %c0_i32_0 = arith.constant 0 : i32
    return %arg0, %c0_i32 : i32, i32
  }
  func.func @transform_3(%arg0: i32) -> (i32, i32) {
    %c0_i32 = arith.constant 0 : i32
    %c0_i32_0 = arith.constant 0 : i32
    return %arg0, %c0_i32 : i32, i32
  }
  func.func @transform_4(%arg0: i32) -> (i32, i32) {
    %add3A = arith.constant 20 : i32
    %add3A_0 = arith.addi %arg0, %add3A : i32
    %c0_i32 = arith.constant 0 : i32
    %c0_i32_1 = arith.constant 0 : i32
    return %add3A_0, %c0_i32 : i32, i32
  }
  func.func @transform_5(%arg0: i32) -> (i32, i32) {
    %c0_i32 = arith.constant 0 : i32
    %c0_i32_0 = arith.constant 0 : i32
    %c0_i32_1 = arith.constant 0 : i32
    return %c0_i32, %c0_i32_0 : i32, i32
  }
  func.func @transform_6(%arg0: i32) -> (i32, i32) {
    %c0_i32 = arith.constant 0 : i32
    %c0_i32_0 = arith.constant 0 : i32
    %c0_i32_1 = arith.constant 0 : i32
    return %c0_i32, %c0_i32_0 : i32, i32
  }
  func.func @transform_7(%arg0: i32) -> (i32, i32) {
    %c0_i32 = arith.constant 0 : i32
    %c0_i32_0 = arith.constant 0 : i32
    %c0_i32_1 = arith.constant 0 : i32
    return %c0_i32, %c0_i32_0 : i32, i32
  }
  func.func @transform_8(%arg0: i32) -> (i32, i32) {
    %c0_i32 = arith.constant 0 : i32
    %c0_i32_0 = arith.constant 0 : i32
    %c0_i32_1 = arith.constant 0 : i32
    return %c0_i32, %c0_i32_0 : i32, i32
  }
  func.func @transform_9(%arg0: i32) -> (i32, i32) {
    %c0_i32 = arith.constant 0 : i32
    %c0_i32_0 = arith.constant 0 : i32
    return %arg0, %c0_i32 : i32, i32
  }
}

module attributes {stable_mosaic.version = 14 : i64} {
  func.func @_p3_body(%arg0: i32, %arg1: memref<6400x128xbf16, #tpu.memory_space<vmem>>, %arg2: memref<6400x128xf32, #tpu.memory_space<vmem>>, %arg3: memref<6400x128xbf16, #tpu.memory_space<vmem>>, %arg4: memref<200x128xf32, #tpu.memory_space<vmem>>, %arg5: memref<200x128xf32, #tpu.memory_space<vmem>>, %arg6: memref<128x128xf32, #tpu.memory_space<vmem>>, %arg7: memref<1x128xf32, #tpu.memory_space<vmem>>, %arg8: memref<384x128xf32, #tpu.memory_space<vmem>>, %arg9: memref<1x128xf32, #tpu.memory_space<vmem>>, %arg10: memref<200x128xf32, #tpu.memory_space<vmem>>) attributes {dimension_semantics = [#tpu.dimension_semantics<arbitrary>], iteration_bounds = array<i64: 10>, scalar_prefetch = 0 : i64, scratch_operands = 0 : i64, tpu.core_type = #tpu.core_type<tc>, window_params = [{transform_indices = @transform_0, window_bounds = array<i64: 6400, 128>}, {transform_indices = @transform_1, window_bounds = array<i64: 6400, 128>}, {transform_indices = @transform_2, window_bounds = array<i64: 6400, 128>}, {transform_indices = @transform_3, window_bounds = array<i64: 200, 128>}, {transform_indices = @transform_4, window_bounds = array<i64: 200, 128>}, {pipeline_mode = #tpu.pipeline_mode<synchronous>, transform_indices = @transform_5, window_bounds = array<i64: 128, 128>}, {pipeline_mode = #tpu.pipeline_mode<synchronous>, transform_indices = @transform_6, window_bounds = array<i64: 1, 128>}, {pipeline_mode = #tpu.pipeline_mode<synchronous>, transform_indices = @transform_7, window_bounds = array<i64: 384, 128>}, {pipeline_mode = #tpu.pipeline_mode<synchronous>, transform_indices = @transform_8, window_bounds = array<i64: 1, 128>}, {transform_indices = @transform_9, window_bounds = array<i64: 200, 128>}]} {
    %get3A = arith.constant 0 : index
    %get3A_0 = arith.constant 0 : index
    %get3A_1 = vector.load %arg1[%get3A, %get3A_0] : memref<6400x128xbf16, #tpu.memory_space<vmem>>, vector<6400x128xbf16>
    %convert_element_type3A = arith.extf %get3A_1 : vector<6400x128xbf16> to vector<6400x128xf32>
    %get3A_2 = arith.constant 0 : index
    %get3A_3 = arith.constant 0 : index
    %get3A_4 = vector.load %arg3[%get3A_2, %get3A_3] : memref<6400x128xbf16, #tpu.memory_space<vmem>>, vector<6400x128xbf16>
    %convert_element_type3A_5 = arith.extf %get3A_4 : vector<6400x128xbf16> to vector<6400x128xf32>
    %get3A_6 = arith.constant 0 : index
    %get3A_7 = arith.constant 0 : index
    %get3A_8 = vector.load %arg2[%get3A_6, %get3A_7] : memref<6400x128xf32, #tpu.memory_space<vmem>>, vector<6400x128xf32>
    %slice3A = vector.extract_strided_slice %convert_element_type3A_5 {offsets = [1, 0], sizes = [6399, 128], strides = [1, 1]} : vector<6400x128xf32> to vector<6399x128xf32>
    %slice3A_9 = vector.extract_strided_slice %convert_element_type3A_5 {offsets = [0, 0], sizes = [1, 128], strides = [1, 1]} : vector<6400x128xf32> to vector<1x128xf32>
    %concatenate3A = tpu.concatenate %slice3A, %slice3A_9 in 0 : vector<6399x128xf32>, vector<1x128xf32> -> vector<6400x128xf32>
    %slice3A_10 = vector.extract_strided_slice %convert_element_type3A_5 {offsets = [6399, 0], sizes = [1, 128], strides = [1, 1]} : vector<6400x128xf32> to vector<1x128xf32>
    %slice3A_11 = vector.extract_strided_slice %convert_element_type3A_5 {offsets = [0, 0], sizes = [6399, 128], strides = [1, 1]} : vector<6400x128xf32> to vector<6399x128xf32>
    %concatenate3A_12 = tpu.concatenate %slice3A_10, %slice3A_11 in 0 : vector<1x128xf32>, vector<6399x128xf32> -> vector<6400x128xf32>
    %iota3A = tpu.iota {dimensions = array<i32: 0>} : vector<6400x128xi32>
    %jit3A = arith.constant 2 : i32
    %eq3A = arith.constant 0 : i32
    %eq3A_13 = arith.cmpi eq, %jit3A, %eq3A : i32
    %jit3A_14 = arith.constant 1 : i32
    %select_n3A = arith.select %eq3A_13, %jit3A_14, %jit3A : i32
    %rem3A = vector.broadcast %select_n3A : i32 to vector<6400x128xi32>
    %rem3A_15 = arith.remsi %iota3A, %rem3A : vector<6400x128xi32>
    %ne3A = arith.constant 0 : i32
    %ne3A_16 = vector.broadcast %ne3A : i32 to vector<6400x128xi32>
    %ne3A_17 = arith.cmpi ne, %rem3A_15, %ne3A_16 : vector<6400x128xi32>
    %lt3A = arith.constant 0 : i32
    %lt3A_18 = vector.broadcast %lt3A : i32 to vector<6400x128xi32>
    %lt3A_19 = arith.cmpi slt, %rem3A_15, %lt3A_18 : vector<6400x128xi32>
    %lt3A_20 = arith.constant 0 : i32
    %lt3A_21 = arith.cmpi slt, %select_n3A, %lt3A_20 : i32
    %ne3A_22 = vector.broadcast %lt3A_21 : i1 to vector<6400x128xi1>
    %ne3A_23 = vector.broadcast %ne3A_22 : vector<6400x128xi1> to vector<6400x128xi1>
    %ne3A_24 = arith.xori %lt3A_19, %ne3A_23 : vector<6400x128xi1>
    %and3A = arith.andi %ne3A_24, %ne3A_17 : vector<6400x128xi1>
    %add3A = vector.broadcast %select_n3A : i32 to vector<6400x128xi32>
    %add3A_25 = arith.addi %rem3A_15, %add3A : vector<6400x128xi32>
    %select_n3A_26 = arith.select %and3A, %add3A_25, %rem3A_15 : vector<6400x128xi1>, vector<6400x128xi32>
    %eq3A_27 = arith.constant 0 : i32
    %eq3A_28 = vector.broadcast %eq3A_27 : i32 to vector<6400x128xi32>
    %eq3A_29 = arith.cmpi eq, %select_n3A_26, %eq3A_28 : vector<6400x128xi32>
    %select_n3A_30 = arith.select %eq3A_29, %concatenate3A, %concatenate3A_12 : vector<6400x128xi1>, vector<6400x128xf32>
    %sub3A = arith.subf %get3A_8, %select_n3A_30 : vector<6400x128xf32>
    %get3A_31 = arith.constant 0 : index
    %get3A_32 = arith.constant 0 : index
    %get3A_33 = vector.load %arg6[%get3A_31, %get3A_32] : memref<128x128xf32, #tpu.memory_space<vmem>>, vector<128x128xf32>
    %dot_general3A = arith.constant dense<0.000000e+00> : vector<6400x128xf32>
    %dot_general3A_34 = tpu.matmul %sub3A, %get3A_33, %dot_general3A {dimension_numbers = #tpu.dot_dimension_numbers<[1], [0], [0], [1], [0, 0, 1, 1], [], []>, transpose_lhs_hint = false} : vector<6400x128xf32>, vector<128x128xf32>, vector<6400x128xf32> -> vector<6400x128xf32>
    %add3A_35 = arith.addf %convert_element_type3A, %dot_general3A_34 : vector<6400x128xf32>
    %get3A_36 = arith.constant 0 : index
    %get3A_37 = arith.constant 0 : index
    %get3A_38 = vector.load %arg7[%get3A_36, %get3A_37] : memref<1x128xf32, #tpu.memory_space<vmem>>, vector<1x128xf32>
    %add3A_39 = vector.broadcast %get3A_38 : vector<1x128xf32> to vector<6400x128xf32>
    %add3A_40 = arith.addf %add3A_35, %add3A_39 : vector<6400x128xf32>
    %max3A = arith.constant 0.000000e+00 : f32
    %max3A_41 = vector.broadcast %max3A : f32 to vector<6400x128xf32>
    %max3A_42 = arith.maximumf %add3A_40, %max3A_41 : vector<6400x128xf32>
    %reshape3A = vector.shape_cast %max3A_42 : vector<6400x128xf32> to vector<200x32x128xf32>
    %reduce_sum3A = arith.constant dense<0.000000e+00> : vector<200x128xf32>
    %reduce_sum3A_43 = vector.multi_reduction <add>, %reshape3A, %reduce_sum3A [1] : vector<200x32x128xf32> to vector<200x128xf32>
    %get3A_44 = arith.constant 0 : index
    %get3A_45 = arith.constant 0 : index
    %get3A_46 = vector.load %arg8[%get3A_44, %get3A_45] : memref<384x128xf32, #tpu.memory_space<vmem>>, vector<384x128xf32>
    %slice3A_47 = vector.extract_strided_slice %get3A_46 {offsets = [0, 0], sizes = [128, 128], strides = [1, 1]} : vector<384x128xf32> to vector<128x128xf32>
    %dot_general3A_48 = arith.constant dense<0.000000e+00> : vector<200x128xf32>
    %dot_general3A_49 = tpu.matmul %reduce_sum3A_43, %slice3A_47, %dot_general3A_48 {dimension_numbers = #tpu.dot_dimension_numbers<[1], [0], [0], [1], [0, 0, 1, 1], [], []>, transpose_lhs_hint = false} : vector<200x128xf32>, vector<128x128xf32>, vector<200x128xf32> -> vector<200x128xf32>
    %get3A_50 = arith.constant 0 : index
    %get3A_51 = arith.constant 0 : index
    %get3A_52 = vector.load %arg4[%get3A_50, %get3A_51] : memref<200x128xf32, #tpu.memory_space<vmem>>, vector<200x128xf32>
    %slice3A_53 = vector.extract_strided_slice %get3A_46 {offsets = [128, 0], sizes = [128, 128], strides = [1, 1]} : vector<384x128xf32> to vector<128x128xf32>
    %dot_general3A_54 = arith.constant dense<0.000000e+00> : vector<200x128xf32>
    %dot_general3A_55 = tpu.matmul %get3A_52, %slice3A_53, %dot_general3A_54 {dimension_numbers = #tpu.dot_dimension_numbers<[1], [0], [0], [1], [0, 0, 1, 1], [], []>, transpose_lhs_hint = false} : vector<200x128xf32>, vector<128x128xf32>, vector<200x128xf32> -> vector<200x128xf32>
    %add3A_56 = arith.addf %dot_general3A_49, %dot_general3A_55 : vector<200x128xf32>
    %get3A_57 = arith.constant 0 : index
    %get3A_58 = arith.constant 0 : index
    %get3A_59 = vector.load %arg5[%get3A_57, %get3A_58] : memref<200x128xf32, #tpu.memory_space<vmem>>, vector<200x128xf32>
    %slice3A_60 = vector.extract_strided_slice %get3A_46 {offsets = [256, 0], sizes = [128, 128], strides = [1, 1]} : vector<384x128xf32> to vector<128x128xf32>
    %dot_general3A_61 = arith.constant dense<0.000000e+00> : vector<200x128xf32>
    %dot_general3A_62 = tpu.matmul %get3A_59, %slice3A_60, %dot_general3A_61 {dimension_numbers = #tpu.dot_dimension_numbers<[1], [0], [0], [1], [0, 0, 1, 1], [], []>, transpose_lhs_hint = false} : vector<200x128xf32>, vector<128x128xf32>, vector<200x128xf32> -> vector<200x128xf32>
    %add3A_63 = arith.addf %add3A_56, %dot_general3A_62 : vector<200x128xf32>
    %get3A_64 = arith.constant 0 : index
    %get3A_65 = arith.constant 0 : index
    %get3A_66 = vector.load %arg9[%get3A_64, %get3A_65] : memref<1x128xf32, #tpu.memory_space<vmem>>, vector<1x128xf32>
    %add3A_67 = vector.broadcast %get3A_66 : vector<1x128xf32> to vector<200x128xf32>
    %add3A_68 = arith.addf %add3A_63, %add3A_67 : vector<200x128xf32>
    %swap3A = arith.constant 0 : index
    %swap3A_69 = arith.constant 0 : index
    %swap3A_70 = vector.load %arg10[%swap3A, %swap3A_69] : memref<200x128xf32, #tpu.memory_space<vmem>>, vector<200x128xf32>
    tpu.vector_store %arg10[%swap3A, %swap3A_69], %add3A_68 {strides = array<i32>} : memref<200x128xf32, #tpu.memory_space<vmem>>, vector<200x128xf32>,
    return
  }
  func.func @transform_0(%arg0: i32) -> (i32, i32) {
    %add3A = arith.constant 10 : i32
    %add3A_0 = arith.addi %arg0, %add3A : i32
    %c0_i32 = arith.constant 0 : i32
    %c0_i32_1 = arith.constant 0 : i32
    return %add3A_0, %c0_i32 : i32, i32
  }
  func.func @transform_1(%arg0: i32) -> (i32, i32) {
    %c0_i32 = arith.constant 0 : i32
    %c0_i32_0 = arith.constant 0 : i32
    return %arg0, %c0_i32 : i32, i32
  }
  func.func @transform_2(%arg0: i32) -> (i32, i32) {
    %c0_i32 = arith.constant 0 : i32
    %c0_i32_0 = arith.constant 0 : i32
    return %arg0, %c0_i32 : i32, i32
  }
  func.func @transform_3(%arg0: i32) -> (i32, i32) {
    %c0_i32 = arith.constant 0 : i32
    %c0_i32_0 = arith.constant 0 : i32
    return %arg0, %c0_i32 : i32, i32
  }
  func.func @transform_4(%arg0: i32) -> (i32, i32) {
    %add3A = arith.constant 10 : i32
    %add3A_0 = arith.addi %arg0, %add3A : i32
    %c0_i32 = arith.constant 0 : i32
    %c0_i32_1 = arith.constant 0 : i32
    return %add3A_0, %c0_i32 : i32, i32
  }
  func.func @transform_5(%arg0: i32) -> (i32, i32) {
    %c0_i32 = arith.constant 0 : i32
    %c0_i32_0 = arith.constant 0 : i32
    %c0_i32_1 = arith.constant 0 : i32
    return %c0_i32, %c0_i32_0 : i32, i32
  }
  func.func @transform_6(%arg0: i32) -> (i32, i32) {
    %c0_i32 = arith.constant 0 : i32
    %c0_i32_0 = arith.constant 0 : i32
    %c0_i32_1 = arith.constant 0 : i32
    return %c0_i32, %c0_i32_0 : i32, i32
  }
  func.func @transform_7(%arg0: i32) -> (i32, i32) {
    %c0_i32 = arith.constant 0 : i32
    %c0_i32_0 = arith.constant 0 : i32
    %c0_i32_1 = arith.constant 0 : i32
    return %c0_i32, %c0_i32_0 : i32, i32
  }
  func.func @transform_8(%arg0: i32) -> (i32, i32) {
    %c0_i32 = arith.constant 0 : i32
    %c0_i32_0 = arith.constant 0 : i32
    %c0_i32_1 = arith.constant 0 : i32
    return %c0_i32, %c0_i32_0 : i32, i32
  }
  func.func @transform_9(%arg0: i32) -> (i32, i32) {
    %c0_i32 = arith.constant 0 : i32
    %c0_i32_0 = arith.constant 0 : i32
    return %arg0, %c0_i32 : i32, i32
  }
}

module attributes {stable_mosaic.version = 14 : i64} {
  func.func @_p3_body(%arg0: i32, %arg1: memref<6400x128xbf16, #tpu.memory_space<vmem>>, %arg2: memref<6400x128xf32, #tpu.memory_space<vmem>>, %arg3: memref<6400x128xbf16, #tpu.memory_space<vmem>>, %arg4: memref<200x128xf32, #tpu.memory_space<vmem>>, %arg5: memref<200x128xf32, #tpu.memory_space<vmem>>, %arg6: memref<128x128xf32, #tpu.memory_space<vmem>>, %arg7: memref<1x128xf32, #tpu.memory_space<vmem>>, %arg8: memref<384x128xf32, #tpu.memory_space<vmem>>, %arg9: memref<1x128xf32, #tpu.memory_space<vmem>>, %arg10: memref<200x128xf32, #tpu.memory_space<vmem>>) attributes {dimension_semantics = [#tpu.dimension_semantics<arbitrary>], iteration_bounds = array<i64: 10>, scalar_prefetch = 0 : i64, scratch_operands = 0 : i64, tpu.core_type = #tpu.core_type<tc>, window_params = [{transform_indices = @transform_0, window_bounds = array<i64: 6400, 128>}, {transform_indices = @transform_1, window_bounds = array<i64: 6400, 128>}, {transform_indices = @transform_2, window_bounds = array<i64: 6400, 128>}, {transform_indices = @transform_3, window_bounds = array<i64: 200, 128>}, {transform_indices = @transform_4, window_bounds = array<i64: 200, 128>}, {pipeline_mode = #tpu.pipeline_mode<synchronous>, transform_indices = @transform_5, window_bounds = array<i64: 128, 128>}, {pipeline_mode = #tpu.pipeline_mode<synchronous>, transform_indices = @transform_6, window_bounds = array<i64: 1, 128>}, {pipeline_mode = #tpu.pipeline_mode<synchronous>, transform_indices = @transform_7, window_bounds = array<i64: 384, 128>}, {pipeline_mode = #tpu.pipeline_mode<synchronous>, transform_indices = @transform_8, window_bounds = array<i64: 1, 128>}, {transform_indices = @transform_9, window_bounds = array<i64: 200, 128>}]} {
    %get3A = arith.constant 0 : index
    %get3A_0 = arith.constant 0 : index
    %get3A_1 = vector.load %arg1[%get3A, %get3A_0] : memref<6400x128xbf16, #tpu.memory_space<vmem>>, vector<6400x128xbf16>
    %convert_element_type3A = arith.extf %get3A_1 : vector<6400x128xbf16> to vector<6400x128xf32>
    %get3A_2 = arith.constant 0 : index
    %get3A_3 = arith.constant 0 : index
    %get3A_4 = vector.load %arg3[%get3A_2, %get3A_3] : memref<6400x128xbf16, #tpu.memory_space<vmem>>, vector<6400x128xbf16>
    %convert_element_type3A_5 = arith.extf %get3A_4 : vector<6400x128xbf16> to vector<6400x128xf32>
    %get3A_6 = arith.constant 0 : index
    %get3A_7 = arith.constant 0 : index
    %get3A_8 = vector.load %arg2[%get3A_6, %get3A_7] : memref<6400x128xf32, #tpu.memory_space<vmem>>, vector<6400x128xf32>
    %slice3A = vector.extract_strided_slice %convert_element_type3A_5 {offsets = [1, 0], sizes = [6399, 128], strides = [1, 1]} : vector<6400x128xf32> to vector<6399x128xf32>
    %slice3A_9 = vector.extract_strided_slice %convert_element_type3A_5 {offsets = [0, 0], sizes = [1, 128], strides = [1, 1]} : vector<6400x128xf32> to vector<1x128xf32>
    %concatenate3A = tpu.concatenate %slice3A, %slice3A_9 in 0 : vector<6399x128xf32>, vector<1x128xf32> -> vector<6400x128xf32>
    %slice3A_10 = vector.extract_strided_slice %convert_element_type3A_5 {offsets = [6399, 0], sizes = [1, 128], strides = [1, 1]} : vector<6400x128xf32> to vector<1x128xf32>
    %slice3A_11 = vector.extract_strided_slice %convert_element_type3A_5 {offsets = [0, 0], sizes = [6399, 128], strides = [1, 1]} : vector<6400x128xf32> to vector<6399x128xf32>
    %concatenate3A_12 = tpu.concatenate %slice3A_10, %slice3A_11 in 0 : vector<1x128xf32>, vector<6399x128xf32> -> vector<6400x128xf32>
    %iota3A = tpu.iota {dimensions = array<i32: 0>} : vector<6400x128xi32>
    %jit3A = arith.constant 2 : i32
    %eq3A = arith.constant 0 : i32
    %eq3A_13 = arith.cmpi eq, %jit3A, %eq3A : i32
    %jit3A_14 = arith.constant 1 : i32
    %select_n3A = arith.select %eq3A_13, %jit3A_14, %jit3A : i32
    %rem3A = vector.broadcast %select_n3A : i32 to vector<6400x128xi32>
    %rem3A_15 = arith.remsi %iota3A, %rem3A : vector<6400x128xi32>
    %ne3A = arith.constant 0 : i32
    %ne3A_16 = vector.broadcast %ne3A : i32 to vector<6400x128xi32>
    %ne3A_17 = arith.cmpi ne, %rem3A_15, %ne3A_16 : vector<6400x128xi32>
    %lt3A = arith.constant 0 : i32
    %lt3A_18 = vector.broadcast %lt3A : i32 to vector<6400x128xi32>
    %lt3A_19 = arith.cmpi slt, %rem3A_15, %lt3A_18 : vector<6400x128xi32>
    %lt3A_20 = arith.constant 0 : i32
    %lt3A_21 = arith.cmpi slt, %select_n3A, %lt3A_20 : i32
    %ne3A_22 = vector.broadcast %lt3A_21 : i1 to vector<6400x128xi1>
    %ne3A_23 = vector.broadcast %ne3A_22 : vector<6400x128xi1> to vector<6400x128xi1>
    %ne3A_24 = arith.xori %lt3A_19, %ne3A_23 : vector<6400x128xi1>
    %and3A = arith.andi %ne3A_24, %ne3A_17 : vector<6400x128xi1>
    %add3A = vector.broadcast %select_n3A : i32 to vector<6400x128xi32>
    %add3A_25 = arith.addi %rem3A_15, %add3A : vector<6400x128xi32>
    %select_n3A_26 = arith.select %and3A, %add3A_25, %rem3A_15 : vector<6400x128xi1>, vector<6400x128xi32>
    %eq3A_27 = arith.constant 0 : i32
    %eq3A_28 = vector.broadcast %eq3A_27 : i32 to vector<6400x128xi32>
    %eq3A_29 = arith.cmpi eq, %select_n3A_26, %eq3A_28 : vector<6400x128xi32>
    %select_n3A_30 = arith.select %eq3A_29, %concatenate3A, %concatenate3A_12 : vector<6400x128xi1>, vector<6400x128xf32>
    %sub3A = arith.subf %get3A_8, %select_n3A_30 : vector<6400x128xf32>
    %get3A_31 = arith.constant 0 : index
    %get3A_32 = arith.constant 0 : index
    %get3A_33 = vector.load %arg6[%get3A_31, %get3A_32] : memref<128x128xf32, #tpu.memory_space<vmem>>, vector<128x128xf32>
    %dot_general3A = arith.constant dense<0.000000e+00> : vector<6400x128xf32>
    %dot_general3A_34 = tpu.matmul %sub3A, %get3A_33, %dot_general3A {dimension_numbers = #tpu.dot_dimension_numbers<[1], [0], [0], [1], [0, 0, 1, 1], [], []>, transpose_lhs_hint = false} : vector<6400x128xf32>, vector<128x128xf32>, vector<6400x128xf32> -> vector<6400x128xf32>
    %add3A_35 = arith.addf %convert_element_type3A, %dot_general3A_34 : vector<6400x128xf32>
    %get3A_36 = arith.constant 0 : index
    %get3A_37 = arith.constant 0 : index
    %get3A_38 = vector.load %arg7[%get3A_36, %get3A_37] : memref<1x128xf32, #tpu.memory_space<vmem>>, vector<1x128xf32>
    %add3A_39 = vector.broadcast %get3A_38 : vector<1x128xf32> to vector<6400x128xf32>
    %add3A_40 = arith.addf %add3A_35, %add3A_39 : vector<6400x128xf32>
    %max3A = arith.constant 0.000000e+00 : f32
    %max3A_41 = vector.broadcast %max3A : f32 to vector<6400x128xf32>
    %max3A_42 = arith.maximumf %add3A_40, %max3A_41 : vector<6400x128xf32>
    %reshape3A = vector.shape_cast %max3A_42 : vector<6400x128xf32> to vector<200x32x128xf32>
    %reduce_sum3A = arith.constant dense<0.000000e+00> : vector<200x128xf32>
    %reduce_sum3A_43 = vector.multi_reduction <add>, %reshape3A, %reduce_sum3A [1] : vector<200x32x128xf32> to vector<200x128xf32>
    %get3A_44 = arith.constant 0 : index
    %get3A_45 = arith.constant 0 : index
    %get3A_46 = vector.load %arg8[%get3A_44, %get3A_45] : memref<384x128xf32, #tpu.memory_space<vmem>>, vector<384x128xf32>
    %slice3A_47 = vector.extract_strided_slice %get3A_46 {offsets = [0, 0], sizes = [128, 128], strides = [1, 1]} : vector<384x128xf32> to vector<128x128xf32>
    %dot_general3A_48 = arith.constant dense<0.000000e+00> : vector<200x128xf32>
    %dot_general3A_49 = tpu.matmul %reduce_sum3A_43, %slice3A_47, %dot_general3A_48 {dimension_numbers = #tpu.dot_dimension_numbers<[1], [0], [0], [1], [0, 0, 1, 1], [], []>, transpose_lhs_hint = false} : vector<200x128xf32>, vector<128x128xf32>, vector<200x128xf32> -> vector<200x128xf32>
    %get3A_50 = arith.constant 0 : index
    %get3A_51 = arith.constant 0 : index
    %get3A_52 = vector.load %arg4[%get3A_50, %get3A_51] : memref<200x128xf32, #tpu.memory_space<vmem>>, vector<200x128xf32>
    %slice3A_53 = vector.extract_strided_slice %get3A_46 {offsets = [128, 0], sizes = [128, 128], strides = [1, 1]} : vector<384x128xf32> to vector<128x128xf32>
    %dot_general3A_54 = arith.constant dense<0.000000e+00> : vector<200x128xf32>
    %dot_general3A_55 = tpu.matmul %get3A_52, %slice3A_53, %dot_general3A_54 {dimension_numbers = #tpu.dot_dimension_numbers<[1], [0], [0], [1], [0, 0, 1, 1], [], []>, transpose_lhs_hint = false} : vector<200x128xf32>, vector<128x128xf32>, vector<200x128xf32> -> vector<200x128xf32>
    %add3A_56 = arith.addf %dot_general3A_49, %dot_general3A_55 : vector<200x128xf32>
    %get3A_57 = arith.constant 0 : index
    %get3A_58 = arith.constant 0 : index
    %get3A_59 = vector.load %arg5[%get3A_57, %get3A_58] : memref<200x128xf32, #tpu.memory_space<vmem>>, vector<200x128xf32>
    %slice3A_60 = vector.extract_strided_slice %get3A_46 {offsets = [256, 0], sizes = [128, 128], strides = [1, 1]} : vector<384x128xf32> to vector<128x128xf32>
    %dot_general3A_61 = arith.constant dense<0.000000e+00> : vector<200x128xf32>
    %dot_general3A_62 = tpu.matmul %get3A_59, %slice3A_60, %dot_general3A_61 {dimension_numbers = #tpu.dot_dimension_numbers<[1], [0], [0], [1], [0, 0, 1, 1], [], []>, transpose_lhs_hint = false} : vector<200x128xf32>, vector<128x128xf32>, vector<200x128xf32> -> vector<200x128xf32>
    %add3A_63 = arith.addf %add3A_56, %dot_general3A_62 : vector<200x128xf32>
    %get3A_64 = arith.constant 0 : index
    %get3A_65 = arith.constant 0 : index
    %get3A_66 = vector.load %arg9[%get3A_64, %get3A_65] : memref<1x128xf32, #tpu.memory_space<vmem>>, vector<1x128xf32>
    %add3A_67 = vector.broadcast %get3A_66 : vector<1x128xf32> to vector<200x128xf32>
    %add3A_68 = arith.addf %add3A_63, %add3A_67 : vector<200x128xf32>
    %swap3A = arith.constant 0 : index
    %swap3A_69 = arith.constant 0 : index
    %swap3A_70 = vector.load %arg10[%swap3A, %swap3A_69] : memref<200x128xf32, #tpu.memory_space<vmem>>, vector<200x128xf32>
    tpu.vector_store %arg10[%swap3A, %swap3A_69], %add3A_68 {strides = array<i32>} : memref<200x128xf32, #tpu.memory_space<vmem>>, vector<200x128xf32>,
    return
  }
  func.func @transform_0(%arg0: i32) -> (i32, i32) {
    %add3A = arith.constant 0 : i32
    %add3A_0 = arith.addi %arg0, %add3A : i32
    %c0_i32 = arith.constant 0 : i32
    %c0_i32_1 = arith.constant 0 : i32
    return %add3A_0, %c0_i32 : i32, i32
  }
  func.func @transform_1(%arg0: i32) -> (i32, i32) {
    %c0_i32 = arith.constant 0 : i32
    %c0_i32_0 = arith.constant 0 : i32
    return %arg0, %c0_i32 : i32, i32
  }
  func.func @transform_2(%arg0: i32) -> (i32, i32) {
    %c0_i32 = arith.constant 0 : i32
    %c0_i32_0 = arith.constant 0 : i32
    return %arg0, %c0_i32 : i32, i32
  }
  func.func @transform_3(%arg0: i32) -> (i32, i32) {
    %c0_i32 = arith.constant 0 : i32
    %c0_i32_0 = arith.constant 0 : i32
    return %arg0, %c0_i32 : i32, i32
  }
  func.func @transform_4(%arg0: i32) -> (i32, i32) {
    %add3A = arith.constant 0 : i32
    %add3A_0 = arith.addi %arg0, %add3A : i32
    %c0_i32 = arith.constant 0 : i32
    %c0_i32_1 = arith.constant 0 : i32
    return %add3A_0, %c0_i32 : i32, i32
  }
  func.func @transform_5(%arg0: i32) -> (i32, i32) {
    %c0_i32 = arith.constant 0 : i32
    %c0_i32_0 = arith.constant 0 : i32
    %c0_i32_1 = arith.constant 0 : i32
    return %c0_i32, %c0_i32_0 : i32, i32
  }
  func.func @transform_6(%arg0: i32) -> (i32, i32) {
    %c0_i32 = arith.constant 0 : i32
    %c0_i32_0 = arith.constant 0 : i32
    %c0_i32_1 = arith.constant 0 : i32
    return %c0_i32, %c0_i32_0 : i32, i32
  }
  func.func @transform_7(%arg0: i32) -> (i32, i32) {
    %c0_i32 = arith.constant 0 : i32
    %c0_i32_0 = arith.constant 0 : i32
    %c0_i32_1 = arith.constant 0 : i32
    return %c0_i32, %c0_i32_0 : i32, i32
  }
  func.func @transform_8(%arg0: i32) -> (i32, i32) {
    %c0_i32 = arith.constant 0 : i32
    %c0_i32_0 = arith.constant 0 : i32
    %c0_i32_1 = arith.constant 0 : i32
    return %c0_i32, %c0_i32_0 : i32, i32
  }
  func.func @transform_9(%arg0: i32) -> (i32, i32) {
    %c0_i32 = arith.constant 0 : i32
    %c0_i32_0 = arith.constant 0 : i32
    return %arg0, %c0_i32 : i32, i32
  }
}

module attributes {stable_mosaic.version = 14 : i64} {
  func.func @_p3_body(%arg0: i32, %arg1: memref<6400x128xbf16, #tpu.memory_space<vmem>>, %arg2: memref<6400x128xf32, #tpu.memory_space<vmem>>, %arg3: memref<6400x128xbf16, #tpu.memory_space<vmem>>, %arg4: memref<200x128xf32, #tpu.memory_space<vmem>>, %arg5: memref<200x128xf32, #tpu.memory_space<vmem>>, %arg6: memref<128x128xf32, #tpu.memory_space<vmem>>, %arg7: memref<1x128xf32, #tpu.memory_space<vmem>>, %arg8: memref<384x128xf32, #tpu.memory_space<vmem>>, %arg9: memref<1x128xf32, #tpu.memory_space<vmem>>, %arg10: memref<200x128xf32, #tpu.memory_space<vmem>>) attributes {dimension_semantics = [#tpu.dimension_semantics<arbitrary>], iteration_bounds = array<i64: 10>, scalar_prefetch = 0 : i64, scratch_operands = 0 : i64, tpu.core_type = #tpu.core_type<tc>, window_params = [{transform_indices = @transform_0, window_bounds = array<i64: 6400, 128>}, {transform_indices = @transform_1, window_bounds = array<i64: 6400, 128>}, {transform_indices = @transform_2, window_bounds = array<i64: 6400, 128>}, {transform_indices = @transform_3, window_bounds = array<i64: 200, 128>}, {transform_indices = @transform_4, window_bounds = array<i64: 200, 128>}, {pipeline_mode = #tpu.pipeline_mode<synchronous>, transform_indices = @transform_5, window_bounds = array<i64: 128, 128>}, {pipeline_mode = #tpu.pipeline_mode<synchronous>, transform_indices = @transform_6, window_bounds = array<i64: 1, 128>}, {pipeline_mode = #tpu.pipeline_mode<synchronous>, transform_indices = @transform_7, window_bounds = array<i64: 384, 128>}, {pipeline_mode = #tpu.pipeline_mode<synchronous>, transform_indices = @transform_8, window_bounds = array<i64: 1, 128>}, {transform_indices = @transform_9, window_bounds = array<i64: 200, 128>}]} {
    %get3A = arith.constant 0 : index
    %get3A_0 = arith.constant 0 : index
    %get3A_1 = vector.load %arg1[%get3A, %get3A_0] : memref<6400x128xbf16, #tpu.memory_space<vmem>>, vector<6400x128xbf16>
    %convert_element_type3A = arith.extf %get3A_1 : vector<6400x128xbf16> to vector<6400x128xf32>
    %get3A_2 = arith.constant 0 : index
    %get3A_3 = arith.constant 0 : index
    %get3A_4 = vector.load %arg3[%get3A_2, %get3A_3] : memref<6400x128xbf16, #tpu.memory_space<vmem>>, vector<6400x128xbf16>
    %convert_element_type3A_5 = arith.extf %get3A_4 : vector<6400x128xbf16> to vector<6400x128xf32>
    %get3A_6 = arith.constant 0 : index
    %get3A_7 = arith.constant 0 : index
    %get3A_8 = vector.load %arg2[%get3A_6, %get3A_7] : memref<6400x128xf32, #tpu.memory_space<vmem>>, vector<6400x128xf32>
    %slice3A = vector.extract_strided_slice %convert_element_type3A_5 {offsets = [1, 0], sizes = [6399, 128], strides = [1, 1]} : vector<6400x128xf32> to vector<6399x128xf32>
    %slice3A_9 = vector.extract_strided_slice %convert_element_type3A_5 {offsets = [0, 0], sizes = [1, 128], strides = [1, 1]} : vector<6400x128xf32> to vector<1x128xf32>
    %concatenate3A = tpu.concatenate %slice3A, %slice3A_9 in 0 : vector<6399x128xf32>, vector<1x128xf32> -> vector<6400x128xf32>
    %slice3A_10 = vector.extract_strided_slice %convert_element_type3A_5 {offsets = [6399, 0], sizes = [1, 128], strides = [1, 1]} : vector<6400x128xf32> to vector<1x128xf32>
    %slice3A_11 = vector.extract_strided_slice %convert_element_type3A_5 {offsets = [0, 0], sizes = [6399, 128], strides = [1, 1]} : vector<6400x128xf32> to vector<6399x128xf32>
    %concatenate3A_12 = tpu.concatenate %slice3A_10, %slice3A_11 in 0 : vector<1x128xf32>, vector<6399x128xf32> -> vector<6400x128xf32>
    %iota3A = tpu.iota {dimensions = array<i32: 0>} : vector<6400x128xi32>
    %jit3A = arith.constant 2 : i32
    %eq3A = arith.constant 0 : i32
    %eq3A_13 = arith.cmpi eq, %jit3A, %eq3A : i32
    %jit3A_14 = arith.constant 1 : i32
    %select_n3A = arith.select %eq3A_13, %jit3A_14, %jit3A : i32
    %rem3A = vector.broadcast %select_n3A : i32 to vector<6400x128xi32>
    %rem3A_15 = arith.remsi %iota3A, %rem3A : vector<6400x128xi32>
    %ne3A = arith.constant 0 : i32
    %ne3A_16 = vector.broadcast %ne3A : i32 to vector<6400x128xi32>
    %ne3A_17 = arith.cmpi ne, %rem3A_15, %ne3A_16 : vector<6400x128xi32>
    %lt3A = arith.constant 0 : i32
    %lt3A_18 = vector.broadcast %lt3A : i32 to vector<6400x128xi32>
    %lt3A_19 = arith.cmpi slt, %rem3A_15, %lt3A_18 : vector<6400x128xi32>
    %lt3A_20 = arith.constant 0 : i32
    %lt3A_21 = arith.cmpi slt, %select_n3A, %lt3A_20 : i32
    %ne3A_22 = vector.broadcast %lt3A_21 : i1 to vector<6400x128xi1>
    %ne3A_23 = vector.broadcast %ne3A_22 : vector<6400x128xi1> to vector<6400x128xi1>
    %ne3A_24 = arith.xori %lt3A_19, %ne3A_23 : vector<6400x128xi1>
    %and3A = arith.andi %ne3A_24, %ne3A_17 : vector<6400x128xi1>
    %add3A = vector.broadcast %select_n3A : i32 to vector<6400x128xi32>
    %add3A_25 = arith.addi %rem3A_15, %add3A : vector<6400x128xi32>
    %select_n3A_26 = arith.select %and3A, %add3A_25, %rem3A_15 : vector<6400x128xi1>, vector<6400x128xi32>
    %eq3A_27 = arith.constant 0 : i32
    %eq3A_28 = vector.broadcast %eq3A_27 : i32 to vector<6400x128xi32>
    %eq3A_29 = arith.cmpi eq, %select_n3A_26, %eq3A_28 : vector<6400x128xi32>
    %select_n3A_30 = arith.select %eq3A_29, %concatenate3A, %concatenate3A_12 : vector<6400x128xi1>, vector<6400x128xf32>
    %sub3A = arith.subf %get3A_8, %select_n3A_30 : vector<6400x128xf32>
    %get3A_31 = arith.constant 0 : index
    %get3A_32 = arith.constant 0 : index
    %get3A_33 = vector.load %arg6[%get3A_31, %get3A_32] : memref<128x128xf32, #tpu.memory_space<vmem>>, vector<128x128xf32>
    %dot_general3A = arith.constant dense<0.000000e+00> : vector<6400x128xf32>
    %dot_general3A_34 = tpu.matmul %sub3A, %get3A_33, %dot_general3A {dimension_numbers = #tpu.dot_dimension_numbers<[1], [0], [0], [1], [0, 0, 1, 1], [], []>, transpose_lhs_hint = false} : vector<6400x128xf32>, vector<128x128xf32>, vector<6400x128xf32> -> vector<6400x128xf32>
    %add3A_35 = arith.addf %convert_element_type3A, %dot_general3A_34 : vector<6400x128xf32>
    %get3A_36 = arith.constant 0 : index
    %get3A_37 = arith.constant 0 : index
    %get3A_38 = vector.load %arg7[%get3A_36, %get3A_37] : memref<1x128xf32, #tpu.memory_space<vmem>>, vector<1x128xf32>
    %add3A_39 = vector.broadcast %get3A_38 : vector<1x128xf32> to vector<6400x128xf32>
    %add3A_40 = arith.addf %add3A_35, %add3A_39 : vector<6400x128xf32>
    %max3A = arith.constant 0.000000e+00 : f32
    %max3A_41 = vector.broadcast %max3A : f32 to vector<6400x128xf32>
    %max3A_42 = arith.maximumf %add3A_40, %max3A_41 : vector<6400x128xf32>
    %reshape3A = vector.shape_cast %max3A_42 : vector<6400x128xf32> to vector<200x32x128xf32>
    %reduce_sum3A = arith.constant dense<0.000000e+00> : vector<200x128xf32>
    %reduce_sum3A_43 = vector.multi_reduction <add>, %reshape3A, %reduce_sum3A [1] : vector<200x32x128xf32> to vector<200x128xf32>
    %get3A_44 = arith.constant 0 : index
    %get3A_45 = arith.constant 0 : index
    %get3A_46 = vector.load %arg8[%get3A_44, %get3A_45] : memref<384x128xf32, #tpu.memory_space<vmem>>, vector<384x128xf32>
    %slice3A_47 = vector.extract_strided_slice %get3A_46 {offsets = [0, 0], sizes = [128, 128], strides = [1, 1]} : vector<384x128xf32> to vector<128x128xf32>
    %dot_general3A_48 = arith.constant dense<0.000000e+00> : vector<200x128xf32>
    %dot_general3A_49 = tpu.matmul %reduce_sum3A_43, %slice3A_47, %dot_general3A_48 {dimension_numbers = #tpu.dot_dimension_numbers<[1], [0], [0], [1], [0, 0, 1, 1], [], []>, transpose_lhs_hint = false} : vector<200x128xf32>, vector<128x128xf32>, vector<200x128xf32> -> vector<200x128xf32>
    %get3A_50 = arith.constant 0 : index
    %get3A_51 = arith.constant 0 : index
    %get3A_52 = vector.load %arg4[%get3A_50, %get3A_51] : memref<200x128xf32, #tpu.memory_space<vmem>>, vector<200x128xf32>
    %slice3A_53 = vector.extract_strided_slice %get3A_46 {offsets = [128, 0], sizes = [128, 128], strides = [1, 1]} : vector<384x128xf32> to vector<128x128xf32>
    %dot_general3A_54 = arith.constant dense<0.000000e+00> : vector<200x128xf32>
    %dot_general3A_55 = tpu.matmul %get3A_52, %slice3A_53, %dot_general3A_54 {dimension_numbers = #tpu.dot_dimension_numbers<[1], [0], [0], [1], [0, 0, 1, 1], [], []>, transpose_lhs_hint = false} : vector<200x128xf32>, vector<128x128xf32>, vector<200x128xf32> -> vector<200x128xf32>
    %add3A_56 = arith.addf %dot_general3A_49, %dot_general3A_55 : vector<200x128xf32>
    %get3A_57 = arith.constant 0 : index
    %get3A_58 = arith.constant 0 : index
    %get3A_59 = vector.load %arg5[%get3A_57, %get3A_58] : memref<200x128xf32, #tpu.memory_space<vmem>>, vector<200x128xf32>
    %slice3A_60 = vector.extract_strided_slice %get3A_46 {offsets = [256, 0], sizes = [128, 128], strides = [1, 1]} : vector<384x128xf32> to vector<128x128xf32>
    %dot_general3A_61 = arith.constant dense<0.000000e+00> : vector<200x128xf32>
    %dot_general3A_62 = tpu.matmul %get3A_59, %slice3A_60, %dot_general3A_61 {dimension_numbers = #tpu.dot_dimension_numbers<[1], [0], [0], [1], [0, 0, 1, 1], [], []>, transpose_lhs_hint = false} : vector<200x128xf32>, vector<128x128xf32>, vector<200x128xf32> -> vector<200x128xf32>
    %add3A_63 = arith.addf %add3A_56, %dot_general3A_62 : vector<200x128xf32>
    %get3A_64 = arith.constant 0 : index
    %get3A_65 = arith.constant 0 : index
    %get3A_66 = vector.load %arg9[%get3A_64, %get3A_65] : memref<1x128xf32, #tpu.memory_space<vmem>>, vector<1x128xf32>
    %add3A_67 = vector.broadcast %get3A_66 : vector<1x128xf32> to vector<200x128xf32>
    %add3A_68 = arith.addf %add3A_63, %add3A_67 : vector<200x128xf32>
    %swap3A = arith.constant 0 : index
    %swap3A_69 = arith.constant 0 : index
    %swap3A_70 = vector.load %arg10[%swap3A, %swap3A_69] : memref<200x128xf32, #tpu.memory_space<vmem>>, vector<200x128xf32>
    tpu.vector_store %arg10[%swap3A, %swap3A_69], %add3A_68 {strides = array<i32>} : memref<200x128xf32, #tpu.memory_space<vmem>>, vector<200x128xf32>,
    return
  }
  func.func @transform_0(%arg0: i32) -> (i32, i32) {
    %add3A = arith.constant 40 : i32
    %add3A_0 = arith.addi %arg0, %add3A : i32
    %c0_i32 = arith.constant 0 : i32
    %c0_i32_1 = arith.constant 0 : i32
    return %add3A_0, %c0_i32 : i32, i32
  }
  func.func @transform_1(%arg0: i32) -> (i32, i32) {
    %c0_i32 = arith.constant 0 : i32
    %c0_i32_0 = arith.constant 0 : i32
    return %arg0, %c0_i32 : i32, i32
  }
  func.func @transform_2(%arg0: i32) -> (i32, i32) {
    %c0_i32 = arith.constant 0 : i32
    %c0_i32_0 = arith.constant 0 : i32
    return %arg0, %c0_i32 : i32, i32
  }
  func.func @transform_3(%arg0: i32) -> (i32, i32) {
    %c0_i32 = arith.constant 0 : i32
    %c0_i32_0 = arith.constant 0 : i32
    return %arg0, %c0_i32 : i32, i32
  }
  func.func @transform_4(%arg0: i32) -> (i32, i32) {
    %add3A = arith.constant 40 : i32
    %add3A_0 = arith.addi %arg0, %add3A : i32
    %c0_i32 = arith.constant 0 : i32
    %c0_i32_1 = arith.constant 0 : i32
    return %add3A_0, %c0_i32 : i32, i32
  }
  func.func @transform_5(%arg0: i32) -> (i32, i32) {
    %c0_i32 = arith.constant 0 : i32
    %c0_i32_0 = arith.constant 0 : i32
    %c0_i32_1 = arith.constant 0 : i32
    return %c0_i32, %c0_i32_0 : i32, i32
  }
  func.func @transform_6(%arg0: i32) -> (i32, i32) {
    %c0_i32 = arith.constant 0 : i32
    %c0_i32_0 = arith.constant 0 : i32
    %c0_i32_1 = arith.constant 0 : i32
    return %c0_i32, %c0_i32_0 : i32, i32
  }
  func.func @transform_7(%arg0: i32) -> (i32, i32) {
    %c0_i32 = arith.constant 0 : i32
    %c0_i32_0 = arith.constant 0 : i32
    %c0_i32_1 = arith.constant 0 : i32
    return %c0_i32, %c0_i32_0 : i32, i32
  }
  func.func @transform_8(%arg0: i32) -> (i32, i32) {
    %c0_i32 = arith.constant 0 : i32
    %c0_i32_0 = arith.constant 0 : i32
    %c0_i32_1 = arith.constant 0 : i32
    return %c0_i32, %c0_i32_0 : i32, i32
  }
  func.func @transform_9(%arg0: i32) -> (i32, i32) {
    %c0_i32 = arith.constant 0 : i32
    %c0_i32_0 = arith.constant 0 : i32
    return %arg0, %c0_i32 : i32, i32
  }
}

</mosaic_0001>

<sc_bundles>
// kernel: kernel.23.cloned.1.call-start
scs
__scs_entry_jumppad:
0x0: {  	(pc) =	sbr.rel $0x88, $3  }
0x1: {  	(tag) =	ssettag $0x0;
	lr =	simm.s32 $0x1  }
0x2: {  	[smem:$0x3F90] =	sst lr;
	_ =	strace $0xD0000000  }
0x3: {  	_ = 	snop  }
0x4: {  	_ = 	snop  }
0x5: {  	_ = 	snop  }
0x6: {  	_ = 	snop  }
0x7: {  	_ = 	snop  }
__scs_overlays_trampoline_lowered:
0x8: {  	[smem:$0x3F9F] =	sst s0  }
0x9: {  	[smem:$0x3FA0] =	sst s1  }
0xa: {  	[smem:$0x3FA1] =	sst s2  }
0xb: {  	[smem:$0x3FA2] =	sst s3  }
0xc: {  	[smem:$0x3FA3] =	sst s4  }
0xd: {  	[smem:$0x3FA4] =	sst s5  }
0xe: {  	[smem:$0x3FA5] =	sst s6  }
0xf: {  	[smem:$0x3FA6] =	sst s7  }
0x10: {  	[smem:$0x3FA7] =	sst s8  }
0x11: {  	[smem:$0x3FA8] =	sst s9;
	s0 =	simm.s32 @!p0 $0x0  }
0x12: {  	s1 =	sld [smem:$0x3F8E];
	s0 =	simm.s32 @p0 $0x1  }
0x13: {  	[smem:$0x3FA9] =	sst s0;
	s0 =	simm.s32 @!p1 $0x0  }
0x14: {  	s2 =	sld [smem:$0x3F8D];
	s0 =	simm.s32 @p1 $0x1  }
0x15: {  	[smem:$0x3FAA] =	sst s0;
	s0 =	simm.s32 @!p2 $0x0  }
0x16: {  	s3 =	sld [smem:$0x3FDB];
	s0 =	simm.s32 @p2 $0x1  }
0x17: {  	s4 =	simm.s32 $0x1BF5;
	[smem:$0x3FAC] =	sst s0  }
0x18: {  	s0 =	sld [smem:$0x3F8F];
	_ =	swait.ge [sflag:s4], $0x0  }
0x19: {  	s7 =	sld [smem:$0x3F90]  }
0x1a: {  	s8 =	sadd.s32 $0xFFFFE003, lr  }
0x1b: {  	s9 =	sadd.s32 $0xFFFFFEF7, lr;
	s5 =	simm.s32 $0xFFFFFFFF;
	p2 =	slt.u32 s8, $0xFFFFF086  }
0x1c: {  	p1 =	slt.u32 s9, $0xF7A;
	s5 =	simm.s32 @!p2 $0x0  }
0x1d: {  	s5 =	simm.s32 @p1 $0x1;
	p0 =	seq.s32 s7, s2  }
0x1e: {  	s7 =	smul.u32 @!p0 $0xF7A, s2;
	p2 =	seq.s32 @!p0 s5, $0x0  }
0x1f: {  	s9 =	smul.u32 $0xF7A, s1;
	s8 =	simm.s32 @!p0 $0x1BF5;
	p2 =	por !p2, p0  }
0x20: {  	[sflag:s8] =	ssyncset.s32 @!p0 $0xFFFFF086;
	s6 =	sadd.s32 @!p0 s3, s7;
	s7 =	simm.s32 @!p0 $0x108  }
0x21: {  	s3 =	sadd.s32 s3, s9;
	s6 =	sadd.s32 @!p0 $0x88, s6;
	s7 =	simm.s32 @p2 $0x1082  }
0x22: {  	[simem:s7], [sflag:s8] =	dma.local @!p0 [hbm:s6], $0xF7A  }
0x23: {  	s9 =	sor.u32 $0xD0000000, s2;
	s6 =	simm.s32 $0x108;
	_ =	swait.ge @!p0 [sflag:s8], $0x0  }
0x24: {  	s3 =	sadd.s32 $0x88, s3;
	s6 =	simm.s32 @!p1 $0x1082;
	[sflag:s4] =	ssyncset.s32 $0xFFFFF086  }
0x25: {  	[simem:s6], [sflag:s4] =	dma.local [hbm:s3], $0xF7A  }
0x26: {  	[smem:$0x3F90] =	sst s1;
	(tag) =	ssettag s2;
	_ =	strace s9  }
0x27: {  	s1 =	sld [smem:$0x3FA0]  }
0x28: {  	s2 =	sld [smem:$0x3FA1]  }
0x29: {  	s4 =	sld [smem:$0x3FA3]  }
0x2a: {  	p0 =	seq.s32 s5, $0x0;
	s5 =	sld [smem:$0x3FA4]  }
0x2b: {  	s6 =	sld [smem:$0x3FA5]  }
0x2c: {  	s7 =	sld [smem:$0x3FA6]  }
0x2d: {  	s3 =	simm.s32 $0x108;
	s8 =	sld [smem:$0x3FA7]  }
0x2e: {  	s3 =	simm.s32 @!p0 $0x1082;
	s9 =	sld [smem:$0x3FA8]  }
0x2f: {  	lr =	sadd.s32 s0, s3;
	s0 =	sld [smem:$0x3F9F]  }
0x30: {  	s3 =	sld [smem:$0x3FA2]  }
0x31: {  	[smem:$0x3FAB] =	sst s10  }
0x32: {  	s10 =	sld [smem:$0x3FA9];
	_ =	sdelay $0x3  }
0x33: {  	p0 =	seq.s32 s10, $0x1;
	s10 =	sld [smem:$0x3FAB];
	_ =	sdelay $0x3  }
0x34: {  	[smem:$0x3FAB] =	sst s10  }
0x35: {  	s10 =	sld [smem:$0x3FAA];
	_ =	sdelay $0x3  }
0x36: {  	p1 =	seq.s32 s10, $0x1;
	s10 =	sld [smem:$0x3FAB];
	_ =	sdelay $0x3  }
0x37: {  	[smem:$0x3FAB] =	sst s10  }
0x38: {  	s10 =	sld [smem:$0x3FAC]  }
0x39: {  	_ = 	snop;
	(pc) =	sbr.ind lr, $3  }
0x3a: {  	_ = 	snop  }
0x3b: {  	_ = 	snop  }
0x3c: {  	p2 =	seq.s32 s10, $0x1;
	s10 =	sld [smem:$0x3FAB]  }
0x3d: {  	_ =	shalt  }
0x3e: {  	_ =	shalt  }
0x3f: {  	_ =	shalt  }
0x40: {  	_ =	shalt  }
0x41: {  	_ =	shalt  }
0x42: {  	_ =	shalt  }
0x43: {  	_ =	shalt  }
0x44: {  	_ =	shalt  }
0x45: {  	_ =	shalt  }
0x46: {  	_ =	shalt  }
0x47: {  	_ =	shalt  }
0x48: {  	_ =	shalt  }
0x49: {  	_ =	shalt  }
0x4a: {  	_ =	shalt  }
0x4b: {  	_ =	shalt  }
0x4c: {  	_ =	shalt  }
0x4d: {  	_ =	shalt  }
0x4e: {  	_ =	shalt  }
0x4f: {  	_ =	shalt  }
0x50: {  	_ =	shalt  }
0x51: {  	_ =	shalt  }
0x52: {  	_ =	shalt  }
0x53: {  	_ =	shalt  }
0x54: {  	_ =	shalt  }
0x55: {  	_ =	shalt  }
0x56: {  	_ =	shalt  }
0x57: {  	_ =	shalt  }
0x58: {  	_ =	shalt  }
0x59: {  	_ =	shalt  }
0x5a: {  	_ =	shalt  }
0x5b: {  	_ =	shalt  }
0x5c: {  	_ =	shalt  }
0x5d: {  	_ =	shalt  }
0x5e: {  	_ =	shalt  }
0x5f: {  	_ =	shalt  }
0x60: {  	_ =	shalt  }
0x61: {  	_ =	shalt  }
0x62: {  	_ =	shalt  }
0x63: {  	_ =	shalt  }
0x64: {  	_ =	shalt  }
0x65: {  	_ =	shalt  }
0x66: {  	_ =	shalt  }
0x67: {  	_ =	shalt  }
0x68: {  	_ =	shalt  }
0x69: {  	_ =	shalt  }
0x6a: {  	_ =	shalt  }
0x6b: {  	_ =	shalt  }
0x6c: {  	_ =	shalt  }
0x6d: {  	_ =	shalt  }
0x6e: {  	_ =	shalt  }
0x6f: {  	_ =	shalt  }
0x70: {  	_ =	shalt  }
0x71: {  	_ =	shalt  }
0x72: {  	_ =	shalt  }
0x73: {  	_ =	shalt  }
0x74: {  	_ =	shalt  }
0x75: {  	_ =	shalt  }
0x76: {  	_ =	shalt  }
0x77: {  	_ =	shalt  }
0x78: {  	_ =	shalt  }
0x79: {  	_ =	shalt  }
0x7a: {  	_ =	shalt  }
0x7b: {  	_ =	shalt  }
0x7c: {  	_ =	shalt  }
0x7d: {  	_ =	shalt  }
0x7e: {  	_ =	shalt  }
0x7f: {  	_ =	shalt  }
0x80: {  	_ =	shalt  }
0x81: {  	_ =	shalt  }
0x82: {  	_ =	shalt  }
0x83: {  	_ =	shalt  }
0x84: {  	_ =	shalt  }
0x85: {  	_ =	shalt  }
0x86: {  	_ =	shalt  }
0x87: {  	_ =	shalt  }
.Lfunc_end0:
.L_simem_size_0:
called_computation_lowered:
.L_overlay_start_0:
0x88: {  	s2 =	sld [smem:$0x3FD9]  }
0x89: {  	s3 =	sld [smem:$0x3FFE];
	_ =	sdelay $0x1  }
0x8a: {  	s1 =	srdreg.scid  }
0x8b: {  	s0 =	sand.u32 $0x1, s1  }
0x8c: {  	s17 =	sshll.u32 s0, $0xA;
	s2 =	sadd.s32 s3, s2  }
0x8d: {  	s2 =	sadd.s32 s2, s17  }
0x8e: {  	[smem:$0x3FB7] =	sst s2  }
0x8f: {  	_ = 	snop  }
0x90: {  	s18 =	sld [smem:$0x3FD0];
	(tm) =	ssettm $0x1  }
0x91: {  	s19 =	sld [smem:$0x3FFB];
	_ =	sdelay $0x3  }
0x92: {  	_ =	strace s19  }
0x93: {  	s2 =	sld [smem:$0x3FFC];
	_ =	sdelay $0x3  }
0x94: {  	_ =	strace s2  }
0x95: {  	s2 =	sld [smem:$0x3FFD];
	_ =	sdelay $0x3  }
0x96: {  	_ =	strace s2  }
0x97: {  	_ =	strace $0x8FFFFFFF  }
0x98: {  	s20 =	sld [smem:$0x3FDB];
	_ =	sdelay $0x1  }
0x99: {  	s4 =	simm.s32 $_scs_section_size  }
0x9a: {  	s5 =	simm.s32 $_size__tile_overlayer_lowered;
	s6 =	simm.s32 $_tile_overlayer_lowered  }
0x9b: {  	s7 =	simm.s32 $0x1BFF;
	s21 =	sshll.u32 s6, $0x1;
	s4 =	sadd.s32 s4, s20  }
0x9c: {  	s22 =	simm.s32 $0x0;
	s5 =	sshll.u32 s5, $0x1;
	s6 =	sadd.s32 s21, s4  }
0x9d: {  	[timem:s22], [sflag:s7] =	dma.local [hbm:s6], s5  }
0x9e: {  	_ =	swait.ge [sflag:s7], s5  }
0x9f: {  	s5 =	ssub.s32 $0x0, s5;
	[sflag:s7] =	ssyncset.done $0x0  }
0xa0: {  	[sflag:s7] =	ssyncadd.s32 s5;
	_ =	sdelay $0x1  }
0xa1: {  	s23 =	simm.s32 $0x1B8B  }
0xa2: {  	_ =	swait.ge [sflag:s23], $0x1  }
0xa3: {  	[sflag:s23] =	ssyncset.done $0x0  }
0xa4: {  	[sflag:s23] =	ssyncadd.s32 $0xFFFFFFFF  }
0xa5: {  	s5 =	sld [smem:$0x0]  }
0xa6: {  	s6 =	sand.u32 $0xFFFFFFFE, s1  }
0xa7: {  	p0 =	sne.s32 s1, s6  }
0xa8: {  	s6 =	sshll.u32 @p0 s6, $0xE  }
0xa9: {  	s6 =	sadd.s32 @p0 $0x11B8D, s6;
	s7 =	sshll.u32 @p0 s5, $0x11  }
0xaa: {  	s6 =	sor.u32 @p0 s7, s6  }
0xab: {  	[sflag:s6] =	ssyncadd.remote.s32 @p0 $0x1;
	_ =	sdelay $0x1  }
0xac: {  	s6 =	simm.s32 @p0 $0x1B8D  }
0xad: {  	_ =	swait.eq @p0 [sflag:s6], $0x1  }
0xae: {  	[sflag:s6] =	ssyncadd.s32 @p0 $0xFFFFFFFF  }
0xaf: {  	s7 =	sshll.u32 @!p0 s1, $0xE  }
0xb0: {  	s7 =	sor.u32 @!p0 $0x4000, s7;
	s6 =	simm.s32 @!p0 $0x1B8D  }
0xb1: {  	s5 =	sshll.u32 @!p0 s5, $0x11;
	s7 =	sadd.s32 @!p0 $0x11B8D, s7;
	_ =	swait.eq @!p0 [sflag:s6], $0x1  }
0xb2: {  	s5 =	sor.u32 @!p0 s5, s7;
	[sflag:s6] =	ssyncadd.s32 @!p0 $0xFFFFFFFF  }
0xb3: {  	s25 =	simm.s32 $0x1B8E;
	s24 =	sld [smem:$0x3FFE];
	[sflag:s5] =	ssyncadd.remote.s32 @!p0 $0x1  }
0xb4: {  	s26 =	simm.s32 $execute0_lowered;
	[smem:$0x3FD2] =	sst s25  }
0xb5: {  	s6 =	sshll.u32 s26, $0x1;
	_ =	strace $0x8000004F;
	[dreg:$0x1] =	wrdreg $0xFFFFFFFF  }
0xb6: {  	s28 =	simm.s32 $_size_execute0_lowered;
	s4 =	sadd.s32 s4, s6;
	[dreg:$0x0] =	wrdreg $0x0  }
0xb7: {  	s6 =	sshll.u32 s28, $0x1;
	[dreg:$0x2] =	wrdreg s4  }
0xb8: {  	[dreg:$0x3] =	wrdreg s6  }
0xb9: {  	[dreg:$0x4] =	wrdreg $0xC0  }
0xba: {  	_ =	task [dreg:s22], $0x5FFFF  }
0xbb: {  	[dreg:$0x1] =	wrdreg $0xFFFFFFFF  }
0xbc: {  	[dreg:$0x0] =	wrdreg $0x60  }
0xbd: {  	[dreg:$0x2] =	wrdreg s18  }
0xbe: {  	[dreg:$0x3] =	wrdreg s24  }
0xbf: {  	[dreg:$0x4] =	wrdreg $0x9  }
0xc0: {  	_ =	task.clear_ibuf [dreg:s22], $0x5FFFF;
	_ =	strace $0x9000004F  }
0xc1: {  	s29 =	simm.s32 $0x9;
	_ =	strace $0x80000051  }
0xc2: {  	_ =	swait.ge [sflag:s29], $0x1  }
0xc3: {  	[sflag:s29] =	ssyncadd.s32 $0xFFFFFFFF  }
0xc4: {  	_ =	strace $0x90000051  }
0xc5: {  	_ =	sfence  }
0xc6: {  	s30 =	sld [smem:$0x0];
	_ =	sdelay $0x2  }
0xc7: {  	s31 =	sshll.u32 s1, $0xD;
	s1 =	sshrl.u32 s1, $0x2  }
0xc8: {  	s4 =	sand.u32 $0x4000, s31;
	s1 =	sadd.s32 s1, s30  }
0xc9: {  	s0 =	sor.u32 s4, s0;
	s1 =	sshll.u32 s1, $0x11  }
0xca: {  	s0 =	sor.u32 s1, s0  }
0xcb: {  	s0 =	sadd.s32 $0x8F2B, s0  }
0xcc: {  	[sflag:s0] =	ssyncadd.remote.s32 $0x1  }
0xcd: {  	_ =	sfence.sel $0xFFFF  }
0xce: {  	[dreg:$0x0] =	wrdreg $0xFFFFFFFF;
	(pc) =	sbr.abs _section_cstart, $3  }
0xcf: {  	[dreg:$0x1] =	wrdreg $0xFFFFFFFF  }
0xd0: {  	_ =	task.clear_ibuf [dreg:s22], $0x2FFFF;
	_ =	strace $0x9FFFFFFF  }
0xd1: {  	(tm) =	ssettm $0x7FFFFFFF  }
tec
execute0_lowered:
.L_overlay_start_1:
0x0: {  	(tag) =	ssettag $0x1  }
0x1: {  	s2 =	rddreg [dreg:$0x0]  }
0x2: {  	s5 =	rddreg [dreg:$0x1]  }
0x3: {  	s0 =	rddreg [dreg:$0x2];
	s4 =	srdreg.scid  }
0x4: {  	s1 =	stileid.u32;
	s3 =	simm.s32 $0x0;
	s16 =	simm.s32 $0x100  }
0x5: {  	s17 =	simm.s32 $0x6600;
	s18 =	simm.s32 $0x1;
	s19 =	simm.s32 $0x2  }
0x6: {  	s20 =	simm.s32 $0x3;
	s21 =	simm.s32 $0x4;
	s25 =	smul.u32 $0xFA00, s1  }
0x7: {  	s22 =	simm.s32 $0x0;
	s8 =	sand.u32 $0x1, s4;
	s14 =	smul.u32 $0xFA0, s1  }
0x8: {  	s23 =	sshll.u32 s1, $0x1;
	[smem:$0x7FF] =	sst s3;
	s29 =	smul.u32 $0x7D0, s8  }
0x9: {  	s4 =	sadd.s32 $0xF800, s5;
	s6 =	sor.u32 s8, s23;
	s15 =	smul.u32 $0x7D00, s8  }
0xa: {  	s12 =	sadd.s32 $0x572800, s5;
	s7 =	ssub.s32 $0x2, s8;
	s9 =	smul.u32 $0x7D0, s6  }
0xb: {  	_ =	strace $0x80000050;
	s10 =	sshrl.u32 s7, $0x1;
	s11 =	smul.u32 $0x7D00, s6  }
0xc: {  	s24 =	ssub.s32 s7, s10;
	s10 =	sadd.s32 s25, s12;
	s14 =	sadd.s32 s29, s14  }
0xd: {  	s13 =	sadd.s32 $0xC8, s9;
	s5 =	smax.u32 s24, $0x1;
	s26 =	sshrl.u32 s9, $0x3  }
0xe: {  	s8 =	sadd.s32 s12, s11;
	s10 =	sadd.s32 s15, s10;
	s31 =	sadd.s32 $0x258, s14  }
0xf: {  	s15 =	simm.s32 $0x200;
	s28 =	sshrl.u32 s13, $0x3;
	s6 =	sadd.s32 s4, s26  }
0x10: {  	s30 =	sshll.u32 s13, $0x4;
	s10 =	sadd.s32 $0x2580, s10;
	s11 =	sshrl.u32 s31, $0x3  }
0x11: {  	s13 =	simm.s32 $0x5;
	s7 =	sadd.s32 s4, s28;
	s9 =	sadd.s32 s12, s30  }
0x12: {  	s11 =	sadd.s32 s11, s4;
	s12 =	sadd.s32 $0x190, s14;
	s14 =	simm.s32 $0xC8  }
.LBB2_1:
0x13: {  	[tilespmem:s3], [sflag:$0x5] =	stream.linear.gather [hbm4b:s6+s3], $0xC8, $0x38;
	[tilespmem:$0xCA00] =	vst v63  }
0x14: {  	_ =	swait.ge [sflag:s13], $0xC8  }
0x15: {  	[sflag:s13] =	ssyncset.done $0x0  }
0x16: {  	[sflag:s13] =	ssyncadd.s32 $0xFFFFFF38  }
0x17: {  	[tilespmem:s15], [sflag:$0x1] =	stream.indirect.gather [hbm4b:s2+s14], $0x80, s3, s14, $0xb8;
	[tilespmem:$0xCA00] =	vst v63  }
0x18: {  	_ = 	snop  }
0x19: {  	[tilespmem:s16], [sflag:$0x5] =	stream.linear.gather [hbm4b:s7+s3], $0xC8, $0x38;
	[tilespmem:$0xCA00] =	vst v63  }
0x1a: {  	_ =	swait.ge [sflag:s13], $0xC8  }
0x1b: {  	[sflag:s13] =	ssyncset.done $0x0  }
0x1c: {  	[sflag:s13] =	ssyncadd.s32 $0xFFFFFF38  }
0x1d: {  	[tilespmem:s17], [sflag:$0x2] =	stream.indirect.gather [hbm4b:s2+s14], $0x80, s16, s14, $0xb8;
	[tilespmem:$0xCA00] =	vst v63  }
0x1e: {  	_ =	swait.ge [sflag:s18], $0x6400  }
0x1f: {  	[sflag:s18] =	ssyncset.done $0x0  }
0x20: {  	[sflag:s18] =	ssyncadd.s32 $0xFFFF9C00  }
0x21: {  	[hbm4b:s8+s3] =	stream.linear.scatter [tilespmem:s15], [sflag:$0x3], $0x6400, $0x38;
	[tilespmem:$0xCA00] =	vst v63  }
0x22: {  	_ =	swait.ge [sflag:s19], $0x6400  }
0x23: {  	[sflag:s19] =	ssyncset.done $0x0  }
0x24: {  	[sflag:s19] =	ssyncadd.s32 $0xFFFF9C00  }
0x25: {  	[hbm4b:s9+s3] =	stream.linear.scatter [tilespmem:s17], [sflag:$0x4], $0x6400, $0x38;
	[tilespmem:$0xCA00] =	vst v63  }
0x26: {  	_ =	swait.ge [sflag:s20], $0x6400  }
0x27: {  	[sflag:s20] =	ssyncset.done $0x0  }
0x28: {  	[sflag:s20] =	ssyncadd.s32 $0xFFFF9C00  }
0x29: {  	_ =	swait.ge [sflag:s21], $0x6400  }
0x2a: {  	s23 =	sshrl.u32 s12, $0x3;
	[sflag:s21] =	ssyncset.done $0x0  }
0x2b: {  	s23 =	sadd.s32 s4, s23;
	[sflag:s21] =	ssyncadd.s32 $0xFFFF9C00  }
0x2c: {  	[tilespmem:s3], [sflag:$0x5] =	stream.linear.gather [hbm4b:s23+s3], $0xC8, $0x38;
	[tilespmem:$0xCA00] =	vst v63  }
0x2d: {  	_ =	swait.ge [sflag:s13], $0xC8  }
0x2e: {  	[sflag:s13] =	ssyncset.done $0x0  }
0x2f: {  	[sflag:s13] =	ssyncadd.s32 $0xFFFFFF38  }
0x30: {  	[tilespmem:s15], [sflag:$0x1] =	stream.indirect.gather [hbm4b:s2+s14], $0x80, s3, s14, $0xb8;
	[tilespmem:$0xCA00] =	vst v63  }
0x31: {  	s30 =	sadd.s32 $0x0, s11  }
0x32: {  	[tilespmem:s16], [sflag:$0x5] =	stream.linear.gather [hbm4b:s30+s3], $0xC8, $0x38;
	[tilespmem:$0xCA00] =	vst v63  }
0x33: {  	_ =	swait.ge [sflag:s13], $0xC8  }
0x34: {  	[sflag:s13] =	ssyncset.done $0x0  }
0x35: {  	[sflag:s13] =	ssyncadd.s32 $0xFFFFFF38  }
0x36: {  	[tilespmem:s17], [sflag:$0x2] =	stream.indirect.gather [hbm4b:s2+s14], $0x80, s16, s14, $0xb8;
	[tilespmem:$0xCA00] =	vst v63  }
0x37: {  	_ =	swait.ge [sflag:s18], $0x6400  }
0x38: {  	[sflag:s18] =	ssyncset.done $0x0  }
0x39: {  	s31 =	sadd.s32 $0xFFFFF380, s10;
	[sflag:s18] =	ssyncadd.s32 $0xFFFF9C00  }
0x3a: {  	[hbm4b:s31+s3] =	stream.linear.scatter [tilespmem:s15], [sflag:$0x3], $0x6400, $0x38;
	[tilespmem:$0xCA00] =	vst v63  }
0x3b: {  	_ =	swait.ge [sflag:s19], $0x6400  }
0x3c: {  	s24 =	sadd.s32 $0x1900, s10;
	s25 =	sadd.s32 $0x190, s12;
	[sflag:s19] =	ssyncset.done $0x0  }
0x3d: {  	s26 =	smov.u32 s10;
	s23 =	simm.s32 $0x32;
	[sflag:s19] =	ssyncadd.s32 $0xFFFF9C00  }
.LBB2_2:
0x3e: {  	[hbm4b:s26+s3] =	stream.linear.scatter [tilespmem:s17], [sflag:$0x4], $0x6400, $0x38;
	[tilespmem:$0xCA00] =	vst v63  }
0x3f: {  	s28 =	smov.u32 s23;
	s26 =	smov.u32 s24  }
0x40: {  	p0 =	sne.s32 s23, $0x96;
	s23 =	sadd.s32 $0x32, s23;
	_ =	swait.ge [sflag:s20], $0x6400  }
0x41: {  	[sflag:s20] =	ssyncset.done $0x0  }
0x42: {  	[sflag:s20] =	ssyncadd.s32 $0xFFFF9C00  }
0x43: {  	_ =	swait.ge [sflag:s21], $0x6400  }
0x44: {  	s29 =	sshrl.u32 s25, $0x3;
	[sflag:s21] =	ssyncset.done $0x0  }
0x45: {  	s29 =	sadd.s32 s4, s29;
	[sflag:s21] =	ssyncadd.s32 $0xFFFF9C00  }
0x46: {  	[tilespmem:s3], [sflag:$0x5] =	stream.linear.gather [hbm4b:s29+s3], $0xC8, $0x38;
	[tilespmem:$0xCA00] =	vst v63  }
0x47: {  	_ =	swait.ge [sflag:s13], $0xC8  }
0x48: {  	[sflag:s13] =	ssyncset.done $0x0  }
0x49: {  	[sflag:s13] =	ssyncadd.s32 $0xFFFFFF38  }
0x4a: {  	[tilespmem:s15], [sflag:$0x1] =	stream.indirect.gather [hbm4b:s2+s14], $0x80, s3, s14, $0xb8;
	[tilespmem:$0xCA00] =	vst v63  }
0x4b: {  	s28 =	sadd.s32 s28, s11  }
0x4c: {  	[tilespmem:s16], [sflag:$0x5] =	stream.linear.gather [hbm4b:s28+s3], $0xC8, $0x38;
	[tilespmem:$0xCA00] =	vst v63  }
0x4d: {  	_ =	swait.ge [sflag:s13], $0xC8  }
0x4e: {  	[sflag:s13] =	ssyncset.done $0x0  }
0x4f: {  	[sflag:s13] =	ssyncadd.s32 $0xFFFFFF38  }
0x50: {  	[tilespmem:s17], [sflag:$0x2] =	stream.indirect.gather [hbm4b:s2+s14], $0x80, s16, s14, $0xb8;
	[tilespmem:$0xCA00] =	vst v63  }
0x51: {  	_ =	swait.ge [sflag:s18], $0x6400  }
0x52: {  	[sflag:s18] =	ssyncset.done $0x0  }
.Ltmp0:
0x53: {  	s28 =	sadd.s32 $0xFFFFF380, s24;
	[sflag:s18] =	ssyncadd.s32 $0xFFFF9C00;
	(pc) =	sbr.rel @p0 .LBB2_2-.Ltmp0, $4  }
0x54: {  	[hbm4b:s28+s3] =	stream.linear.scatter [tilespmem:s15], [sflag:$0x3], $0x6400, $0x38;
	[tilespmem:$0xCA00] =	vst v63  }
0x55: {  	_ =	swait.ge [sflag:s19], $0x6400  }
0x56: {  	[sflag:s19] =	ssyncset.done $0x0  }
0x57: {  	s25 =	sadd.s32 $0x190, s25;
	s24 =	sadd.s32 $0x1900, s24;
	[sflag:s19] =	ssyncadd.s32 $0xFFFF9C00  }
0x58: {  	[hbm4b:s26+s3] =	stream.linear.scatter [tilespmem:s17], [sflag:$0x4], $0x6400, $0x38;
	[tilespmem:$0xCA00] =	vst v63  }
0x59: {  	s22 =	sadd.s32 $0x1, s22  }
0x5a: {  	_ =	swait.ge [sflag:s20], $0x6400;
	p0 =	sne.s32 s22, s5  }
.Ltmp1:
0x5b: {  	[sflag:s20] =	ssyncset.done $0x0;
	(pc) =	sbr.rel @p0 .LBB2_1-.Ltmp1, $4  }
0x5c: {  	[sflag:s20] =	ssyncadd.s32 $0xFFFF9C00  }
0x5d: {  	_ =	swait.ge [sflag:s21], $0x6400  }
0x5e: {  	[sflag:s21] =	ssyncset.done $0x0  }
0x5f: {  	[sflag:s21] =	ssyncadd.s32 $0xFFFF9C00  }
0x60: {  	_ =	sfence.sel $0x180000  }
0x61: {  	[bflag:$0x0] =	sbarrier.arrive $0xFFFF  }
0x62: {  	p0 =	sne.s32 s1, $0x0;
	_ =	strace $0x90000050  }
0x63: {  	s0 =	sadd.s32 @!p0 $0x100000, s0;
	[bflag:$0x2] =	sbarrier.arrive $0xFFFF  }
0x64: {  	[sflag:s0] =	ssyncadd.tile.s32 @!p0 $0x1;
	_ =	shalt  }
.Lfunc_end2:
_tile_overlayer_lowered:
.L_overlay_start_2:
0x65: {  	(tag) =	ssettag $0x2  }
0x66: {  	s0 =	rddreg [dreg:$0x0];
	s2 =	stileid.u32  }
0x67: {  	s1 =	rddreg [dreg:$0x1];
	p0 =	sne.s32 s2, $0x0  }
0x68: {  	s3 =	rddreg [dreg:$0x2];
	[bflag:$0x3] =	sbarrier.arrive $0xFFFF;
	s2 =	simm.s32 @!p0 $0x1C05  }
0x69: {  	[timem:s3], [sflag:s2] =	dma.local @!p0 [hbm:s0], s1  }
0x6a: {  	s0 =	simm.s32 @!p0 $0x5  }
0x6b: {  	_ =	swait.ge @!p0 [sflag:s0], s1  }
0x6c: {  	s1 =	ssub.s32 @!p0 $0x0, s1;
	[sflag:s0] =	ssyncset.done @!p0 $0x0  }
0x6d: {  	[sflag:s0] =	ssyncadd.s32 @!p0 s1  }
0x6e: {  	[bflag:$0x3] =	sbarrier.arrive $0xFFFF  }
0x6f: {  	_ =	shalt  }

// kernel: kernel.26.cloned.1.call-start
scs
__scs_entry_jumppad:
0x0: {  	(pc) =	sbr.rel $0x88, $3  }
0x1: {  	(tag) =	ssettag $0x0;
	lr =	simm.s32 $0x1  }
0x2: {  	[smem:$0x3F90] =	sst lr;
	_ =	strace $0xD0000000  }
0x3: {  	_ = 	snop  }
0x4: {  	_ = 	snop  }
0x5: {  	_ = 	snop  }
0x6: {  	_ = 	snop  }
0x7: {  	_ = 	snop  }
__scs_overlays_trampoline_lowered:
0x8: {  	[smem:$0x3F9F] =	sst s0  }
0x9: {  	[smem:$0x3FA0] =	sst s1  }
0xa: {  	[smem:$0x3FA1] =	sst s2  }
0xb: {  	[smem:$0x3FA2] =	sst s3  }
0xc: {  	[smem:$0x3FA3] =	sst s4  }
0xd: {  	[smem:$0x3FA4] =	sst s5  }
0xe: {  	[smem:$0x3FA5] =	sst s6  }
0xf: {  	[smem:$0x3FA6] =	sst s7  }
0x10: {  	[smem:$0x3FA7] =	sst s8  }
0x11: {  	[smem:$0x3FA8] =	sst s9;
	s0 =	simm.s32 @!p0 $0x0  }
0x12: {  	s1 =	sld [smem:$0x3F8E];
	s0 =	simm.s32 @p0 $0x1  }
0x13: {  	[smem:$0x3FA9] =	sst s0;
	s0 =	simm.s32 @!p1 $0x0  }
0x14: {  	s2 =	sld [smem:$0x3F8D];
	s0 =	simm.s32 @p1 $0x1  }
0x15: {  	[smem:$0x3FAA] =	sst s0;
	s0 =	simm.s32 @!p2 $0x0  }
0x16: {  	s3 =	sld [smem:$0x3FDB];
	s0 =	simm.s32 @p2 $0x1  }
0x17: {  	s4 =	simm.s32 $0x1BF5;
	[smem:$0x3FAC] =	sst s0  }
0x18: {  	s0 =	sld [smem:$0x3F8F];
	_ =	swait.ge [sflag:s4], $0x0  }
0x19: {  	s7 =	sld [smem:$0x3F90]  }
0x1a: {  	s8 =	sadd.s32 $0xFFFFE003, lr  }
0x1b: {  	s9 =	sadd.s32 $0xFFFFFEF7, lr;
	s5 =	simm.s32 $0xFFFFFFFF;
	p2 =	slt.u32 s8, $0xFFFFF086  }
0x1c: {  	p1 =	slt.u32 s9, $0xF7A;
	s5 =	simm.s32 @!p2 $0x0  }
0x1d: {  	s5 =	simm.s32 @p1 $0x1;
	p0 =	seq.s32 s7, s2  }
0x1e: {  	s7 =	smul.u32 @!p0 $0xF7A, s2;
	p2 =	seq.s32 @!p0 s5, $0x0  }
0x1f: {  	s9 =	smul.u32 $0xF7A, s1;
	s8 =	simm.s32 @!p0 $0x1BF5;
	p2 =	por !p2, p0  }
0x20: {  	[sflag:s8] =	ssyncset.s32 @!p0 $0xFFFFF086;
	s6 =	sadd.s32 @!p0 s3, s7;
	s7 =	simm.s32 @!p0 $0x108  }
0x21: {  	s3 =	sadd.s32 s3, s9;
	s6 =	sadd.s32 @!p0 $0x88, s6;
	s7 =	simm.s32 @p2 $0x1082  }
0x22: {  	[simem:s7], [sflag:s8] =	dma.local @!p0 [hbm:s6], $0xF7A  }
0x23: {  	s9 =	sor.u32 $0xD0000000, s2;
	s6 =	simm.s32 $0x108;
	_ =	swait.ge @!p0 [sflag:s8], $0x0  }
0x24: {  	s3 =	sadd.s32 $0x88, s3;
	s6 =	simm.s32 @!p1 $0x1082;
	[sflag:s4] =	ssyncset.s32 $0xFFFFF086  }
0x25: {  	[simem:s6], [sflag:s4] =	dma.local [hbm:s3], $0xF7A  }
0x26: {  	[smem:$0x3F90] =	sst s1;
	(tag) =	ssettag s2;
	_ =	strace s9  }
0x27: {  	s1 =	sld [smem:$0x3FA0]  }
0x28: {  	s2 =	sld [smem:$0x3FA1]  }
0x29: {  	s4 =	sld [smem:$0x3FA3]  }
0x2a: {  	p0 =	seq.s32 s5, $0x0;
	s5 =	sld [smem:$0x3FA4]  }
0x2b: {  	s6 =	sld [smem:$0x3FA5]  }
0x2c: {  	s7 =	sld [smem:$0x3FA6]  }
0x2d: {  	s3 =	simm.s32 $0x108;
	s8 =	sld [smem:$0x3FA7]  }
0x2e: {  	s3 =	simm.s32 @!p0 $0x1082;
	s9 =	sld [smem:$0x3FA8]  }
0x2f: {  	lr =	sadd.s32 s0, s3;
	s0 =	sld [smem:$0x3F9F]  }
0x30: {  	s3 =	sld [smem:$0x3FA2]  }
0x31: {  	[smem:$0x3FAB] =	sst s10  }
0x32: {  	s10 =	sld [smem:$0x3FA9];
	_ =	sdelay $0x3  }
0x33: {  	p0 =	seq.s32 s10, $0x1;
	s10 =	sld [smem:$0x3FAB];
	_ =	sdelay $0x3  }
0x34: {  	[smem:$0x3FAB] =	sst s10  }
0x35: {  	s10 =	sld [smem:$0x3FAA];
	_ =	sdelay $0x3  }
0x36: {  	p1 =	seq.s32 s10, $0x1;
	s10 =	sld [smem:$0x3FAB];
	_ =	sdelay $0x3  }
0x37: {  	[smem:$0x3FAB] =	sst s10  }
0x38: {  	s10 =	sld [smem:$0x3FAC]  }
0x39: {  	_ = 	snop;
	(pc) =	sbr.ind lr, $3  }
0x3a: {  	_ = 	snop  }
0x3b: {  	_ = 	snop  }
0x3c: {  	p2 =	seq.s32 s10, $0x1;
	s10 =	sld [smem:$0x3FAB]  }
0x3d: {  	_ =	shalt  }
0x3e: {  	_ =	shalt  }
0x3f: {  	_ =	shalt  }
0x40: {  	_ =	shalt  }
0x41: {  	_ =	shalt  }
0x42: {  	_ =	shalt  }
0x43: {  	_ =	shalt  }
0x44: {  	_ =	shalt  }
0x45: {  	_ =	shalt  }
0x46: {  	_ =	shalt  }
0x47: {  	_ =	shalt  }
0x48: {  	_ =	shalt  }
0x49: {  	_ =	shalt  }
0x4a: {  	_ =	shalt  }
0x4b: {  	_ =	shalt  }
0x4c: {  	_ =	shalt  }
0x4d: {  	_ =	shalt  }
0x4e: {  	_ =	shalt  }
0x4f: {  	_ =	shalt  }
0x50: {  	_ =	shalt  }
0x51: {  	_ =	shalt  }
0x52: {  	_ =	shalt  }
0x53: {  	_ =	shalt  }
0x54: {  	_ =	shalt  }
0x55: {  	_ =	shalt  }
0x56: {  	_ =	shalt  }
0x57: {  	_ =	shalt  }
0x58: {  	_ =	shalt  }
0x59: {  	_ =	shalt  }
0x5a: {  	_ =	shalt  }
0x5b: {  	_ =	shalt  }
0x5c: {  	_ =	shalt  }
0x5d: {  	_ =	shalt  }
0x5e: {  	_ =	shalt  }
0x5f: {  	_ =	shalt  }
0x60: {  	_ =	shalt  }
0x61: {  	_ =	shalt  }
0x62: {  	_ =	shalt  }
0x63: {  	_ =	shalt  }
0x64: {  	_ =	shalt  }
0x65: {  	_ =	shalt  }
0x66: {  	_ =	shalt  }
0x67: {  	_ =	shalt  }
0x68: {  	_ =	shalt  }
0x69: {  	_ =	shalt  }
0x6a: {  	_ =	shalt  }
0x6b: {  	_ =	shalt  }
0x6c: {  	_ =	shalt  }
0x6d: {  	_ =	shalt  }
0x6e: {  	_ =	shalt  }
0x6f: {  	_ =	shalt  }
0x70: {  	_ =	shalt  }
0x71: {  	_ =	shalt  }
0x72: {  	_ =	shalt  }
0x73: {  	_ =	shalt  }
0x74: {  	_ =	shalt  }
0x75: {  	_ =	shalt  }
0x76: {  	_ =	shalt  }
0x77: {  	_ =	shalt  }
0x78: {  	_ =	shalt  }
0x79: {  	_ =	shalt  }
0x7a: {  	_ =	shalt  }
0x7b: {  	_ =	shalt  }
0x7c: {  	_ =	shalt  }
0x7d: {  	_ =	shalt  }
0x7e: {  	_ =	shalt  }
0x7f: {  	_ =	shalt  }
0x80: {  	_ =	shalt  }
0x81: {  	_ =	shalt  }
0x82: {  	_ =	shalt  }
0x83: {  	_ =	shalt  }
0x84: {  	_ =	shalt  }
0x85: {  	_ =	shalt  }
0x86: {  	_ =	shalt  }
0x87: {  	_ =	shalt  }
.Lfunc_end0:
.L_simem_size_0:
called_computation.1_lowered:
.L_overlay_start_0:
0x88: {  	s2 =	sld [smem:$0x3FD9]  }
0x89: {  	s3 =	sld [smem:$0x3FFE];
	_ =	sdelay $0x1  }
0x8a: {  	s1 =	srdreg.scid  }
0x8b: {  	s0 =	sand.u32 $0x1, s1  }
0x8c: {  	s17 =	sshll.u32 s0, $0xA;
	s2 =	sadd.s32 s3, s2  }
0x8d: {  	s2 =	sadd.s32 s2, s17  }
0x8e: {  	[smem:$0x3FB7] =	sst s2  }
0x8f: {  	_ = 	snop  }
0x90: {  	s18 =	sld [smem:$0x3FD0];
	(tm) =	ssettm $0x1  }
0x91: {  	s19 =	sld [smem:$0x3FFB];
	_ =	sdelay $0x3  }
0x92: {  	_ =	strace s19  }
0x93: {  	s2 =	sld [smem:$0x3FFC];
	_ =	sdelay $0x3  }
0x94: {  	_ =	strace s2  }
0x95: {  	s2 =	sld [smem:$0x3FFD];
	_ =	sdelay $0x3  }
0x96: {  	_ =	strace s2  }
0x97: {  	_ =	strace $0x8FFFFFFF  }
0x98: {  	s20 =	sld [smem:$0x3FDB];
	_ =	sdelay $0x1  }
0x99: {  	s4 =	simm.s32 $_scs_section_size  }
0x9a: {  	s5 =	simm.s32 $_size__tile_overlayer_lowered;
	s6 =	simm.s32 $_tile_overlayer_lowered  }
0x9b: {  	s7 =	simm.s32 $0x1BFF;
	s21 =	sshll.u32 s6, $0x1;
	s4 =	sadd.s32 s4, s20  }
0x9c: {  	s22 =	simm.s32 $0x0;
	s5 =	sshll.u32 s5, $0x1;
	s6 =	sadd.s32 s21, s4  }
0x9d: {  	[timem:s22], [sflag:s7] =	dma.local [hbm:s6], s5  }
0x9e: {  	_ =	swait.ge [sflag:s7], s5  }
0x9f: {  	s5 =	ssub.s32 $0x0, s5;
	[sflag:s7] =	ssyncset.done $0x0  }
0xa0: {  	[sflag:s7] =	ssyncadd.s32 s5;
	_ =	sdelay $0x1  }
0xa1: {  	s23 =	simm.s32 $0x1B8B  }
0xa2: {  	_ =	swait.ge [sflag:s23], $0x1  }
0xa3: {  	[sflag:s23] =	ssyncset.done $0x0  }
0xa4: {  	[sflag:s23] =	ssyncadd.s32 $0xFFFFFFFF  }
0xa5: {  	s5 =	sld [smem:$0x0]  }
0xa6: {  	s6 =	sand.u32 $0xFFFFFFFE, s1  }
0xa7: {  	p0 =	sne.s32 s1, s6  }
0xa8: {  	s6 =	sshll.u32 @p0 s6, $0xE  }
0xa9: {  	s6 =	sadd.s32 @p0 $0x11B8D, s6;
	s7 =	sshll.u32 @p0 s5, $0x11  }
0xaa: {  	s6 =	sor.u32 @p0 s7, s6  }
0xab: {  	[sflag:s6] =	ssyncadd.remote.s32 @p0 $0x1;
	_ =	sdelay $0x1  }
0xac: {  	s6 =	simm.s32 @p0 $0x1B8D  }
0xad: {  	_ =	swait.eq @p0 [sflag:s6], $0x1  }
0xae: {  	[sflag:s6] =	ssyncadd.s32 @p0 $0xFFFFFFFF  }
0xaf: {  	s7 =	sshll.u32 @!p0 s1, $0xE  }
0xb0: {  	s7 =	sor.u32 @!p0 $0x4000, s7;
	s6 =	simm.s32 @!p0 $0x1B8D  }
0xb1: {  	s5 =	sshll.u32 @!p0 s5, $0x11;
	s7 =	sadd.s32 @!p0 $0x11B8D, s7;
	_ =	swait.eq @!p0 [sflag:s6], $0x1  }
0xb2: {  	s5 =	sor.u32 @!p0 s5, s7;
	[sflag:s6] =	ssyncadd.s32 @!p0 $0xFFFFFFFF  }
0xb3: {  	s25 =	simm.s32 $0x1B8E;
	s24 =	sld [smem:$0x3FFE];
	[sflag:s5] =	ssyncadd.remote.s32 @!p0 $0x1  }
0xb4: {  	s26 =	simm.s32 $execute0_lowered;
	[smem:$0x3FD2] =	sst s25  }
0xb5: {  	s6 =	sshll.u32 s26, $0x1;
	_ =	strace $0x8000004C;
	[dreg:$0x1] =	wrdreg $0xFFFFFFFF  }
0xb6: {  	s28 =	simm.s32 $_size_execute0_lowered;
	s4 =	sadd.s32 s4, s6;
	[dreg:$0x0] =	wrdreg $0x0  }
0xb7: {  	s6 =	sshll.u32 s28, $0x1;
	[dreg:$0x2] =	wrdreg s4  }
0xb8: {  	[dreg:$0x3] =	wrdreg s6  }
0xb9: {  	[dreg:$0x4] =	wrdreg $0xC0  }
0xba: {  	_ =	task [dreg:s22], $0x5FFFF  }
0xbb: {  	[dreg:$0x1] =	wrdreg $0xFFFFFFFF  }
0xbc: {  	[dreg:$0x0] =	wrdreg $0x60  }
0xbd: {  	[dreg:$0x2] =	wrdreg s18  }
0xbe: {  	[dreg:$0x3] =	wrdreg s24  }
0xbf: {  	[dreg:$0x4] =	wrdreg $0xA  }
0xc0: {  	_ =	task.clear_ibuf [dreg:s22], $0x5FFFF;
	_ =	strace $0x9000004C  }
0xc1: {  	s29 =	simm.s32 $0xA;
	_ =	strace $0x8000004E  }
0xc2: {  	_ =	swait.ge [sflag:s29], $0x1  }
0xc3: {  	[sflag:s29] =	ssyncadd.s32 $0xFFFFFFFF  }
0xc4: {  	_ =	strace $0x9000004E  }
0xc5: {  	_ =	sfence  }
0xc6: {  	s30 =	sld [smem:$0x0];
	_ =	sdelay $0x2  }
0xc7: {  	s31 =	sshll.u32 s1, $0xD;
	s1 =	sshrl.u32 s1, $0x2  }
0xc8: {  	s4 =	sand.u32 $0x4000, s31;
	s1 =	sadd.s32 s1, s30  }
0xc9: {  	s0 =	sor.u32 s4, s0;
	s1 =	sshll.u32 s1, $0x11  }
0xca: {  	s0 =	sor.u32 s1, s0  }
0xcb: {  	s0 =	sadd.s32 $0x8F2B, s0  }
0xcc: {  	[sflag:s0] =	ssyncadd.remote.s32 $0x1  }
0xcd: {  	_ =	sfence.sel $0xFFFF  }
0xce: {  	[dreg:$0x0] =	wrdreg $0xFFFFFFFF;
	(pc) =	sbr.abs _section_cstart, $3  }
0xcf: {  	[dreg:$0x1] =	wrdreg $0xFFFFFFFF  }
0xd0: {  	_ =	task.clear_ibuf [dreg:s22], $0x2FFFF;
	_ =	strace $0x9FFFFFFF  }
0xd1: {  	(tm) =	ssettm $0x7FFFFFFF  }
tec
execute0_lowered:
.L_overlay_start_1:
0x0: {  	(tag) =	ssettag $0x1  }
0x1: {  	s2 =	rddreg [dreg:$0x0]  }
0x2: {  	s5 =	rddreg [dreg:$0x1]  }
0x3: {  	s0 =	rddreg [dreg:$0x2];
	s4 =	srdreg.scid  }
0x4: {  	s1 =	stileid.u32;
	s3 =	simm.s32 $0x0;
	s16 =	simm.s32 $0x100  }
0x5: {  	s17 =	simm.s32 $0x6600;
	s18 =	simm.s32 $0x1;
	s19 =	simm.s32 $0x2  }
0x6: {  	s20 =	simm.s32 $0x3;
	s21 =	simm.s32 $0x4;
	s25 =	smul.u32 $0xFA00, s1  }
0x7: {  	s22 =	simm.s32 $0x0;
	s8 =	sand.u32 $0x1, s4;
	s14 =	smul.u32 $0xFA0, s1  }
0x8: {  	s23 =	sshll.u32 s1, $0x1;
	[smem:$0x7FF] =	sst s3;
	s29 =	smul.u32 $0x7D0, s8  }
0x9: {  	s4 =	sadd.s32 $0xD800, s5;
	s6 =	sor.u32 s8, s23;
	s15 =	smul.u32 $0x7D00, s8  }
0xa: {  	s12 =	sadd.s32 $0x478800, s5;
	s7 =	ssub.s32 $0x2, s8;
	s9 =	smul.u32 $0x7D0, s6  }
0xb: {  	_ =	strace $0x8000004D;
	s10 =	sshrl.u32 s7, $0x1;
	s11 =	smul.u32 $0x7D00, s6  }
0xc: {  	s24 =	ssub.s32 s7, s10;
	s10 =	sadd.s32 s25, s12;
	s14 =	sadd.s32 s29, s14  }
0xd: {  	s13 =	sadd.s32 $0xC8, s9;
	s5 =	smax.u32 s24, $0x1;
	s26 =	sshrl.u32 s9, $0x3  }
0xe: {  	s8 =	sadd.s32 s12, s11;
	s10 =	sadd.s32 s15, s10;
	s31 =	sadd.s32 $0x258, s14  }
0xf: {  	s15 =	simm.s32 $0x200;
	s28 =	sshrl.u32 s13, $0x3;
	s6 =	sadd.s32 s4, s26  }
0x10: {  	s30 =	sshll.u32 s13, $0x4;
	s10 =	sadd.s32 $0x2580, s10;
	s11 =	sshrl.u32 s31, $0x3  }
0x11: {  	s13 =	simm.s32 $0x5;
	s7 =	sadd.s32 s4, s28;
	s9 =	sadd.s32 s12, s30  }
0x12: {  	s11 =	sadd.s32 s11, s4;
	s12 =	sadd.s32 $0x190, s14;
	s14 =	simm.s32 $0xC8  }
.LBB2_1:
0x13: {  	[tilespmem:s3], [sflag:$0x5] =	stream.linear.gather [hbm4b:s6+s3], $0xC8, $0x38;
	[tilespmem:$0xCA00] =	vst v63  }
0x14: {  	_ =	swait.ge [sflag:s13], $0xC8  }
0x15: {  	[sflag:s13] =	ssyncset.done $0x0  }
0x16: {  	[sflag:s13] =	ssyncadd.s32 $0xFFFFFF38  }
0x17: {  	[tilespmem:s15], [sflag:$0x1] =	stream.indirect.gather [hbm4b:s2+s14], $0x80, s3, s14, $0xb8;
	[tilespmem:$0xCA00] =	vst v63  }
0x18: {  	_ = 	snop  }
0x19: {  	[tilespmem:s16], [sflag:$0x5] =	stream.linear.gather [hbm4b:s7+s3], $0xC8, $0x38;
	[tilespmem:$0xCA00] =	vst v63  }
0x1a: {  	_ =	swait.ge [sflag:s13], $0xC8  }
0x1b: {  	[sflag:s13] =	ssyncset.done $0x0  }
0x1c: {  	[sflag:s13] =	ssyncadd.s32 $0xFFFFFF38  }
0x1d: {  	[tilespmem:s17], [sflag:$0x2] =	stream.indirect.gather [hbm4b:s2+s14], $0x80, s16, s14, $0xb8;
	[tilespmem:$0xCA00] =	vst v63  }
0x1e: {  	_ =	swait.ge [sflag:s18], $0x6400  }
0x1f: {  	[sflag:s18] =	ssyncset.done $0x0  }
0x20: {  	[sflag:s18] =	ssyncadd.s32 $0xFFFF9C00  }
0x21: {  	[hbm4b:s8+s3] =	stream.linear.scatter [tilespmem:s15], [sflag:$0x3], $0x6400, $0x38;
	[tilespmem:$0xCA00] =	vst v63  }
0x22: {  	_ =	swait.ge [sflag:s19], $0x6400  }
0x23: {  	[sflag:s19] =	ssyncset.done $0x0  }
0x24: {  	[sflag:s19] =	ssyncadd.s32 $0xFFFF9C00  }
0x25: {  	[hbm4b:s9+s3] =	stream.linear.scatter [tilespmem:s17], [sflag:$0x4], $0x6400, $0x38;
	[tilespmem:$0xCA00] =	vst v63  }
0x26: {  	_ =	swait.ge [sflag:s20], $0x6400  }
0x27: {  	[sflag:s20] =	ssyncset.done $0x0  }
0x28: {  	[sflag:s20] =	ssyncadd.s32 $0xFFFF9C00  }
0x29: {  	_ =	swait.ge [sflag:s21], $0x6400  }
0x2a: {  	s23 =	sshrl.u32 s12, $0x3;
	[sflag:s21] =	ssyncset.done $0x0  }
0x2b: {  	s23 =	sadd.s32 s4, s23;
	[sflag:s21] =	ssyncadd.s32 $0xFFFF9C00  }
0x2c: {  	[tilespmem:s3], [sflag:$0x5] =	stream.linear.gather [hbm4b:s23+s3], $0xC8, $0x38;
	[tilespmem:$0xCA00] =	vst v63  }
0x2d: {  	_ =	swait.ge [sflag:s13], $0xC8  }
0x2e: {  	[sflag:s13] =	ssyncset.done $0x0  }
0x2f: {  	[sflag:s13] =	ssyncadd.s32 $0xFFFFFF38  }
0x30: {  	[tilespmem:s15], [sflag:$0x1] =	stream.indirect.gather [hbm4b:s2+s14], $0x80, s3, s14, $0xb8;
	[tilespmem:$0xCA00] =	vst v63  }
0x31: {  	s30 =	sadd.s32 $0x0, s11  }
0x32: {  	[tilespmem:s16], [sflag:$0x5] =	stream.linear.gather [hbm4b:s30+s3], $0xC8, $0x38;
	[tilespmem:$0xCA00] =	vst v63  }
0x33: {  	_ =	swait.ge [sflag:s13], $0xC8  }
0x34: {  	[sflag:s13] =	ssyncset.done $0x0  }
0x35: {  	[sflag:s13] =	ssyncadd.s32 $0xFFFFFF38  }
0x36: {  	[tilespmem:s17], [sflag:$0x2] =	stream.indirect.gather [hbm4b:s2+s14], $0x80, s16, s14, $0xb8;
	[tilespmem:$0xCA00] =	vst v63  }
0x37: {  	_ =	swait.ge [sflag:s18], $0x6400  }
0x38: {  	[sflag:s18] =	ssyncset.done $0x0  }
0x39: {  	s31 =	sadd.s32 $0xFFFFF380, s10;
	[sflag:s18] =	ssyncadd.s32 $0xFFFF9C00  }
0x3a: {  	[hbm4b:s31+s3] =	stream.linear.scatter [tilespmem:s15], [sflag:$0x3], $0x6400, $0x38;
	[tilespmem:$0xCA00] =	vst v63  }
0x3b: {  	_ =	swait.ge [sflag:s19], $0x6400  }
0x3c: {  	s24 =	sadd.s32 $0x1900, s10;
	s25 =	sadd.s32 $0x190, s12;
	[sflag:s19] =	ssyncset.done $0x0  }
0x3d: {  	s26 =	smov.u32 s10;
	s23 =	simm.s32 $0x32;
	[sflag:s19] =	ssyncadd.s32 $0xFFFF9C00  }
.LBB2_2:
0x3e: {  	[hbm4b:s26+s3] =	stream.linear.scatter [tilespmem:s17], [sflag:$0x4], $0x6400, $0x38;
	[tilespmem:$0xCA00] =	vst v63  }
0x3f: {  	s28 =	smov.u32 s23;
	s26 =	smov.u32 s24  }
0x40: {  	p0 =	sne.s32 s23, $0x96;
	s23 =	sadd.s32 $0x32, s23;
	_ =	swait.ge [sflag:s20], $0x6400  }
0x41: {  	[sflag:s20] =	ssyncset.done $0x0  }
0x42: {  	[sflag:s20] =	ssyncadd.s32 $0xFFFF9C00  }
0x43: {  	_ =	swait.ge [sflag:s21], $0x6400  }
0x44: {  	s29 =	sshrl.u32 s25, $0x3;
	[sflag:s21] =	ssyncset.done $0x0  }
0x45: {  	s29 =	sadd.s32 s4, s29;
	[sflag:s21] =	ssyncadd.s32 $0xFFFF9C00  }
0x46: {  	[tilespmem:s3], [sflag:$0x5] =	stream.linear.gather [hbm4b:s29+s3], $0xC8, $0x38;
	[tilespmem:$0xCA00] =	vst v63  }
0x47: {  	_ =	swait.ge [sflag:s13], $0xC8  }
0x48: {  	[sflag:s13] =	ssyncset.done $0x0  }
0x49: {  	[sflag:s13] =	ssyncadd.s32 $0xFFFFFF38  }
0x4a: {  	[tilespmem:s15], [sflag:$0x1] =	stream.indirect.gather [hbm4b:s2+s14], $0x80, s3, s14, $0xb8;
	[tilespmem:$0xCA00] =	vst v63  }
0x4b: {  	s28 =	sadd.s32 s28, s11  }
0x4c: {  	[tilespmem:s16], [sflag:$0x5] =	stream.linear.gather [hbm4b:s28+s3], $0xC8, $0x38;
	[tilespmem:$0xCA00] =	vst v63  }
0x4d: {  	_ =	swait.ge [sflag:s13], $0xC8  }
0x4e: {  	[sflag:s13] =	ssyncset.done $0x0  }
0x4f: {  	[sflag:s13] =	ssyncadd.s32 $0xFFFFFF38  }
0x50: {  	[tilespmem:s17], [sflag:$0x2] =	stream.indirect.gather [hbm4b:s2+s14], $0x80, s16, s14, $0xb8;
	[tilespmem:$0xCA00] =	vst v63  }
0x51: {  	_ =	swait.ge [sflag:s18], $0x6400  }
0x52: {  	[sflag:s18] =	ssyncset.done $0x0  }
.Ltmp0:
0x53: {  	s28 =	sadd.s32 $0xFFFFF380, s24;
	[sflag:s18] =	ssyncadd.s32 $0xFFFF9C00;
	(pc) =	sbr.rel @p0 .LBB2_2-.Ltmp0, $4  }
0x54: {  	[hbm4b:s28+s3] =	stream.linear.scatter [tilespmem:s15], [sflag:$0x3], $0x6400, $0x38;
	[tilespmem:$0xCA00] =	vst v63  }
0x55: {  	_ =	swait.ge [sflag:s19], $0x6400  }
0x56: {  	[sflag:s19] =	ssyncset.done $0x0  }
0x57: {  	s25 =	sadd.s32 $0x190, s25;
	s24 =	sadd.s32 $0x1900, s24;
	[sflag:s19] =	ssyncadd.s32 $0xFFFF9C00  }
0x58: {  	[hbm4b:s26+s3] =	stream.linear.scatter [tilespmem:s17], [sflag:$0x4], $0x6400, $0x38;
	[tilespmem:$0xCA00] =	vst v63  }
0x59: {  	s22 =	sadd.s32 $0x1, s22  }
0x5a: {  	_ =	swait.ge [sflag:s20], $0x6400;
	p0 =	sne.s32 s22, s5  }
.Ltmp1:
0x5b: {  	[sflag:s20] =	ssyncset.done $0x0;
	(pc) =	sbr.rel @p0 .LBB2_1-.Ltmp1, $4  }
0x5c: {  	[sflag:s20] =	ssyncadd.s32 $0xFFFF9C00  }
0x5d: {  	_ =	swait.ge [sflag:s21], $0x6400  }
0x5e: {  	[sflag:s21] =	ssyncset.done $0x0  }
0x5f: {  	[sflag:s21] =	ssyncadd.s32 $0xFFFF9C00  }
0x60: {  	_ =	sfence.sel $0x180000  }
0x61: {  	[bflag:$0x0] =	sbarrier.arrive $0xFFFF  }
0x62: {  	p0 =	sne.s32 s1, $0x0;
	_ =	strace $0x9000004D  }
0x63: {  	s0 =	sadd.s32 @!p0 $0x100000, s0;
	[bflag:$0x2] =	sbarrier.arrive $0xFFFF  }
0x64: {  	[sflag:s0] =	ssyncadd.tile.s32 @!p0 $0x1;
	_ =	shalt  }
.Lfunc_end2:
_tile_overlayer_lowered:
.L_overlay_start_2:
0x65: {  	(tag) =	ssettag $0x2  }
0x66: {  	s0 =	rddreg [dreg:$0x0];
	s2 =	stileid.u32  }
0x67: {  	s1 =	rddreg [dreg:$0x1];
	p0 =	sne.s32 s2, $0x0  }
0x68: {  	s3 =	rddreg [dreg:$0x2];
	[bflag:$0x3] =	sbarrier.arrive $0xFFFF;
	s2 =	simm.s32 @!p0 $0x1C05  }
0x69: {  	[timem:s3], [sflag:s2] =	dma.local @!p0 [hbm:s0], s1  }
0x6a: {  	s0 =	simm.s32 @!p0 $0x5  }
0x6b: {  	_ =	swait.ge @!p0 [sflag:s0], s1  }
0x6c: {  	s1 =	ssub.s32 @!p0 $0x0, s1;
	[sflag:s0] =	ssyncset.done @!p0 $0x0  }
0x6d: {  	[sflag:s0] =	ssyncadd.s32 @!p0 s1  }
0x6e: {  	[bflag:$0x3] =	sbarrier.arrive $0xFFFF  }
0x6f: {  	_ =	shalt  }

// kernel: kernel.29.cloned.1.call-start
scs
__scs_entry_jumppad:
0x0: {  	(pc) =	sbr.rel $0x88, $3  }
0x1: {  	(tag) =	ssettag $0x0;
	lr =	simm.s32 $0x1  }
0x2: {  	[smem:$0x3F90] =	sst lr;
	_ =	strace $0xD0000000  }
0x3: {  	_ = 	snop  }
0x4: {  	_ = 	snop  }
0x5: {  	_ = 	snop  }
0x6: {  	_ = 	snop  }
0x7: {  	_ = 	snop  }
__scs_overlays_trampoline_lowered:
0x8: {  	[smem:$0x3F9F] =	sst s0  }
0x9: {  	[smem:$0x3FA0] =	sst s1  }
0xa: {  	[smem:$0x3FA1] =	sst s2  }
0xb: {  	[smem:$0x3FA2] =	sst s3  }
0xc: {  	[smem:$0x3FA3] =	sst s4  }
0xd: {  	[smem:$0x3FA4] =	sst s5  }
0xe: {  	[smem:$0x3FA5] =	sst s6  }
0xf: {  	[smem:$0x3FA6] =	sst s7  }
0x10: {  	[smem:$0x3FA7] =	sst s8  }
0x11: {  	[smem:$0x3FA8] =	sst s9;
	s0 =	simm.s32 @!p0 $0x0  }
0x12: {  	s1 =	sld [smem:$0x3F8E];
	s0 =	simm.s32 @p0 $0x1  }
0x13: {  	[smem:$0x3FA9] =	sst s0;
	s0 =	simm.s32 @!p1 $0x0  }
0x14: {  	s2 =	sld [smem:$0x3F8D];
	s0 =	simm.s32 @p1 $0x1  }
0x15: {  	[smem:$0x3FAA] =	sst s0;
	s0 =	simm.s32 @!p2 $0x0  }
0x16: {  	s3 =	sld [smem:$0x3FDB];
	s0 =	simm.s32 @p2 $0x1  }
0x17: {  	s4 =	simm.s32 $0x1BF5;
	[smem:$0x3FAC] =	sst s0  }
0x18: {  	s0 =	sld [smem:$0x3F8F];
	_ =	swait.ge [sflag:s4], $0x0  }
0x19: {  	s7 =	sld [smem:$0x3F90]  }
0x1a: {  	s8 =	sadd.s32 $0xFFFFE003, lr  }
0x1b: {  	s9 =	sadd.s32 $0xFFFFFEF7, lr;
	s5 =	simm.s32 $0xFFFFFFFF;
	p2 =	slt.u32 s8, $0xFFFFF086  }
0x1c: {  	p1 =	slt.u32 s9, $0xF7A;
	s5 =	simm.s32 @!p2 $0x0  }
0x1d: {  	s5 =	simm.s32 @p1 $0x1;
	p0 =	seq.s32 s7, s2  }
0x1e: {  	s7 =	smul.u32 @!p0 $0xF7A, s2;
	p2 =	seq.s32 @!p0 s5, $0x0  }
0x1f: {  	s9 =	smul.u32 $0xF7A, s1;
	s8 =	simm.s32 @!p0 $0x1BF5;
	p2 =	por !p2, p0  }
0x20: {  	[sflag:s8] =	ssyncset.s32 @!p0 $0xFFFFF086;
	s6 =	sadd.s32 @!p0 s3, s7;
	s7 =	simm.s32 @!p0 $0x108  }
0x21: {  	s3 =	sadd.s32 s3, s9;
	s6 =	sadd.s32 @!p0 $0x88, s6;
	s7 =	simm.s32 @p2 $0x1082  }
0x22: {  	[simem:s7], [sflag:s8] =	dma.local @!p0 [hbm:s6], $0xF7A  }
0x23: {  	s9 =	sor.u32 $0xD0000000, s2;
	s6 =	simm.s32 $0x108;
	_ =	swait.ge @!p0 [sflag:s8], $0x0  }
0x24: {  	s3 =	sadd.s32 $0x88, s3;
	s6 =	simm.s32 @!p1 $0x1082;
	[sflag:s4] =	ssyncset.s32 $0xFFFFF086  }
0x25: {  	[simem:s6], [sflag:s4] =	dma.local [hbm:s3], $0xF7A  }
0x26: {  	[smem:$0x3F90] =	sst s1;
	(tag) =	ssettag s2;
	_ =	strace s9  }
0x27: {  	s1 =	sld [smem:$0x3FA0]  }
0x28: {  	s2 =	sld [smem:$0x3FA1]  }
0x29: {  	s4 =	sld [smem:$0x3FA3]  }
0x2a: {  	p0 =	seq.s32 s5, $0x0;
	s5 =	sld [smem:$0x3FA4]  }
0x2b: {  	s6 =	sld [smem:$0x3FA5]  }
0x2c: {  	s7 =	sld [smem:$0x3FA6]  }
0x2d: {  	s3 =	simm.s32 $0x108;
	s8 =	sld [smem:$0x3FA7]  }
0x2e: {  	s3 =	simm.s32 @!p0 $0x1082;
	s9 =	sld [smem:$0x3FA8]  }
0x2f: {  	lr =	sadd.s32 s0, s3;
	s0 =	sld [smem:$0x3F9F]  }
0x30: {  	s3 =	sld [smem:$0x3FA2]  }
0x31: {  	[smem:$0x3FAB] =	sst s10  }
0x32: {  	s10 =	sld [smem:$0x3FA9];
	_ =	sdelay $0x3  }
0x33: {  	p0 =	seq.s32 s10, $0x1;
	s10 =	sld [smem:$0x3FAB];
	_ =	sdelay $0x3  }
0x34: {  	[smem:$0x3FAB] =	sst s10  }
0x35: {  	s10 =	sld [smem:$0x3FAA];
	_ =	sdelay $0x3  }
0x36: {  	p1 =	seq.s32 s10, $0x1;
	s10 =	sld [smem:$0x3FAB];
	_ =	sdelay $0x3  }
0x37: {  	[smem:$0x3FAB] =	sst s10  }
0x38: {  	s10 =	sld [smem:$0x3FAC]  }
0x39: {  	_ = 	snop;
	(pc) =	sbr.ind lr, $3  }
0x3a: {  	_ = 	snop  }
0x3b: {  	_ = 	snop  }
0x3c: {  	p2 =	seq.s32 s10, $0x1;
	s10 =	sld [smem:$0x3FAB]  }
0x3d: {  	_ =	shalt  }
0x3e: {  	_ =	shalt  }
0x3f: {  	_ =	shalt  }
0x40: {  	_ =	shalt  }
0x41: {  	_ =	shalt  }
0x42: {  	_ =	shalt  }
0x43: {  	_ =	shalt  }
0x44: {  	_ =	shalt  }
0x45: {  	_ =	shalt  }
0x46: {  	_ =	shalt  }
0x47: {  	_ =	shalt  }
0x48: {  	_ =	shalt  }
0x49: {  	_ =	shalt  }
0x4a: {  	_ =	shalt  }
0x4b: {  	_ =	shalt  }
0x4c: {  	_ =	shalt  }
0x4d: {  	_ =	shalt  }
0x4e: {  	_ =	shalt  }
0x4f: {  	_ =	shalt  }
0x50: {  	_ =	shalt  }
0x51: {  	_ =	shalt  }
0x52: {  	_ =	shalt  }
0x53: {  	_ =	shalt  }
0x54: {  	_ =	shalt  }
0x55: {  	_ =	shalt  }
0x56: {  	_ =	shalt  }
0x57: {  	_ =	shalt  }
0x58: {  	_ =	shalt  }
0x59: {  	_ =	shalt  }
0x5a: {  	_ =	shalt  }
0x5b: {  	_ =	shalt  }
0x5c: {  	_ =	shalt  }
0x5d: {  	_ =	shalt  }
0x5e: {  	_ =	shalt  }
0x5f: {  	_ =	shalt  }
0x60: {  	_ =	shalt  }
0x61: {  	_ =	shalt  }
0x62: {  	_ =	shalt  }
0x63: {  	_ =	shalt  }
0x64: {  	_ =	shalt  }
0x65: {  	_ =	shalt  }
0x66: {  	_ =	shalt  }
0x67: {  	_ =	shalt  }
0x68: {  	_ =	shalt  }
0x69: {  	_ =	shalt  }
0x6a: {  	_ =	shalt  }
0x6b: {  	_ =	shalt  }
0x6c: {  	_ =	shalt  }
0x6d: {  	_ =	shalt  }
0x6e: {  	_ =	shalt  }
0x6f: {  	_ =	shalt  }
0x70: {  	_ =	shalt  }
0x71: {  	_ =	shalt  }
0x72: {  	_ =	shalt  }
0x73: {  	_ =	shalt  }
0x74: {  	_ =	shalt  }
0x75: {  	_ =	shalt  }
0x76: {  	_ =	shalt  }
0x77: {  	_ =	shalt  }
0x78: {  	_ =	shalt  }
0x79: {  	_ =	shalt  }
0x7a: {  	_ =	shalt  }
0x7b: {  	_ =	shalt  }
0x7c: {  	_ =	shalt  }
0x7d: {  	_ =	shalt  }
0x7e: {  	_ =	shalt  }
0x7f: {  	_ =	shalt  }
0x80: {  	_ =	shalt  }
0x81: {  	_ =	shalt  }
0x82: {  	_ =	shalt  }
0x83: {  	_ =	shalt  }
0x84: {  	_ =	shalt  }
0x85: {  	_ =	shalt  }
0x86: {  	_ =	shalt  }
0x87: {  	_ =	shalt  }
.Lfunc_end0:
.L_simem_size_0:
called_computation.2_lowered:
.L_overlay_start_0:
0x88: {  	s2 =	sld [smem:$0x3FD9]  }
0x89: {  	s3 =	sld [smem:$0x3FFE];
	_ =	sdelay $0x1  }
0x8a: {  	s1 =	srdreg.scid  }
0x8b: {  	s0 =	sand.u32 $0x1, s1  }
0x8c: {  	s17 =	sshll.u32 s0, $0xA;
	s2 =	sadd.s32 s3, s2  }
0x8d: {  	s2 =	sadd.s32 s2, s17  }
0x8e: {  	[smem:$0x3FB7] =	sst s2  }
0x8f: {  	_ = 	snop  }
0x90: {  	s18 =	sld [smem:$0x3FD0];
	(tm) =	ssettm $0x1  }
0x91: {  	s19 =	sld [smem:$0x3FFB];
	_ =	sdelay $0x3  }
0x92: {  	_ =	strace s19  }
0x93: {  	s2 =	sld [smem:$0x3FFC];
	_ =	sdelay $0x3  }
0x94: {  	_ =	strace s2  }
0x95: {  	s2 =	sld [smem:$0x3FFD];
	_ =	sdelay $0x3  }
0x96: {  	_ =	strace s2  }
0x97: {  	_ =	strace $0x8FFFFFFF  }
0x98: {  	s20 =	sld [smem:$0x3FDB];
	_ =	sdelay $0x1  }
0x99: {  	s4 =	simm.s32 $_scs_section_size  }
0x9a: {  	s5 =	simm.s32 $_size__tile_overlayer_lowered;
	s6 =	simm.s32 $_tile_overlayer_lowered  }
0x9b: {  	s7 =	simm.s32 $0x1BFF;
	s21 =	sshll.u32 s6, $0x1;
	s4 =	sadd.s32 s4, s20  }
0x9c: {  	s22 =	simm.s32 $0x0;
	s5 =	sshll.u32 s5, $0x1;
	s6 =	sadd.s32 s21, s4  }
0x9d: {  	[timem:s22], [sflag:s7] =	dma.local [hbm:s6], s5  }
0x9e: {  	_ =	swait.ge [sflag:s7], s5  }
0x9f: {  	s5 =	ssub.s32 $0x0, s5;
	[sflag:s7] =	ssyncset.done $0x0  }
0xa0: {  	[sflag:s7] =	ssyncadd.s32 s5;
	_ =	sdelay $0x1  }
0xa1: {  	s23 =	simm.s32 $0x1B8B  }
0xa2: {  	_ =	swait.ge [sflag:s23], $0x1  }
0xa3: {  	[sflag:s23] =	ssyncset.done $0x0  }
0xa4: {  	[sflag:s23] =	ssyncadd.s32 $0xFFFFFFFF  }
0xa5: {  	s5 =	sld [smem:$0x0]  }
0xa6: {  	s6 =	sand.u32 $0xFFFFFFFE, s1  }
0xa7: {  	p0 =	sne.s32 s1, s6  }
0xa8: {  	s6 =	sshll.u32 @p0 s6, $0xE  }
0xa9: {  	s6 =	sadd.s32 @p0 $0x11B8D, s6;
	s7 =	sshll.u32 @p0 s5, $0x11  }
0xaa: {  	s6 =	sor.u32 @p0 s7, s6  }
0xab: {  	[sflag:s6] =	ssyncadd.remote.s32 @p0 $0x1;
	_ =	sdelay $0x1  }
0xac: {  	s6 =	simm.s32 @p0 $0x1B8D  }
0xad: {  	_ =	swait.eq @p0 [sflag:s6], $0x1  }
0xae: {  	[sflag:s6] =	ssyncadd.s32 @p0 $0xFFFFFFFF  }
0xaf: {  	s7 =	sshll.u32 @!p0 s1, $0xE  }
0xb0: {  	s7 =	sor.u32 @!p0 $0x4000, s7;
	s6 =	simm.s32 @!p0 $0x1B8D  }
0xb1: {  	s5 =	sshll.u32 @!p0 s5, $0x11;
	s7 =	sadd.s32 @!p0 $0x11B8D, s7;
	_ =	swait.eq @!p0 [sflag:s6], $0x1  }
0xb2: {  	s5 =	sor.u32 @!p0 s5, s7;
	[sflag:s6] =	ssyncadd.s32 @!p0 $0xFFFFFFFF  }
0xb3: {  	s25 =	simm.s32 $0x1B8E;
	s24 =	sld [smem:$0x3FFE];
	[sflag:s5] =	ssyncadd.remote.s32 @!p0 $0x1  }
0xb4: {  	s26 =	simm.s32 $execute0_lowered;
	[smem:$0x3FD2] =	sst s25  }
0xb5: {  	s6 =	sshll.u32 s26, $0x1;
	_ =	strace $0x80000049;
	[dreg:$0x1] =	wrdreg $0xFFFFFFFF  }
0xb6: {  	s28 =	simm.s32 $_size_execute0_lowered;
	s4 =	sadd.s32 s4, s6;
	[dreg:$0x0] =	wrdreg $0x0  }
0xb7: {  	s6 =	sshll.u32 s28, $0x1;
	[dreg:$0x2] =	wrdreg s4  }
0xb8: {  	[dreg:$0x3] =	wrdreg s6  }
0xb9: {  	[dreg:$0x4] =	wrdreg $0xC0  }
0xba: {  	_ =	task [dreg:s22], $0x5FFFF  }
0xbb: {  	[dreg:$0x1] =	wrdreg $0xFFFFFFFF  }
0xbc: {  	[dreg:$0x0] =	wrdreg $0x60  }
0xbd: {  	[dreg:$0x2] =	wrdreg s18  }
0xbe: {  	[dreg:$0x3] =	wrdreg s24  }
0xbf: {  	[dreg:$0x4] =	wrdreg $0xB  }
0xc0: {  	_ =	task.clear_ibuf [dreg:s22], $0x5FFFF;
	_ =	strace $0x90000049  }
0xc1: {  	s29 =	simm.s32 $0xB;
	_ =	strace $0x8000004B  }
0xc2: {  	_ =	swait.ge [sflag:s29], $0x1  }
0xc3: {  	[sflag:s29] =	ssyncadd.s32 $0xFFFFFFFF  }
0xc4: {  	_ =	strace $0x9000004B  }
0xc5: {  	_ =	sfence  }
0xc6: {  	s30 =	sld [smem:$0x0];
	_ =	sdelay $0x2  }
0xc7: {  	s31 =	sshll.u32 s1, $0xD;
	s1 =	sshrl.u32 s1, $0x2  }
0xc8: {  	s4 =	sand.u32 $0x4000, s31;
	s1 =	sadd.s32 s1, s30  }
0xc9: {  	s0 =	sor.u32 s4, s0;
	s1 =	sshll.u32 s1, $0x11  }
0xca: {  	s0 =	sor.u32 s1, s0  }
0xcb: {  	s0 =	sadd.s32 $0x8F2B, s0  }
0xcc: {  	[sflag:s0] =	ssyncadd.remote.s32 $0x1  }
0xcd: {  	_ =	sfence.sel $0xFFFF  }
0xce: {  	[dreg:$0x0] =	wrdreg $0xFFFFFFFF;
	(pc) =	sbr.abs _section_cstart, $3  }
0xcf: {  	[dreg:$0x1] =	wrdreg $0xFFFFFFFF  }
0xd0: {  	_ =	task.clear_ibuf [dreg:s22], $0x2FFFF;
	_ =	strace $0x9FFFFFFF  }
0xd1: {  	(tm) =	ssettm $0x7FFFFFFF  }
tec
execute0_lowered:
.L_overlay_start_1:
0x0: {  	(tag) =	ssettag $0x1  }
0x1: {  	s2 =	rddreg [dreg:$0x0]  }
0x2: {  	s5 =	rddreg [dreg:$0x1]  }
0x3: {  	s0 =	rddreg [dreg:$0x2];
	s4 =	srdreg.scid  }
0x4: {  	s1 =	stileid.u32;
	s3 =	simm.s32 $0x0;
	s16 =	simm.s32 $0x100  }
0x5: {  	s17 =	simm.s32 $0x6600;
	s18 =	simm.s32 $0x1;
	s19 =	simm.s32 $0x2  }
0x6: {  	s20 =	simm.s32 $0x3;
	s21 =	simm.s32 $0x4;
	s25 =	smul.u32 $0xFA00, s1  }
0x7: {  	s22 =	simm.s32 $0x0;
	s8 =	sand.u32 $0x1, s4;
	s14 =	smul.u32 $0xFA0, s1  }
0x8: {  	s23 =	sshll.u32 s1, $0x1;
	[smem:$0x7FF] =	sst s3;
	s29 =	smul.u32 $0x7D0, s8  }
0x9: {  	s4 =	sadd.s32 $0xB800, s5;
	s6 =	sor.u32 s8, s23;
	s15 =	smul.u32 $0x7D00, s8  }
0xa: {  	s12 =	sadd.s32 $0x37E800, s5;
	s7 =	ssub.s32 $0x2, s8;
	s9 =	smul.u32 $0x7D0, s6  }
0xb: {  	_ =	strace $0x8000004A;
	s10 =	sshrl.u32 s7, $0x1;
	s11 =	smul.u32 $0x7D00, s6  }
0xc: {  	s24 =	ssub.s32 s7, s10;
	s10 =	sadd.s32 s25, s12;
	s14 =	sadd.s32 s29, s14  }
0xd: {  	s13 =	sadd.s32 $0xC8, s9;
	s5 =	smax.u32 s24, $0x1;
	s26 =	sshrl.u32 s9, $0x3  }
0xe: {  	s8 =	sadd.s32 s12, s11;
	s10 =	sadd.s32 s15, s10;
	s31 =	sadd.s32 $0x258, s14  }
0xf: {  	s15 =	simm.s32 $0x200;
	s28 =	sshrl.u32 s13, $0x3;
	s6 =	sadd.s32 s4, s26  }
0x10: {  	s30 =	sshll.u32 s13, $0x4;
	s10 =	sadd.s32 $0x2580, s10;
	s11 =	sshrl.u32 s31, $0x3  }
0x11: {  	s13 =	simm.s32 $0x5;
	s7 =	sadd.s32 s4, s28;
	s9 =	sadd.s32 s12, s30  }
0x12: {  	s11 =	sadd.s32 s11, s4;
	s12 =	sadd.s32 $0x190, s14;
	s14 =	simm.s32 $0xC8  }
.LBB2_1:
0x13: {  	[tilespmem:s3], [sflag:$0x5] =	stream.linear.gather [hbm4b:s6+s3], $0xC8, $0x38;
	[tilespmem:$0xCA00] =	vst v63  }
0x14: {  	_ =	swait.ge [sflag:s13], $0xC8  }
0x15: {  	[sflag:s13] =	ssyncset.done $0x0  }
0x16: {  	[sflag:s13] =	ssyncadd.s32 $0xFFFFFF38  }
0x17: {  	[tilespmem:s15], [sflag:$0x1] =	stream.indirect.gather [hbm4b:s2+s14], $0x80, s3, s14, $0xb8;
	[tilespmem:$0xCA00] =	vst v63  }
0x18: {  	_ = 	snop  }
0x19: {  	[tilespmem:s16], [sflag:$0x5] =	stream.linear.gather [hbm4b:s7+s3], $0xC8, $0x38;
	[tilespmem:$0xCA00] =	vst v63  }
0x1a: {  	_ =	swait.ge [sflag:s13], $0xC8  }
0x1b: {  	[sflag:s13] =	ssyncset.done $0x0  }
0x1c: {  	[sflag:s13] =	ssyncadd.s32 $0xFFFFFF38  }
0x1d: {  	[tilespmem:s17], [sflag:$0x2] =	stream.indirect.gather [hbm4b:s2+s14], $0x80, s16, s14, $0xb8;
	[tilespmem:$0xCA00] =	vst v63  }
0x1e: {  	_ =	swait.ge [sflag:s18], $0x6400  }
0x1f: {  	[sflag:s18] =	ssyncset.done $0x0  }
0x20: {  	[sflag:s18] =	ssyncadd.s32 $0xFFFF9C00  }
0x21: {  	[hbm4b:s8+s3] =	stream.linear.scatter [tilespmem:s15], [sflag:$0x3], $0x6400, $0x38;
	[tilespmem:$0xCA00] =	vst v63  }
0x22: {  	_ =	swait.ge [sflag:s19], $0x6400  }
0x23: {  	[sflag:s19] =	ssyncset.done $0x0  }
0x24: {  	[sflag:s19] =	ssyncadd.s32 $0xFFFF9C00  }
0x25: {  	[hbm4b:s9+s3] =	stream.linear.scatter [tilespmem:s17], [sflag:$0x4], $0x6400, $0x38;
	[tilespmem:$0xCA00] =	vst v63  }
0x26: {  	_ =	swait.ge [sflag:s20], $0x6400  }
0x27: {  	[sflag:s20] =	ssyncset.done $0x0  }
0x28: {  	[sflag:s20] =	ssyncadd.s32 $0xFFFF9C00  }
0x29: {  	_ =	swait.ge [sflag:s21], $0x6400  }
0x2a: {  	s23 =	sshrl.u32 s12, $0x3;
	[sflag:s21] =	ssyncset.done $0x0  }
0x2b: {  	s23 =	sadd.s32 s4, s23;
	[sflag:s21] =	ssyncadd.s32 $0xFFFF9C00  }
0x2c: {  	[tilespmem:s3], [sflag:$0x5] =	stream.linear.gather [hbm4b:s23+s3], $0xC8, $0x38;
	[tilespmem:$0xCA00] =	vst v63  }
0x2d: {  	_ =	swait.ge [sflag:s13], $0xC8  }
0x2e: {  	[sflag:s13] =	ssyncset.done $0x0  }
0x2f: {  	[sflag:s13] =	ssyncadd.s32 $0xFFFFFF38  }
0x30: {  	[tilespmem:s15], [sflag:$0x1] =	stream.indirect.gather [hbm4b:s2+s14], $0x80, s3, s14, $0xb8;
	[tilespmem:$0xCA00] =	vst v63  }
0x31: {  	s30 =	sadd.s32 $0x0, s11  }
0x32: {  	[tilespmem:s16], [sflag:$0x5] =	stream.linear.gather [hbm4b:s30+s3], $0xC8, $0x38;
	[tilespmem:$0xCA00] =	vst v63  }
0x33: {  	_ =	swait.ge [sflag:s13], $0xC8  }
0x34: {  	[sflag:s13] =	ssyncset.done $0x0  }
0x35: {  	[sflag:s13] =	ssyncadd.s32 $0xFFFFFF38  }
0x36: {  	[tilespmem:s17], [sflag:$0x2] =	stream.indirect.gather [hbm4b:s2+s14], $0x80, s16, s14, $0xb8;
	[tilespmem:$0xCA00] =	vst v63  }
0x37: {  	_ =	swait.ge [sflag:s18], $0x6400  }
0x38: {  	[sflag:s18] =	ssyncset.done $0x0  }
0x39: {  	s31 =	sadd.s32 $0xFFFFF380, s10;
	[sflag:s18] =	ssyncadd.s32 $0xFFFF9C00  }
0x3a: {  	[hbm4b:s31+s3] =	stream.linear.scatter [tilespmem:s15], [sflag:$0x3], $0x6400, $0x38;
	[tilespmem:$0xCA00] =	vst v63  }
0x3b: {  	_ =	swait.ge [sflag:s19], $0x6400  }
0x3c: {  	s24 =	sadd.s32 $0x1900, s10;
	s25 =	sadd.s32 $0x190, s12;
	[sflag:s19] =	ssyncset.done $0x0  }
0x3d: {  	s26 =	smov.u32 s10;
	s23 =	simm.s32 $0x32;
	[sflag:s19] =	ssyncadd.s32 $0xFFFF9C00  }
.LBB2_2:
0x3e: {  	[hbm4b:s26+s3] =	stream.linear.scatter [tilespmem:s17], [sflag:$0x4], $0x6400, $0x38;
	[tilespmem:$0xCA00] =	vst v63  }
0x3f: {  	s28 =	smov.u32 s23;
	s26 =	smov.u32 s24  }
0x40: {  	p0 =	sne.s32 s23, $0x96;
	s23 =	sadd.s32 $0x32, s23;
	_ =	swait.ge [sflag:s20], $0x6400  }
0x41: {  	[sflag:s20] =	ssyncset.done $0x0  }
0x42: {  	[sflag:s20] =	ssyncadd.s32 $0xFFFF9C00  }
0x43: {  	_ =	swait.ge [sflag:s21], $0x6400  }
0x44: {  	s29 =	sshrl.u32 s25, $0x3;
	[sflag:s21] =	ssyncset.done $0x0  }
0x45: {  	s29 =	sadd.s32 s4, s29;
	[sflag:s21] =	ssyncadd.s32 $0xFFFF9C00  }
0x46: {  	[tilespmem:s3], [sflag:$0x5] =	stream.linear.gather [hbm4b:s29+s3], $0xC8, $0x38;
	[tilespmem:$0xCA00] =	vst v63  }
0x47: {  	_ =	swait.ge [sflag:s13], $0xC8  }
0x48: {  	[sflag:s13] =	ssyncset.done $0x0  }
0x49: {  	[sflag:s13] =	ssyncadd.s32 $0xFFFFFF38  }
0x4a: {  	[tilespmem:s15], [sflag:$0x1] =	stream.indirect.gather [hbm4b:s2+s14], $0x80, s3, s14, $0xb8;
	[tilespmem:$0xCA00] =	vst v63  }
0x4b: {  	s28 =	sadd.s32 s28, s11  }
0x4c: {  	[tilespmem:s16], [sflag:$0x5] =	stream.linear.gather [hbm4b:s28+s3], $0xC8, $0x38;
	[tilespmem:$0xCA00] =	vst v63  }
0x4d: {  	_ =	swait.ge [sflag:s13], $0xC8  }
0x4e: {  	[sflag:s13] =	ssyncset.done $0x0  }
0x4f: {  	[sflag:s13] =	ssyncadd.s32 $0xFFFFFF38  }
0x50: {  	[tilespmem:s17], [sflag:$0x2] =	stream.indirect.gather [hbm4b:s2+s14], $0x80, s16, s14, $0xb8;
	[tilespmem:$0xCA00] =	vst v63  }
0x51: {  	_ =	swait.ge [sflag:s18], $0x6400  }
0x52: {  	[sflag:s18] =	ssyncset.done $0x0  }
.Ltmp0:
0x53: {  	s28 =	sadd.s32 $0xFFFFF380, s24;
	[sflag:s18] =	ssyncadd.s32 $0xFFFF9C00;
	(pc) =	sbr.rel @p0 .LBB2_2-.Ltmp0, $4  }
0x54: {  	[hbm4b:s28+s3] =	stream.linear.scatter [tilespmem:s15], [sflag:$0x3], $0x6400, $0x38;
	[tilespmem:$0xCA00] =	vst v63  }
0x55: {  	_ =	swait.ge [sflag:s19], $0x6400  }
0x56: {  	[sflag:s19] =	ssyncset.done $0x0  }
0x57: {  	s25 =	sadd.s32 $0x190, s25;
	s24 =	sadd.s32 $0x1900, s24;
	[sflag:s19] =	ssyncadd.s32 $0xFFFF9C00  }
0x58: {  	[hbm4b:s26+s3] =	stream.linear.scatter [tilespmem:s17], [sflag:$0x4], $0x6400, $0x38;
	[tilespmem:$0xCA00] =	vst v63  }
0x59: {  	s22 =	sadd.s32 $0x1, s22  }
0x5a: {  	_ =	swait.ge [sflag:s20], $0x6400;
	p0 =	sne.s32 s22, s5  }
.Ltmp1:
0x5b: {  	[sflag:s20] =	ssyncset.done $0x0;
	(pc) =	sbr.rel @p0 .LBB2_1-.Ltmp1, $4  }
0x5c: {  	[sflag:s20] =	ssyncadd.s32 $0xFFFF9C00  }
0x5d: {  	_ =	swait.ge [sflag:s21], $0x6400  }
0x5e: {  	[sflag:s21] =	ssyncset.done $0x0  }
0x5f: {  	[sflag:s21] =	ssyncadd.s32 $0xFFFF9C00  }
0x60: {  	_ =	sfence.sel $0x180000  }
0x61: {  	[bflag:$0x0] =	sbarrier.arrive $0xFFFF  }
0x62: {  	p0 =	sne.s32 s1, $0x0;
	_ =	strace $0x9000004A  }
0x63: {  	s0 =	sadd.s32 @!p0 $0x100000, s0;
	[bflag:$0x2] =	sbarrier.arrive $0xFFFF  }
0x64: {  	[sflag:s0] =	ssyncadd.tile.s32 @!p0 $0x1;
	_ =	shalt  }
.Lfunc_end2:
_tile_overlayer_lowered:
.L_overlay_start_2:
0x65: {  	(tag) =	ssettag $0x2  }
0x66: {  	s0 =	rddreg [dreg:$0x0];
	s2 =	stileid.u32  }
0x67: {  	s1 =	rddreg [dreg:$0x1];
	p0 =	sne.s32 s2, $0x0  }
0x68: {  	s3 =	rddreg [dreg:$0x2];
	[bflag:$0x3] =	sbarrier.arrive $0xFFFF;
	s2 =	simm.s32 @!p0 $0x1C05  }
0x69: {  	[timem:s3], [sflag:s2] =	dma.local @!p0 [hbm:s0], s1  }
0x6a: {  	s0 =	simm.s32 @!p0 $0x5  }
0x6b: {  	_ =	swait.ge @!p0 [sflag:s0], s1  }
0x6c: {  	s1 =	ssub.s32 @!p0 $0x0, s1;
	[sflag:s0] =	ssyncset.done @!p0 $0x0  }
0x6d: {  	[sflag:s0] =	ssyncadd.s32 @!p0 s1  }
0x6e: {  	[bflag:$0x3] =	sbarrier.arrive $0xFFFF  }
0x6f: {  	_ =	shalt  }

// kernel: kernel.32.cloned.1.call-start
scs
__scs_entry_jumppad:
0x0: {  	(pc) =	sbr.rel $0x88, $3  }
0x1: {  	(tag) =	ssettag $0x0;
	lr =	simm.s32 $0x1  }
0x2: {  	[smem:$0x3F90] =	sst lr;
	_ =	strace $0xD0000000  }
0x3: {  	_ = 	snop  }
0x4: {  	_ = 	snop  }
0x5: {  	_ = 	snop  }
0x6: {  	_ = 	snop  }
0x7: {  	_ = 	snop  }
__scs_overlays_trampoline_lowered:
0x8: {  	[smem:$0x3F9F] =	sst s0  }
0x9: {  	[smem:$0x3FA0] =	sst s1  }
0xa: {  	[smem:$0x3FA1] =	sst s2  }
0xb: {  	[smem:$0x3FA2] =	sst s3  }
0xc: {  	[smem:$0x3FA3] =	sst s4  }
0xd: {  	[smem:$0x3FA4] =	sst s5  }
0xe: {  	[smem:$0x3FA5] =	sst s6  }
0xf: {  	[smem:$0x3FA6] =	sst s7  }
0x10: {  	[smem:$0x3FA7] =	sst s8  }
0x11: {  	[smem:$0x3FA8] =	sst s9;
	s0 =	simm.s32 @!p0 $0x0  }
0x12: {  	s1 =	sld [smem:$0x3F8E];
	s0 =	simm.s32 @p0 $0x1  }
0x13: {  	[smem:$0x3FA9] =	sst s0;
	s0 =	simm.s32 @!p1 $0x0  }
0x14: {  	s2 =	sld [smem:$0x3F8D];
	s0 =	simm.s32 @p1 $0x1  }
0x15: {  	[smem:$0x3FAA] =	sst s0;
	s0 =	simm.s32 @!p2 $0x0  }
0x16: {  	s3 =	sld [smem:$0x3FDB];
	s0 =	simm.s32 @p2 $0x1  }
0x17: {  	s4 =	simm.s32 $0x1BF5;
	[smem:$0x3FAC] =	sst s0  }
0x18: {  	s0 =	sld [smem:$0x3F8F];
	_ =	swait.ge [sflag:s4], $0x0  }
0x19: {  	s7 =	sld [smem:$0x3F90]  }
0x1a: {  	s8 =	sadd.s32 $0xFFFFE003, lr  }
0x1b: {  	s9 =	sadd.s32 $0xFFFFFEF7, lr;
	s5 =	simm.s32 $0xFFFFFFFF;
	p2 =	slt.u32 s8, $0xFFFFF086  }
0x1c: {  	p1 =	slt.u32 s9, $0xF7A;
	s5 =	simm.s32 @!p2 $0x0  }
0x1d: {  	s5 =	simm.s32 @p1 $0x1;
	p0 =	seq.s32 s7, s2  }
0x1e: {  	s7 =	smul.u32 @!p0 $0xF7A, s2;
	p2 =	seq.s32 @!p0 s5, $0x0  }
0x1f: {  	s9 =	smul.u32 $0xF7A, s1;
	s8 =	simm.s32 @!p0 $0x1BF5;
	p2 =	por !p2, p0  }
0x20: {  	[sflag:s8] =	ssyncset.s32 @!p0 $0xFFFFF086;
	s6 =	sadd.s32 @!p0 s3, s7;
	s7 =	simm.s32 @!p0 $0x108  }
0x21: {  	s3 =	sadd.s32 s3, s9;
	s6 =	sadd.s32 @!p0 $0x88, s6;
	s7 =	simm.s32 @p2 $0x1082  }
0x22: {  	[simem:s7], [sflag:s8] =	dma.local @!p0 [hbm:s6], $0xF7A  }
0x23: {  	s9 =	sor.u32 $0xD0000000, s2;
	s6 =	simm.s32 $0x108;
	_ =	swait.ge @!p0 [sflag:s8], $0x0  }
0x24: {  	s3 =	sadd.s32 $0x88, s3;
	s6 =	simm.s32 @!p1 $0x1082;
	[sflag:s4] =	ssyncset.s32 $0xFFFFF086  }
0x25: {  	[simem:s6], [sflag:s4] =	dma.local [hbm:s3], $0xF7A  }
0x26: {  	[smem:$0x3F90] =	sst s1;
	(tag) =	ssettag s2;
	_ =	strace s9  }
0x27: {  	s1 =	sld [smem:$0x3FA0]  }
0x28: {  	s2 =	sld [smem:$0x3FA1]  }
0x29: {  	s4 =	sld [smem:$0x3FA3]  }
0x2a: {  	p0 =	seq.s32 s5, $0x0;
	s5 =	sld [smem:$0x3FA4]  }
0x2b: {  	s6 =	sld [smem:$0x3FA5]  }
0x2c: {  	s7 =	sld [smem:$0x3FA6]  }
0x2d: {  	s3 =	simm.s32 $0x108;
	s8 =	sld [smem:$0x3FA7]  }
0x2e: {  	s3 =	simm.s32 @!p0 $0x1082;
	s9 =	sld [smem:$0x3FA8]  }
0x2f: {  	lr =	sadd.s32 s0, s3;
	s0 =	sld [smem:$0x3F9F]  }
0x30: {  	s3 =	sld [smem:$0x3FA2]  }
0x31: {  	[smem:$0x3FAB] =	sst s10  }
0x32: {  	s10 =	sld [smem:$0x3FA9];
	_ =	sdelay $0x3  }
0x33: {  	p0 =	seq.s32 s10, $0x1;
	s10 =	sld [smem:$0x3FAB];
	_ =	sdelay $0x3  }
0x34: {  	[smem:$0x3FAB] =	sst s10  }
0x35: {  	s10 =	sld [smem:$0x3FAA];
	_ =	sdelay $0x3  }
0x36: {  	p1 =	seq.s32 s10, $0x1;
	s10 =	sld [smem:$0x3FAB];
	_ =	sdelay $0x3  }
0x37: {  	[smem:$0x3FAB] =	sst s10  }
0x38: {  	s10 =	sld [smem:$0x3FAC]  }
0x39: {  	_ = 	snop;
	(pc) =	sbr.ind lr, $3  }
0x3a: {  	_ = 	snop  }
0x3b: {  	_ = 	snop  }
0x3c: {  	p2 =	seq.s32 s10, $0x1;
	s10 =	sld [smem:$0x3FAB]  }
0x3d: {  	_ =	shalt  }
0x3e: {  	_ =	shalt  }
0x3f: {  	_ =	shalt  }
0x40: {  	_ =	shalt  }
0x41: {  	_ =	shalt  }
0x42: {  	_ =	shalt  }
0x43: {  	_ =	shalt  }
0x44: {  	_ =	shalt  }
0x45: {  	_ =	shalt  }
0x46: {  	_ =	shalt  }
0x47: {  	_ =	shalt  }
0x48: {  	_ =	shalt  }
0x49: {  	_ =	shalt  }
0x4a: {  	_ =	shalt  }
0x4b: {  	_ =	shalt  }
0x4c: {  	_ =	shalt  }
0x4d: {  	_ =	shalt  }
0x4e: {  	_ =	shalt  }
0x4f: {  	_ =	shalt  }
0x50: {  	_ =	shalt  }
0x51: {  	_ =	shalt  }
0x52: {  	_ =	shalt  }
0x53: {  	_ =	shalt  }
0x54: {  	_ =	shalt  }
0x55: {  	_ =	shalt  }
0x56: {  	_ =	shalt  }
0x57: {  	_ =	shalt  }
0x58: {  	_ =	shalt  }
0x59: {  	_ =	shalt  }
0x5a: {  	_ =	shalt  }
0x5b: {  	_ =	shalt  }
0x5c: {  	_ =	shalt  }
0x5d: {  	_ =	shalt  }
0x5e: {  	_ =	shalt  }
0x5f: {  	_ =	shalt  }
0x60: {  	_ =	shalt  }
0x61: {  	_ =	shalt  }
0x62: {  	_ =	shalt  }
0x63: {  	_ =	shalt  }
0x64: {  	_ =	shalt  }
0x65: {  	_ =	shalt  }
0x66: {  	_ =	shalt  }
0x67: {  	_ =	shalt  }
0x68: {  	_ =	shalt  }
0x69: {  	_ =	shalt  }
0x6a: {  	_ =	shalt  }
0x6b: {  	_ =	shalt  }
0x6c: {  	_ =	shalt  }
0x6d: {  	_ =	shalt  }
0x6e: {  	_ =	shalt  }
0x6f: {  	_ =	shalt  }
0x70: {  	_ =	shalt  }
0x71: {  	_ =	shalt  }
0x72: {  	_ =	shalt  }
0x73: {  	_ =	shalt  }
0x74: {  	_ =	shalt  }
0x75: {  	_ =	shalt  }
0x76: {  	_ =	shalt  }
0x77: {  	_ =	shalt  }
0x78: {  	_ =	shalt  }
0x79: {  	_ =	shalt  }
0x7a: {  	_ =	shalt  }
0x7b: {  	_ =	shalt  }
0x7c: {  	_ =	shalt  }
0x7d: {  	_ =	shalt  }
0x7e: {  	_ =	shalt  }
0x7f: {  	_ =	shalt  }
0x80: {  	_ =	shalt  }
0x81: {  	_ =	shalt  }
0x82: {  	_ =	shalt  }
0x83: {  	_ =	shalt  }
0x84: {  	_ =	shalt  }
0x85: {  	_ =	shalt  }
0x86: {  	_ =	shalt  }
0x87: {  	_ =	shalt  }
.Lfunc_end0:
.L_simem_size_0:
called_computation.3_lowered:
.L_overlay_start_0:
0x88: {  	s2 =	sld [smem:$0x3FD9]  }
0x89: {  	s3 =	sld [smem:$0x3FFE];
	_ =	sdelay $0x1  }
0x8a: {  	s1 =	srdreg.scid  }
0x8b: {  	s0 =	sand.u32 $0x1, s1  }
0x8c: {  	s17 =	sshll.u32 s0, $0xA;
	s2 =	sadd.s32 s3, s2  }
0x8d: {  	s2 =	sadd.s32 s2, s17  }
0x8e: {  	[smem:$0x3FB7] =	sst s2  }
0x8f: {  	_ = 	snop  }
0x90: {  	s2 =	sld [smem:$0x3FD0];
	(tm) =	ssettm $0x1  }
0x91: {  	s18 =	sld [smem:$0x3FFB];
	_ =	sdelay $0x3  }
0x92: {  	_ =	strace s18  }
0x93: {  	s3 =	sld [smem:$0x3FFC];
	_ =	sdelay $0x3  }
0x94: {  	_ =	strace s3  }
0x95: {  	s3 =	sld [smem:$0x3FFD];
	_ =	sdelay $0x3  }
0x96: {  	_ =	strace s3  }
0x97: {  	_ =	strace $0x8FFFFFFF  }
0x98: {  	s19 =	sld [smem:$0x3FDB];
	_ =	sdelay $0x1  }
0x99: {  	s4 =	simm.s32 $_scs_section_size  }
0x9a: {  	s5 =	simm.s32 $_size__tile_overlayer_lowered;
	s6 =	simm.s32 $_tile_overlayer_lowered  }
0x9b: {  	s22 =	simm.s32 $0x1BFF;
	s21 =	sshll.u32 s6, $0x1;
	s3 =	sadd.s32 s4, s19  }
0x9c: {  	s7 =	simm.s32 $0x0;
	s20 =	sshll.u32 s5, $0x1;
	s5 =	sadd.s32 s21, s3  }
0x9d: {  	[timem:s7], [sflag:s22] =	dma.local [hbm:s5], s20  }
0x9e: {  	_ =	swait.ge [sflag:s22], s20  }
0x9f: {  	s4 =	ssub.s32 $0x0, s20;
	[sflag:s22] =	ssyncset.done $0x0  }
0xa0: {  	[sflag:s22] =	ssyncadd.s32 s4;
	_ =	sdelay $0x1  }
0xa1: {  	s23 =	simm.s32 $0x1B8B  }
0xa2: {  	_ =	swait.ge [sflag:s23], $0x1  }
0xa3: {  	[sflag:s23] =	ssyncset.done $0x0  }
0xa4: {  	s25 =	simm.s32 $0x1B8E;
	s24 =	sld [smem:$0x3FFE];
	[sflag:s23] =	ssyncadd.s32 $0xFFFFFFFF  }
0xa5: {  	s26 =	simm.s32 $execute0_lowered;
	[smem:$0x3FD2] =	sst s25  }
0xa6: {  	s5 =	sshll.u32 s26, $0x1;
	_ =	strace $0x80000046;
	[dreg:$0x1] =	wrdreg $0xFFFFFFFF  }
0xa7: {  	s28 =	simm.s32 $_size_execute0_lowered;
	s3 =	sadd.s32 s3, s5;
	[dreg:$0x0] =	wrdreg $0x0  }
0xa8: {  	s5 =	sshll.u32 s28, $0x1;
	[dreg:$0x2] =	wrdreg s3  }
0xa9: {  	[dreg:$0x3] =	wrdreg s5  }
0xaa: {  	[dreg:$0x4] =	wrdreg $0xC0  }
0xab: {  	_ =	task [dreg:s7], $0x5FFFF  }
0xac: {  	[dreg:$0x1] =	wrdreg $0xFFFFFFFF  }
0xad: {  	[dreg:$0x0] =	wrdreg $0x60  }
0xae: {  	[dreg:$0x2] =	wrdreg s2  }
0xaf: {  	[dreg:$0x3] =	wrdreg s24  }
0xb0: {  	[dreg:$0x4] =	wrdreg $0xC  }
0xb1: {  	_ =	task.clear_ibuf [dreg:s7], $0x5FFFF;
	_ =	strace $0x90000046  }
0xb2: {  	s29 =	simm.s32 $0xC;
	_ =	strace $0x80000048  }
0xb3: {  	_ =	swait.ge [sflag:s29], $0x1  }
0xb4: {  	[sflag:s29] =	ssyncadd.s32 $0xFFFFFFFF  }
0xb5: {  	_ =	strace $0x90000048  }
0xb6: {  	_ =	sfence  }
0xb7: {  	s30 =	sld [smem:$0x0];
	_ =	sdelay $0x2  }
0xb8: {  	s31 =	sshll.u32 s1, $0xD;
	s1 =	sshrl.u32 s1, $0x2  }
0xb9: {  	s3 =	sand.u32 $0x4000, s31;
	s1 =	sadd.s32 s1, s30  }
0xba: {  	s0 =	sor.u32 s3, s0;
	s1 =	sshll.u32 s1, $0x11  }
0xbb: {  	s0 =	sor.u32 s1, s0  }
0xbc: {  	s0 =	sadd.s32 $0x8F2B, s0  }
0xbd: {  	[sflag:s0] =	ssyncadd.remote.s32 $0x1  }
0xbe: {  	_ =	sfence.sel $0xFFFF  }
0xbf: {  	[dreg:$0x0] =	wrdreg $0xFFFFFFFF;
	(pc) =	sbr.abs _section_cstart, $3  }
0xc0: {  	[dreg:$0x1] =	wrdreg $0xFFFFFFFF  }
0xc1: {  	_ =	task.clear_ibuf [dreg:s7], $0x2FFFF;
	_ =	strace $0x9FFFFFFF  }
0xc2: {  	(tm) =	ssettm $0x7FFFFFFF  }
0xc3: {  	_ =	shalt  }
tec
execute0_lowered:
.L_overlay_start_1:
0x0: {  	(tag) =	ssettag $0x1  }
0x1: {  	s2 =	rddreg [dreg:$0x0]  }
0x2: {  	s5 =	rddreg [dreg:$0x1]  }
0x3: {  	s0 =	rddreg [dreg:$0x2];
	s4 =	srdreg.scid  }
0x4: {  	s1 =	stileid.u32;
	s3 =	simm.s32 $0x0;
	s16 =	simm.s32 $0x100  }
0x5: {  	s17 =	simm.s32 $0x6600;
	s18 =	simm.s32 $0x1;
	s19 =	simm.s32 $0x2  }
0x6: {  	s20 =	simm.s32 $0x3;
	s21 =	simm.s32 $0x4;
	s25 =	smul.u32 $0xFA00, s1  }
0x7: {  	s22 =	simm.s32 $0x0;
	s8 =	sand.u32 $0x1, s4;
	s14 =	smul.u32 $0xFA0, s1  }
0x8: {  	s23 =	sshll.u32 s1, $0x1;
	[smem:$0x7FF] =	sst s3;
	s29 =	smul.u32 $0x7D0, s8  }
0x9: {  	s4 =	sadd.s32 $0x9800, s5;
	s6 =	sor.u32 s8, s23;
	s15 =	smul.u32 $0x7D00, s8  }
0xa: {  	s12 =	sadd.s32 $0x284800, s5;
	s7 =	ssub.s32 $0x2, s8;
	s9 =	smul.u32 $0x7D0, s6  }
0xb: {  	_ =	strace $0x80000047;
	s10 =	sshrl.u32 s7, $0x1;
	s11 =	smul.u32 $0x7D00, s6  }
0xc: {  	s24 =	ssub.s32 s7, s10;
	s10 =	sadd.s32 s25, s12;
	s14 =	sadd.s32 s29, s14  }
0xd: {  	s13 =	sadd.s32 $0xC8, s9;
	s5 =	smax.u32 s24, $0x1;
	s26 =	sshrl.u32 s9, $0x3  }
0xe: {  	s8 =	sadd.s32 s12, s11;
	s10 =	sadd.s32 s15, s10;
	s31 =	sadd.s32 $0x258, s14  }
0xf: {  	s15 =	simm.s32 $0x200;
	s28 =	sshrl.u32 s13, $0x3;
	s6 =	sadd.s32 s4, s26  }
0x10: {  	s30 =	sshll.u32 s13, $0x4;
	s10 =	sadd.s32 $0x2580, s10;
	s11 =	sshrl.u32 s31, $0x3  }
0x11: {  	s13 =	simm.s32 $0x5;
	s7 =	sadd.s32 s4, s28;
	s9 =	sadd.s32 s12, s30  }
0x12: {  	s11 =	sadd.s32 s11, s4;
	s12 =	sadd.s32 $0x190, s14;
	s14 =	simm.s32 $0xC8  }
.LBB2_1:
0x13: {  	[tilespmem:s3], [sflag:$0x5] =	stream.linear.gather [hbm4b:s6+s3], $0xC8, $0x38;
	[tilespmem:$0xCA00] =	vst v63  }
0x14: {  	_ =	swait.ge [sflag:s13], $0xC8  }
0x15: {  	[sflag:s13] =	ssyncset.done $0x0  }
0x16: {  	[sflag:s13] =	ssyncadd.s32 $0xFFFFFF38  }
0x17: {  	[tilespmem:s15], [sflag:$0x1] =	stream.indirect.gather [hbm4b:s2+s14], $0x80, s3, s14, $0xb8;
	[tilespmem:$0xCA00] =	vst v63  }
0x18: {  	_ = 	snop  }
0x19: {  	[tilespmem:s16], [sflag:$0x5] =	stream.linear.gather [hbm4b:s7+s3], $0xC8, $0x38;
	[tilespmem:$0xCA00] =	vst v63  }
0x1a: {  	_ =	swait.ge [sflag:s13], $0xC8  }
0x1b: {  	[sflag:s13] =	ssyncset.done $0x0  }
0x1c: {  	[sflag:s13] =	ssyncadd.s32 $0xFFFFFF38  }
0x1d: {  	[tilespmem:s17], [sflag:$0x2] =	stream.indirect.gather [hbm4b:s2+s14], $0x80, s16, s14, $0xb8;
	[tilespmem:$0xCA00] =	vst v63  }
0x1e: {  	_ =	swait.ge [sflag:s18], $0x6400  }
0x1f: {  	[sflag:s18] =	ssyncset.done $0x0  }
0x20: {  	[sflag:s18] =	ssyncadd.s32 $0xFFFF9C00  }
0x21: {  	[hbm4b:s8+s3] =	stream.linear.scatter [tilespmem:s15], [sflag:$0x3], $0x6400, $0x38;
	[tilespmem:$0xCA00] =	vst v63  }
0x22: {  	_ =	swait.ge [sflag:s19], $0x6400  }
0x23: {  	[sflag:s19] =	ssyncset.done $0x0  }
0x24: {  	[sflag:s19] =	ssyncadd.s32 $0xFFFF9C00  }
0x25: {  	[hbm4b:s9+s3] =	stream.linear.scatter [tilespmem:s17], [sflag:$0x4], $0x6400, $0x38;
	[tilespmem:$0xCA00] =	vst v63  }
0x26: {  	_ =	swait.ge [sflag:s20], $0x6400  }
0x27: {  	[sflag:s20] =	ssyncset.done $0x0  }
0x28: {  	[sflag:s20] =	ssyncadd.s32 $0xFFFF9C00  }
0x29: {  	_ =	swait.ge [sflag:s21], $0x6400  }
0x2a: {  	s23 =	sshrl.u32 s12, $0x3;
	[sflag:s21] =	ssyncset.done $0x0  }
0x2b: {  	s23 =	sadd.s32 s4, s23;
	[sflag:s21] =	ssyncadd.s32 $0xFFFF9C00  }
0x2c: {  	[tilespmem:s3], [sflag:$0x5] =	stream.linear.gather [hbm4b:s23+s3], $0xC8, $0x38;
	[tilespmem:$0xCA00] =	vst v63  }
0x2d: {  	_ =	swait.ge [sflag:s13], $0xC8  }
0x2e: {  	[sflag:s13] =	ssyncset.done $0x0  }
0x2f: {  	[sflag:s13] =	ssyncadd.s32 $0xFFFFFF38  }
0x30: {  	[tilespmem:s15], [sflag:$0x1] =	stream.indirect.gather [hbm4b:s2+s14], $0x80, s3, s14, $0xb8;
	[tilespmem:$0xCA00] =	vst v63  }
0x31: {  	s30 =	sadd.s32 $0x0, s11  }
0x32: {  	[tilespmem:s16], [sflag:$0x5] =	stream.linear.gather [hbm4b:s30+s3], $0xC8, $0x38;
	[tilespmem:$0xCA00] =	vst v63  }
0x33: {  	_ =	swait.ge [sflag:s13], $0xC8  }
0x34: {  	[sflag:s13] =	ssyncset.done $0x0  }
0x35: {  	[sflag:s13] =	ssyncadd.s32 $0xFFFFFF38  }
0x36: {  	[tilespmem:s17], [sflag:$0x2] =	stream.indirect.gather [hbm4b:s2+s14], $0x80, s16, s14, $0xb8;
	[tilespmem:$0xCA00] =	vst v63  }
0x37: {  	_ =	swait.ge [sflag:s18], $0x6400  }
0x38: {  	[sflag:s18] =	ssyncset.done $0x0  }
0x39: {  	s31 =	sadd.s32 $0xFFFFF380, s10;
	[sflag:s18] =	ssyncadd.s32 $0xFFFF9C00  }
0x3a: {  	[hbm4b:s31+s3] =	stream.linear.scatter [tilespmem:s15], [sflag:$0x3], $0x6400, $0x38;
	[tilespmem:$0xCA00] =	vst v63  }
0x3b: {  	_ =	swait.ge [sflag:s19], $0x6400  }
0x3c: {  	s24 =	sadd.s32 $0x1900, s10;
	s25 =	sadd.s32 $0x190, s12;
	[sflag:s19] =	ssyncset.done $0x0  }
0x3d: {  	s26 =	smov.u32 s10;
	s23 =	simm.s32 $0x32;
	[sflag:s19] =	ssyncadd.s32 $0xFFFF9C00  }
.LBB2_2:
0x3e: {  	[hbm4b:s26+s3] =	stream.linear.scatter [tilespmem:s17], [sflag:$0x4], $0x6400, $0x38;
	[tilespmem:$0xCA00] =	vst v63  }
0x3f: {  	s28 =	smov.u32 s23;
	s26 =	smov.u32 s24  }
0x40: {  	p0 =	sne.s32 s23, $0x96;
	s23 =	sadd.s32 $0x32, s23;
	_ =	swait.ge [sflag:s20], $0x6400  }
0x41: {  	[sflag:s20] =	ssyncset.done $0x0  }
0x42: {  	[sflag:s20] =	ssyncadd.s32 $0xFFFF9C00  }
0x43: {  	_ =	swait.ge [sflag:s21], $0x6400  }
0x44: {  	s29 =	sshrl.u32 s25, $0x3;
	[sflag:s21] =	ssyncset.done $0x0  }
0x45: {  	s29 =	sadd.s32 s4, s29;
	[sflag:s21] =	ssyncadd.s32 $0xFFFF9C00  }
0x46: {  	[tilespmem:s3], [sflag:$0x5] =	stream.linear.gather [hbm4b:s29+s3], $0xC8, $0x38;
	[tilespmem:$0xCA00] =	vst v63  }
0x47: {  	_ =	swait.ge [sflag:s13], $0xC8  }
0x48: {  	[sflag:s13] =	ssyncset.done $0x0  }
0x49: {  	[sflag:s13] =	ssyncadd.s32 $0xFFFFFF38  }
0x4a: {  	[tilespmem:s15], [sflag:$0x1] =	stream.indirect.gather [hbm4b:s2+s14], $0x80, s3, s14, $0xb8;
	[tilespmem:$0xCA00] =	vst v63  }
0x4b: {  	s28 =	sadd.s32 s28, s11  }
0x4c: {  	[tilespmem:s16], [sflag:$0x5] =	stream.linear.gather [hbm4b:s28+s3], $0xC8, $0x38;
	[tilespmem:$0xCA00] =	vst v63  }
0x4d: {  	_ =	swait.ge [sflag:s13], $0xC8  }
0x4e: {  	[sflag:s13] =	ssyncset.done $0x0  }
0x4f: {  	[sflag:s13] =	ssyncadd.s32 $0xFFFFFF38  }
0x50: {  	[tilespmem:s17], [sflag:$0x2] =	stream.indirect.gather [hbm4b:s2+s14], $0x80, s16, s14, $0xb8;
	[tilespmem:$0xCA00] =	vst v63  }
0x51: {  	_ =	swait.ge [sflag:s18], $0x6400  }
0x52: {  	[sflag:s18] =	ssyncset.done $0x0  }
.Ltmp0:
0x53: {  	s28 =	sadd.s32 $0xFFFFF380, s24;
	[sflag:s18] =	ssyncadd.s32 $0xFFFF9C00;
	(pc) =	sbr.rel @p0 .LBB2_2-.Ltmp0, $4  }
0x54: {  	[hbm4b:s28+s3] =	stream.linear.scatter [tilespmem:s15], [sflag:$0x3], $0x6400, $0x38;
	[tilespmem:$0xCA00] =	vst v63  }
0x55: {  	_ =	swait.ge [sflag:s19], $0x6400  }
0x56: {  	[sflag:s19] =	ssyncset.done $0x0  }
0x57: {  	s25 =	sadd.s32 $0x190, s25;
	s24 =	sadd.s32 $0x1900, s24;
	[sflag:s19] =	ssyncadd.s32 $0xFFFF9C00  }
0x58: {  	[hbm4b:s26+s3] =	stream.linear.scatter [tilespmem:s17], [sflag:$0x4], $0x6400, $0x38;
	[tilespmem:$0xCA00] =	vst v63  }
0x59: {  	s22 =	sadd.s32 $0x1, s22  }
0x5a: {  	_ =	swait.ge [sflag:s20], $0x6400;
	p0 =	sne.s32 s22, s5  }
.Ltmp1:
0x5b: {  	[sflag:s20] =	ssyncset.done $0x0;
	(pc) =	sbr.rel @p0 .LBB2_1-.Ltmp1, $4  }
0x5c: {  	[sflag:s20] =	ssyncadd.s32 $0xFFFF9C00  }
0x5d: {  	_ =	swait.ge [sflag:s21], $0x6400  }
0x5e: {  	[sflag:s21] =	ssyncset.done $0x0  }
0x5f: {  	[sflag:s21] =	ssyncadd.s32 $0xFFFF9C00  }
0x60: {  	_ =	sfence.sel $0x180000  }
0x61: {  	[bflag:$0x0] =	sbarrier.arrive $0xFFFF  }
0x62: {  	p0 =	sne.s32 s1, $0x0;
	_ =	strace $0x90000047  }
0x63: {  	s0 =	sadd.s32 @!p0 $0x100000, s0;
	[bflag:$0x2] =	sbarrier.arrive $0xFFFF  }
0x64: {  	[sflag:s0] =	ssyncadd.tile.s32 @!p0 $0x1;
	_ =	shalt  }
.Lfunc_end2:
_tile_overlayer_lowered:
.L_overlay_start_2:
0x65: {  	(tag) =	ssettag $0x2  }
0x66: {  	s0 =	rddreg [dreg:$0x0];
	s2 =	stileid.u32  }
0x67: {  	s1 =	rddreg [dreg:$0x1];
	p0 =	sne.s32 s2, $0x0  }
0x68: {  	s3 =	rddreg [dreg:$0x2];
	[bflag:$0x3] =	sbarrier.arrive $0xFFFF;
	s2 =	simm.s32 @!p0 $0x1C05  }
0x69: {  	[timem:s3], [sflag:s2] =	dma.local @!p0 [hbm:s0], s1  }
0x6a: {  	s0 =	simm.s32 @!p0 $0x5  }
0x6b: {  	_ =	swait.ge @!p0 [sflag:s0], s1  }
0x6c: {  	s1 =	ssub.s32 @!p0 $0x0, s1;
	[sflag:s0] =	ssyncset.done @!p0 $0x0  }
0x6d: {  	[sflag:s0] =	ssyncadd.s32 @!p0 s1  }
0x6e: {  	[bflag:$0x3] =	sbarrier.arrive $0xFFFF  }
0x6f: {  	_ =	shalt  }

// kernel: kernel.35.cloned.1.call-start
scs
__scs_entry_jumppad:
0x0: {  	(pc) =	sbr.rel $0x88, $3  }
0x1: {  	(tag) =	ssettag $0x0;
	lr =	simm.s32 $0x1  }
0x2: {  	[smem:$0x3F90] =	sst lr;
	_ =	strace $0xD0000000  }
0x3: {  	_ = 	snop  }
0x4: {  	_ = 	snop  }
0x5: {  	_ = 	snop  }
0x6: {  	_ = 	snop  }
0x7: {  	_ = 	snop  }
__scs_overlays_trampoline_lowered:
0x8: {  	[smem:$0x3F9F] =	sst s0  }
0x9: {  	[smem:$0x3FA0] =	sst s1  }
0xa: {  	[smem:$0x3FA1] =	sst s2  }
0xb: {  	[smem:$0x3FA2] =	sst s3  }
0xc: {  	[smem:$0x3FA3] =	sst s4  }
0xd: {  	[smem:$0x3FA4] =	sst s5  }
0xe: {  	[smem:$0x3FA5] =	sst s6  }
0xf: {  	[smem:$0x3FA6] =	sst s7  }
0x10: {  	[smem:$0x3FA7] =	sst s8  }
0x11: {  	[smem:$0x3FA8] =	sst s9;
	s0 =	simm.s32 @!p0 $0x0  }
0x12: {  	s1 =	sld [smem:$0x3F8E];
	s0 =	simm.s32 @p0 $0x1  }
0x13: {  	[smem:$0x3FA9] =	sst s0;
	s0 =	simm.s32 @!p1 $0x0  }
0x14: {  	s2 =	sld [smem:$0x3F8D];
	s0 =	simm.s32 @p1 $0x1  }
0x15: {  	[smem:$0x3FAA] =	sst s0;
	s0 =	simm.s32 @!p2 $0x0  }
0x16: {  	s3 =	sld [smem:$0x3FDB];
	s0 =	simm.s32 @p2 $0x1  }
0x17: {  	s4 =	simm.s32 $0x1BF5;
	[smem:$0x3FAC] =	sst s0  }
0x18: {  	s0 =	sld [smem:$0x3F8F];
	_ =	swait.ge [sflag:s4], $0x0  }
0x19: {  	s7 =	sld [smem:$0x3F90]  }
0x1a: {  	s8 =	sadd.s32 $0xFFFFE003, lr  }
0x1b: {  	s9 =	sadd.s32 $0xFFFFFEF7, lr;
	s5 =	simm.s32 $0xFFFFFFFF;
	p2 =	slt.u32 s8, $0xFFFFF086  }
0x1c: {  	p1 =	slt.u32 s9, $0xF7A;
	s5 =	simm.s32 @!p2 $0x0  }
0x1d: {  	s5 =	simm.s32 @p1 $0x1;
	p0 =	seq.s32 s7, s2  }
0x1e: {  	s7 =	smul.u32 @!p0 $0xF7A, s2;
	p2 =	seq.s32 @!p0 s5, $0x0  }
0x1f: {  	s9 =	smul.u32 $0xF7A, s1;
	s8 =	simm.s32 @!p0 $0x1BF5;
	p2 =	por !p2, p0  }
0x20: {  	[sflag:s8] =	ssyncset.s32 @!p0 $0xFFFFF086;
	s6 =	sadd.s32 @!p0 s3, s7;
	s7 =	simm.s32 @!p0 $0x108  }
0x21: {  	s3 =	sadd.s32 s3, s9;
	s6 =	sadd.s32 @!p0 $0x88, s6;
	s7 =	simm.s32 @p2 $0x1082  }
0x22: {  	[simem:s7], [sflag:s8] =	dma.local @!p0 [hbm:s6], $0xF7A  }
0x23: {  	s9 =	sor.u32 $0xD0000000, s2;
	s6 =	simm.s32 $0x108;
	_ =	swait.ge @!p0 [sflag:s8], $0x0  }
0x24: {  	s3 =	sadd.s32 $0x88, s3;
	s6 =	simm.s32 @!p1 $0x1082;
	[sflag:s4] =	ssyncset.s32 $0xFFFFF086  }
0x25: {  	[simem:s6], [sflag:s4] =	dma.local [hbm:s3], $0xF7A  }
0x26: {  	[smem:$0x3F90] =	sst s1;
	(tag) =	ssettag s2;
	_ =	strace s9  }
0x27: {  	s1 =	sld [smem:$0x3FA0]  }
0x28: {  	s2 =	sld [smem:$0x3FA1]  }
0x29: {  	s4 =	sld [smem:$0x3FA3]  }
0x2a: {  	p0 =	seq.s32 s5, $0x0;
	s5 =	sld [smem:$0x3FA4]  }
0x2b: {  	s6 =	sld [smem:$0x3FA5]  }
0x2c: {  	s7 =	sld [smem:$0x3FA6]  }
0x2d: {  	s3 =	simm.s32 $0x108;
	s8 =	sld [smem:$0x3FA7]  }
0x2e: {  	s3 =	simm.s32 @!p0 $0x1082;
	s9 =	sld [smem:$0x3FA8]  }
0x2f: {  	lr =	sadd.s32 s0, s3;
	s0 =	sld [smem:$0x3F9F]  }
0x30: {  	s3 =	sld [smem:$0x3FA2]  }
0x31: {  	[smem:$0x3FAB] =	sst s10  }
0x32: {  	s10 =	sld [smem:$0x3FA9];
	_ =	sdelay $0x3  }
0x33: {  	p0 =	seq.s32 s10, $0x1;
	s10 =	sld [smem:$0x3FAB];
	_ =	sdelay $0x3  }
0x34: {  	[smem:$0x3FAB] =	sst s10  }
0x35: {  	s10 =	sld [smem:$0x3FAA];
	_ =	sdelay $0x3  }
0x36: {  	p1 =	seq.s32 s10, $0x1;
	s10 =	sld [smem:$0x3FAB];
	_ =	sdelay $0x3  }
0x37: {  	[smem:$0x3FAB] =	sst s10  }
0x38: {  	s10 =	sld [smem:$0x3FAC]  }
0x39: {  	_ = 	snop;
	(pc) =	sbr.ind lr, $3  }
0x3a: {  	_ = 	snop  }
0x3b: {  	_ = 	snop  }
0x3c: {  	p2 =	seq.s32 s10, $0x1;
	s10 =	sld [smem:$0x3FAB]  }
0x3d: {  	_ =	shalt  }
0x3e: {  	_ =	shalt  }
0x3f: {  	_ =	shalt  }
0x40: {  	_ =	shalt  }
0x41: {  	_ =	shalt  }
0x42: {  	_ =	shalt  }
0x43: {  	_ =	shalt  }
0x44: {  	_ =	shalt  }
0x45: {  	_ =	shalt  }
0x46: {  	_ =	shalt  }
0x47: {  	_ =	shalt  }
0x48: {  	_ =	shalt  }
0x49: {  	_ =	shalt  }
0x4a: {  	_ =	shalt  }
0x4b: {  	_ =	shalt  }
0x4c: {  	_ =	shalt  }
0x4d: {  	_ =	shalt  }
0x4e: {  	_ =	shalt  }
0x4f: {  	_ =	shalt  }
0x50: {  	_ =	shalt  }
0x51: {  	_ =	shalt  }
0x52: {  	_ =	shalt  }
0x53: {  	_ =	shalt  }
0x54: {  	_ =	shalt  }
0x55: {  	_ =	shalt  }
0x56: {  	_ =	shalt  }
0x57: {  	_ =	shalt  }
0x58: {  	_ =	shalt  }
0x59: {  	_ =	shalt  }
0x5a: {  	_ =	shalt  }
0x5b: {  	_ =	shalt  }
0x5c: {  	_ =	shalt  }
0x5d: {  	_ =	shalt  }
0x5e: {  	_ =	shalt  }
0x5f: {  	_ =	shalt  }
0x60: {  	_ =	shalt  }
0x61: {  	_ =	shalt  }
0x62: {  	_ =	shalt  }
0x63: {  	_ =	shalt  }
0x64: {  	_ =	shalt  }
0x65: {  	_ =	shalt  }
0x66: {  	_ =	shalt  }
0x67: {  	_ =	shalt  }
0x68: {  	_ =	shalt  }
0x69: {  	_ =	shalt  }
0x6a: {  	_ =	shalt  }
0x6b: {  	_ =	shalt  }
0x6c: {  	_ =	shalt  }
0x6d: {  	_ =	shalt  }
0x6e: {  	_ =	shalt  }
0x6f: {  	_ =	shalt  }
0x70: {  	_ =	shalt  }
0x71: {  	_ =	shalt  }
0x72: {  	_ =	shalt  }
0x73: {  	_ =	shalt  }
0x74: {  	_ =	shalt  }
0x75: {  	_ =	shalt  }
0x76: {  	_ =	shalt  }
0x77: {  	_ =	shalt  }
0x78: {  	_ =	shalt  }
0x79: {  	_ =	shalt  }
0x7a: {  	_ =	shalt  }
0x7b: {  	_ =	shalt  }
0x7c: {  	_ =	shalt  }
0x7d: {  	_ =	shalt  }
0x7e: {  	_ =	shalt  }
0x7f: {  	_ =	shalt  }
0x80: {  	_ =	shalt  }
0x81: {  	_ =	shalt  }
0x82: {  	_ =	shalt  }
0x83: {  	_ =	shalt  }
0x84: {  	_ =	shalt  }
0x85: {  	_ =	shalt  }
0x86: {  	_ =	shalt  }
0x87: {  	_ =	shalt  }
.Lfunc_end0:
.L_simem_size_0:
called_computation.4_lowered:
.L_overlay_start_0:
0x88: {  	s2 =	sld [smem:$0x3FD9]  }
0x89: {  	s3 =	sld [smem:$0x3FFE];
	_ =	sdelay $0x1  }
0x8a: {  	s1 =	srdreg.scid  }
0x8b: {  	s0 =	sand.u32 $0x1, s1  }
0x8c: {  	s17 =	sshll.u32 s0, $0xA;
	s2 =	sadd.s32 s3, s2  }
0x8d: {  	s2 =	sadd.s32 s2, s17  }
0x8e: {  	[smem:$0x3FB7] =	sst s2  }
0x8f: {  	_ = 	snop  }
0x90: {  	s18 =	sld [smem:$0x3FD0];
	(tm) =	ssettm $0x1  }
0x91: {  	s19 =	sld [smem:$0x3FFB];
	_ =	sdelay $0x3  }
0x92: {  	_ =	strace s19  }
0x93: {  	s2 =	sld [smem:$0x3FFC];
	_ =	sdelay $0x3  }
0x94: {  	_ =	strace s2  }
0x95: {  	s2 =	sld [smem:$0x3FFD];
	_ =	sdelay $0x3  }
0x96: {  	_ =	strace s2  }
0x97: {  	_ =	strace $0x8FFFFFFF  }
0x98: {  	s20 =	sld [smem:$0x3FDB];
	_ =	sdelay $0x1  }
0x99: {  	s4 =	simm.s32 $_scs_section_size  }
0x9a: {  	s5 =	simm.s32 $_size__tile_overlayer_lowered;
	s6 =	simm.s32 $_tile_overlayer_lowered  }
0x9b: {  	s7 =	simm.s32 $0x1BFF;
	s21 =	sshll.u32 s6, $0x1;
	s4 =	sadd.s32 s4, s20  }
0x9c: {  	s22 =	simm.s32 $0x0;
	s5 =	sshll.u32 s5, $0x1;
	s6 =	sadd.s32 s21, s4  }
0x9d: {  	[timem:s22], [sflag:s7] =	dma.local [hbm:s6], s5  }
0x9e: {  	_ =	swait.ge [sflag:s7], s5  }
0x9f: {  	s5 =	ssub.s32 $0x0, s5;
	[sflag:s7] =	ssyncset.done $0x0  }
0xa0: {  	[sflag:s7] =	ssyncadd.s32 s5;
	_ =	sdelay $0x1  }
0xa1: {  	s23 =	simm.s32 $0x1B8B  }
0xa2: {  	_ =	swait.ge [sflag:s23], $0x1  }
0xa3: {  	[sflag:s23] =	ssyncset.done $0x0  }
0xa4: {  	[sflag:s23] =	ssyncadd.s32 $0xFFFFFFFF  }
0xa5: {  	s5 =	sld [smem:$0x0]  }
0xa6: {  	s6 =	sand.u32 $0xFFFFFFFE, s1  }
0xa7: {  	p0 =	sne.s32 s1, s6  }
0xa8: {  	s6 =	sshll.u32 @p0 s6, $0xE  }
0xa9: {  	s6 =	sadd.s32 @p0 $0x11B8D, s6;
	s7 =	sshll.u32 @p0 s5, $0x11  }
0xaa: {  	s6 =	sor.u32 @p0 s7, s6  }
0xab: {  	[sflag:s6] =	ssyncadd.remote.s32 @p0 $0x1;
	_ =	sdelay $0x1  }
0xac: {  	s6 =	simm.s32 @p0 $0x1B8D  }
0xad: {  	_ =	swait.eq @p0 [sflag:s6], $0x1  }
0xae: {  	[sflag:s6] =	ssyncadd.s32 @p0 $0xFFFFFFFF  }
0xaf: {  	s7 =	sshll.u32 @!p0 s1, $0xE  }
0xb0: {  	s7 =	sor.u32 @!p0 $0x4000, s7;
	s6 =	simm.s32 @!p0 $0x1B8D  }
0xb1: {  	s5 =	sshll.u32 @!p0 s5, $0x11;
	s7 =	sadd.s32 @!p0 $0x11B8D, s7;
	_ =	swait.eq @!p0 [sflag:s6], $0x1  }
0xb2: {  	s5 =	sor.u32 @!p0 s5, s7;
	[sflag:s6] =	ssyncadd.s32 @!p0 $0xFFFFFFFF  }
0xb3: {  	s25 =	simm.s32 $0x1B8E;
	s24 =	sld [smem:$0x3FFE];
	[sflag:s5] =	ssyncadd.remote.s32 @!p0 $0x1  }
0xb4: {  	s26 =	simm.s32 $execute0_lowered;
	[smem:$0x3FD2] =	sst s25  }
0xb5: {  	s6 =	sshll.u32 s26, $0x1;
	_ =	strace $0x80000052;
	[dreg:$0x1] =	wrdreg $0xFFFFFFFF  }
0xb6: {  	s28 =	simm.s32 $_size_execute0_lowered;
	s4 =	sadd.s32 s4, s6;
	[dreg:$0x0] =	wrdreg $0x0  }
0xb7: {  	s6 =	sshll.u32 s28, $0x1;
	[dreg:$0x2] =	wrdreg s4  }
0xb8: {  	[dreg:$0x3] =	wrdreg s6  }
0xb9: {  	[dreg:$0x4] =	wrdreg $0xC0  }
0xba: {  	_ =	task [dreg:s22], $0x5FFFF  }
0xbb: {  	[dreg:$0x1] =	wrdreg $0xFFFFFFFF  }
0xbc: {  	[dreg:$0x0] =	wrdreg $0x60  }
0xbd: {  	[dreg:$0x2] =	wrdreg s18  }
0xbe: {  	[dreg:$0x3] =	wrdreg s24  }
0xbf: {  	[dreg:$0x4] =	wrdreg $0xD  }
0xc0: {  	_ =	task.clear_ibuf [dreg:s22], $0x5FFFF;
	_ =	strace $0x90000052  }
0xc1: {  	s29 =	simm.s32 $0xD;
	_ =	strace $0x80000054  }
0xc2: {  	_ =	swait.ge [sflag:s29], $0x1  }
0xc3: {  	[sflag:s29] =	ssyncadd.s32 $0xFFFFFFFF  }
0xc4: {  	_ =	strace $0x90000054  }
0xc5: {  	_ =	sfence  }
0xc6: {  	s30 =	sld [smem:$0x0];
	_ =	sdelay $0x2  }
0xc7: {  	s31 =	sshll.u32 s1, $0xD;
	s1 =	sshrl.u32 s1, $0x2  }
0xc8: {  	s4 =	sand.u32 $0x4000, s31;
	s1 =	sadd.s32 s1, s30  }
0xc9: {  	s0 =	sor.u32 s4, s0;
	s1 =	sshll.u32 s1, $0x11  }
0xca: {  	s0 =	sor.u32 s1, s0  }
0xcb: {  	s0 =	sadd.s32 $0x8F2B, s0  }
0xcc: {  	[sflag:s0] =	ssyncadd.remote.s32 $0x1  }
0xcd: {  	_ =	sfence.sel $0xFFFF  }
0xce: {  	[dreg:$0x0] =	wrdreg $0xFFFFFFFF;
	(pc) =	sbr.abs _section_cstart, $3  }
0xcf: {  	[dreg:$0x1] =	wrdreg $0xFFFFFFFF  }
0xd0: {  	_ =	task.clear_ibuf [dreg:s22], $0x2FFFF;
	_ =	strace $0x9FFFFFFF  }
0xd1: {  	(tm) =	ssettm $0x7FFFFFFF  }
tec
execute0_lowered:
.L_overlay_start_1:
0x0: {  	(tag) =	ssettag $0x1  }
0x1: {  	s2 =	rddreg [dreg:$0x0]  }
0x2: {  	s5 =	rddreg [dreg:$0x1]  }
0x3: {  	s0 =	rddreg [dreg:$0x2];
	s4 =	srdreg.scid  }
0x4: {  	s1 =	stileid.u32;
	s3 =	simm.s32 $0x0;
	s16 =	simm.s32 $0x100  }
0x5: {  	s17 =	simm.s32 $0x6600;
	s18 =	simm.s32 $0x1;
	s19 =	simm.s32 $0x2  }
0x6: {  	s20 =	simm.s32 $0x3;
	s21 =	simm.s32 $0x4;
	s25 =	smul.u32 $0xFA00, s1  }
0x7: {  	s22 =	simm.s32 $0x0;
	s8 =	sand.u32 $0x1, s4;
	s14 =	smul.u32 $0xFA0, s1  }
0x8: {  	s23 =	sshll.u32 s1, $0x1;
	[smem:$0x7FF] =	sst s3;
	s29 =	smul.u32 $0x7D0, s8  }
0x9: {  	s4 =	sadd.s32 $0x11800, s5;
	s6 =	sor.u32 s8, s23;
	s15 =	smul.u32 $0x7D00, s8  }
0xa: {  	s12 =	sadd.s32 $0x66C800, s5;
	s7 =	ssub.s32 $0x2, s8;
	s9 =	smul.u32 $0x7D0, s6  }
0xb: {  	_ =	strace $0x80000053;
	s10 =	sshrl.u32 s7, $0x1;
	s11 =	smul.u32 $0x7D00, s6  }
0xc: {  	s24 =	ssub.s32 s7, s10;
	s10 =	sadd.s32 s25, s12;
	s14 =	sadd.s32 s29, s14  }
0xd: {  	s13 =	sadd.s32 $0xC8, s9;
	s5 =	smax.u32 s24, $0x1;
	s26 =	sshrl.u32 s9, $0x3  }
0xe: {  	s8 =	sadd.s32 s12, s11;
	s10 =	sadd.s32 s15, s10;
	s31 =	sadd.s32 $0x258, s14  }
0xf: {  	s15 =	simm.s32 $0x200;
	s28 =	sshrl.u32 s13, $0x3;
	s6 =	sadd.s32 s4, s26  }
0x10: {  	s30 =	sshll.u32 s13, $0x4;
	s10 =	sadd.s32 $0x2580, s10;
	s11 =	sshrl.u32 s31, $0x3  }
0x11: {  	s13 =	simm.s32 $0x5;
	s7 =	sadd.s32 s4, s28;
	s9 =	sadd.s32 s12, s30  }
0x12: {  	s11 =	sadd.s32 s11, s4;
	s12 =	sadd.s32 $0x190, s14;
	s14 =	simm.s32 $0xC8  }
.LBB2_1:
0x13: {  	[tilespmem:s3], [sflag:$0x5] =	stream.linear.gather [hbm4b:s6+s3], $0xC8, $0x38;
	[tilespmem:$0xCA00] =	vst v63  }
0x14: {  	_ =	swait.ge [sflag:s13], $0xC8  }
0x15: {  	[sflag:s13] =	ssyncset.done $0x0  }
0x16: {  	[sflag:s13] =	ssyncadd.s32 $0xFFFFFF38  }
0x17: {  	[tilespmem:s15], [sflag:$0x1] =	stream.indirect.gather [hbm4b:s2+s14], $0x80, s3, s14, $0xb8;
	[tilespmem:$0xCA00] =	vst v63  }
0x18: {  	_ = 	snop  }
0x19: {  	[tilespmem:s16], [sflag:$0x5] =	stream.linear.gather [hbm4b:s7+s3], $0xC8, $0x38;
	[tilespmem:$0xCA00] =	vst v63  }
0x1a: {  	_ =	swait.ge [sflag:s13], $0xC8  }
0x1b: {  	[sflag:s13] =	ssyncset.done $0x0  }
0x1c: {  	[sflag:s13] =	ssyncadd.s32 $0xFFFFFF38  }
0x1d: {  	[tilespmem:s17], [sflag:$0x2] =	stream.indirect.gather [hbm4b:s2+s14], $0x80, s16, s14, $0xb8;
	[tilespmem:$0xCA00] =	vst v63  }
0x1e: {  	_ =	swait.ge [sflag:s18], $0x6400  }
0x1f: {  	[sflag:s18] =	ssyncset.done $0x0  }
0x20: {  	[sflag:s18] =	ssyncadd.s32 $0xFFFF9C00  }
0x21: {  	[hbm4b:s8+s3] =	stream.linear.scatter [tilespmem:s15], [sflag:$0x3], $0x6400, $0x38;
	[tilespmem:$0xCA00] =	vst v63  }
0x22: {  	_ =	swait.ge [sflag:s19], $0x6400  }
0x23: {  	[sflag:s19] =	ssyncset.done $0x0  }
0x24: {  	[sflag:s19] =	ssyncadd.s32 $0xFFFF9C00  }
0x25: {  	[hbm4b:s9+s3] =	stream.linear.scatter [tilespmem:s17], [sflag:$0x4], $0x6400, $0x38;
	[tilespmem:$0xCA00] =	vst v63  }
0x26: {  	_ =	swait.ge [sflag:s20], $0x6400  }
0x27: {  	[sflag:s20] =	ssyncset.done $0x0  }
0x28: {  	[sflag:s20] =	ssyncadd.s32 $0xFFFF9C00  }
0x29: {  	_ =	swait.ge [sflag:s21], $0x6400  }
0x2a: {  	s23 =	sshrl.u32 s12, $0x3;
	[sflag:s21] =	ssyncset.done $0x0  }
0x2b: {  	s23 =	sadd.s32 s4, s23;
	[sflag:s21] =	ssyncadd.s32 $0xFFFF9C00  }
0x2c: {  	[tilespmem:s3], [sflag:$0x5] =	stream.linear.gather [hbm4b:s23+s3], $0xC8, $0x38;
	[tilespmem:$0xCA00] =	vst v63  }
0x2d: {  	_ =	swait.ge [sflag:s13], $0xC8  }
0x2e: {  	[sflag:s13] =	ssyncset.done $0x0  }
0x2f: {  	[sflag:s13] =	ssyncadd.s32 $0xFFFFFF38  }
0x30: {  	[tilespmem:s15], [sflag:$0x1] =	stream.indirect.gather [hbm4b:s2+s14], $0x80, s3, s14, $0xb8;
	[tilespmem:$0xCA00] =	vst v63  }
0x31: {  	s30 =	sadd.s32 $0x0, s11  }
0x32: {  	[tilespmem:s16], [sflag:$0x5] =	stream.linear.gather [hbm4b:s30+s3], $0xC8, $0x38;
	[tilespmem:$0xCA00] =	vst v63  }
0x33: {  	_ =	swait.ge [sflag:s13], $0xC8  }
0x34: {  	[sflag:s13] =	ssyncset.done $0x0  }
0x35: {  	[sflag:s13] =	ssyncadd.s32 $0xFFFFFF38  }
0x36: {  	[tilespmem:s17], [sflag:$0x2] =	stream.indirect.gather [hbm4b:s2+s14], $0x80, s16, s14, $0xb8;
	[tilespmem:$0xCA00] =	vst v63  }
0x37: {  	_ =	swait.ge [sflag:s18], $0x6400  }
0x38: {  	[sflag:s18] =	ssyncset.done $0x0  }
0x39: {  	s31 =	sadd.s32 $0xFFFFF380, s10;
	[sflag:s18] =	ssyncadd.s32 $0xFFFF9C00  }
0x3a: {  	[hbm4b:s31+s3] =	stream.linear.scatter [tilespmem:s15], [sflag:$0x3], $0x6400, $0x38;
	[tilespmem:$0xCA00] =	vst v63  }
0x3b: {  	_ =	swait.ge [sflag:s19], $0x6400  }
0x3c: {  	s24 =	sadd.s32 $0x1900, s10;
	s25 =	sadd.s32 $0x190, s12;
	[sflag:s19] =	ssyncset.done $0x0  }
0x3d: {  	s26 =	smov.u32 s10;
	s23 =	simm.s32 $0x32;
	[sflag:s19] =	ssyncadd.s32 $0xFFFF9C00  }
.LBB2_2:
0x3e: {  	[hbm4b:s26+s3] =	stream.linear.scatter [tilespmem:s17], [sflag:$0x4], $0x6400, $0x38;
	[tilespmem:$0xCA00] =	vst v63  }
0x3f: {  	s28 =	smov.u32 s23;
	s26 =	smov.u32 s24  }
0x40: {  	p0 =	sne.s32 s23, $0x96;
	s23 =	sadd.s32 $0x32, s23;
	_ =	swait.ge [sflag:s20], $0x6400  }
0x41: {  	[sflag:s20] =	ssyncset.done $0x0  }
0x42: {  	[sflag:s20] =	ssyncadd.s32 $0xFFFF9C00  }
0x43: {  	_ =	swait.ge [sflag:s21], $0x6400  }
0x44: {  	s29 =	sshrl.u32 s25, $0x3;
	[sflag:s21] =	ssyncset.done $0x0  }
0x45: {  	s29 =	sadd.s32 s4, s29;
	[sflag:s21] =	ssyncadd.s32 $0xFFFF9C00  }
0x46: {  	[tilespmem:s3], [sflag:$0x5] =	stream.linear.gather [hbm4b:s29+s3], $0xC8, $0x38;
	[tilespmem:$0xCA00] =	vst v63  }
0x47: {  	_ =	swait.ge [sflag:s13], $0xC8  }
0x48: {  	[sflag:s13] =	ssyncset.done $0x0  }
0x49: {  	[sflag:s13] =	ssyncadd.s32 $0xFFFFFF38  }
0x4a: {  	[tilespmem:s15], [sflag:$0x1] =	stream.indirect.gather [hbm4b:s2+s14], $0x80, s3, s14, $0xb8;
	[tilespmem:$0xCA00] =	vst v63  }
0x4b: {  	s28 =	sadd.s32 s28, s11  }
0x4c: {  	[tilespmem:s16], [sflag:$0x5] =	stream.linear.gather [hbm4b:s28+s3], $0xC8, $0x38;
	[tilespmem:$0xCA00] =	vst v63  }
0x4d: {  	_ =	swait.ge [sflag:s13], $0xC8  }
0x4e: {  	[sflag:s13] =	ssyncset.done $0x0  }
0x4f: {  	[sflag:s13] =	ssyncadd.s32 $0xFFFFFF38  }
0x50: {  	[tilespmem:s17], [sflag:$0x2] =	stream.indirect.gather [hbm4b:s2+s14], $0x80, s16, s14, $0xb8;
	[tilespmem:$0xCA00] =	vst v63  }
0x51: {  	_ =	swait.ge [sflag:s18], $0x6400  }
0x52: {  	[sflag:s18] =	ssyncset.done $0x0  }
.Ltmp0:
0x53: {  	s28 =	sadd.s32 $0xFFFFF380, s24;
	[sflag:s18] =	ssyncadd.s32 $0xFFFF9C00;
	(pc) =	sbr.rel @p0 .LBB2_2-.Ltmp0, $4  }
0x54: {  	[hbm4b:s28+s3] =	stream.linear.scatter [tilespmem:s15], [sflag:$0x3], $0x6400, $0x38;
	[tilespmem:$0xCA00] =	vst v63  }
0x55: {  	_ =	swait.ge [sflag:s19], $0x6400  }
0x56: {  	[sflag:s19] =	ssyncset.done $0x0  }
0x57: {  	s25 =	sadd.s32 $0x190, s25;
	s24 =	sadd.s32 $0x1900, s24;
	[sflag:s19] =	ssyncadd.s32 $0xFFFF9C00  }
0x58: {  	[hbm4b:s26+s3] =	stream.linear.scatter [tilespmem:s17], [sflag:$0x4], $0x6400, $0x38;
	[tilespmem:$0xCA00] =	vst v63  }
0x59: {  	s22 =	sadd.s32 $0x1, s22  }
0x5a: {  	_ =	swait.ge [sflag:s20], $0x6400;
	p0 =	sne.s32 s22, s5  }
.Ltmp1:
0x5b: {  	[sflag:s20] =	ssyncset.done $0x0;
	(pc) =	sbr.rel @p0 .LBB2_1-.Ltmp1, $4  }
0x5c: {  	[sflag:s20] =	ssyncadd.s32 $0xFFFF9C00  }
0x5d: {  	_ =	swait.ge [sflag:s21], $0x6400  }
0x5e: {  	[sflag:s21] =	ssyncset.done $0x0  }
0x5f: {  	[sflag:s21] =	ssyncadd.s32 $0xFFFF9C00  }
0x60: {  	_ =	sfence.sel $0x180000  }
0x61: {  	[bflag:$0x0] =	sbarrier.arrive $0xFFFF  }
0x62: {  	p0 =	sne.s32 s1, $0x0;
	_ =	strace $0x90000053  }
0x63: {  	s0 =	sadd.s32 @!p0 $0x100000, s0;
	[bflag:$0x2] =	sbarrier.arrive $0xFFFF  }
0x64: {  	[sflag:s0] =	ssyncadd.tile.s32 @!p0 $0x1;
	_ =	shalt  }
.Lfunc_end2:
_tile_overlayer_lowered:
.L_overlay_start_2:
0x65: {  	(tag) =	ssettag $0x2  }
0x66: {  	s0 =	rddreg [dreg:$0x0];
	s2 =	stileid.u32  }
0x67: {  	s1 =	rddreg [dreg:$0x1];
	p0 =	sne.s32 s2, $0x0  }
0x68: {  	s3 =	rddreg [dreg:$0x2];
	[bflag:$0x3] =	sbarrier.arrive $0xFFFF;
	s2 =	simm.s32 @!p0 $0x1C05  }
0x69: {  	[timem:s3], [sflag:s2] =	dma.local @!p0 [hbm:s0], s1  }
0x6a: {  	s0 =	simm.s32 @!p0 $0x5  }
0x6b: {  	_ =	swait.ge @!p0 [sflag:s0], s1  }
0x6c: {  	s1 =	ssub.s32 @!p0 $0x0, s1;
	[sflag:s0] =	ssyncset.done @!p0 $0x0  }
0x6d: {  	[sflag:s0] =	ssyncadd.s32 @!p0 s1  }
0x6e: {  	[bflag:$0x3] =	sbarrier.arrive $0xFFFF  }
0x6f: {  	_ =	shalt  }

// kernel: kernel.38.cloned.1.call-start
scs
__scs_entry_jumppad:
0x0: {  	(pc) =	sbr.rel $0x88, $3  }
0x1: {  	(tag) =	ssettag $0x0;
	lr =	simm.s32 $0x1  }
0x2: {  	[smem:$0x3F90] =	sst lr;
	_ =	strace $0xD0000000  }
0x3: {  	_ = 	snop  }
0x4: {  	_ = 	snop  }
0x5: {  	_ = 	snop  }
0x6: {  	_ = 	snop  }
0x7: {  	_ = 	snop  }
__scs_overlays_trampoline_lowered:
0x8: {  	[smem:$0x3F9F] =	sst s0  }
0x9: {  	[smem:$0x3FA0] =	sst s1  }
0xa: {  	[smem:$0x3FA1] =	sst s2  }
0xb: {  	[smem:$0x3FA2] =	sst s3  }
0xc: {  	[smem:$0x3FA3] =	sst s4  }
0xd: {  	[smem:$0x3FA4] =	sst s5  }
0xe: {  	[smem:$0x3FA5] =	sst s6  }
0xf: {  	[smem:$0x3FA6] =	sst s7  }
0x10: {  	[smem:$0x3FA7] =	sst s8  }
0x11: {  	[smem:$0x3FA8] =	sst s9;
	s0 =	simm.s32 @!p0 $0x0  }
0x12: {  	s1 =	sld [smem:$0x3F8E];
	s0 =	simm.s32 @p0 $0x1  }
0x13: {  	[smem:$0x3FA9] =	sst s0;
	s0 =	simm.s32 @!p1 $0x0  }
0x14: {  	s2 =	sld [smem:$0x3F8D];
	s0 =	simm.s32 @p1 $0x1  }
0x15: {  	[smem:$0x3FAA] =	sst s0;
	s0 =	simm.s32 @!p2 $0x0  }
0x16: {  	s3 =	sld [smem:$0x3FDB];
	s0 =	simm.s32 @p2 $0x1  }
0x17: {  	s4 =	simm.s32 $0x1BF5;
	[smem:$0x3FAC] =	sst s0  }
0x18: {  	s0 =	sld [smem:$0x3F8F];
	_ =	swait.ge [sflag:s4], $0x0  }
0x19: {  	s7 =	sld [smem:$0x3F90]  }
0x1a: {  	s8 =	sadd.s32 $0xFFFFE003, lr  }
0x1b: {  	s9 =	sadd.s32 $0xFFFFFEF7, lr;
	s5 =	simm.s32 $0xFFFFFFFF;
	p2 =	slt.u32 s8, $0xFFFFF086  }
0x1c: {  	p1 =	slt.u32 s9, $0xF7A;
	s5 =	simm.s32 @!p2 $0x0  }
0x1d: {  	s5 =	simm.s32 @p1 $0x1;
	p0 =	seq.s32 s7, s2  }
0x1e: {  	s7 =	smul.u32 @!p0 $0xF7A, s2;
	p2 =	seq.s32 @!p0 s5, $0x0  }
0x1f: {  	s9 =	smul.u32 $0xF7A, s1;
	s8 =	simm.s32 @!p0 $0x1BF5;
	p2 =	por !p2, p0  }
0x20: {  	[sflag:s8] =	ssyncset.s32 @!p0 $0xFFFFF086;
	s6 =	sadd.s32 @!p0 s3, s7;
	s7 =	simm.s32 @!p0 $0x108  }
0x21: {  	s3 =	sadd.s32 s3, s9;
	s6 =	sadd.s32 @!p0 $0x88, s6;
	s7 =	simm.s32 @p2 $0x1082  }
0x22: {  	[simem:s7], [sflag:s8] =	dma.local @!p0 [hbm:s6], $0xF7A  }
0x23: {  	s9 =	sor.u32 $0xD0000000, s2;
	s6 =	simm.s32 $0x108;
	_ =	swait.ge @!p0 [sflag:s8], $0x0  }
0x24: {  	s3 =	sadd.s32 $0x88, s3;
	s6 =	simm.s32 @!p1 $0x1082;
	[sflag:s4] =	ssyncset.s32 $0xFFFFF086  }
0x25: {  	[simem:s6], [sflag:s4] =	dma.local [hbm:s3], $0xF7A  }
0x26: {  	[smem:$0x3F90] =	sst s1;
	(tag) =	ssettag s2;
	_ =	strace s9  }
0x27: {  	s1 =	sld [smem:$0x3FA0]  }
0x28: {  	s2 =	sld [smem:$0x3FA1]  }
0x29: {  	s4 =	sld [smem:$0x3FA3]  }
0x2a: {  	p0 =	seq.s32 s5, $0x0;
	s5 =	sld [smem:$0x3FA4]  }
0x2b: {  	s6 =	sld [smem:$0x3FA5]  }
0x2c: {  	s7 =	sld [smem:$0x3FA6]  }
0x2d: {  	s3 =	simm.s32 $0x108;
	s8 =	sld [smem:$0x3FA7]  }
0x2e: {  	s3 =	simm.s32 @!p0 $0x1082;
	s9 =	sld [smem:$0x3FA8]  }
0x2f: {  	lr =	sadd.s32 s0, s3;
	s0 =	sld [smem:$0x3F9F]  }
0x30: {  	s3 =	sld [smem:$0x3FA2]  }
0x31: {  	[smem:$0x3FAB] =	sst s10  }
0x32: {  	s10 =	sld [smem:$0x3FA9];
	_ =	sdelay $0x3  }
0x33: {  	p0 =	seq.s32 s10, $0x1;
	s10 =	sld [smem:$0x3FAB];
	_ =	sdelay $0x3  }
0x34: {  	[smem:$0x3FAB] =	sst s10  }
0x35: {  	s10 =	sld [smem:$0x3FAA];
	_ =	sdelay $0x3  }
0x36: {  	p1 =	seq.s32 s10, $0x1;
	s10 =	sld [smem:$0x3FAB];
	_ =	sdelay $0x3  }
0x37: {  	[smem:$0x3FAB] =	sst s10  }
0x38: {  	s10 =	sld [smem:$0x3FAC]  }
0x39: {  	_ = 	snop;
	(pc) =	sbr.ind lr, $3  }
0x3a: {  	_ = 	snop  }
0x3b: {  	_ = 	snop  }
0x3c: {  	p2 =	seq.s32 s10, $0x1;
	s10 =	sld [smem:$0x3FAB]  }
0x3d: {  	_ =	shalt  }
0x3e: {  	_ =	shalt  }
0x3f: {  	_ =	shalt  }
0x40: {  	_ =	shalt  }
0x41: {  	_ =	shalt  }
0x42: {  	_ =	shalt  }
0x43: {  	_ =	shalt  }
0x44: {  	_ =	shalt  }
0x45: {  	_ =	shalt  }
0x46: {  	_ =	shalt  }
0x47: {  	_ =	shalt  }
0x48: {  	_ =	shalt  }
0x49: {  	_ =	shalt  }
0x4a: {  	_ =	shalt  }
0x4b: {  	_ =	shalt  }
0x4c: {  	_ =	shalt  }
0x4d: {  	_ =	shalt  }
0x4e: {  	_ =	shalt  }
0x4f: {  	_ =	shalt  }
0x50: {  	_ =	shalt  }
0x51: {  	_ =	shalt  }
0x52: {  	_ =	shalt  }
0x53: {  	_ =	shalt  }
0x54: {  	_ =	shalt  }
0x55: {  	_ =	shalt  }
0x56: {  	_ =	shalt  }
0x57: {  	_ =	shalt  }
0x58: {  	_ =	shalt  }
0x59: {  	_ =	shalt  }
0x5a: {  	_ =	shalt  }
0x5b: {  	_ =	shalt  }
0x5c: {  	_ =	shalt  }
0x5d: {  	_ =	shalt  }
0x5e: {  	_ =	shalt  }
0x5f: {  	_ =	shalt  }
0x60: {  	_ =	shalt  }
0x61: {  	_ =	shalt  }
0x62: {  	_ =	shalt  }
0x63: {  	_ =	shalt  }
0x64: {  	_ =	shalt  }
0x65: {  	_ =	shalt  }
0x66: {  	_ =	shalt  }
0x67: {  	_ =	shalt  }
0x68: {  	_ =	shalt  }
0x69: {  	_ =	shalt  }
0x6a: {  	_ =	shalt  }
0x6b: {  	_ =	shalt  }
0x6c: {  	_ =	shalt  }
0x6d: {  	_ =	shalt  }
0x6e: {  	_ =	shalt  }
0x6f: {  	_ =	shalt  }
0x70: {  	_ =	shalt  }
0x71: {  	_ =	shalt  }
0x72: {  	_ =	shalt  }
0x73: {  	_ =	shalt  }
0x74: {  	_ =	shalt  }
0x75: {  	_ =	shalt  }
0x76: {  	_ =	shalt  }
0x77: {  	_ =	shalt  }
0x78: {  	_ =	shalt  }
0x79: {  	_ =	shalt  }
0x7a: {  	_ =	shalt  }
0x7b: {  	_ =	shalt  }
0x7c: {  	_ =	shalt  }
0x7d: {  	_ =	shalt  }
0x7e: {  	_ =	shalt  }
0x7f: {  	_ =	shalt  }
0x80: {  	_ =	shalt  }
0x81: {  	_ =	shalt  }
0x82: {  	_ =	shalt  }
0x83: {  	_ =	shalt  }
0x84: {  	_ =	shalt  }
0x85: {  	_ =	shalt  }
0x86: {  	_ =	shalt  }
0x87: {  	_ =	shalt  }
.Lfunc_end0:
.L_simem_size_0:
called_computation.5_lowered:
.L_overlay_start_0:
0x88: {  	s2 =	sld [smem:$0x3FD9]  }
0x89: {  	s3 =	sld [smem:$0x3FFE];
	_ =	sdelay $0x1  }
0x8a: {  	s1 =	srdreg.scid  }
0x8b: {  	s0 =	sand.u32 $0x1, s1  }
0x8c: {  	s17 =	sshll.u32 s0, $0xA;
	s2 =	sadd.s32 s3, s2  }
0x8d: {  	s2 =	sadd.s32 s2, s17  }
0x8e: {  	[smem:$0x3FB7] =	sst s2  }
0x8f: {  	_ = 	snop  }
0x90: {  	(tm) =	ssettm $0x1  }
0x91: {  	s18 =	sld [smem:$0x3FFB];
	_ =	sdelay $0x3  }
0x92: {  	_ =	strace s18  }
0x93: {  	s2 =	sld [smem:$0x3FFC];
	_ =	sdelay $0x3  }
0x94: {  	_ =	strace s2  }
0x95: {  	s2 =	sld [smem:$0x3FFD];
	_ =	sdelay $0x3  }
0x96: {  	_ =	strace s2  }
0x97: {  	_ =	strace $0x8FFFFFFF  }
0x98: {  	s19 =	sld [smem:$0x3FDB];
	_ =	sdelay $0x1  }
0x99: {  	s20 =	simm.s32 $_scs_section_size  }
0x9a: {  	s4 =	simm.s32 $_size__tile_overlayer_lowered;
	s5 =	simm.s32 $_tile_overlayer_lowered  }
0x9b: {  	s6 =	simm.s32 $0x1BFF;
	s21 =	sshll.u32 s5, $0x1;
	s3 =	sadd.s32 s20, s19  }
0x9c: {  	s22 =	simm.s32 $0x0;
	s4 =	sshll.u32 s4, $0x1;
	s5 =	sadd.s32 s21, s3  }
0x9d: {  	[timem:s22], [sflag:s6] =	dma.local [hbm:s5], s4  }
0x9e: {  	_ =	swait.ge [sflag:s6], s4  }
0x9f: {  	s4 =	ssub.s32 $0x0, s4;
	[sflag:s6] =	ssyncset.done $0x0  }
0xa0: {  	[sflag:s6] =	ssyncadd.s32 s4;
	_ =	sdelay $0x1  }
0xa1: {  	s23 =	simm.s32 $0x1B8B  }
0xa2: {  	_ =	swait.ge [sflag:s23], $0x1  }
0xa3: {  	[sflag:s23] =	ssyncset.done $0x0  }
0xa4: {  	[sflag:s23] =	ssyncadd.s32 $0xFFFFFFFF  }
0xa5: {  	s4 =	sld [smem:$0x0]  }
0xa6: {  	s5 =	sand.u32 $0xFFFFFFFE, s1  }
0xa7: {  	p0 =	sne.s32 s1, s5  }
0xa8: {  	s5 =	sshll.u32 @p0 s5, $0xE  }
0xa9: {  	s5 =	sadd.s32 @p0 $0x11B8D, s5;
	s6 =	sshll.u32 @p0 s4, $0x11  }
0xaa: {  	s5 =	sor.u32 @p0 s6, s5  }
0xab: {  	[sflag:s5] =	ssyncadd.remote.s32 @p0 $0x1;
	_ =	sdelay $0x1  }
0xac: {  	s5 =	simm.s32 @p0 $0x1B8D  }
0xad: {  	_ =	swait.eq @p0 [sflag:s5], $0x1  }
0xae: {  	[sflag:s5] =	ssyncadd.s32 @p0 $0xFFFFFFFF  }
0xaf: {  	s6 =	sshll.u32 @!p0 s1, $0xE  }
0xb0: {  	s6 =	sor.u32 @!p0 $0x4000, s6;
	s5 =	simm.s32 @!p0 $0x1B8D  }
0xb1: {  	s4 =	sshll.u32 @!p0 s4, $0x11;
	s6 =	sadd.s32 @!p0 $0x11B8D, s6;
	_ =	swait.eq @!p0 [sflag:s5], $0x1  }
0xb2: {  	s4 =	sor.u32 @!p0 s4, s6;
	[sflag:s5] =	ssyncadd.s32 @!p0 $0xFFFFFFFF  }
0xb3: {  	s25 =	simm.s32 $0x1B8E;
	s24 =	sld [smem:$0x3FFE];
	[sflag:s4] =	ssyncadd.remote.s32 @!p0 $0x1  }
0xb4: {  	s26 =	simm.s32 $execute0_lowered;
	[smem:$0x3FD2] =	sst s25  }
0xb5: {  	s5 =	sshll.u32 s26, $0x1;
	_ =	strace $0x8000005E;
	[dreg:$0x1] =	wrdreg $0xFFFFFFFF  }
0xb6: {  	s28 =	simm.s32 $_size_execute0_lowered;
	s3 =	sadd.s32 s3, s5;
	[dreg:$0x0] =	wrdreg $0x0  }
0xb7: {  	s5 =	sshll.u32 s28, $0x1;
	[dreg:$0x2] =	wrdreg s3  }
0xb8: {  	[dreg:$0x3] =	wrdreg s5  }
0xb9: {  	[dreg:$0x4] =	wrdreg $0xC0  }
0xba: {  	_ =	task [dreg:s22], $0x5FFFF  }
0xbb: {  	[dreg:$0x1] =	wrdreg $0xFFFFFFFF  }
0xbc: {  	[dreg:$0x0] =	wrdreg $0x60  }
0xbd: {  	[dreg:$0x2] =	wrdreg s24  }
0xbe: {  	[dreg:$0x3] =	wrdreg $0x9  }
0xbf: {  	_ =	task.clear_ibuf [dreg:s22], $0x4FFFF;
	_ =	strace $0x9000005E  }
0xc0: {  	s29 =	simm.s32 $0x9;
	_ =	strace $0x80000060  }
0xc1: {  	_ =	swait.ge [sflag:s29], $0x1  }
0xc2: {  	[sflag:s29] =	ssyncadd.s32 $0xFFFFFFFF  }
0xc3: {  	_ =	strace $0x90000060  }
0xc4: {  	_ =	sfence  }
0xc5: {  	s30 =	sld [smem:$0x0];
	_ =	sdelay $0x2  }
0xc6: {  	s31 =	sshll.u32 s1, $0xD;
	s1 =	sshrl.u32 s1, $0x2  }
0xc7: {  	s4 =	sand.u32 $0x4000, s31;
	s1 =	sadd.s32 s1, s30  }
0xc8: {  	s0 =	sor.u32 s4, s0;
	s1 =	sshll.u32 s1, $0x11  }
0xc9: {  	s0 =	sor.u32 s1, s0  }
0xca: {  	s0 =	sadd.s32 $0x8F2B, s0  }
0xcb: {  	[sflag:s0] =	ssyncadd.remote.s32 $0x1  }
0xcc: {  	_ =	sfence.sel $0xFFFF  }
0xcd: {  	[dreg:$0x0] =	wrdreg $0xFFFFFFFF;
	(pc) =	sbr.abs _section_cstart, $3  }
0xce: {  	[dreg:$0x1] =	wrdreg $0xFFFFFFFF  }
0xcf: {  	_ =	task.clear_ibuf [dreg:s22], $0x2FFFF;
	_ =	strace $0x9FFFFFFF  }
0xd0: {  	(tm) =	ssettm $0x7FFFFFFF  }
0xd1: {  	_ =	shalt  }
tec
execute0_lowered:
.L_overlay_start_1:
0x0: {  	(tag) =	ssettag $0x1  }
0x1: {  	s5 =	rddreg [dreg:$0x0]  }
0x2: {  	s0 =	rddreg [dreg:$0x1];
	s2 =	simm.s32 $0x0;
	s3 =	srdreg.scid  }
0x3: {  	s1 =	stileid.u32;
	s16 =	simm.s32 $0x100;
	s17 =	simm.s32 $0x6600  }
0x4: {  	s18 =	simm.s32 $0x1;
	s19 =	simm.s32 $0x2;
	s20 =	simm.s32 $0x3  }
0x5: {  	s21 =	simm.s32 $0x4;
	s22 =	simm.s32 $0x0;
	s25 =	smul.u32 $0xFA00, s1  }
0x6: {  	[smem:$0x7FF] =	sst s2;
	s8 =	sand.u32 $0x1, s3;
	s14 =	smul.u32 $0xFA0, s1  }
0x7: {  	s23 =	sshll.u32 s1, $0x1;
	s3 =	sadd.s32 $0x51CE00, s5;
	s29 =	smul.u32 $0x7D0, s8  }
0x8: {  	s4 =	sadd.s32 $0xF800, s5;
	s6 =	sor.u32 s8, s23;
	s15 =	smul.u32 $0x7D00, s8  }
0x9: {  	s12 =	sadd.s32 $0x832000, s5;
	s7 =	ssub.s32 $0x2, s8;
	s9 =	smul.u32 $0x7D0, s6  }
0xa: {  	_ =	strace $0x8000005F;
	s10 =	sshrl.u32 s7, $0x1;
	s11 =	smul.u32 $0x7D00, s6  }
0xb: {  	s24 =	ssub.s32 s7, s10;
	s10 =	sadd.s32 s25, s12;
	s14 =	sadd.s32 s29, s14  }
0xc: {  	s13 =	sadd.s32 $0xC8, s9;
	s5 =	smax.u32 s24, $0x1;
	s26 =	sshrl.u32 s9, $0x3  }
0xd: {  	s8 =	sadd.s32 s12, s11;
	s10 =	sadd.s32 s15, s10;
	s31 =	sadd.s32 $0x258, s14  }
0xe: {  	s15 =	simm.s32 $0x200;
	s28 =	sshrl.u32 s13, $0x3;
	s6 =	sadd.s32 s4, s26  }
0xf: {  	s30 =	sshll.u32 s13, $0x4;
	s10 =	sadd.s32 $0x2580, s10;
	s11 =	sshrl.u32 s31, $0x3  }
0x10: {  	s13 =	simm.s32 $0x5;
	s7 =	sadd.s32 s4, s28;
	s9 =	sadd.s32 s12, s30  }
0x11: {  	s11 =	sadd.s32 s11, s4;
	s12 =	sadd.s32 $0x190, s14;
	s14 =	simm.s32 $0xC8  }
.LBB2_1:
0x12: {  	[tilespmem:s2], [sflag:$0x5] =	stream.linear.gather [hbm4b:s6+s2], $0xC8, $0x38;
	[tilespmem:$0xCA00] =	vst v63  }
0x13: {  	_ =	swait.ge [sflag:s13], $0xC8  }
0x14: {  	[sflag:s13] =	ssyncset.done $0x0  }
0x15: {  	[sflag:s13] =	ssyncadd.s32 $0xFFFFFF38  }
0x16: {  	[tilespmem:s15], [sflag:$0x1] =	stream.indirect.gather [hbm4b:s3+s14], $0x80, s2, s14, $0xb8;
	[tilespmem:$0xCA00] =	vst v63  }
0x17: {  	_ = 	snop  }
0x18: {  	[tilespmem:s16], [sflag:$0x5] =	stream.linear.gather [hbm4b:s7+s2], $0xC8, $0x38;
	[tilespmem:$0xCA00] =	vst v63  }
0x19: {  	_ =	swait.ge [sflag:s13], $0xC8  }
0x1a: {  	[sflag:s13] =	ssyncset.done $0x0  }
0x1b: {  	[sflag:s13] =	ssyncadd.s32 $0xFFFFFF38  }
0x1c: {  	[tilespmem:s17], [sflag:$0x2] =	stream.indirect.gather [hbm4b:s3+s14], $0x80, s16, s14, $0xb8;
	[tilespmem:$0xCA00] =	vst v63  }
0x1d: {  	_ =	swait.ge [sflag:s18], $0x6400  }
0x1e: {  	[sflag:s18] =	ssyncset.done $0x0  }
0x1f: {  	[sflag:s18] =	ssyncadd.s32 $0xFFFF9C00  }
0x20: {  	[hbm4b:s8+s2] =	stream.linear.scatter [tilespmem:s15], [sflag:$0x3], $0x6400, $0x38;
	[tilespmem:$0xCA00] =	vst v63  }
0x21: {  	_ =	swait.ge [sflag:s19], $0x6400  }
0x22: {  	[sflag:s19] =	ssyncset.done $0x0  }
0x23: {  	[sflag:s19] =	ssyncadd.s32 $0xFFFF9C00  }
0x24: {  	[hbm4b:s9+s2] =	stream.linear.scatter [tilespmem:s17], [sflag:$0x4], $0x6400, $0x38;
	[tilespmem:$0xCA00] =	vst v63  }
0x25: {  	_ =	swait.ge [sflag:s20], $0x6400  }
0x26: {  	[sflag:s20] =	ssyncset.done $0x0  }
0x27: {  	[sflag:s20] =	ssyncadd.s32 $0xFFFF9C00  }
0x28: {  	_ =	swait.ge [sflag:s21], $0x6400  }
0x29: {  	s23 =	sshrl.u32 s12, $0x3;
	[sflag:s21] =	ssyncset.done $0x0  }
0x2a: {  	s23 =	sadd.s32 s4, s23;
	[sflag:s21] =	ssyncadd.s32 $0xFFFF9C00  }
0x2b: {  	[tilespmem:s2], [sflag:$0x5] =	stream.linear.gather [hbm4b:s23+s2], $0xC8, $0x38;
	[tilespmem:$0xCA00] =	vst v63  }
0x2c: {  	_ =	swait.ge [sflag:s13], $0xC8  }
0x2d: {  	[sflag:s13] =	ssyncset.done $0x0  }
0x2e: {  	[sflag:s13] =	ssyncadd.s32 $0xFFFFFF38  }
0x2f: {  	[tilespmem:s15], [sflag:$0x1] =	stream.indirect.gather [hbm4b:s3+s14], $0x80, s2, s14, $0xb8;
	[tilespmem:$0xCA00] =	vst v63  }
0x30: {  	s30 =	sadd.s32 $0x0, s11  }
0x31: {  	[tilespmem:s16], [sflag:$0x5] =	stream.linear.gather [hbm4b:s30+s2], $0xC8, $0x38;
	[tilespmem:$0xCA00] =	vst v63  }
0x32: {  	_ =	swait.ge [sflag:s13], $0xC8  }
0x33: {  	[sflag:s13] =	ssyncset.done $0x0  }
0x34: {  	[sflag:s13] =	ssyncadd.s32 $0xFFFFFF38  }
0x35: {  	[tilespmem:s17], [sflag:$0x2] =	stream.indirect.gather [hbm4b:s3+s14], $0x80, s16, s14, $0xb8;
	[tilespmem:$0xCA00] =	vst v63  }
0x36: {  	_ =	swait.ge [sflag:s18], $0x6400  }
0x37: {  	[sflag:s18] =	ssyncset.done $0x0  }
0x38: {  	s31 =	sadd.s32 $0xFFFFF380, s10;
	[sflag:s18] =	ssyncadd.s32 $0xFFFF9C00  }
0x39: {  	[hbm4b:s31+s2] =	stream.linear.scatter [tilespmem:s15], [sflag:$0x3], $0x6400, $0x38;
	[tilespmem:$0xCA00] =	vst v63  }
0x3a: {  	_ =	swait.ge [sflag:s19], $0x6400  }
0x3b: {  	s24 =	sadd.s32 $0x1900, s10;
	s25 =	sadd.s32 $0x190, s12;
	[sflag:s19] =	ssyncset.done $0x0  }
0x3c: {  	s26 =	smov.u32 s10;
	s23 =	simm.s32 $0x32;
	[sflag:s19] =	ssyncadd.s32 $0xFFFF9C00  }
.LBB2_2:
0x3d: {  	[hbm4b:s26+s2] =	stream.linear.scatter [tilespmem:s17], [sflag:$0x4], $0x6400, $0x38;
	[tilespmem:$0xCA00] =	vst v63  }
0x3e: {  	s28 =	smov.u32 s23;
	s26 =	smov.u32 s24  }
0x3f: {  	p0 =	sne.s32 s23, $0x96;
	s23 =	sadd.s32 $0x32, s23;
	_ =	swait.ge [sflag:s20], $0x6400  }
0x40: {  	[sflag:s20] =	ssyncset.done $0x0  }
0x41: {  	[sflag:s20] =	ssyncadd.s32 $0xFFFF9C00  }
0x42: {  	_ =	swait.ge [sflag:s21], $0x6400  }
0x43: {  	s29 =	sshrl.u32 s25, $0x3;
	[sflag:s21] =	ssyncset.done $0x0  }
0x44: {  	s29 =	sadd.s32 s4, s29;
	[sflag:s21] =	ssyncadd.s32 $0xFFFF9C00  }
0x45: {  	[tilespmem:s2], [sflag:$0x5] =	stream.linear.gather [hbm4b:s29+s2], $0xC8, $0x38;
	[tilespmem:$0xCA00] =	vst v63  }
0x46: {  	_ =	swait.ge [sflag:s13], $0xC8  }
0x47: {  	[sflag:s13] =	ssyncset.done $0x0  }
0x48: {  	[sflag:s13] =	ssyncadd.s32 $0xFFFFFF38  }
0x49: {  	[tilespmem:s15], [sflag:$0x1] =	stream.indirect.gather [hbm4b:s3+s14], $0x80, s2, s14, $0xb8;
	[tilespmem:$0xCA00] =	vst v63  }
0x4a: {  	s28 =	sadd.s32 s28, s11  }
0x4b: {  	[tilespmem:s16], [sflag:$0x5] =	stream.linear.gather [hbm4b:s28+s2], $0xC8, $0x38;
	[tilespmem:$0xCA00] =	vst v63  }
0x4c: {  	_ =	swait.ge [sflag:s13], $0xC8  }
0x4d: {  	[sflag:s13] =	ssyncset.done $0x0  }
0x4e: {  	[sflag:s13] =	ssyncadd.s32 $0xFFFFFF38  }
0x4f: {  	[tilespmem:s17], [sflag:$0x2] =	stream.indirect.gather [hbm4b:s3+s14], $0x80, s16, s14, $0xb8;
	[tilespmem:$0xCA00] =	vst v63  }
0x50: {  	_ =	swait.ge [sflag:s18], $0x6400  }
0x51: {  	[sflag:s18] =	ssyncset.done $0x0  }
.Ltmp0:
0x52: {  	s28 =	sadd.s32 $0xFFFFF380, s24;
	[sflag:s18] =	ssyncadd.s32 $0xFFFF9C00;
	(pc) =	sbr.rel @p0 .LBB2_2-.Ltmp0, $4  }
0x53: {  	[hbm4b:s28+s2] =	stream.linear.scatter [tilespmem:s15], [sflag:$0x3], $0x6400, $0x38;
	[tilespmem:$0xCA00] =	vst v63  }
0x54: {  	_ =	swait.ge [sflag:s19], $0x6400  }
0x55: {  	[sflag:s19] =	ssyncset.done $0x0  }
0x56: {  	s25 =	sadd.s32 $0x190, s25;
	s24 =	sadd.s32 $0x1900, s24;
	[sflag:s19] =	ssyncadd.s32 $0xFFFF9C00  }
0x57: {  	[hbm4b:s26+s2] =	stream.linear.scatter [tilespmem:s17], [sflag:$0x4], $0x6400, $0x38;
	[tilespmem:$0xCA00] =	vst v63  }
0x58: {  	s22 =	sadd.s32 $0x1, s22  }
0x59: {  	_ =	swait.ge [sflag:s20], $0x6400;
	p0 =	sne.s32 s22, s5  }
.Ltmp1:
0x5a: {  	[sflag:s20] =	ssyncset.done $0x0;
	(pc) =	sbr.rel @p0 .LBB2_1-.Ltmp1, $4  }
0x5b: {  	[sflag:s20] =	ssyncadd.s32 $0xFFFF9C00  }
0x5c: {  	_ =	swait.ge [sflag:s21], $0x6400  }
0x5d: {  	[sflag:s21] =	ssyncset.done $0x0  }
0x5e: {  	[sflag:s21] =	ssyncadd.s32 $0xFFFF9C00  }
0x5f: {  	_ =	sfence.sel $0x180000  }
0x60: {  	[bflag:$0x0] =	sbarrier.arrive $0xFFFF  }
0x61: {  	p0 =	sne.s32 s1, $0x0;
	_ =	strace $0x9000005F  }
0x62: {  	s0 =	sadd.s32 @!p0 $0x100000, s0;
	[bflag:$0x2] =	sbarrier.arrive $0xFFFF  }
0x63: {  	[sflag:s0] =	ssyncadd.tile.s32 @!p0 $0x1;
	_ =	shalt  }
.Lfunc_end2:
_tile_overlayer_lowered:
.L_overlay_start_2:
0x64: {  	(tag) =	ssettag $0x2  }
0x65: {  	s0 =	rddreg [dreg:$0x0];
	s2 =	stileid.u32  }
0x66: {  	s1 =	rddreg [dreg:$0x1];
	p0 =	sne.s32 s2, $0x0  }
0x67: {  	s3 =	rddreg [dreg:$0x2];
	[bflag:$0x3] =	sbarrier.arrive $0xFFFF;
	s2 =	simm.s32 @!p0 $0x1C05  }
0x68: {  	[timem:s3], [sflag:s2] =	dma.local @!p0 [hbm:s0], s1  }
0x69: {  	s0 =	simm.s32 @!p0 $0x5  }
0x6a: {  	_ =	swait.ge @!p0 [sflag:s0], s1  }
0x6b: {  	s1 =	ssub.s32 @!p0 $0x0, s1;
	[sflag:s0] =	ssyncset.done @!p0 $0x0  }
0x6c: {  	[sflag:s0] =	ssyncadd.s32 @!p0 s1  }
0x6d: {  	[bflag:$0x3] =	sbarrier.arrive $0xFFFF  }
0x6e: {  	_ =	shalt  }

// kernel: kernel.41.cloned.1.call-start
scs
__scs_entry_jumppad:
0x0: {  	(pc) =	sbr.rel $0x88, $3  }
0x1: {  	(tag) =	ssettag $0x0;
	lr =	simm.s32 $0x1  }
0x2: {  	[smem:$0x3F90] =	sst lr;
	_ =	strace $0xD0000000  }
0x3: {  	_ = 	snop  }
0x4: {  	_ = 	snop  }
0x5: {  	_ = 	snop  }
0x6: {  	_ = 	snop  }
0x7: {  	_ = 	snop  }
__scs_overlays_trampoline_lowered:
0x8: {  	[smem:$0x3F9F] =	sst s0  }
0x9: {  	[smem:$0x3FA0] =	sst s1  }
0xa: {  	[smem:$0x3FA1] =	sst s2  }
0xb: {  	[smem:$0x3FA2] =	sst s3  }
0xc: {  	[smem:$0x3FA3] =	sst s4  }
0xd: {  	[smem:$0x3FA4] =	sst s5  }
0xe: {  	[smem:$0x3FA5] =	sst s6  }
0xf: {  	[smem:$0x3FA6] =	sst s7  }
0x10: {  	[smem:$0x3FA7] =	sst s8  }
0x11: {  	[smem:$0x3FA8] =	sst s9;
	s0 =	simm.s32 @!p0 $0x0  }
0x12: {  	s1 =	sld [smem:$0x3F8E];
	s0 =	simm.s32 @p0 $0x1  }
0x13: {  	[smem:$0x3FA9] =	sst s0;
	s0 =	simm.s32 @!p1 $0x0  }
0x14: {  	s2 =	sld [smem:$0x3F8D];
	s0 =	simm.s32 @p1 $0x1  }
0x15: {  	[smem:$0x3FAA] =	sst s0;
	s0 =	simm.s32 @!p2 $0x0  }
0x16: {  	s3 =	sld [smem:$0x3FDB];
	s0 =	simm.s32 @p2 $0x1  }
0x17: {  	s4 =	simm.s32 $0x1BF5;
	[smem:$0x3FAC] =	sst s0  }
0x18: {  	s0 =	sld [smem:$0x3F8F];
	_ =	swait.ge [sflag:s4], $0x0  }
0x19: {  	s7 =	sld [smem:$0x3F90]  }
0x1a: {  	s8 =	sadd.s32 $0xFFFFE003, lr  }
0x1b: {  	s9 =	sadd.s32 $0xFFFFFEF7, lr;
	s5 =	simm.s32 $0xFFFFFFFF;
	p2 =	slt.u32 s8, $0xFFFFF086  }
0x1c: {  	p1 =	slt.u32 s9, $0xF7A;
	s5 =	simm.s32 @!p2 $0x0  }
0x1d: {  	s5 =	simm.s32 @p1 $0x1;
	p0 =	seq.s32 s7, s2  }
0x1e: {  	s7 =	smul.u32 @!p0 $0xF7A, s2;
	p2 =	seq.s32 @!p0 s5, $0x0  }
0x1f: {  	s9 =	smul.u32 $0xF7A, s1;
	s8 =	simm.s32 @!p0 $0x1BF5;
	p2 =	por !p2, p0  }
0x20: {  	[sflag:s8] =	ssyncset.s32 @!p0 $0xFFFFF086;
	s6 =	sadd.s32 @!p0 s3, s7;
	s7 =	simm.s32 @!p0 $0x108  }
0x21: {  	s3 =	sadd.s32 s3, s9;
	s6 =	sadd.s32 @!p0 $0x88, s6;
	s7 =	simm.s32 @p2 $0x1082  }
0x22: {  	[simem:s7], [sflag:s8] =	dma.local @!p0 [hbm:s6], $0xF7A  }
0x23: {  	s9 =	sor.u32 $0xD0000000, s2;
	s6 =	simm.s32 $0x108;
	_ =	swait.ge @!p0 [sflag:s8], $0x0  }
0x24: {  	s3 =	sadd.s32 $0x88, s3;
	s6 =	simm.s32 @!p1 $0x1082;
	[sflag:s4] =	ssyncset.s32 $0xFFFFF086  }
0x25: {  	[simem:s6], [sflag:s4] =	dma.local [hbm:s3], $0xF7A  }
0x26: {  	[smem:$0x3F90] =	sst s1;
	(tag) =	ssettag s2;
	_ =	strace s9  }
0x27: {  	s1 =	sld [smem:$0x3FA0]  }
0x28: {  	s2 =	sld [smem:$0x3FA1]  }
0x29: {  	s4 =	sld [smem:$0x3FA3]  }
0x2a: {  	p0 =	seq.s32 s5, $0x0;
	s5 =	sld [smem:$0x3FA4]  }
0x2b: {  	s6 =	sld [smem:$0x3FA5]  }
0x2c: {  	s7 =	sld [smem:$0x3FA6]  }
0x2d: {  	s3 =	simm.s32 $0x108;
	s8 =	sld [smem:$0x3FA7]  }
0x2e: {  	s3 =	simm.s32 @!p0 $0x1082;
	s9 =	sld [smem:$0x3FA8]  }
0x2f: {  	lr =	sadd.s32 s0, s3;
	s0 =	sld [smem:$0x3F9F]  }
0x30: {  	s3 =	sld [smem:$0x3FA2]  }
0x31: {  	[smem:$0x3FAB] =	sst s10  }
0x32: {  	s10 =	sld [smem:$0x3FA9];
	_ =	sdelay $0x3  }
0x33: {  	p0 =	seq.s32 s10, $0x1;
	s10 =	sld [smem:$0x3FAB];
	_ =	sdelay $0x3  }
0x34: {  	[smem:$0x3FAB] =	sst s10  }
0x35: {  	s10 =	sld [smem:$0x3FAA];
	_ =	sdelay $0x3  }
0x36: {  	p1 =	seq.s32 s10, $0x1;
	s10 =	sld [smem:$0x3FAB];
	_ =	sdelay $0x3  }
0x37: {  	[smem:$0x3FAB] =	sst s10  }
0x38: {  	s10 =	sld [smem:$0x3FAC]  }
0x39: {  	_ = 	snop;
	(pc) =	sbr.ind lr, $3  }
0x3a: {  	_ = 	snop  }
0x3b: {  	_ = 	snop  }
0x3c: {  	p2 =	seq.s32 s10, $0x1;
	s10 =	sld [smem:$0x3FAB]  }
0x3d: {  	_ =	shalt  }
0x3e: {  	_ =	shalt  }
0x3f: {  	_ =	shalt  }
0x40: {  	_ =	shalt  }
0x41: {  	_ =	shalt  }
0x42: {  	_ =	shalt  }
0x43: {  	_ =	shalt  }
0x44: {  	_ =	shalt  }
0x45: {  	_ =	shalt  }
0x46: {  	_ =	shalt  }
0x47: {  	_ =	shalt  }
0x48: {  	_ =	shalt  }
0x49: {  	_ =	shalt  }
0x4a: {  	_ =	shalt  }
0x4b: {  	_ =	shalt  }
0x4c: {  	_ =	shalt  }
0x4d: {  	_ =	shalt  }
0x4e: {  	_ =	shalt  }
0x4f: {  	_ =	shalt  }
0x50: {  	_ =	shalt  }
0x51: {  	_ =	shalt  }
0x52: {  	_ =	shalt  }
0x53: {  	_ =	shalt  }
0x54: {  	_ =	shalt  }
0x55: {  	_ =	shalt  }
0x56: {  	_ =	shalt  }
0x57: {  	_ =	shalt  }
0x58: {  	_ =	shalt  }
0x59: {  	_ =	shalt  }
0x5a: {  	_ =	shalt  }
0x5b: {  	_ =	shalt  }
0x5c: {  	_ =	shalt  }
0x5d: {  	_ =	shalt  }
0x5e: {  	_ =	shalt  }
0x5f: {  	_ =	shalt  }
0x60: {  	_ =	shalt  }
0x61: {  	_ =	shalt  }
0x62: {  	_ =	shalt  }
0x63: {  	_ =	shalt  }
0x64: {  	_ =	shalt  }
0x65: {  	_ =	shalt  }
0x66: {  	_ =	shalt  }
0x67: {  	_ =	shalt  }
0x68: {  	_ =	shalt  }
0x69: {  	_ =	shalt  }
0x6a: {  	_ =	shalt  }
0x6b: {  	_ =	shalt  }
0x6c: {  	_ =	shalt  }
0x6d: {  	_ =	shalt  }
0x6e: {  	_ =	shalt  }
0x6f: {  	_ =	shalt  }
0x70: {  	_ =	shalt  }
0x71: {  	_ =	shalt  }
0x72: {  	_ =	shalt  }
0x73: {  	_ =	shalt  }
0x74: {  	_ =	shalt  }
0x75: {  	_ =	shalt  }
0x76: {  	_ =	shalt  }
0x77: {  	_ =	shalt  }
0x78: {  	_ =	shalt  }
0x79: {  	_ =	shalt  }
0x7a: {  	_ =	shalt  }
0x7b: {  	_ =	shalt  }
0x7c: {  	_ =	shalt  }
0x7d: {  	_ =	shalt  }
0x7e: {  	_ =	shalt  }
0x7f: {  	_ =	shalt  }
0x80: {  	_ =	shalt  }
0x81: {  	_ =	shalt  }
0x82: {  	_ =	shalt  }
0x83: {  	_ =	shalt  }
0x84: {  	_ =	shalt  }
0x85: {  	_ =	shalt  }
0x86: {  	_ =	shalt  }
0x87: {  	_ =	shalt  }
.Lfunc_end0:
.L_simem_size_0:
called_computation.6_lowered:
.L_overlay_start_0:
0x88: {  	s2 =	sld [smem:$0x3FD9]  }
0x89: {  	s3 =	sld [smem:$0x3FFE];
	_ =	sdelay $0x1  }
0x8a: {  	s1 =	srdreg.scid  }
0x8b: {  	s0 =	sand.u32 $0x1, s1  }
0x8c: {  	s17 =	sshll.u32 s0, $0xA;
	s2 =	sadd.s32 s3, s2  }
0x8d: {  	s2 =	sadd.s32 s2, s17  }
0x8e: {  	[smem:$0x3FB7] =	sst s2  }
0x8f: {  	_ = 	snop  }
0x90: {  	(tm) =	ssettm $0x1  }
0x91: {  	s18 =	sld [smem:$0x3FFB];
	_ =	sdelay $0x3  }
0x92: {  	_ =	strace s18  }
0x93: {  	s2 =	sld [smem:$0x3FFC];
	_ =	sdelay $0x3  }
0x94: {  	_ =	strace s2  }
0x95: {  	s2 =	sld [smem:$0x3FFD];
	_ =	sdelay $0x3  }
0x96: {  	_ =	strace s2  }
0x97: {  	_ =	strace $0x8FFFFFFF  }
0x98: {  	s19 =	sld [smem:$0x3FDB];
	_ =	sdelay $0x1  }
0x99: {  	s20 =	simm.s32 $_scs_section_size  }
0x9a: {  	s4 =	simm.s32 $_size__tile_overlayer_lowered;
	s5 =	simm.s32 $_tile_overlayer_lowered  }
0x9b: {  	s6 =	simm.s32 $0x1BFF;
	s21 =	sshll.u32 s5, $0x1;
	s3 =	sadd.s32 s20, s19  }
0x9c: {  	s22 =	simm.s32 $0x0;
	s4 =	sshll.u32 s4, $0x1;
	s5 =	sadd.s32 s21, s3  }
0x9d: {  	[timem:s22], [sflag:s6] =	dma.local [hbm:s5], s4  }
0x9e: {  	_ =	swait.ge [sflag:s6], s4  }
0x9f: {  	s4 =	ssub.s32 $0x0, s4;
	[sflag:s6] =	ssyncset.done $0x0  }
0xa0: {  	[sflag:s6] =	ssyncadd.s32 s4;
	_ =	sdelay $0x1  }
0xa1: {  	s23 =	simm.s32 $0x1B8B  }
0xa2: {  	_ =	swait.ge [sflag:s23], $0x1  }
0xa3: {  	[sflag:s23] =	ssyncset.done $0x0  }
0xa4: {  	[sflag:s23] =	ssyncadd.s32 $0xFFFFFFFF  }
0xa5: {  	s4 =	sld [smem:$0x0]  }
0xa6: {  	s5 =	sand.u32 $0xFFFFFFFE, s1  }
0xa7: {  	p0 =	sne.s32 s1, s5  }
0xa8: {  	s5 =	sshll.u32 @p0 s5, $0xE  }
0xa9: {  	s5 =	sadd.s32 @p0 $0x11B8D, s5;
	s6 =	sshll.u32 @p0 s4, $0x11  }
0xaa: {  	s5 =	sor.u32 @p0 s6, s5  }
0xab: {  	[sflag:s5] =	ssyncadd.remote.s32 @p0 $0x1;
	_ =	sdelay $0x1  }
0xac: {  	s5 =	simm.s32 @p0 $0x1B8D  }
0xad: {  	_ =	swait.eq @p0 [sflag:s5], $0x1  }
0xae: {  	[sflag:s5] =	ssyncadd.s32 @p0 $0xFFFFFFFF  }
0xaf: {  	s6 =	sshll.u32 @!p0 s1, $0xE  }
0xb0: {  	s6 =	sor.u32 @!p0 $0x4000, s6;
	s5 =	simm.s32 @!p0 $0x1B8D  }
0xb1: {  	s4 =	sshll.u32 @!p0 s4, $0x11;
	s6 =	sadd.s32 @!p0 $0x11B8D, s6;
	_ =	swait.eq @!p0 [sflag:s5], $0x1  }
0xb2: {  	s4 =	sor.u32 @!p0 s4, s6;
	[sflag:s5] =	ssyncadd.s32 @!p0 $0xFFFFFFFF  }
0xb3: {  	s25 =	simm.s32 $0x1B8E;
	s24 =	sld [smem:$0x3FFE];
	[sflag:s4] =	ssyncadd.remote.s32 @!p0 $0x1  }
0xb4: {  	s26 =	simm.s32 $execute0_lowered;
	[smem:$0x3FD2] =	sst s25  }
0xb5: {  	s5 =	sshll.u32 s26, $0x1;
	_ =	strace $0x8000005B;
	[dreg:$0x1] =	wrdreg $0xFFFFFFFF  }
0xb6: {  	s28 =	simm.s32 $_size_execute0_lowered;
	s3 =	sadd.s32 s3, s5;
	[dreg:$0x0] =	wrdreg $0x0  }
0xb7: {  	s5 =	sshll.u32 s28, $0x1;
	[dreg:$0x2] =	wrdreg s3  }
0xb8: {  	[dreg:$0x3] =	wrdreg s5  }
0xb9: {  	[dreg:$0x4] =	wrdreg $0xC0  }
0xba: {  	_ =	task [dreg:s22], $0x5FFFF  }
0xbb: {  	[dreg:$0x1] =	wrdreg $0xFFFFFFFF  }
0xbc: {  	[dreg:$0x0] =	wrdreg $0x60  }
0xbd: {  	[dreg:$0x2] =	wrdreg s24  }
0xbe: {  	[dreg:$0x3] =	wrdreg $0xA  }
0xbf: {  	_ =	task.clear_ibuf [dreg:s22], $0x4FFFF;
	_ =	strace $0x9000005B  }
0xc0: {  	s29 =	simm.s32 $0xA;
	_ =	strace $0x8000005D  }
0xc1: {  	_ =	swait.ge [sflag:s29], $0x1  }
0xc2: {  	[sflag:s29] =	ssyncadd.s32 $0xFFFFFFFF  }
0xc3: {  	_ =	strace $0x9000005D  }
0xc4: {  	_ =	sfence  }
0xc5: {  	s30 =	sld [smem:$0x0];
	_ =	sdelay $0x2  }
0xc6: {  	s31 =	sshll.u32 s1, $0xD;
	s1 =	sshrl.u32 s1, $0x2  }
0xc7: {  	s4 =	sand.u32 $0x4000, s31;
	s1 =	sadd.s32 s1, s30  }
0xc8: {  	s0 =	sor.u32 s4, s0;
	s1 =	sshll.u32 s1, $0x11  }
0xc9: {  	s0 =	sor.u32 s1, s0  }
0xca: {  	s0 =	sadd.s32 $0x8F2B, s0  }
0xcb: {  	[sflag:s0] =	ssyncadd.remote.s32 $0x1  }
0xcc: {  	_ =	sfence.sel $0xFFFF  }
0xcd: {  	[dreg:$0x0] =	wrdreg $0xFFFFFFFF;
	(pc) =	sbr.abs _section_cstart, $3  }
0xce: {  	[dreg:$0x1] =	wrdreg $0xFFFFFFFF  }
0xcf: {  	_ =	task.clear_ibuf [dreg:s22], $0x2FFFF;
	_ =	strace $0x9FFFFFFF  }
0xd0: {  	(tm) =	ssettm $0x7FFFFFFF  }
0xd1: {  	_ =	shalt  }
tec
execute0_lowered:
.L_overlay_start_1:
0x0: {  	(tag) =	ssettag $0x1  }
0x1: {  	s5 =	rddreg [dreg:$0x0]  }
0x2: {  	s0 =	rddreg [dreg:$0x1];
	s2 =	simm.s32 $0x0;
	s3 =	srdreg.scid  }
0x3: {  	s1 =	stileid.u32;
	s16 =	simm.s32 $0x100;
	s17 =	simm.s32 $0x6600  }
0x4: {  	s18 =	simm.s32 $0x1;
	s19 =	simm.s32 $0x2;
	s20 =	simm.s32 $0x3  }
0x5: {  	s21 =	simm.s32 $0x4;
	s22 =	simm.s32 $0x0;
	s25 =	smul.u32 $0xFA00, s1  }
0x6: {  	[smem:$0x7FF] =	sst s2;
	s8 =	sand.u32 $0x1, s3;
	s14 =	smul.u32 $0xFA0, s1  }
0x7: {  	s23 =	sshll.u32 s1, $0x1;
	s3 =	sadd.s32 $0x51CE00, s5;
	s29 =	smul.u32 $0x7D0, s8  }
0x8: {  	s4 =	sadd.s32 $0xD800, s5;
	s6 =	sor.u32 s8, s23;
	s15 =	smul.u32 $0x7D00, s8  }
0x9: {  	s12 =	sadd.s32 $0x738000, s5;
	s7 =	ssub.s32 $0x2, s8;
	s9 =	smul.u32 $0x7D0, s6  }
0xa: {  	_ =	strace $0x8000005C;
	s10 =	sshrl.u32 s7, $0x1;
	s11 =	smul.u32 $0x7D00, s6  }
0xb: {  	s24 =	ssub.s32 s7, s10;
	s10 =	sadd.s32 s25, s12;
	s14 =	sadd.s32 s29, s14  }
0xc: {  	s13 =	sadd.s32 $0xC8, s9;
	s5 =	smax.u32 s24, $0x1;
	s26 =	sshrl.u32 s9, $0x3  }
0xd: {  	s8 =	sadd.s32 s12, s11;
	s10 =	sadd.s32 s15, s10;
	s31 =	sadd.s32 $0x258, s14  }
0xe: {  	s15 =	simm.s32 $0x200;
	s28 =	sshrl.u32 s13, $0x3;
	s6 =	sadd.s32 s4, s26  }
0xf: {  	s30 =	sshll.u32 s13, $0x4;
	s10 =	sadd.s32 $0x2580, s10;
	s11 =	sshrl.u32 s31, $0x3  }
0x10: {  	s13 =	simm.s32 $0x5;
	s7 =	sadd.s32 s4, s28;
	s9 =	sadd.s32 s12, s30  }
0x11: {  	s11 =	sadd.s32 s11, s4;
	s12 =	sadd.s32 $0x190, s14;
	s14 =	simm.s32 $0xC8  }
.LBB2_1:
0x12: {  	[tilespmem:s2], [sflag:$0x5] =	stream.linear.gather [hbm4b:s6+s2], $0xC8, $0x38;
	[tilespmem:$0xCA00] =	vst v63  }
0x13: {  	_ =	swait.ge [sflag:s13], $0xC8  }
0x14: {  	[sflag:s13] =	ssyncset.done $0x0  }
0x15: {  	[sflag:s13] =	ssyncadd.s32 $0xFFFFFF38  }
0x16: {  	[tilespmem:s15], [sflag:$0x1] =	stream.indirect.gather [hbm4b:s3+s14], $0x80, s2, s14, $0xb8;
	[tilespmem:$0xCA00] =	vst v63  }
0x17: {  	_ = 	snop  }
0x18: {  	[tilespmem:s16], [sflag:$0x5] =	stream.linear.gather [hbm4b:s7+s2], $0xC8, $0x38;
	[tilespmem:$0xCA00] =	vst v63  }
0x19: {  	_ =	swait.ge [sflag:s13], $0xC8  }
0x1a: {  	[sflag:s13] =	ssyncset.done $0x0  }
0x1b: {  	[sflag:s13] =	ssyncadd.s32 $0xFFFFFF38  }
0x1c: {  	[tilespmem:s17], [sflag:$0x2] =	stream.indirect.gather [hbm4b:s3+s14], $0x80, s16, s14, $0xb8;
	[tilespmem:$0xCA00] =	vst v63  }
0x1d: {  	_ =	swait.ge [sflag:s18], $0x6400  }
0x1e: {  	[sflag:s18] =	ssyncset.done $0x0  }
0x1f: {  	[sflag:s18] =	ssyncadd.s32 $0xFFFF9C00  }
0x20: {  	[hbm4b:s8+s2] =	stream.linear.scatter [tilespmem:s15], [sflag:$0x3], $0x6400, $0x38;
	[tilespmem:$0xCA00] =	vst v63  }
0x21: {  	_ =	swait.ge [sflag:s19], $0x6400  }
0x22: {  	[sflag:s19] =	ssyncset.done $0x0  }
0x23: {  	[sflag:s19] =	ssyncadd.s32 $0xFFFF9C00  }
0x24: {  	[hbm4b:s9+s2] =	stream.linear.scatter [tilespmem:s17], [sflag:$0x4], $0x6400, $0x38;
	[tilespmem:$0xCA00] =	vst v63  }
0x25: {  	_ =	swait.ge [sflag:s20], $0x6400  }
0x26: {  	[sflag:s20] =	ssyncset.done $0x0  }
0x27: {  	[sflag:s20] =	ssyncadd.s32 $0xFFFF9C00  }
0x28: {  	_ =	swait.ge [sflag:s21], $0x6400  }
0x29: {  	s23 =	sshrl.u32 s12, $0x3;
	[sflag:s21] =	ssyncset.done $0x0  }
0x2a: {  	s23 =	sadd.s32 s4, s23;
	[sflag:s21] =	ssyncadd.s32 $0xFFFF9C00  }
0x2b: {  	[tilespmem:s2], [sflag:$0x5] =	stream.linear.gather [hbm4b:s23+s2], $0xC8, $0x38;
	[tilespmem:$0xCA00] =	vst v63  }
0x2c: {  	_ =	swait.ge [sflag:s13], $0xC8  }
0x2d: {  	[sflag:s13] =	ssyncset.done $0x0  }
0x2e: {  	[sflag:s13] =	ssyncadd.s32 $0xFFFFFF38  }
0x2f: {  	[tilespmem:s15], [sflag:$0x1] =	stream.indirect.gather [hbm4b:s3+s14], $0x80, s2, s14, $0xb8;
	[tilespmem:$0xCA00] =	vst v63  }
0x30: {  	s30 =	sadd.s32 $0x0, s11  }
0x31: {  	[tilespmem:s16], [sflag:$0x5] =	stream.linear.gather [hbm4b:s30+s2], $0xC8, $0x38;
	[tilespmem:$0xCA00] =	vst v63  }
0x32: {  	_ =	swait.ge [sflag:s13], $0xC8  }
0x33: {  	[sflag:s13] =	ssyncset.done $0x0  }
0x34: {  	[sflag:s13] =	ssyncadd.s32 $0xFFFFFF38  }
0x35: {  	[tilespmem:s17], [sflag:$0x2] =	stream.indirect.gather [hbm4b:s3+s14], $0x80, s16, s14, $0xb8;
	[tilespmem:$0xCA00] =	vst v63  }
0x36: {  	_ =	swait.ge [sflag:s18], $0x6400  }
0x37: {  	[sflag:s18] =	ssyncset.done $0x0  }
0x38: {  	s31 =	sadd.s32 $0xFFFFF380, s10;
	[sflag:s18] =	ssyncadd.s32 $0xFFFF9C00  }
0x39: {  	[hbm4b:s31+s2] =	stream.linear.scatter [tilespmem:s15], [sflag:$0x3], $0x6400, $0x38;
	[tilespmem:$0xCA00] =	vst v63  }
0x3a: {  	_ =	swait.ge [sflag:s19], $0x6400  }
0x3b: {  	s24 =	sadd.s32 $0x1900, s10;
	s25 =	sadd.s32 $0x190, s12;
	[sflag:s19] =	ssyncset.done $0x0  }
0x3c: {  	s26 =	smov.u32 s10;
	s23 =	simm.s32 $0x32;
	[sflag:s19] =	ssyncadd.s32 $0xFFFF9C00  }
.LBB2_2:
0x3d: {  	[hbm4b:s26+s2] =	stream.linear.scatter [tilespmem:s17], [sflag:$0x4], $0x6400, $0x38;
	[tilespmem:$0xCA00] =	vst v63  }
0x3e: {  	s28 =	smov.u32 s23;
	s26 =	smov.u32 s24  }
0x3f: {  	p0 =	sne.s32 s23, $0x96;
	s23 =	sadd.s32 $0x32, s23;
	_ =	swait.ge [sflag:s20], $0x6400  }
0x40: {  	[sflag:s20] =	ssyncset.done $0x0  }
0x41: {  	[sflag:s20] =	ssyncadd.s32 $0xFFFF9C00  }
0x42: {  	_ =	swait.ge [sflag:s21], $0x6400  }
0x43: {  	s29 =	sshrl.u32 s25, $0x3;
	[sflag:s21] =	ssyncset.done $0x0  }
0x44: {  	s29 =	sadd.s32 s4, s29;
	[sflag:s21] =	ssyncadd.s32 $0xFFFF9C00  }
0x45: {  	[tilespmem:s2], [sflag:$0x5] =	stream.linear.gather [hbm4b:s29+s2], $0xC8, $0x38;
	[tilespmem:$0xCA00] =	vst v63  }
0x46: {  	_ =	swait.ge [sflag:s13], $0xC8  }
0x47: {  	[sflag:s13] =	ssyncset.done $0x0  }
0x48: {  	[sflag:s13] =	ssyncadd.s32 $0xFFFFFF38  }
0x49: {  	[tilespmem:s15], [sflag:$0x1] =	stream.indirect.gather [hbm4b:s3+s14], $0x80, s2, s14, $0xb8;
	[tilespmem:$0xCA00] =	vst v63  }
0x4a: {  	s28 =	sadd.s32 s28, s11  }
0x4b: {  	[tilespmem:s16], [sflag:$0x5] =	stream.linear.gather [hbm4b:s28+s2], $0xC8, $0x38;
	[tilespmem:$0xCA00] =	vst v63  }
0x4c: {  	_ =	swait.ge [sflag:s13], $0xC8  }
0x4d: {  	[sflag:s13] =	ssyncset.done $0x0  }
0x4e: {  	[sflag:s13] =	ssyncadd.s32 $0xFFFFFF38  }
0x4f: {  	[tilespmem:s17], [sflag:$0x2] =	stream.indirect.gather [hbm4b:s3+s14], $0x80, s16, s14, $0xb8;
	[tilespmem:$0xCA00] =	vst v63  }
0x50: {  	_ =	swait.ge [sflag:s18], $0x6400  }
0x51: {  	[sflag:s18] =	ssyncset.done $0x0  }
.Ltmp0:
0x52: {  	s28 =	sadd.s32 $0xFFFFF380, s24;
	[sflag:s18] =	ssyncadd.s32 $0xFFFF9C00;
	(pc) =	sbr.rel @p0 .LBB2_2-.Ltmp0, $4  }
0x53: {  	[hbm4b:s28+s2] =	stream.linear.scatter [tilespmem:s15], [sflag:$0x3], $0x6400, $0x38;
	[tilespmem:$0xCA00] =	vst v63  }
0x54: {  	_ =	swait.ge [sflag:s19], $0x6400  }
0x55: {  	[sflag:s19] =	ssyncset.done $0x0  }
0x56: {  	s25 =	sadd.s32 $0x190, s25;
	s24 =	sadd.s32 $0x1900, s24;
	[sflag:s19] =	ssyncadd.s32 $0xFFFF9C00  }
0x57: {  	[hbm4b:s26+s2] =	stream.linear.scatter [tilespmem:s17], [sflag:$0x4], $0x6400, $0x38;
	[tilespmem:$0xCA00] =	vst v63  }
0x58: {  	s22 =	sadd.s32 $0x1, s22  }
0x59: {  	_ =	swait.ge [sflag:s20], $0x6400;
	p0 =	sne.s32 s22, s5  }
.Ltmp1:
0x5a: {  	[sflag:s20] =	ssyncset.done $0x0;
	(pc) =	sbr.rel @p0 .LBB2_1-.Ltmp1, $4  }
0x5b: {  	[sflag:s20] =	ssyncadd.s32 $0xFFFF9C00  }
0x5c: {  	_ =	swait.ge [sflag:s21], $0x6400  }
0x5d: {  	[sflag:s21] =	ssyncset.done $0x0  }
0x5e: {  	[sflag:s21] =	ssyncadd.s32 $0xFFFF9C00  }
0x5f: {  	_ =	sfence.sel $0x180000  }
0x60: {  	[bflag:$0x0] =	sbarrier.arrive $0xFFFF  }
0x61: {  	p0 =	sne.s32 s1, $0x0;
	_ =	strace $0x9000005C  }
0x62: {  	s0 =	sadd.s32 @!p0 $0x100000, s0;
	[bflag:$0x2] =	sbarrier.arrive $0xFFFF  }
0x63: {  	[sflag:s0] =	ssyncadd.tile.s32 @!p0 $0x1;
	_ =	shalt  }
.Lfunc_end2:
_tile_overlayer_lowered:
.L_overlay_start_2:
0x64: {  	(tag) =	ssettag $0x2  }
0x65: {  	s0 =	rddreg [dreg:$0x0];
	s2 =	stileid.u32  }
0x66: {  	s1 =	rddreg [dreg:$0x1];
	p0 =	sne.s32 s2, $0x0  }
0x67: {  	s3 =	rddreg [dreg:$0x2];
	[bflag:$0x3] =	sbarrier.arrive $0xFFFF;
	s2 =	simm.s32 @!p0 $0x1C05  }
0x68: {  	[timem:s3], [sflag:s2] =	dma.local @!p0 [hbm:s0], s1  }
0x69: {  	s0 =	simm.s32 @!p0 $0x5  }
0x6a: {  	_ =	swait.ge @!p0 [sflag:s0], s1  }
0x6b: {  	s1 =	ssub.s32 @!p0 $0x0, s1;
	[sflag:s0] =	ssyncset.done @!p0 $0x0  }
0x6c: {  	[sflag:s0] =	ssyncadd.s32 @!p0 s1  }
0x6d: {  	[bflag:$0x3] =	sbarrier.arrive $0xFFFF  }
0x6e: {  	_ =	shalt  }

// kernel: kernel.44.cloned.1.call-start
scs
__scs_entry_jumppad:
0x0: {  	(pc) =	sbr.rel $0x88, $3  }
0x1: {  	(tag) =	ssettag $0x0;
	lr =	simm.s32 $0x1  }
0x2: {  	[smem:$0x3F90] =	sst lr;
	_ =	strace $0xD0000000  }
0x3: {  	_ = 	snop  }
0x4: {  	_ = 	snop  }
0x5: {  	_ = 	snop  }
0x6: {  	_ = 	snop  }
0x7: {  	_ = 	snop  }
__scs_overlays_trampoline_lowered:
0x8: {  	[smem:$0x3F9F] =	sst s0  }
0x9: {  	[smem:$0x3FA0] =	sst s1  }
0xa: {  	[smem:$0x3FA1] =	sst s2  }
0xb: {  	[smem:$0x3FA2] =	sst s3  }
0xc: {  	[smem:$0x3FA3] =	sst s4  }
0xd: {  	[smem:$0x3FA4] =	sst s5  }
0xe: {  	[smem:$0x3FA5] =	sst s6  }
0xf: {  	[smem:$0x3FA6] =	sst s7  }
0x10: {  	[smem:$0x3FA7] =	sst s8  }
0x11: {  	[smem:$0x3FA8] =	sst s9;
	s0 =	simm.s32 @!p0 $0x0  }
0x12: {  	s1 =	sld [smem:$0x3F8E];
	s0 =	simm.s32 @p0 $0x1  }
0x13: {  	[smem:$0x3FA9] =	sst s0;
	s0 =	simm.s32 @!p1 $0x0  }
0x14: {  	s2 =	sld [smem:$0x3F8D];
	s0 =	simm.s32 @p1 $0x1  }
0x15: {  	[smem:$0x3FAA] =	sst s0;
	s0 =	simm.s32 @!p2 $0x0  }
0x16: {  	s3 =	sld [smem:$0x3FDB];
	s0 =	simm.s32 @p2 $0x1  }
0x17: {  	s4 =	simm.s32 $0x1BF5;
	[smem:$0x3FAC] =	sst s0  }
0x18: {  	s0 =	sld [smem:$0x3F8F];
	_ =	swait.ge [sflag:s4], $0x0  }
0x19: {  	s7 =	sld [smem:$0x3F90]  }
0x1a: {  	s8 =	sadd.s32 $0xFFFFE003, lr  }
0x1b: {  	s9 =	sadd.s32 $0xFFFFFEF7, lr;
	s5 =	simm.s32 $0xFFFFFFFF;
	p2 =	slt.u32 s8, $0xFFFFF086  }
0x1c: {  	p1 =	slt.u32 s9, $0xF7A;
	s5 =	simm.s32 @!p2 $0x0  }
0x1d: {  	s5 =	simm.s32 @p1 $0x1;
	p0 =	seq.s32 s7, s2  }
0x1e: {  	s7 =	smul.u32 @!p0 $0xF7A, s2;
	p2 =	seq.s32 @!p0 s5, $0x0  }
0x1f: {  	s9 =	smul.u32 $0xF7A, s1;
	s8 =	simm.s32 @!p0 $0x1BF5;
	p2 =	por !p2, p0  }
0x20: {  	[sflag:s8] =	ssyncset.s32 @!p0 $0xFFFFF086;
	s6 =	sadd.s32 @!p0 s3, s7;
	s7 =	simm.s32 @!p0 $0x108  }
0x21: {  	s3 =	sadd.s32 s3, s9;
	s6 =	sadd.s32 @!p0 $0x88, s6;
	s7 =	simm.s32 @p2 $0x1082  }
0x22: {  	[simem:s7], [sflag:s8] =	dma.local @!p0 [hbm:s6], $0xF7A  }
0x23: {  	s9 =	sor.u32 $0xD0000000, s2;
	s6 =	simm.s32 $0x108;
	_ =	swait.ge @!p0 [sflag:s8], $0x0  }
0x24: {  	s3 =	sadd.s32 $0x88, s3;
	s6 =	simm.s32 @!p1 $0x1082;
	[sflag:s4] =	ssyncset.s32 $0xFFFFF086  }
0x25: {  	[simem:s6], [sflag:s4] =	dma.local [hbm:s3], $0xF7A  }
0x26: {  	[smem:$0x3F90] =	sst s1;
	(tag) =	ssettag s2;
	_ =	strace s9  }
0x27: {  	s1 =	sld [smem:$0x3FA0]  }
0x28: {  	s2 =	sld [smem:$0x3FA1]  }
0x29: {  	s4 =	sld [smem:$0x3FA3]  }
0x2a: {  	p0 =	seq.s32 s5, $0x0;
	s5 =	sld [smem:$0x3FA4]  }
0x2b: {  	s6 =	sld [smem:$0x3FA5]  }
0x2c: {  	s7 =	sld [smem:$0x3FA6]  }
0x2d: {  	s3 =	simm.s32 $0x108;
	s8 =	sld [smem:$0x3FA7]  }
0x2e: {  	s3 =	simm.s32 @!p0 $0x1082;
	s9 =	sld [smem:$0x3FA8]  }
0x2f: {  	lr =	sadd.s32 s0, s3;
	s0 =	sld [smem:$0x3F9F]  }
0x30: {  	s3 =	sld [smem:$0x3FA2]  }
0x31: {  	[smem:$0x3FAB] =	sst s10  }
0x32: {  	s10 =	sld [smem:$0x3FA9];
	_ =	sdelay $0x3  }
0x33: {  	p0 =	seq.s32 s10, $0x1;
	s10 =	sld [smem:$0x3FAB];
	_ =	sdelay $0x3  }
0x34: {  	[smem:$0x3FAB] =	sst s10  }
0x35: {  	s10 =	sld [smem:$0x3FAA];
	_ =	sdelay $0x3  }
0x36: {  	p1 =	seq.s32 s10, $0x1;
	s10 =	sld [smem:$0x3FAB];
	_ =	sdelay $0x3  }
0x37: {  	[smem:$0x3FAB] =	sst s10  }
0x38: {  	s10 =	sld [smem:$0x3FAC]  }
0x39: {  	_ = 	snop;
	(pc) =	sbr.ind lr, $3  }
0x3a: {  	_ = 	snop  }
0x3b: {  	_ = 	snop  }
0x3c: {  	p2 =	seq.s32 s10, $0x1;
	s10 =	sld [smem:$0x3FAB]  }
0x3d: {  	_ =	shalt  }
0x3e: {  	_ =	shalt  }
0x3f: {  	_ =	shalt  }
0x40: {  	_ =	shalt  }
0x41: {  	_ =	shalt  }
0x42: {  	_ =	shalt  }
0x43: {  	_ =	shalt  }
0x44: {  	_ =	shalt  }
0x45: {  	_ =	shalt  }
0x46: {  	_ =	shalt  }
0x47: {  	_ =	shalt  }
0x48: {  	_ =	shalt  }
0x49: {  	_ =	shalt  }
0x4a: {  	_ =	shalt  }
0x4b: {  	_ =	shalt  }
0x4c: {  	_ =	shalt  }
0x4d: {  	_ =	shalt  }
0x4e: {  	_ =	shalt  }
0x4f: {  	_ =	shalt  }
0x50: {  	_ =	shalt  }
0x51: {  	_ =	shalt  }
0x52: {  	_ =	shalt  }
0x53: {  	_ =	shalt  }
0x54: {  	_ =	shalt  }
0x55: {  	_ =	shalt  }
0x56: {  	_ =	shalt  }
0x57: {  	_ =	shalt  }
0x58: {  	_ =	shalt  }
0x59: {  	_ =	shalt  }
0x5a: {  	_ =	shalt  }
0x5b: {  	_ =	shalt  }
0x5c: {  	_ =	shalt  }
0x5d: {  	_ =	shalt  }
0x5e: {  	_ =	shalt  }
0x5f: {  	_ =	shalt  }
0x60: {  	_ =	shalt  }
0x61: {  	_ =	shalt  }
0x62: {  	_ =	shalt  }
0x63: {  	_ =	shalt  }
0x64: {  	_ =	shalt  }
0x65: {  	_ =	shalt  }
0x66: {  	_ =	shalt  }
0x67: {  	_ =	shalt  }
0x68: {  	_ =	shalt  }
0x69: {  	_ =	shalt  }
0x6a: {  	_ =	shalt  }
0x6b: {  	_ =	shalt  }
0x6c: {  	_ =	shalt  }
0x6d: {  	_ =	shalt  }
0x6e: {  	_ =	shalt  }
0x6f: {  	_ =	shalt  }
0x70: {  	_ =	shalt  }
0x71: {  	_ =	shalt  }
0x72: {  	_ =	shalt  }
0x73: {  	_ =	shalt  }
0x74: {  	_ =	shalt  }
0x75: {  	_ =	shalt  }
0x76: {  	_ =	shalt  }
0x77: {  	_ =	shalt  }
0x78: {  	_ =	shalt  }
0x79: {  	_ =	shalt  }
0x7a: {  	_ =	shalt  }
0x7b: {  	_ =	shalt  }
0x7c: {  	_ =	shalt  }
0x7d: {  	_ =	shalt  }
0x7e: {  	_ =	shalt  }
0x7f: {  	_ =	shalt  }
0x80: {  	_ =	shalt  }
0x81: {  	_ =	shalt  }
0x82: {  	_ =	shalt  }
0x83: {  	_ =	shalt  }
0x84: {  	_ =	shalt  }
0x85: {  	_ =	shalt  }
0x86: {  	_ =	shalt  }
0x87: {  	_ =	shalt  }
.Lfunc_end0:
.L_simem_size_0:
called_computation.7_lowered:
.L_overlay_start_0:
0x88: {  	s2 =	sld [smem:$0x3FD9]  }
0x89: {  	s3 =	sld [smem:$0x3FFE];
	_ =	sdelay $0x1  }
0x8a: {  	s1 =	srdreg.scid  }
0x8b: {  	s0 =	sand.u32 $0x1, s1  }
0x8c: {  	s17 =	sshll.u32 s0, $0xA;
	s2 =	sadd.s32 s3, s2  }
0x8d: {  	s2 =	sadd.s32 s2, s17  }
0x8e: {  	[smem:$0x3FB7] =	sst s2  }
0x8f: {  	_ = 	snop  }
0x90: {  	(tm) =	ssettm $0x1  }
0x91: {  	s18 =	sld [smem:$0x3FFB];
	_ =	sdelay $0x3  }
0x92: {  	_ =	strace s18  }
0x93: {  	s2 =	sld [smem:$0x3FFC];
	_ =	sdelay $0x3  }
0x94: {  	_ =	strace s2  }
0x95: {  	s2 =	sld [smem:$0x3FFD];
	_ =	sdelay $0x3  }
0x96: {  	_ =	strace s2  }
0x97: {  	_ =	strace $0x8FFFFFFF  }
0x98: {  	s19 =	sld [smem:$0x3FDB];
	_ =	sdelay $0x1  }
0x99: {  	s20 =	simm.s32 $_scs_section_size  }
0x9a: {  	s4 =	simm.s32 $_size__tile_overlayer_lowered;
	s5 =	simm.s32 $_tile_overlayer_lowered  }
0x9b: {  	s6 =	simm.s32 $0x1BFF;
	s21 =	sshll.u32 s5, $0x1;
	s3 =	sadd.s32 s20, s19  }
0x9c: {  	s22 =	simm.s32 $0x0;
	s4 =	sshll.u32 s4, $0x1;
	s5 =	sadd.s32 s21, s3  }
0x9d: {  	[timem:s22], [sflag:s6] =	dma.local [hbm:s5], s4  }
0x9e: {  	_ =	swait.ge [sflag:s6], s4  }
0x9f: {  	s4 =	ssub.s32 $0x0, s4;
	[sflag:s6] =	ssyncset.done $0x0  }
0xa0: {  	[sflag:s6] =	ssyncadd.s32 s4;
	_ =	sdelay $0x1  }
0xa1: {  	s23 =	simm.s32 $0x1B8B  }
0xa2: {  	_ =	swait.ge [sflag:s23], $0x1  }
0xa3: {  	[sflag:s23] =	ssyncset.done $0x0  }
0xa4: {  	[sflag:s23] =	ssyncadd.s32 $0xFFFFFFFF  }
0xa5: {  	s4 =	sld [smem:$0x0]  }
0xa6: {  	s5 =	sand.u32 $0xFFFFFFFE, s1  }
0xa7: {  	p0 =	sne.s32 s1, s5  }
0xa8: {  	s5 =	sshll.u32 @p0 s5, $0xE  }
0xa9: {  	s5 =	sadd.s32 @p0 $0x11B8D, s5;
	s6 =	sshll.u32 @p0 s4, $0x11  }
0xaa: {  	s5 =	sor.u32 @p0 s6, s5  }
0xab: {  	[sflag:s5] =	ssyncadd.remote.s32 @p0 $0x1;
	_ =	sdelay $0x1  }
0xac: {  	s5 =	simm.s32 @p0 $0x1B8D  }
0xad: {  	_ =	swait.eq @p0 [sflag:s5], $0x1  }
0xae: {  	[sflag:s5] =	ssyncadd.s32 @p0 $0xFFFFFFFF  }
0xaf: {  	s6 =	sshll.u32 @!p0 s1, $0xE  }
0xb0: {  	s6 =	sor.u32 @!p0 $0x4000, s6;
	s5 =	simm.s32 @!p0 $0x1B8D  }
0xb1: {  	s4 =	sshll.u32 @!p0 s4, $0x11;
	s6 =	sadd.s32 @!p0 $0x11B8D, s6;
	_ =	swait.eq @!p0 [sflag:s5], $0x1  }
0xb2: {  	s4 =	sor.u32 @!p0 s4, s6;
	[sflag:s5] =	ssyncadd.s32 @!p0 $0xFFFFFFFF  }
0xb3: {  	s25 =	simm.s32 $0x1B8E;
	s24 =	sld [smem:$0x3FFE];
	[sflag:s4] =	ssyncadd.remote.s32 @!p0 $0x1  }
0xb4: {  	s26 =	simm.s32 $execute0_lowered;
	[smem:$0x3FD2] =	sst s25  }
0xb5: {  	s5 =	sshll.u32 s26, $0x1;
	_ =	strace $0x80000058;
	[dreg:$0x1] =	wrdreg $0xFFFFFFFF  }
0xb6: {  	s28 =	simm.s32 $_size_execute0_lowered;
	s3 =	sadd.s32 s3, s5;
	[dreg:$0x0] =	wrdreg $0x0  }
0xb7: {  	s5 =	sshll.u32 s28, $0x1;
	[dreg:$0x2] =	wrdreg s3  }
0xb8: {  	[dreg:$0x3] =	wrdreg s5  }
0xb9: {  	[dreg:$0x4] =	wrdreg $0xC0  }
0xba: {  	_ =	task [dreg:s22], $0x5FFFF  }
0xbb: {  	[dreg:$0x1] =	wrdreg $0xFFFFFFFF  }
0xbc: {  	[dreg:$0x0] =	wrdreg $0x60  }
0xbd: {  	[dreg:$0x2] =	wrdreg s24  }
0xbe: {  	[dreg:$0x3] =	wrdreg $0xB  }
0xbf: {  	_ =	task.clear_ibuf [dreg:s22], $0x4FFFF;
	_ =	strace $0x90000058  }
0xc0: {  	s29 =	simm.s32 $0xB;
	_ =	strace $0x8000005A  }
0xc1: {  	_ =	swait.ge [sflag:s29], $0x1  }
0xc2: {  	[sflag:s29] =	ssyncadd.s32 $0xFFFFFFFF  }
0xc3: {  	_ =	strace $0x9000005A  }
0xc4: {  	_ =	sfence  }
0xc5: {  	s30 =	sld [smem:$0x0];
	_ =	sdelay $0x2  }
0xc6: {  	s31 =	sshll.u32 s1, $0xD;
	s1 =	sshrl.u32 s1, $0x2  }
0xc7: {  	s4 =	sand.u32 $0x4000, s31;
	s1 =	sadd.s32 s1, s30  }
0xc8: {  	s0 =	sor.u32 s4, s0;
	s1 =	sshll.u32 s1, $0x11  }
0xc9: {  	s0 =	sor.u32 s1, s0  }
0xca: {  	s0 =	sadd.s32 $0x8F2B, s0  }
0xcb: {  	[sflag:s0] =	ssyncadd.remote.s32 $0x1  }
0xcc: {  	_ =	sfence.sel $0xFFFF  }
0xcd: {  	[dreg:$0x0] =	wrdreg $0xFFFFFFFF;
	(pc) =	sbr.abs _section_cstart, $3  }
0xce: {  	[dreg:$0x1] =	wrdreg $0xFFFFFFFF  }
0xcf: {  	_ =	task.clear_ibuf [dreg:s22], $0x2FFFF;
	_ =	strace $0x9FFFFFFF  }
0xd0: {  	(tm) =	ssettm $0x7FFFFFFF  }
0xd1: {  	_ =	shalt  }
tec
execute0_lowered:
.L_overlay_start_1:
0x0: {  	(tag) =	ssettag $0x1  }
0x1: {  	s5 =	rddreg [dreg:$0x0]  }
0x2: {  	s0 =	rddreg [dreg:$0x1];
	s2 =	simm.s32 $0x0;
	s3 =	srdreg.scid  }
0x3: {  	s1 =	stileid.u32;
	s16 =	simm.s32 $0x100;
	s17 =	simm.s32 $0x6600  }
0x4: {  	s18 =	simm.s32 $0x1;
	s19 =	simm.s32 $0x2;
	s20 =	simm.s32 $0x3  }
0x5: {  	s21 =	simm.s32 $0x4;
	s22 =	simm.s32 $0x0;
	s25 =	smul.u32 $0xFA00, s1  }
0x6: {  	[smem:$0x7FF] =	sst s2;
	s8 =	sand.u32 $0x1, s3;
	s14 =	smul.u32 $0xFA0, s1  }
0x7: {  	s23 =	sshll.u32 s1, $0x1;
	s3 =	sadd.s32 $0x51CE00, s5;
	s29 =	smul.u32 $0x7D0, s8  }
0x8: {  	s4 =	sadd.s32 $0xB800, s5;
	s6 =	sor.u32 s8, s23;
	s15 =	smul.u32 $0x7D00, s8  }
0x9: {  	s12 =	sadd.s32 $0x63E000, s5;
	s7 =	ssub.s32 $0x2, s8;
	s9 =	smul.u32 $0x7D0, s6  }
0xa: {  	_ =	strace $0x80000059;
	s10 =	sshrl.u32 s7, $0x1;
	s11 =	smul.u32 $0x7D00, s6  }
0xb: {  	s24 =	ssub.s32 s7, s10;
	s10 =	sadd.s32 s25, s12;
	s14 =	sadd.s32 s29, s14  }
0xc: {  	s13 =	sadd.s32 $0xC8, s9;
	s5 =	smax.u32 s24, $0x1;
	s26 =	sshrl.u32 s9, $0x3  }
0xd: {  	s8 =	sadd.s32 s12, s11;
	s10 =	sadd.s32 s15, s10;
	s31 =	sadd.s32 $0x258, s14  }
0xe: {  	s15 =	simm.s32 $0x200;
	s28 =	sshrl.u32 s13, $0x3;
	s6 =	sadd.s32 s4, s26  }
0xf: {  	s30 =	sshll.u32 s13, $0x4;
	s10 =	sadd.s32 $0x2580, s10;
	s11 =	sshrl.u32 s31, $0x3  }
0x10: {  	s13 =	simm.s32 $0x5;
	s7 =	sadd.s32 s4, s28;
	s9 =	sadd.s32 s12, s30  }
0x11: {  	s11 =	sadd.s32 s11, s4;
	s12 =	sadd.s32 $0x190, s14;
	s14 =	simm.s32 $0xC8  }
.LBB2_1:
0x12: {  	[tilespmem:s2], [sflag:$0x5] =	stream.linear.gather [hbm4b:s6+s2], $0xC8, $0x38;
	[tilespmem:$0xCA00] =	vst v63  }
0x13: {  	_ =	swait.ge [sflag:s13], $0xC8  }
0x14: {  	[sflag:s13] =	ssyncset.done $0x0  }
0x15: {  	[sflag:s13] =	ssyncadd.s32 $0xFFFFFF38  }
0x16: {  	[tilespmem:s15], [sflag:$0x1] =	stream.indirect.gather [hbm4b:s3+s14], $0x80, s2, s14, $0xb8;
	[tilespmem:$0xCA00] =	vst v63  }
0x17: {  	_ = 	snop  }
0x18: {  	[tilespmem:s16], [sflag:$0x5] =	stream.linear.gather [hbm4b:s7+s2], $0xC8, $0x38;
	[tilespmem:$0xCA00] =	vst v63  }
0x19: {  	_ =	swait.ge [sflag:s13], $0xC8  }
0x1a: {  	[sflag:s13] =	ssyncset.done $0x0  }
0x1b: {  	[sflag:s13] =	ssyncadd.s32 $0xFFFFFF38  }
0x1c: {  	[tilespmem:s17], [sflag:$0x2] =	stream.indirect.gather [hbm4b:s3+s14], $0x80, s16, s14, $0xb8;
	[tilespmem:$0xCA00] =	vst v63  }
0x1d: {  	_ =	swait.ge [sflag:s18], $0x6400  }
0x1e: {  	[sflag:s18] =	ssyncset.done $0x0  }
0x1f: {  	[sflag:s18] =	ssyncadd.s32 $0xFFFF9C00  }
0x20: {  	[hbm4b:s8+s2] =	stream.linear.scatter [tilespmem:s15], [sflag:$0x3], $0x6400, $0x38;
	[tilespmem:$0xCA00] =	vst v63  }
0x21: {  	_ =	swait.ge [sflag:s19], $0x6400  }
0x22: {  	[sflag:s19] =	ssyncset.done $0x0  }
0x23: {  	[sflag:s19] =	ssyncadd.s32 $0xFFFF9C00  }
0x24: {  	[hbm4b:s9+s2] =	stream.linear.scatter [tilespmem:s17], [sflag:$0x4], $0x6400, $0x38;
	[tilespmem:$0xCA00] =	vst v63  }
0x25: {  	_ =	swait.ge [sflag:s20], $0x6400  }
0x26: {  	[sflag:s20] =	ssyncset.done $0x0  }
0x27: {  	[sflag:s20] =	ssyncadd.s32 $0xFFFF9C00  }
0x28: {  	_ =	swait.ge [sflag:s21], $0x6400  }
0x29: {  	s23 =	sshrl.u32 s12, $0x3;
	[sflag:s21] =	ssyncset.done $0x0  }
0x2a: {  	s23 =	sadd.s32 s4, s23;
	[sflag:s21] =	ssyncadd.s32 $0xFFFF9C00  }
0x2b: {  	[tilespmem:s2], [sflag:$0x5] =	stream.linear.gather [hbm4b:s23+s2], $0xC8, $0x38;
	[tilespmem:$0xCA00] =	vst v63  }
0x2c: {  	_ =	swait.ge [sflag:s13], $0xC8  }
0x2d: {  	[sflag:s13] =	ssyncset.done $0x0  }
0x2e: {  	[sflag:s13] =	ssyncadd.s32 $0xFFFFFF38  }
0x2f: {  	[tilespmem:s15], [sflag:$0x1] =	stream.indirect.gather [hbm4b:s3+s14], $0x80, s2, s14, $0xb8;
	[tilespmem:$0xCA00] =	vst v63  }
0x30: {  	s30 =	sadd.s32 $0x0, s11  }
0x31: {  	[tilespmem:s16], [sflag:$0x5] =	stream.linear.gather [hbm4b:s30+s2], $0xC8, $0x38;
	[tilespmem:$0xCA00] =	vst v63  }
0x32: {  	_ =	swait.ge [sflag:s13], $0xC8  }
0x33: {  	[sflag:s13] =	ssyncset.done $0x0  }
0x34: {  	[sflag:s13] =	ssyncadd.s32 $0xFFFFFF38  }
0x35: {  	[tilespmem:s17], [sflag:$0x2] =	stream.indirect.gather [hbm4b:s3+s14], $0x80, s16, s14, $0xb8;
	[tilespmem:$0xCA00] =	vst v63  }
0x36: {  	_ =	swait.ge [sflag:s18], $0x6400  }
0x37: {  	[sflag:s18] =	ssyncset.done $0x0  }
0x38: {  	s31 =	sadd.s32 $0xFFFFF380, s10;
	[sflag:s18] =	ssyncadd.s32 $0xFFFF9C00  }
0x39: {  	[hbm4b:s31+s2] =	stream.linear.scatter [tilespmem:s15], [sflag:$0x3], $0x6400, $0x38;
	[tilespmem:$0xCA00] =	vst v63  }
0x3a: {  	_ =	swait.ge [sflag:s19], $0x6400  }
0x3b: {  	s24 =	sadd.s32 $0x1900, s10;
	s25 =	sadd.s32 $0x190, s12;
	[sflag:s19] =	ssyncset.done $0x0  }
0x3c: {  	s26 =	smov.u32 s10;
	s23 =	simm.s32 $0x32;
	[sflag:s19] =	ssyncadd.s32 $0xFFFF9C00  }
.LBB2_2:
0x3d: {  	[hbm4b:s26+s2] =	stream.linear.scatter [tilespmem:s17], [sflag:$0x4], $0x6400, $0x38;
	[tilespmem:$0xCA00] =	vst v63  }
0x3e: {  	s28 =	smov.u32 s23;
	s26 =	smov.u32 s24  }
0x3f: {  	p0 =	sne.s32 s23, $0x96;
	s23 =	sadd.s32 $0x32, s23;
	_ =	swait.ge [sflag:s20], $0x6400  }
0x40: {  	[sflag:s20] =	ssyncset.done $0x0  }
0x41: {  	[sflag:s20] =	ssyncadd.s32 $0xFFFF9C00  }
0x42: {  	_ =	swait.ge [sflag:s21], $0x6400  }
0x43: {  	s29 =	sshrl.u32 s25, $0x3;
	[sflag:s21] =	ssyncset.done $0x0  }
0x44: {  	s29 =	sadd.s32 s4, s29;
	[sflag:s21] =	ssyncadd.s32 $0xFFFF9C00  }
0x45: {  	[tilespmem:s2], [sflag:$0x5] =	stream.linear.gather [hbm4b:s29+s2], $0xC8, $0x38;
	[tilespmem:$0xCA00] =	vst v63  }
0x46: {  	_ =	swait.ge [sflag:s13], $0xC8  }
0x47: {  	[sflag:s13] =	ssyncset.done $0x0  }
0x48: {  	[sflag:s13] =	ssyncadd.s32 $0xFFFFFF38  }
0x49: {  	[tilespmem:s15], [sflag:$0x1] =	stream.indirect.gather [hbm4b:s3+s14], $0x80, s2, s14, $0xb8;
	[tilespmem:$0xCA00] =	vst v63  }
0x4a: {  	s28 =	sadd.s32 s28, s11  }
0x4b: {  	[tilespmem:s16], [sflag:$0x5] =	stream.linear.gather [hbm4b:s28+s2], $0xC8, $0x38;
	[tilespmem:$0xCA00] =	vst v63  }
0x4c: {  	_ =	swait.ge [sflag:s13], $0xC8  }
0x4d: {  	[sflag:s13] =	ssyncset.done $0x0  }
0x4e: {  	[sflag:s13] =	ssyncadd.s32 $0xFFFFFF38  }
0x4f: {  	[tilespmem:s17], [sflag:$0x2] =	stream.indirect.gather [hbm4b:s3+s14], $0x80, s16, s14, $0xb8;
	[tilespmem:$0xCA00] =	vst v63  }
0x50: {  	_ =	swait.ge [sflag:s18], $0x6400  }
0x51: {  	[sflag:s18] =	ssyncset.done $0x0  }
.Ltmp0:
0x52: {  	s28 =	sadd.s32 $0xFFFFF380, s24;
	[sflag:s18] =	ssyncadd.s32 $0xFFFF9C00;
	(pc) =	sbr.rel @p0 .LBB2_2-.Ltmp0, $4  }
0x53: {  	[hbm4b:s28+s2] =	stream.linear.scatter [tilespmem:s15], [sflag:$0x3], $0x6400, $0x38;
	[tilespmem:$0xCA00] =	vst v63  }
0x54: {  	_ =	swait.ge [sflag:s19], $0x6400  }
0x55: {  	[sflag:s19] =	ssyncset.done $0x0  }
0x56: {  	s25 =	sadd.s32 $0x190, s25;
	s24 =	sadd.s32 $0x1900, s24;
	[sflag:s19] =	ssyncadd.s32 $0xFFFF9C00  }
0x57: {  	[hbm4b:s26+s2] =	stream.linear.scatter [tilespmem:s17], [sflag:$0x4], $0x6400, $0x38;
	[tilespmem:$0xCA00] =	vst v63  }
0x58: {  	s22 =	sadd.s32 $0x1, s22  }
0x59: {  	_ =	swait.ge [sflag:s20], $0x6400;
	p0 =	sne.s32 s22, s5  }
.Ltmp1:
0x5a: {  	[sflag:s20] =	ssyncset.done $0x0;
	(pc) =	sbr.rel @p0 .LBB2_1-.Ltmp1, $4  }
0x5b: {  	[sflag:s20] =	ssyncadd.s32 $0xFFFF9C00  }
0x5c: {  	_ =	swait.ge [sflag:s21], $0x6400  }
0x5d: {  	[sflag:s21] =	ssyncset.done $0x0  }
0x5e: {  	[sflag:s21] =	ssyncadd.s32 $0xFFFF9C00  }
0x5f: {  	_ =	sfence.sel $0x180000  }
0x60: {  	[bflag:$0x0] =	sbarrier.arrive $0xFFFF  }
0x61: {  	p0 =	sne.s32 s1, $0x0;
	_ =	strace $0x90000059  }
0x62: {  	s0 =	sadd.s32 @!p0 $0x100000, s0;
	[bflag:$0x2] =	sbarrier.arrive $0xFFFF  }
0x63: {  	[sflag:s0] =	ssyncadd.tile.s32 @!p0 $0x1;
	_ =	shalt  }
.Lfunc_end2:
_tile_overlayer_lowered:
.L_overlay_start_2:
0x64: {  	(tag) =	ssettag $0x2  }
0x65: {  	s0 =	rddreg [dreg:$0x0];
	s2 =	stileid.u32  }
0x66: {  	s1 =	rddreg [dreg:$0x1];
	p0 =	sne.s32 s2, $0x0  }
0x67: {  	s3 =	rddreg [dreg:$0x2];
	[bflag:$0x3] =	sbarrier.arrive $0xFFFF;
	s2 =	simm.s32 @!p0 $0x1C05  }
0x68: {  	[timem:s3], [sflag:s2] =	dma.local @!p0 [hbm:s0], s1  }
0x69: {  	s0 =	simm.s32 @!p0 $0x5  }
0x6a: {  	_ =	swait.ge @!p0 [sflag:s0], s1  }
0x6b: {  	s1 =	ssub.s32 @!p0 $0x0, s1;
	[sflag:s0] =	ssyncset.done @!p0 $0x0  }
0x6c: {  	[sflag:s0] =	ssyncadd.s32 @!p0 s1  }
0x6d: {  	[bflag:$0x3] =	sbarrier.arrive $0xFFFF  }
0x6e: {  	_ =	shalt  }

// kernel: kernel.47.cloned.1.call-start
scs
__scs_entry_jumppad:
0x0: {  	(pc) =	sbr.rel $0x88, $3  }
0x1: {  	(tag) =	ssettag $0x0;
	lr =	simm.s32 $0x1  }
0x2: {  	[smem:$0x3F90] =	sst lr;
	_ =	strace $0xD0000000  }
0x3: {  	_ = 	snop  }
0x4: {  	_ = 	snop  }
0x5: {  	_ = 	snop  }
0x6: {  	_ = 	snop  }
0x7: {  	_ = 	snop  }
__scs_overlays_trampoline_lowered:
0x8: {  	[smem:$0x3F9F] =	sst s0  }
0x9: {  	[smem:$0x3FA0] =	sst s1  }
0xa: {  	[smem:$0x3FA1] =	sst s2  }
0xb: {  	[smem:$0x3FA2] =	sst s3  }
0xc: {  	[smem:$0x3FA3] =	sst s4  }
0xd: {  	[smem:$0x3FA4] =	sst s5  }
0xe: {  	[smem:$0x3FA5] =	sst s6  }
0xf: {  	[smem:$0x3FA6] =	sst s7  }
0x10: {  	[smem:$0x3FA7] =	sst s8  }
0x11: {  	[smem:$0x3FA8] =	sst s9;
	s0 =	simm.s32 @!p0 $0x0  }
0x12: {  	s1 =	sld [smem:$0x3F8E];
	s0 =	simm.s32 @p0 $0x1  }
0x13: {  	[smem:$0x3FA9] =	sst s0;
	s0 =	simm.s32 @!p1 $0x0  }
0x14: {  	s2 =	sld [smem:$0x3F8D];
	s0 =	simm.s32 @p1 $0x1  }
0x15: {  	[smem:$0x3FAA] =	sst s0;
	s0 =	simm.s32 @!p2 $0x0  }
0x16: {  	s3 =	sld [smem:$0x3FDB];
	s0 =	simm.s32 @p2 $0x1  }
0x17: {  	s4 =	simm.s32 $0x1BF5;
	[smem:$0x3FAC] =	sst s0  }
0x18: {  	s0 =	sld [smem:$0x3F8F];
	_ =	swait.ge [sflag:s4], $0x0  }
0x19: {  	s7 =	sld [smem:$0x3F90]  }
0x1a: {  	s8 =	sadd.s32 $0xFFFFE003, lr  }
0x1b: {  	s9 =	sadd.s32 $0xFFFFFEF7, lr;
	s5 =	simm.s32 $0xFFFFFFFF;
	p2 =	slt.u32 s8, $0xFFFFF086  }
0x1c: {  	p1 =	slt.u32 s9, $0xF7A;
	s5 =	simm.s32 @!p2 $0x0  }
0x1d: {  	s5 =	simm.s32 @p1 $0x1;
	p0 =	seq.s32 s7, s2  }
0x1e: {  	s7 =	smul.u32 @!p0 $0xF7A, s2;
	p2 =	seq.s32 @!p0 s5, $0x0  }
0x1f: {  	s9 =	smul.u32 $0xF7A, s1;
	s8 =	simm.s32 @!p0 $0x1BF5;
	p2 =	por !p2, p0  }
0x20: {  	[sflag:s8] =	ssyncset.s32 @!p0 $0xFFFFF086;
	s6 =	sadd.s32 @!p0 s3, s7;
	s7 =	simm.s32 @!p0 $0x108  }
0x21: {  	s3 =	sadd.s32 s3, s9;
	s6 =	sadd.s32 @!p0 $0x88, s6;
	s7 =	simm.s32 @p2 $0x1082  }
0x22: {  	[simem:s7], [sflag:s8] =	dma.local @!p0 [hbm:s6], $0xF7A  }
0x23: {  	s9 =	sor.u32 $0xD0000000, s2;
	s6 =	simm.s32 $0x108;
	_ =	swait.ge @!p0 [sflag:s8], $0x0  }
0x24: {  	s3 =	sadd.s32 $0x88, s3;
	s6 =	simm.s32 @!p1 $0x1082;
	[sflag:s4] =	ssyncset.s32 $0xFFFFF086  }
0x25: {  	[simem:s6], [sflag:s4] =	dma.local [hbm:s3], $0xF7A  }
0x26: {  	[smem:$0x3F90] =	sst s1;
	(tag) =	ssettag s2;
	_ =	strace s9  }
0x27: {  	s1 =	sld [smem:$0x3FA0]  }
0x28: {  	s2 =	sld [smem:$0x3FA1]  }
0x29: {  	s4 =	sld [smem:$0x3FA3]  }
0x2a: {  	p0 =	seq.s32 s5, $0x0;
	s5 =	sld [smem:$0x3FA4]  }
0x2b: {  	s6 =	sld [smem:$0x3FA5]  }
0x2c: {  	s7 =	sld [smem:$0x3FA6]  }
0x2d: {  	s3 =	simm.s32 $0x108;
	s8 =	sld [smem:$0x3FA7]  }
0x2e: {  	s3 =	simm.s32 @!p0 $0x1082;
	s9 =	sld [smem:$0x3FA8]  }
0x2f: {  	lr =	sadd.s32 s0, s3;
	s0 =	sld [smem:$0x3F9F]  }
0x30: {  	s3 =	sld [smem:$0x3FA2]  }
0x31: {  	[smem:$0x3FAB] =	sst s10  }
0x32: {  	s10 =	sld [smem:$0x3FA9];
	_ =	sdelay $0x3  }
0x33: {  	p0 =	seq.s32 s10, $0x1;
	s10 =	sld [smem:$0x3FAB];
	_ =	sdelay $0x3  }
0x34: {  	[smem:$0x3FAB] =	sst s10  }
0x35: {  	s10 =	sld [smem:$0x3FAA];
	_ =	sdelay $0x3  }
0x36: {  	p1 =	seq.s32 s10, $0x1;
	s10 =	sld [smem:$0x3FAB];
	_ =	sdelay $0x3  }
0x37: {  	[smem:$0x3FAB] =	sst s10  }
0x38: {  	s10 =	sld [smem:$0x3FAC]  }
0x39: {  	_ = 	snop;
	(pc) =	sbr.ind lr, $3  }
0x3a: {  	_ = 	snop  }
0x3b: {  	_ = 	snop  }
0x3c: {  	p2 =	seq.s32 s10, $0x1;
	s10 =	sld [smem:$0x3FAB]  }
0x3d: {  	_ =	shalt  }
0x3e: {  	_ =	shalt  }
0x3f: {  	_ =	shalt  }
0x40: {  	_ =	shalt  }
0x41: {  	_ =	shalt  }
0x42: {  	_ =	shalt  }
0x43: {  	_ =	shalt  }
0x44: {  	_ =	shalt  }
0x45: {  	_ =	shalt  }
0x46: {  	_ =	shalt  }
0x47: {  	_ =	shalt  }
0x48: {  	_ =	shalt  }
0x49: {  	_ =	shalt  }
0x4a: {  	_ =	shalt  }
0x4b: {  	_ =	shalt  }
0x4c: {  	_ =	shalt  }
0x4d: {  	_ =	shalt  }
0x4e: {  	_ =	shalt  }
0x4f: {  	_ =	shalt  }
0x50: {  	_ =	shalt  }
0x51: {  	_ =	shalt  }
0x52: {  	_ =	shalt  }
0x53: {  	_ =	shalt  }
0x54: {  	_ =	shalt  }
0x55: {  	_ =	shalt  }
0x56: {  	_ =	shalt  }
0x57: {  	_ =	shalt  }
0x58: {  	_ =	shalt  }
0x59: {  	_ =	shalt  }
0x5a: {  	_ =	shalt  }
0x5b: {  	_ =	shalt  }
0x5c: {  	_ =	shalt  }
0x5d: {  	_ =	shalt  }
0x5e: {  	_ =	shalt  }
0x5f: {  	_ =	shalt  }
0x60: {  	_ =	shalt  }
0x61: {  	_ =	shalt  }
0x62: {  	_ =	shalt  }
0x63: {  	_ =	shalt  }
0x64: {  	_ =	shalt  }
0x65: {  	_ =	shalt  }
0x66: {  	_ =	shalt  }
0x67: {  	_ =	shalt  }
0x68: {  	_ =	shalt  }
0x69: {  	_ =	shalt  }
0x6a: {  	_ =	shalt  }
0x6b: {  	_ =	shalt  }
0x6c: {  	_ =	shalt  }
0x6d: {  	_ =	shalt  }
0x6e: {  	_ =	shalt  }
0x6f: {  	_ =	shalt  }
0x70: {  	_ =	shalt  }
0x71: {  	_ =	shalt  }
0x72: {  	_ =	shalt  }
0x73: {  	_ =	shalt  }
0x74: {  	_ =	shalt  }
0x75: {  	_ =	shalt  }
0x76: {  	_ =	shalt  }
0x77: {  	_ =	shalt  }
0x78: {  	_ =	shalt  }
0x79: {  	_ =	shalt  }
0x7a: {  	_ =	shalt  }
0x7b: {  	_ =	shalt  }
0x7c: {  	_ =	shalt  }
0x7d: {  	_ =	shalt  }
0x7e: {  	_ =	shalt  }
0x7f: {  	_ =	shalt  }
0x80: {  	_ =	shalt  }
0x81: {  	_ =	shalt  }
0x82: {  	_ =	shalt  }
0x83: {  	_ =	shalt  }
0x84: {  	_ =	shalt  }
0x85: {  	_ =	shalt  }
0x86: {  	_ =	shalt  }
0x87: {  	_ =	shalt  }
.Lfunc_end0:
.L_simem_size_0:
called_computation.8_lowered:
.L_overlay_start_0:
0x88: {  	s2 =	sld [smem:$0x3FD9]  }
0x89: {  	s3 =	sld [smem:$0x3FFE];
	_ =	sdelay $0x1  }
0x8a: {  	s1 =	srdreg.scid  }
0x8b: {  	s0 =	sand.u32 $0x1, s1  }
0x8c: {  	s16 =	sshll.u32 s0, $0xA;
	s2 =	sadd.s32 s3, s2  }
0x8d: {  	s2 =	sadd.s32 s2, s16  }
0x8e: {  	[smem:$0x3FB7] =	sst s2  }
0x8f: {  	_ = 	snop  }
0x90: {  	(tm) =	ssettm $0x1  }
0x91: {  	s17 =	sld [smem:$0x3FFB];
	_ =	sdelay $0x3  }
0x92: {  	_ =	strace s17  }
0x93: {  	s2 =	sld [smem:$0x3FFC];
	_ =	sdelay $0x3  }
0x94: {  	_ =	strace s2  }
0x95: {  	s2 =	sld [smem:$0x3FFD];
	_ =	sdelay $0x3  }
0x96: {  	_ =	strace s2  }
0x97: {  	_ =	strace $0x8FFFFFFF  }
0x98: {  	s18 =	sld [smem:$0x3FDB];
	_ =	sdelay $0x1  }
0x99: {  	s19 =	simm.s32 $_scs_section_size  }
0x9a: {  	s4 =	simm.s32 $_size__tile_overlayer_lowered;
	s5 =	simm.s32 $_tile_overlayer_lowered  }
0x9b: {  	s22 =	simm.s32 $0x1BFF;
	s21 =	sshll.u32 s5, $0x1;
	s2 =	sadd.s32 s19, s18  }
0x9c: {  	s6 =	simm.s32 $0x0;
	s20 =	sshll.u32 s4, $0x1;
	s4 =	sadd.s32 s21, s2  }
0x9d: {  	[timem:s6], [sflag:s22] =	dma.local [hbm:s4], s20  }
0x9e: {  	_ =	swait.ge [sflag:s22], s20  }
0x9f: {  	s3 =	ssub.s32 $0x0, s20;
	[sflag:s22] =	ssyncset.done $0x0  }
0xa0: {  	[sflag:s22] =	ssyncadd.s32 s3;
	_ =	sdelay $0x1  }
0xa1: {  	s23 =	simm.s32 $0x1B8B  }
0xa2: {  	_ =	swait.ge [sflag:s23], $0x1  }
0xa3: {  	[sflag:s23] =	ssyncset.done $0x0  }
0xa4: {  	s25 =	simm.s32 $0x1B8E;
	s24 =	sld [smem:$0x3FFE];
	[sflag:s23] =	ssyncadd.s32 $0xFFFFFFFF  }
0xa5: {  	s26 =	simm.s32 $execute0_lowered;
	[smem:$0x3FD2] =	sst s25  }
0xa6: {  	s4 =	sshll.u32 s26, $0x1;
	_ =	strace $0x80000055;
	[dreg:$0x1] =	wrdreg $0xFFFFFFFF  }
0xa7: {  	s28 =	simm.s32 $_size_execute0_lowered;
	s2 =	sadd.s32 s2, s4;
	[dreg:$0x0] =	wrdreg $0x0  }
0xa8: {  	s4 =	sshll.u32 s28, $0x1;
	[dreg:$0x2] =	wrdreg s2  }
0xa9: {  	[dreg:$0x3] =	wrdreg s4  }
0xaa: {  	[dreg:$0x4] =	wrdreg $0xC0  }
0xab: {  	_ =	task [dreg:s6], $0x5FFFF  }
0xac: {  	[dreg:$0x1] =	wrdreg $0xFFFFFFFF  }
0xad: {  	[dreg:$0x0] =	wrdreg $0x60  }
0xae: {  	[dreg:$0x2] =	wrdreg s24  }
0xaf: {  	[dreg:$0x3] =	wrdreg $0xC  }
0xb0: {  	_ =	task.clear_ibuf [dreg:s6], $0x4FFFF;
	_ =	strace $0x90000055  }
0xb1: {  	s29 =	simm.s32 $0xC;
	_ =	strace $0x80000057  }
0xb2: {  	_ =	swait.ge [sflag:s29], $0x1  }
0xb3: {  	[sflag:s29] =	ssyncadd.s32 $0xFFFFFFFF  }
0xb4: {  	_ =	strace $0x90000057  }
0xb5: {  	_ =	sfence  }
0xb6: {  	s30 =	sld [smem:$0x0];
	_ =	sdelay $0x2  }
0xb7: {  	s31 =	sshll.u32 s1, $0xD;
	s1 =	sshrl.u32 s1, $0x2  }
0xb8: {  	s3 =	sand.u32 $0x4000, s31;
	s1 =	sadd.s32 s1, s30  }
0xb9: {  	s0 =	sor.u32 s3, s0;
	s1 =	sshll.u32 s1, $0x11  }
0xba: {  	s0 =	sor.u32 s1, s0  }
0xbb: {  	s0 =	sadd.s32 $0x8F2B, s0  }
0xbc: {  	[sflag:s0] =	ssyncadd.remote.s32 $0x1  }
0xbd: {  	_ =	sfence.sel $0xFFFF  }
0xbe: {  	[dreg:$0x0] =	wrdreg $0xFFFFFFFF;
	(pc) =	sbr.abs _section_cstart, $3  }
0xbf: {  	[dreg:$0x1] =	wrdreg $0xFFFFFFFF  }
0xc0: {  	_ =	task.clear_ibuf [dreg:s6], $0x2FFFF;
	_ =	strace $0x9FFFFFFF  }
0xc1: {  	(tm) =	ssettm $0x7FFFFFFF  }
tec
execute0_lowered:
.L_overlay_start_1:
0x0: {  	(tag) =	ssettag $0x1  }
0x1: {  	s5 =	rddreg [dreg:$0x0]  }
0x2: {  	s0 =	rddreg [dreg:$0x1];
	s2 =	simm.s32 $0x0;
	s3 =	srdreg.scid  }
0x3: {  	s1 =	stileid.u32;
	s16 =	simm.s32 $0x100;
	s17 =	simm.s32 $0x6600  }
0x4: {  	s18 =	simm.s32 $0x1;
	s19 =	simm.s32 $0x2;
	s20 =	simm.s32 $0x3  }
0x5: {  	s21 =	simm.s32 $0x4;
	s22 =	simm.s32 $0x0;
	s25 =	smul.u32 $0xFA00, s1  }
0x6: {  	[smem:$0x7FF] =	sst s2;
	s8 =	sand.u32 $0x1, s3;
	s14 =	smul.u32 $0xFA0, s1  }
0x7: {  	s23 =	sshll.u32 s1, $0x1;
	s3 =	sadd.s32 $0x51CE00, s5;
	s29 =	smul.u32 $0x7D0, s8  }
0x8: {  	s4 =	sadd.s32 $0x9800, s5;
	s6 =	sor.u32 s8, s23;
	s15 =	smul.u32 $0x7D00, s8  }
0x9: {  	s12 =	sadd.s32 $0x544000, s5;
	s7 =	ssub.s32 $0x2, s8;
	s9 =	smul.u32 $0x7D0, s6  }
0xa: {  	_ =	strace $0x80000056;
	s10 =	sshrl.u32 s7, $0x1;
	s11 =	smul.u32 $0x7D00, s6  }
0xb: {  	s24 =	ssub.s32 s7, s10;
	s10 =	sadd.s32 s25, s12;
	s14 =	sadd.s32 s29, s14  }
0xc: {  	s13 =	sadd.s32 $0xC8, s9;
	s5 =	smax.u32 s24, $0x1;
	s26 =	sshrl.u32 s9, $0x3  }
0xd: {  	s8 =	sadd.s32 s12, s11;
	s10 =	sadd.s32 s15, s10;
	s31 =	sadd.s32 $0x258, s14  }
0xe: {  	s15 =	simm.s32 $0x200;
	s28 =	sshrl.u32 s13, $0x3;
	s6 =	sadd.s32 s4, s26  }
0xf: {  	s30 =	sshll.u32 s13, $0x4;
	s10 =	sadd.s32 $0x2580, s10;
	s11 =	sshrl.u32 s31, $0x3  }
0x10: {  	s13 =	simm.s32 $0x5;
	s7 =	sadd.s32 s4, s28;
	s9 =	sadd.s32 s12, s30  }
0x11: {  	s11 =	sadd.s32 s11, s4;
	s12 =	sadd.s32 $0x190, s14;
	s14 =	simm.s32 $0xC8  }
.LBB2_1:
0x12: {  	[tilespmem:s2], [sflag:$0x5] =	stream.linear.gather [hbm4b:s6+s2], $0xC8, $0x38;
	[tilespmem:$0xCA00] =	vst v63  }
0x13: {  	_ =	swait.ge [sflag:s13], $0xC8  }
0x14: {  	[sflag:s13] =	ssyncset.done $0x0  }
0x15: {  	[sflag:s13] =	ssyncadd.s32 $0xFFFFFF38  }
0x16: {  	[tilespmem:s15], [sflag:$0x1] =	stream.indirect.gather [hbm4b:s3+s14], $0x80, s2, s14, $0xb8;
	[tilespmem:$0xCA00] =	vst v63  }
0x17: {  	_ = 	snop  }
0x18: {  	[tilespmem:s16], [sflag:$0x5] =	stream.linear.gather [hbm4b:s7+s2], $0xC8, $0x38;
	[tilespmem:$0xCA00] =	vst v63  }
0x19: {  	_ =	swait.ge [sflag:s13], $0xC8  }
0x1a: {  	[sflag:s13] =	ssyncset.done $0x0  }
0x1b: {  	[sflag:s13] =	ssyncadd.s32 $0xFFFFFF38  }
0x1c: {  	[tilespmem:s17], [sflag:$0x2] =	stream.indirect.gather [hbm4b:s3+s14], $0x80, s16, s14, $0xb8;
	[tilespmem:$0xCA00] =	vst v63  }
0x1d: {  	_ =	swait.ge [sflag:s18], $0x6400  }
0x1e: {  	[sflag:s18] =	ssyncset.done $0x0  }
0x1f: {  	[sflag:s18] =	ssyncadd.s32 $0xFFFF9C00  }
0x20: {  	[hbm4b:s8+s2] =	stream.linear.scatter [tilespmem:s15], [sflag:$0x3], $0x6400, $0x38;
	[tilespmem:$0xCA00] =	vst v63  }
0x21: {  	_ =	swait.ge [sflag:s19], $0x6400  }
0x22: {  	[sflag:s19] =	ssyncset.done $0x0  }
0x23: {  	[sflag:s19] =	ssyncadd.s32 $0xFFFF9C00  }
0x24: {  	[hbm4b:s9+s2] =	stream.linear.scatter [tilespmem:s17], [sflag:$0x4], $0x6400, $0x38;
	[tilespmem:$0xCA00] =	vst v63  }
0x25: {  	_ =	swait.ge [sflag:s20], $0x6400  }
0x26: {  	[sflag:s20] =	ssyncset.done $0x0  }
0x27: {  	[sflag:s20] =	ssyncadd.s32 $0xFFFF9C00  }
0x28: {  	_ =	swait.ge [sflag:s21], $0x6400  }
0x29: {  	s23 =	sshrl.u32 s12, $0x3;
	[sflag:s21] =	ssyncset.done $0x0  }
0x2a: {  	s23 =	sadd.s32 s4, s23;
	[sflag:s21] =	ssyncadd.s32 $0xFFFF9C00  }
0x2b: {  	[tilespmem:s2], [sflag:$0x5] =	stream.linear.gather [hbm4b:s23+s2], $0xC8, $0x38;
	[tilespmem:$0xCA00] =	vst v63  }
0x2c: {  	_ =	swait.ge [sflag:s13], $0xC8  }
0x2d: {  	[sflag:s13] =	ssyncset.done $0x0  }
0x2e: {  	[sflag:s13] =	ssyncadd.s32 $0xFFFFFF38  }
0x2f: {  	[tilespmem:s15], [sflag:$0x1] =	stream.indirect.gather [hbm4b:s3+s14], $0x80, s2, s14, $0xb8;
	[tilespmem:$0xCA00] =	vst v63  }
0x30: {  	s30 =	sadd.s32 $0x0, s11  }
0x31: {  	[tilespmem:s16], [sflag:$0x5] =	stream.linear.gather [hbm4b:s30+s2], $0xC8, $0x38;
	[tilespmem:$0xCA00] =	vst v63  }
0x32: {  	_ =	swait.ge [sflag:s13], $0xC8  }
0x33: {  	[sflag:s13] =	ssyncset.done $0x0  }
0x34: {  	[sflag:s13] =	ssyncadd.s32 $0xFFFFFF38  }
0x35: {  	[tilespmem:s17], [sflag:$0x2] =	stream.indirect.gather [hbm4b:s3+s14], $0x80, s16, s14, $0xb8;
	[tilespmem:$0xCA00] =	vst v63  }
0x36: {  	_ =	swait.ge [sflag:s18], $0x6400  }
0x37: {  	[sflag:s18] =	ssyncset.done $0x0  }
0x38: {  	s31 =	sadd.s32 $0xFFFFF380, s10;
	[sflag:s18] =	ssyncadd.s32 $0xFFFF9C00  }
0x39: {  	[hbm4b:s31+s2] =	stream.linear.scatter [tilespmem:s15], [sflag:$0x3], $0x6400, $0x38;
	[tilespmem:$0xCA00] =	vst v63  }
0x3a: {  	_ =	swait.ge [sflag:s19], $0x6400  }
0x3b: {  	s24 =	sadd.s32 $0x1900, s10;
	s25 =	sadd.s32 $0x190, s12;
	[sflag:s19] =	ssyncset.done $0x0  }
0x3c: {  	s26 =	smov.u32 s10;
	s23 =	simm.s32 $0x32;
	[sflag:s19] =	ssyncadd.s32 $0xFFFF9C00  }
.LBB2_2:
0x3d: {  	[hbm4b:s26+s2] =	stream.linear.scatter [tilespmem:s17], [sflag:$0x4], $0x6400, $0x38;
	[tilespmem:$0xCA00] =	vst v63  }
0x3e: {  	s28 =	smov.u32 s23;
	s26 =	smov.u32 s24  }
0x3f: {  	p0 =	sne.s32 s23, $0x96;
	s23 =	sadd.s32 $0x32, s23;
	_ =	swait.ge [sflag:s20], $0x6400  }
0x40: {  	[sflag:s20] =	ssyncset.done $0x0  }
0x41: {  	[sflag:s20] =	ssyncadd.s32 $0xFFFF9C00  }
0x42: {  	_ =	swait.ge [sflag:s21], $0x6400  }
0x43: {  	s29 =	sshrl.u32 s25, $0x3;
	[sflag:s21] =	ssyncset.done $0x0  }
0x44: {  	s29 =	sadd.s32 s4, s29;
	[sflag:s21] =	ssyncadd.s32 $0xFFFF9C00  }
0x45: {  	[tilespmem:s2], [sflag:$0x5] =	stream.linear.gather [hbm4b:s29+s2], $0xC8, $0x38;
	[tilespmem:$0xCA00] =	vst v63  }
0x46: {  	_ =	swait.ge [sflag:s13], $0xC8  }
0x47: {  	[sflag:s13] =	ssyncset.done $0x0  }
0x48: {  	[sflag:s13] =	ssyncadd.s32 $0xFFFFFF38  }
0x49: {  	[tilespmem:s15], [sflag:$0x1] =	stream.indirect.gather [hbm4b:s3+s14], $0x80, s2, s14, $0xb8;
	[tilespmem:$0xCA00] =	vst v63  }
0x4a: {  	s28 =	sadd.s32 s28, s11  }
0x4b: {  	[tilespmem:s16], [sflag:$0x5] =	stream.linear.gather [hbm4b:s28+s2], $0xC8, $0x38;
	[tilespmem:$0xCA00] =	vst v63  }
0x4c: {  	_ =	swait.ge [sflag:s13], $0xC8  }
0x4d: {  	[sflag:s13] =	ssyncset.done $0x0  }
0x4e: {  	[sflag:s13] =	ssyncadd.s32 $0xFFFFFF38  }
0x4f: {  	[tilespmem:s17], [sflag:$0x2] =	stream.indirect.gather [hbm4b:s3+s14], $0x80, s16, s14, $0xb8;
	[tilespmem:$0xCA00] =	vst v63  }
0x50: {  	_ =	swait.ge [sflag:s18], $0x6400  }
0x51: {  	[sflag:s18] =	ssyncset.done $0x0  }
.Ltmp0:
0x52: {  	s28 =	sadd.s32 $0xFFFFF380, s24;
	[sflag:s18] =	ssyncadd.s32 $0xFFFF9C00;
	(pc) =	sbr.rel @p0 .LBB2_2-.Ltmp0, $4  }
0x53: {  	[hbm4b:s28+s2] =	stream.linear.scatter [tilespmem:s15], [sflag:$0x3], $0x6400, $0x38;
	[tilespmem:$0xCA00] =	vst v63  }
0x54: {  	_ =	swait.ge [sflag:s19], $0x6400  }
0x55: {  	[sflag:s19] =	ssyncset.done $0x0  }
0x56: {  	s25 =	sadd.s32 $0x190, s25;
	s24 =	sadd.s32 $0x1900, s24;
	[sflag:s19] =	ssyncadd.s32 $0xFFFF9C00  }
0x57: {  	[hbm4b:s26+s2] =	stream.linear.scatter [tilespmem:s17], [sflag:$0x4], $0x6400, $0x38;
	[tilespmem:$0xCA00] =	vst v63  }
0x58: {  	s22 =	sadd.s32 $0x1, s22  }
0x59: {  	_ =	swait.ge [sflag:s20], $0x6400;
	p0 =	sne.s32 s22, s5  }
.Ltmp1:
0x5a: {  	[sflag:s20] =	ssyncset.done $0x0;
	(pc) =	sbr.rel @p0 .LBB2_1-.Ltmp1, $4  }
0x5b: {  	[sflag:s20] =	ssyncadd.s32 $0xFFFF9C00  }
0x5c: {  	_ =	swait.ge [sflag:s21], $0x6400  }
0x5d: {  	[sflag:s21] =	ssyncset.done $0x0  }
0x5e: {  	[sflag:s21] =	ssyncadd.s32 $0xFFFF9C00  }
0x5f: {  	_ =	sfence.sel $0x180000  }
0x60: {  	[bflag:$0x0] =	sbarrier.arrive $0xFFFF  }
0x61: {  	p0 =	sne.s32 s1, $0x0;
	_ =	strace $0x90000056  }
0x62: {  	s0 =	sadd.s32 @!p0 $0x100000, s0;
	[bflag:$0x2] =	sbarrier.arrive $0xFFFF  }
0x63: {  	[sflag:s0] =	ssyncadd.tile.s32 @!p0 $0x1;
	_ =	shalt  }
.Lfunc_end2:
_tile_overlayer_lowered:
.L_overlay_start_2:
0x64: {  	(tag) =	ssettag $0x2  }
0x65: {  	s0 =	rddreg [dreg:$0x0];
	s2 =	stileid.u32  }
0x66: {  	s1 =	rddreg [dreg:$0x1];
	p0 =	sne.s32 s2, $0x0  }
0x67: {  	s3 =	rddreg [dreg:$0x2];
	[bflag:$0x3] =	sbarrier.arrive $0xFFFF;
	s2 =	simm.s32 @!p0 $0x1C05  }
0x68: {  	[timem:s3], [sflag:s2] =	dma.local @!p0 [hbm:s0], s1  }
0x69: {  	s0 =	simm.s32 @!p0 $0x5  }
0x6a: {  	_ =	swait.ge @!p0 [sflag:s0], s1  }
0x6b: {  	s1 =	ssub.s32 @!p0 $0x0, s1;
	[sflag:s0] =	ssyncset.done @!p0 $0x0  }
0x6c: {  	[sflag:s0] =	ssyncadd.s32 @!p0 s1  }
0x6d: {  	[bflag:$0x3] =	sbarrier.arrive $0xFFFF  }
0x6e: {  	_ =	shalt  }

// kernel: kernel.50.cloned.1.call-start
scs
__scs_entry_jumppad:
0x0: {  	(pc) =	sbr.rel $0x88, $3  }
0x1: {  	(tag) =	ssettag $0x0;
	lr =	simm.s32 $0x1  }
0x2: {  	[smem:$0x3F90] =	sst lr;
	_ =	strace $0xD0000000  }
0x3: {  	_ = 	snop  }
0x4: {  	_ = 	snop  }
0x5: {  	_ = 	snop  }
0x6: {  	_ = 	snop  }
0x7: {  	_ = 	snop  }
__scs_overlays_trampoline_lowered:
0x8: {  	[smem:$0x3F9F] =	sst s0  }
0x9: {  	[smem:$0x3FA0] =	sst s1  }
0xa: {  	[smem:$0x3FA1] =	sst s2  }
0xb: {  	[smem:$0x3FA2] =	sst s3  }
0xc: {  	[smem:$0x3FA3] =	sst s4  }
0xd: {  	[smem:$0x3FA4] =	sst s5  }
0xe: {  	[smem:$0x3FA5] =	sst s6  }
0xf: {  	[smem:$0x3FA6] =	sst s7  }
0x10: {  	[smem:$0x3FA7] =	sst s8  }
0x11: {  	[smem:$0x3FA8] =	sst s9;
	s0 =	simm.s32 @!p0 $0x0  }
0x12: {  	s1 =	sld [smem:$0x3F8E];
	s0 =	simm.s32 @p0 $0x1  }
0x13: {  	[smem:$0x3FA9] =	sst s0;
	s0 =	simm.s32 @!p1 $0x0  }
0x14: {  	s2 =	sld [smem:$0x3F8D];
	s0 =	simm.s32 @p1 $0x1  }
0x15: {  	[smem:$0x3FAA] =	sst s0;
	s0 =	simm.s32 @!p2 $0x0  }
0x16: {  	s3 =	sld [smem:$0x3FDB];
	s0 =	simm.s32 @p2 $0x1  }
0x17: {  	s4 =	simm.s32 $0x1BF5;
	[smem:$0x3FAC] =	sst s0  }
0x18: {  	s0 =	sld [smem:$0x3F8F];
	_ =	swait.ge [sflag:s4], $0x0  }
0x19: {  	s7 =	sld [smem:$0x3F90]  }
0x1a: {  	s8 =	sadd.s32 $0xFFFFE003, lr  }
0x1b: {  	s9 =	sadd.s32 $0xFFFFFEF7, lr;
	s5 =	simm.s32 $0xFFFFFFFF;
	p2 =	slt.u32 s8, $0xFFFFF086  }
0x1c: {  	p1 =	slt.u32 s9, $0xF7A;
	s5 =	simm.s32 @!p2 $0x0  }
0x1d: {  	s5 =	simm.s32 @p1 $0x1;
	p0 =	seq.s32 s7, s2  }
0x1e: {  	s7 =	smul.u32 @!p0 $0xF7A, s2;
	p2 =	seq.s32 @!p0 s5, $0x0  }
0x1f: {  	s9 =	smul.u32 $0xF7A, s1;
	s8 =	simm.s32 @!p0 $0x1BF5;
	p2 =	por !p2, p0  }
0x20: {  	[sflag:s8] =	ssyncset.s32 @!p0 $0xFFFFF086;
	s6 =	sadd.s32 @!p0 s3, s7;
	s7 =	simm.s32 @!p0 $0x108  }
0x21: {  	s3 =	sadd.s32 s3, s9;
	s6 =	sadd.s32 @!p0 $0x88, s6;
	s7 =	simm.s32 @p2 $0x1082  }
0x22: {  	[simem:s7], [sflag:s8] =	dma.local @!p0 [hbm:s6], $0xF7A  }
0x23: {  	s9 =	sor.u32 $0xD0000000, s2;
	s6 =	simm.s32 $0x108;
	_ =	swait.ge @!p0 [sflag:s8], $0x0  }
0x24: {  	s3 =	sadd.s32 $0x88, s3;
	s6 =	simm.s32 @!p1 $0x1082;
	[sflag:s4] =	ssyncset.s32 $0xFFFFF086  }
0x25: {  	[simem:s6], [sflag:s4] =	dma.local [hbm:s3], $0xF7A  }
0x26: {  	[smem:$0x3F90] =	sst s1;
	(tag) =	ssettag s2;
	_ =	strace s9  }
0x27: {  	s1 =	sld [smem:$0x3FA0]  }
0x28: {  	s2 =	sld [smem:$0x3FA1]  }
0x29: {  	s4 =	sld [smem:$0x3FA3]  }
0x2a: {  	p0 =	seq.s32 s5, $0x0;
	s5 =	sld [smem:$0x3FA4]  }
0x2b: {  	s6 =	sld [smem:$0x3FA5]  }
0x2c: {  	s7 =	sld [smem:$0x3FA6]  }
0x2d: {  	s3 =	simm.s32 $0x108;
	s8 =	sld [smem:$0x3FA7]  }
0x2e: {  	s3 =	simm.s32 @!p0 $0x1082;
	s9 =	sld [smem:$0x3FA8]  }
0x2f: {  	lr =	sadd.s32 s0, s3;
	s0 =	sld [smem:$0x3F9F]  }
0x30: {  	s3 =	sld [smem:$0x3FA2]  }
0x31: {  	[smem:$0x3FAB] =	sst s10  }
0x32: {  	s10 =	sld [smem:$0x3FA9];
	_ =	sdelay $0x3  }
0x33: {  	p0 =	seq.s32 s10, $0x1;
	s10 =	sld [smem:$0x3FAB];
	_ =	sdelay $0x3  }
0x34: {  	[smem:$0x3FAB] =	sst s10  }
0x35: {  	s10 =	sld [smem:$0x3FAA];
	_ =	sdelay $0x3  }
0x36: {  	p1 =	seq.s32 s10, $0x1;
	s10 =	sld [smem:$0x3FAB];
	_ =	sdelay $0x3  }
0x37: {  	[smem:$0x3FAB] =	sst s10  }
0x38: {  	s10 =	sld [smem:$0x3FAC]  }
0x39: {  	_ = 	snop;
	(pc) =	sbr.ind lr, $3  }
0x3a: {  	_ = 	snop  }
0x3b: {  	_ = 	snop  }
0x3c: {  	p2 =	seq.s32 s10, $0x1;
	s10 =	sld [smem:$0x3FAB]  }
0x3d: {  	_ =	shalt  }
0x3e: {  	_ =	shalt  }
0x3f: {  	_ =	shalt  }
0x40: {  	_ =	shalt  }
0x41: {  	_ =	shalt  }
0x42: {  	_ =	shalt  }
0x43: {  	_ =	shalt  }
0x44: {  	_ =	shalt  }
0x45: {  	_ =	shalt  }
0x46: {  	_ =	shalt  }
0x47: {  	_ =	shalt  }
0x48: {  	_ =	shalt  }
0x49: {  	_ =	shalt  }
0x4a: {  	_ =	shalt  }
0x4b: {  	_ =	shalt  }
0x4c: {  	_ =	shalt  }
0x4d: {  	_ =	shalt  }
0x4e: {  	_ =	shalt  }
0x4f: {  	_ =	shalt  }
0x50: {  	_ =	shalt  }
0x51: {  	_ =	shalt  }
0x52: {  	_ =	shalt  }
0x53: {  	_ =	shalt  }
0x54: {  	_ =	shalt  }
0x55: {  	_ =	shalt  }
0x56: {  	_ =	shalt  }
0x57: {  	_ =	shalt  }
0x58: {  	_ =	shalt  }
0x59: {  	_ =	shalt  }
0x5a: {  	_ =	shalt  }
0x5b: {  	_ =	shalt  }
0x5c: {  	_ =	shalt  }
0x5d: {  	_ =	shalt  }
0x5e: {  	_ =	shalt  }
0x5f: {  	_ =	shalt  }
0x60: {  	_ =	shalt  }
0x61: {  	_ =	shalt  }
0x62: {  	_ =	shalt  }
0x63: {  	_ =	shalt  }
0x64: {  	_ =	shalt  }
0x65: {  	_ =	shalt  }
0x66: {  	_ =	shalt  }
0x67: {  	_ =	shalt  }
0x68: {  	_ =	shalt  }
0x69: {  	_ =	shalt  }
0x6a: {  	_ =	shalt  }
0x6b: {  	_ =	shalt  }
0x6c: {  	_ =	shalt  }
0x6d: {  	_ =	shalt  }
0x6e: {  	_ =	shalt  }
0x6f: {  	_ =	shalt  }
0x70: {  	_ =	shalt  }
0x71: {  	_ =	shalt  }
0x72: {  	_ =	shalt  }
0x73: {  	_ =	shalt  }
0x74: {  	_ =	shalt  }
0x75: {  	_ =	shalt  }
0x76: {  	_ =	shalt  }
0x77: {  	_ =	shalt  }
0x78: {  	_ =	shalt  }
0x79: {  	_ =	shalt  }
0x7a: {  	_ =	shalt  }
0x7b: {  	_ =	shalt  }
0x7c: {  	_ =	shalt  }
0x7d: {  	_ =	shalt  }
0x7e: {  	_ =	shalt  }
0x7f: {  	_ =	shalt  }
0x80: {  	_ =	shalt  }
0x81: {  	_ =	shalt  }
0x82: {  	_ =	shalt  }
0x83: {  	_ =	shalt  }
0x84: {  	_ =	shalt  }
0x85: {  	_ =	shalt  }
0x86: {  	_ =	shalt  }
0x87: {  	_ =	shalt  }
.Lfunc_end0:
.L_simem_size_0:
called_computation.9_lowered:
.L_overlay_start_0:
0x88: {  	s2 =	sld [smem:$0x3FD9]  }
0x89: {  	s3 =	sld [smem:$0x3FFE];
	_ =	sdelay $0x1  }
0x8a: {  	s1 =	srdreg.scid  }
0x8b: {  	s0 =	sand.u32 $0x1, s1  }
0x8c: {  	s17 =	sshll.u32 s0, $0xA;
	s2 =	sadd.s32 s3, s2  }
0x8d: {  	s2 =	sadd.s32 s2, s17  }
0x8e: {  	[smem:$0x3FB7] =	sst s2  }
0x8f: {  	_ = 	snop  }
0x90: {  	(tm) =	ssettm $0x1  }
0x91: {  	s18 =	sld [smem:$0x3FFB];
	_ =	sdelay $0x3  }
0x92: {  	_ =	strace s18  }
0x93: {  	s2 =	sld [smem:$0x3FFC];
	_ =	sdelay $0x3  }
0x94: {  	_ =	strace s2  }
0x95: {  	s2 =	sld [smem:$0x3FFD];
	_ =	sdelay $0x3  }
0x96: {  	_ =	strace s2  }
0x97: {  	_ =	strace $0x8FFFFFFF  }
0x98: {  	s19 =	sld [smem:$0x3FDB];
	_ =	sdelay $0x1  }
0x99: {  	s20 =	simm.s32 $_scs_section_size  }
0x9a: {  	s4 =	simm.s32 $_size__tile_overlayer_lowered;
	s5 =	simm.s32 $_tile_overlayer_lowered  }
0x9b: {  	s6 =	simm.s32 $0x1BFF;
	s21 =	sshll.u32 s5, $0x1;
	s3 =	sadd.s32 s20, s19  }
0x9c: {  	s22 =	simm.s32 $0x0;
	s4 =	sshll.u32 s4, $0x1;
	s5 =	sadd.s32 s21, s3  }
0x9d: {  	[timem:s22], [sflag:s6] =	dma.local [hbm:s5], s4  }
0x9e: {  	_ =	swait.ge [sflag:s6], s4  }
0x9f: {  	s4 =	ssub.s32 $0x0, s4;
	[sflag:s6] =	ssyncset.done $0x0  }
0xa0: {  	[sflag:s6] =	ssyncadd.s32 s4;
	_ =	sdelay $0x1  }
0xa1: {  	s23 =	simm.s32 $0x1B8B  }
0xa2: {  	_ =	swait.ge [sflag:s23], $0x1  }
0xa3: {  	[sflag:s23] =	ssyncset.done $0x0  }
0xa4: {  	[sflag:s23] =	ssyncadd.s32 $0xFFFFFFFF  }
0xa5: {  	s4 =	sld [smem:$0x0]  }
0xa6: {  	s5 =	sand.u32 $0xFFFFFFFE, s1  }
0xa7: {  	p0 =	sne.s32 s1, s5  }
0xa8: {  	s5 =	sshll.u32 @p0 s5, $0xE  }
0xa9: {  	s5 =	sadd.s32 @p0 $0x11B8D, s5;
	s6 =	sshll.u32 @p0 s4, $0x11  }
0xaa: {  	s5 =	sor.u32 @p0 s6, s5  }
0xab: {  	[sflag:s5] =	ssyncadd.remote.s32 @p0 $0x1;
	_ =	sdelay $0x1  }
0xac: {  	s5 =	simm.s32 @p0 $0x1B8D  }
0xad: {  	_ =	swait.eq @p0 [sflag:s5], $0x1  }
0xae: {  	[sflag:s5] =	ssyncadd.s32 @p0 $0xFFFFFFFF  }
0xaf: {  	s6 =	sshll.u32 @!p0 s1, $0xE  }
0xb0: {  	s6 =	sor.u32 @!p0 $0x4000, s6;
	s5 =	simm.s32 @!p0 $0x1B8D  }
0xb1: {  	s4 =	sshll.u32 @!p0 s4, $0x11;
	s6 =	sadd.s32 @!p0 $0x11B8D, s6;
	_ =	swait.eq @!p0 [sflag:s5], $0x1  }
0xb2: {  	s4 =	sor.u32 @!p0 s4, s6;
	[sflag:s5] =	ssyncadd.s32 @!p0 $0xFFFFFFFF  }
0xb3: {  	s25 =	simm.s32 $0x1B8E;
	s24 =	sld [smem:$0x3FFE];
	[sflag:s4] =	ssyncadd.remote.s32 @!p0 $0x1  }
0xb4: {  	s26 =	simm.s32 $execute0_lowered;
	[smem:$0x3FD2] =	sst s25  }
0xb5: {  	s5 =	sshll.u32 s26, $0x1;
	_ =	strace $0x80000061;
	[dreg:$0x1] =	wrdreg $0xFFFFFFFF  }
0xb6: {  	s28 =	simm.s32 $_size_execute0_lowered;
	s3 =	sadd.s32 s3, s5;
	[dreg:$0x0] =	wrdreg $0x0  }
0xb7: {  	s5 =	sshll.u32 s28, $0x1;
	[dreg:$0x2] =	wrdreg s3  }
0xb8: {  	[dreg:$0x3] =	wrdreg s5  }
0xb9: {  	[dreg:$0x4] =	wrdreg $0xC0  }
0xba: {  	_ =	task [dreg:s22], $0x5FFFF  }
0xbb: {  	[dreg:$0x1] =	wrdreg $0xFFFFFFFF  }
0xbc: {  	[dreg:$0x0] =	wrdreg $0x60  }
0xbd: {  	[dreg:$0x2] =	wrdreg s24  }
0xbe: {  	[dreg:$0x3] =	wrdreg $0xD  }
0xbf: {  	_ =	task.clear_ibuf [dreg:s22], $0x4FFFF;
	_ =	strace $0x90000061  }
0xc0: {  	s29 =	simm.s32 $0xD;
	_ =	strace $0x80000063  }
0xc1: {  	_ =	swait.ge [sflag:s29], $0x1  }
0xc2: {  	[sflag:s29] =	ssyncadd.s32 $0xFFFFFFFF  }
0xc3: {  	_ =	strace $0x90000063  }
0xc4: {  	_ =	sfence  }
0xc5: {  	s30 =	sld [smem:$0x0];
	_ =	sdelay $0x2  }
0xc6: {  	s31 =	sshll.u32 s1, $0xD;
	s1 =	sshrl.u32 s1, $0x2  }
0xc7: {  	s4 =	sand.u32 $0x4000, s31;
	s1 =	sadd.s32 s1, s30  }
0xc8: {  	s0 =	sor.u32 s4, s0;
	s1 =	sshll.u32 s1, $0x11  }
0xc9: {  	s0 =	sor.u32 s1, s0  }
0xca: {  	s0 =	sadd.s32 $0x8F2B, s0  }
0xcb: {  	[sflag:s0] =	ssyncadd.remote.s32 $0x1  }
0xcc: {  	_ =	sfence.sel $0xFFFF  }
0xcd: {  	[dreg:$0x0] =	wrdreg $0xFFFFFFFF;
	(pc) =	sbr.abs _section_cstart, $3  }
0xce: {  	[dreg:$0x1] =	wrdreg $0xFFFFFFFF  }
0xcf: {  	_ =	task.clear_ibuf [dreg:s22], $0x2FFFF;
	_ =	strace $0x9FFFFFFF  }
0xd0: {  	(tm) =	ssettm $0x7FFFFFFF  }
0xd1: {  	_ =	shalt  }
tec
execute0_lowered:
.L_overlay_start_1:
0x0: {  	(tag) =	ssettag $0x1  }
0x1: {  	s5 =	rddreg [dreg:$0x0]  }
0x2: {  	s0 =	rddreg [dreg:$0x1];
	s2 =	simm.s32 $0x0;
	s3 =	srdreg.scid  }
0x3: {  	s1 =	stileid.u32;
	s16 =	simm.s32 $0x100;
	s17 =	simm.s32 $0x6600  }
0x4: {  	s18 =	simm.s32 $0x1;
	s19 =	simm.s32 $0x2;
	s20 =	simm.s32 $0x3  }
0x5: {  	s21 =	simm.s32 $0x4;
	s22 =	simm.s32 $0x0;
	s25 =	smul.u32 $0xFA00, s1  }
0x6: {  	[smem:$0x7FF] =	sst s2;
	s8 =	sand.u32 $0x1, s3;
	s14 =	smul.u32 $0xFA0, s1  }
0x7: {  	s23 =	sshll.u32 s1, $0x1;
	s3 =	sadd.s32 $0x51CE00, s5;
	s29 =	smul.u32 $0x7D0, s8  }
0x8: {  	s4 =	sadd.s32 $0x11800, s5;
	s6 =	sor.u32 s8, s23;
	s15 =	smul.u32 $0x7D00, s8  }
0x9: {  	s12 =	sadd.s32 $0x92C000, s5;
	s7 =	ssub.s32 $0x2, s8;
	s9 =	smul.u32 $0x7D0, s6  }
0xa: {  	_ =	strace $0x80000062;
	s10 =	sshrl.u32 s7, $0x1;
	s11 =	smul.u32 $0x7D00, s6  }
0xb: {  	s24 =	ssub.s32 s7, s10;
	s10 =	sadd.s32 s25, s12;
	s14 =	sadd.s32 s29, s14  }
0xc: {  	s13 =	sadd.s32 $0xC8, s9;
	s5 =	smax.u32 s24, $0x1;
	s26 =	sshrl.u32 s9, $0x3  }
0xd: {  	s8 =	sadd.s32 s12, s11;
	s10 =	sadd.s32 s15, s10;
	s31 =	sadd.s32 $0x258, s14  }
0xe: {  	s15 =	simm.s32 $0x200;
	s28 =	sshrl.u32 s13, $0x3;
	s6 =	sadd.s32 s4, s26  }
0xf: {  	s30 =	sshll.u32 s13, $0x4;
	s10 =	sadd.s32 $0x2580, s10;
	s11 =	sshrl.u32 s31, $0x3  }
0x10: {  	s13 =	simm.s32 $0x5;
	s7 =	sadd.s32 s4, s28;
	s9 =	sadd.s32 s12, s30  }
0x11: {  	s11 =	sadd.s32 s11, s4;
	s12 =	sadd.s32 $0x190, s14;
	s14 =	simm.s32 $0xC8  }
.LBB2_1:
0x12: {  	[tilespmem:s2], [sflag:$0x5] =	stream.linear.gather [hbm4b:s6+s2], $0xC8, $0x38;
	[tilespmem:$0xCA00] =	vst v63  }
0x13: {  	_ =	swait.ge [sflag:s13], $0xC8  }
0x14: {  	[sflag:s13] =	ssyncset.done $0x0  }
0x15: {  	[sflag:s13] =	ssyncadd.s32 $0xFFFFFF38  }
0x16: {  	[tilespmem:s15], [sflag:$0x1] =	stream.indirect.gather [hbm4b:s3+s14], $0x80, s2, s14, $0xb8;
	[tilespmem:$0xCA00] =	vst v63  }
0x17: {  	_ = 	snop  }
0x18: {  	[tilespmem:s16], [sflag:$0x5] =	stream.linear.gather [hbm4b:s7+s2], $0xC8, $0x38;
	[tilespmem:$0xCA00] =	vst v63  }
0x19: {  	_ =	swait.ge [sflag:s13], $0xC8  }
0x1a: {  	[sflag:s13] =	ssyncset.done $0x0  }
0x1b: {  	[sflag:s13] =	ssyncadd.s32 $0xFFFFFF38  }
0x1c: {  	[tilespmem:s17], [sflag:$0x2] =	stream.indirect.gather [hbm4b:s3+s14], $0x80, s16, s14, $0xb8;
	[tilespmem:$0xCA00] =	vst v63  }
0x1d: {  	_ =	swait.ge [sflag:s18], $0x6400  }
0x1e: {  	[sflag:s18] =	ssyncset.done $0x0  }
0x1f: {  	[sflag:s18] =	ssyncadd.s32 $0xFFFF9C00  }
0x20: {  	[hbm4b:s8+s2] =	stream.linear.scatter [tilespmem:s15], [sflag:$0x3], $0x6400, $0x38;
	[tilespmem:$0xCA00] =	vst v63  }
0x21: {  	_ =	swait.ge [sflag:s19], $0x6400  }
0x22: {  	[sflag:s19] =	ssyncset.done $0x0  }
0x23: {  	[sflag:s19] =	ssyncadd.s32 $0xFFFF9C00  }
0x24: {  	[hbm4b:s9+s2] =	stream.linear.scatter [tilespmem:s17], [sflag:$0x4], $0x6400, $0x38;
	[tilespmem:$0xCA00] =	vst v63  }
0x25: {  	_ =	swait.ge [sflag:s20], $0x6400  }
0x26: {  	[sflag:s20] =	ssyncset.done $0x0  }
0x27: {  	[sflag:s20] =	ssyncadd.s32 $0xFFFF9C00  }
0x28: {  	_ =	swait.ge [sflag:s21], $0x6400  }
0x29: {  	s23 =	sshrl.u32 s12, $0x3;
	[sflag:s21] =	ssyncset.done $0x0  }
0x2a: {  	s23 =	sadd.s32 s4, s23;
	[sflag:s21] =	ssyncadd.s32 $0xFFFF9C00  }
0x2b: {  	[tilespmem:s2], [sflag:$0x5] =	stream.linear.gather [hbm4b:s23+s2], $0xC8, $0x38;
	[tilespmem:$0xCA00] =	vst v63  }
0x2c: {  	_ =	swait.ge [sflag:s13], $0xC8  }
0x2d: {  	[sflag:s13] =	ssyncset.done $0x0  }
0x2e: {  	[sflag:s13] =	ssyncadd.s32 $0xFFFFFF38  }
0x2f: {  	[tilespmem:s15], [sflag:$0x1] =	stream.indirect.gather [hbm4b:s3+s14], $0x80, s2, s14, $0xb8;
	[tilespmem:$0xCA00] =	vst v63  }
0x30: {  	s30 =	sadd.s32 $0x0, s11  }
0x31: {  	[tilespmem:s16], [sflag:$0x5] =	stream.linear.gather [hbm4b:s30+s2], $0xC8, $0x38;
	[tilespmem:$0xCA00] =	vst v63  }
0x32: {  	_ =	swait.ge [sflag:s13], $0xC8  }
0x33: {  	[sflag:s13] =	ssyncset.done $0x0  }
0x34: {  	[sflag:s13] =	ssyncadd.s32 $0xFFFFFF38  }
0x35: {  	[tilespmem:s17], [sflag:$0x2] =	stream.indirect.gather [hbm4b:s3+s14], $0x80, s16, s14, $0xb8;
	[tilespmem:$0xCA00] =	vst v63  }
0x36: {  	_ =	swait.ge [sflag:s18], $0x6400  }
0x37: {  	[sflag:s18] =	ssyncset.done $0x0  }
0x38: {  	s31 =	sadd.s32 $0xFFFFF380, s10;
	[sflag:s18] =	ssyncadd.s32 $0xFFFF9C00  }
0x39: {  	[hbm4b:s31+s2] =	stream.linear.scatter [tilespmem:s15], [sflag:$0x3], $0x6400, $0x38;
	[tilespmem:$0xCA00] =	vst v63  }
0x3a: {  	_ =	swait.ge [sflag:s19], $0x6400  }
0x3b: {  	s24 =	sadd.s32 $0x1900, s10;
	s25 =	sadd.s32 $0x190, s12;
	[sflag:s19] =	ssyncset.done $0x0  }
0x3c: {  	s26 =	smov.u32 s10;
	s23 =	simm.s32 $0x32;
	[sflag:s19] =	ssyncadd.s32 $0xFFFF9C00  }
.LBB2_2:
0x3d: {  	[hbm4b:s26+s2] =	stream.linear.scatter [tilespmem:s17], [sflag:$0x4], $0x6400, $0x38;
	[tilespmem:$0xCA00] =	vst v63  }
0x3e: {  	s28 =	smov.u32 s23;
	s26 =	smov.u32 s24  }
0x3f: {  	p0 =	sne.s32 s23, $0x96;
	s23 =	sadd.s32 $0x32, s23;
	_ =	swait.ge [sflag:s20], $0x6400  }
0x40: {  	[sflag:s20] =	ssyncset.done $0x0  }
0x41: {  	[sflag:s20] =	ssyncadd.s32 $0xFFFF9C00  }
0x42: {  	_ =	swait.ge [sflag:s21], $0x6400  }
0x43: {  	s29 =	sshrl.u32 s25, $0x3;
	[sflag:s21] =	ssyncset.done $0x0  }
0x44: {  	s29 =	sadd.s32 s4, s29;
	[sflag:s21] =	ssyncadd.s32 $0xFFFF9C00  }
0x45: {  	[tilespmem:s2], [sflag:$0x5] =	stream.linear.gather [hbm4b:s29+s2], $0xC8, $0x38;
	[tilespmem:$0xCA00] =	vst v63  }
0x46: {  	_ =	swait.ge [sflag:s13], $0xC8  }
0x47: {  	[sflag:s13] =	ssyncset.done $0x0  }
0x48: {  	[sflag:s13] =	ssyncadd.s32 $0xFFFFFF38  }
0x49: {  	[tilespmem:s15], [sflag:$0x1] =	stream.indirect.gather [hbm4b:s3+s14], $0x80, s2, s14, $0xb8;
	[tilespmem:$0xCA00] =	vst v63  }
0x4a: {  	s28 =	sadd.s32 s28, s11  }
0x4b: {  	[tilespmem:s16], [sflag:$0x5] =	stream.linear.gather [hbm4b:s28+s2], $0xC8, $0x38;
	[tilespmem:$0xCA00] =	vst v63  }
0x4c: {  	_ =	swait.ge [sflag:s13], $0xC8  }
0x4d: {  	[sflag:s13] =	ssyncset.done $0x0  }
0x4e: {  	[sflag:s13] =	ssyncadd.s32 $0xFFFFFF38  }
0x4f: {  	[tilespmem:s17], [sflag:$0x2] =	stream.indirect.gather [hbm4b:s3+s14], $0x80, s16, s14, $0xb8;
	[tilespmem:$0xCA00] =	vst v63  }
0x50: {  	_ =	swait.ge [sflag:s18], $0x6400  }
0x51: {  	[sflag:s18] =	ssyncset.done $0x0  }
.Ltmp0:
0x52: {  	s28 =	sadd.s32 $0xFFFFF380, s24;
	[sflag:s18] =	ssyncadd.s32 $0xFFFF9C00;
	(pc) =	sbr.rel @p0 .LBB2_2-.Ltmp0, $4  }
0x53: {  	[hbm4b:s28+s2] =	stream.linear.scatter [tilespmem:s15], [sflag:$0x3], $0x6400, $0x38;
	[tilespmem:$0xCA00] =	vst v63  }
0x54: {  	_ =	swait.ge [sflag:s19], $0x6400  }
0x55: {  	[sflag:s19] =	ssyncset.done $0x0  }
0x56: {  	s25 =	sadd.s32 $0x190, s25;
	s24 =	sadd.s32 $0x1900, s24;
	[sflag:s19] =	ssyncadd.s32 $0xFFFF9C00  }
0x57: {  	[hbm4b:s26+s2] =	stream.linear.scatter [tilespmem:s17], [sflag:$0x4], $0x6400, $0x38;
	[tilespmem:$0xCA00] =	vst v63  }
0x58: {  	s22 =	sadd.s32 $0x1, s22  }
0x59: {  	_ =	swait.ge [sflag:s20], $0x6400;
	p0 =	sne.s32 s22, s5  }
.Ltmp1:
0x5a: {  	[sflag:s20] =	ssyncset.done $0x0;
	(pc) =	sbr.rel @p0 .LBB2_1-.Ltmp1, $4  }
0x5b: {  	[sflag:s20] =	ssyncadd.s32 $0xFFFF9C00  }
0x5c: {  	_ =	swait.ge [sflag:s21], $0x6400  }
0x5d: {  	[sflag:s21] =	ssyncset.done $0x0  }
0x5e: {  	[sflag:s21] =	ssyncadd.s32 $0xFFFF9C00  }
0x5f: {  	_ =	sfence.sel $0x180000  }
0x60: {  	[bflag:$0x0] =	sbarrier.arrive $0xFFFF  }
0x61: {  	p0 =	sne.s32 s1, $0x0;
	_ =	strace $0x90000062  }
0x62: {  	s0 =	sadd.s32 @!p0 $0x100000, s0;
	[bflag:$0x2] =	sbarrier.arrive $0xFFFF  }
0x63: {  	[sflag:s0] =	ssyncadd.tile.s32 @!p0 $0x1;
	_ =	shalt  }
.Lfunc_end2:
_tile_overlayer_lowered:
.L_overlay_start_2:
0x64: {  	(tag) =	ssettag $0x2  }
0x65: {  	s0 =	rddreg [dreg:$0x0];
	s2 =	stileid.u32  }
0x66: {  	s1 =	rddreg [dreg:$0x1];
	p0 =	sne.s32 s2, $0x0  }
0x67: {  	s3 =	rddreg [dreg:$0x2];
	[bflag:$0x3] =	sbarrier.arrive $0xFFFF;
	s2 =	simm.s32 @!p0 $0x1C05  }
0x68: {  	[timem:s3], [sflag:s2] =	dma.local @!p0 [hbm:s0], s1  }
0x69: {  	s0 =	simm.s32 @!p0 $0x5  }
0x6a: {  	_ =	swait.ge @!p0 [sflag:s0], s1  }
0x6b: {  	s1 =	ssub.s32 @!p0 $0x0, s1;
	[sflag:s0] =	ssyncset.done @!p0 $0x0  }
0x6c: {  	[sflag:s0] =	ssyncadd.s32 @!p0 s1  }
0x6d: {  	[bflag:$0x3] =	sbarrier.arrive $0xFFFF  }
0x6e: {  	_ =	shalt  }

</sc_bundles>
